<compile_context>
chip_gen: v7x
topology: tpu7x:2x2x1
jax: 0.10.2.dev20260603
libtpu: 0.0.44.dev20260713+nightly
codegen_flags: <defaults>
</compile_context>

<pallas_src>
import functools

import jax
import jax.numpy as jnp
from jax import lax
from jax.experimental import pallas as pl
from jax.experimental.pallas import tpu as pltpu
from jax.experimental.pallas import tpu_sc as plsc

LANES = 16
NC = 2
NS = 16
NBT = 8
NJV = 4
TILE_R, TILE_C = 8, 128


def _document_model_t(x_flat, idf, B, L):
    V = idf.shape[0]
    NQ = V // TILE_R
    QW = NQ // NJV
    SQ = 25
    n_strips = QW // SQ
    SV = SQ * TILE_R
    DIV_M, DIV_S = 5243, 17
    rows_w = B // NBT
    RC = 16
    n_rc = rows_w // RC
    n_chunks = (L + LANES - 1) // LANES
    l_pad = n_chunks * LANES
    rem_l = L - (n_chunks - 1) * LANES
    g_chunk = 104
    n_gather = RC * l_pad // g_chunk
    n_buckets = n_strips + 1
    cap = RC * l_pad * n_rc + 16 * n_buckets

    mesh = plsc.VectorSubcoreMesh(core_axis_name="c", subcore_axis_name="s")

    dnums = lax.GatherDimensionNumbers(
        offset_dims=(), collapsed_slice_dims=(0,), start_index_map=(0,))

    def lane_perm(v, idx):
        return lax.gather(v, idx[:, None], dnums, (1,),
                          mode=lax.GatherScatterMode.PROMISE_IN_BOUNDS)

    def lane_sum(v, lane):
        for s in (8, 4, 2, 1):
            v = v + lane_perm(v, lane ^ s)
        return v

    @functools.partial(
        pl.kernel,
        mesh=mesh,
        out_type=jax.ShapeDtypeStruct((V, B), jnp.float32),
        compiler_params=pltpu.CompilerParams(needs_layout_passes=False),
        scratch_types=[
            pltpu.VMEM((RC * l_pad,), jnp.int32),
            pltpu.VMEM((RC * l_pad,), jnp.float32),
            pltpu.VMEM((cap,), jnp.int32),
            pltpu.VMEM((cap,), jnp.float32),
            pltpu.VMEM((128,), jnp.int32),
            pltpu.VMEM((128,), jnp.int32),
            pltpu.VMEM((128,), jnp.int32),
            pltpu.VMEM((SV, TILE_C), jnp.float32),
            pltpu.VMEM((SV, TILE_C), jnp.float32),
            pltpu.SemaphoreType.DMA,
            pltpu.SemaphoreType.DMA,
            pltpu.SemaphoreType.DMA,
        ],
    )
    def run(x_hbm, idf_hbm, out_hbm, tok_ref, val_ref, keys, lvals,
            counts, offs, curs, sbuf, sbufB, sem, semSA, semSB):
        wid = lax.axis_index("s") * NC + lax.axis_index("c")
        bt = wid % NBT
        q0 = (wid // NBT) * QW
        lane = lax.iota(jnp.int32, LANES)
        zf = jnp.zeros((LANES,), jnp.float32)
        zi = jnp.zeros((LANES,), jnp.int32)
        ones = jnp.full((LANES,), 1, jnp.int32)

        for g in range(128 // LANES):
            counts[pl.ds(LANES * g, LANES)] = zi
        def ztok(i, c):
            tok_ref[pl.ds(LANES * i, LANES)] = zi
            return c
        lax.fori_loop(0, RC * l_pad // LANES, ztok, 0)
        def zbuf(i, c):
            for g in range(TILE_C // LANES):
                sbuf[i, pl.ds(LANES * g, LANES)] = zf
                sbufB[i, pl.ds(LANES * g, LANES)] = zf
            return c
        lax.fori_loop(0, SV, zbuf, 0)

        def stream_tokens(c):
            hs = [pltpu.async_copy(
                      x_hbm.at[pl.ds((TILE_C * bt + RC * c + r) * L, L)],
                      tok_ref.at[pl.ds(r * l_pad, L)], sem)
                  for r in range(RC)]
            for h in hs:
                h.wait()

        def strip_of(tok, valid):
            qrel = (tok >> 3) - q0
            m = valid & (qrel >= 0) & (qrel < QW)
            s = (qrel * DIV_M) >> DIV_S
            return jnp.where(m, s, n_strips)

        def count_chunk(c, carry):
            stream_tokens(c)
            def row_body(rr, cc):
                base = rr * l_pad
                for i in range(n_chunks):
                    tok = tok_ref[pl.ds(base + LANES * i, LANES)]
                    valid = (lane < rem_l) if i == n_chunks - 1 else None
                    v = valid if valid is not None else (lane >= 0)
                    s = strip_of(tok, v)
                    plsc.addupdate_scatter(counts, [s], ones)
                return cc
            lax.fori_loop(0, RC, row_body, 0)
            return carry
        lax.fori_loop(0, n_rc, count_chunk, 0)

        run_v = zi
        fifteen = jnp.full((LANES,), 15, jnp.int32)
        for g in range(128 // LANES):
            ca = (counts[pl.ds(LANES * g, LANES)] + 15) & jnp.int32(-16)
            cs = plsc.cumsum(ca)
            off = cs - ca + run_v
            offs[pl.ds(LANES * g, LANES)] = off
            curs[pl.ds(LANES * g, LANES)] = off
            run_v = run_v + lane_perm(cs, fifteen)

        def append_chunk(c, carry):
            stream_tokens(c)
            hs = [pltpu.async_copy(
                      idf_hbm.at[tok_ref.at[pl.ds(g_chunk * j, g_chunk)]],
                      val_ref.at[pl.ds(g_chunk * j, g_chunk)], sem)
                  for j in range(n_gather // 2)]
            for h in hs:
                h.wait()
            hs = [pltpu.async_copy(
                      idf_hbm.at[tok_ref.at[pl.ds(g_chunk * j, g_chunk)]],
                      val_ref.at[pl.ds(g_chunk * j, g_chunk)], sem)
                  for j in range(n_gather // 2, n_gather)]
            for h in hs:
                h.wait()
            def row_body(rr, cc):
                base = rr * l_pad
                acc = zf
                for i in range(n_chunks):
                    v = val_ref[pl.ds(base + LANES * i, LANES)]
                    if i == n_chunks - 1 and rem_l != LANES:
                        v = jnp.where(lane < rem_l, v, 0.0)
                    acc = acc + v
                inv = 1.0 / lane_sum(acc, lane)
                r_glob = RC * c + rr
                for i in range(n_chunks):
                    tok = tok_ref[pl.ds(base + LANES * i, LANES)]
                    val = val_ref[pl.ds(base + LANES * i, LANES)] * inv
                    valid = (lane < rem_l) if i == n_chunks - 1 \
                        else (lane >= 0)
                    s = strip_of(tok, valid)
                    sk, sv = plsc.sort_key_val(s, lane)
                    tok_s = lane_perm(tok, sv)
                    val_s = lane_perm(val, sv)
                    prev = lane_perm(sk, (lane - 1) & 15)
                    bnd = (lane == 0) | (sk != prev)
                    firstl = plsc.cummax(jnp.where(bnd, lane, 0))
                    rank = lane - firstl
                    pos = plsc.load_gather(curs, [sk]) + rank
                    key = tok_s * 128 + r_glob
                    plsc.store_scatter(keys, [pos], key)
                    plsc.store_scatter(lvals, [pos], val_s)
                    plsc.addupdate_scatter(curs, [sk], ones)
                return cc
            lax.fori_loop(0, RC, row_body, 0)
            return carry
        lax.fori_loop(0, n_rc, append_chunk, 0)

        def load_scalar(ref, t):
            base = (t // LANES) * LANES
            vec = ref[pl.ds(base, LANES)]
            r = jnp.full((LANES,), t - base, jnp.int32)
            return lane_perm(vec, r)[0]

        def scatter_strip(buf, t, st, en):
            vbase = 8 * (q0 + SQ * t)
            def ent_body(j, cc):
                p = st + LANES * j
                m = (p + lane) < en
                k = keys[pl.ds(p, LANES)]
                val = jnp.where(m, lvals[pl.ds(p, LANES)], 0.0)
                plsc.addupdate_scatter(buf, [(k >> 7) - vbase, k & 127],
                                       val, mask=m)
                return cc
            lax.fori_loop(0, (en - st + LANES - 1) // LANES, ent_body, 0)

        def clear_strip(buf, t, st, en):
            vbase = 8 * (q0 + SQ * t)
            def clr_body(j, cc):
                p = st + LANES * j
                m = (p + lane) < en
                k = keys[pl.ds(p, LANES)]
                plsc.store_scatter(buf, [(k >> 7) - vbase, k & 127], zf,
                                   mask=m)
                return cc
            lax.fori_loop(0, (en - st + LANES - 1) // LANES, clr_body, 0)

        def out_view(t):
            return out_hbm.at[pl.ds(8 * (q0 + SQ * t), SV),
                              pl.ds(TILE_C * bt, TILE_C)]

        def strip_pair(k, carry):
            t0 = 2 * k
            t1 = t0 + 1
            st0 = load_scalar(offs, t0)
            en0 = load_scalar(curs, t0)
            scatter_strip(sbuf, t0, st0, en0)
            h0 = pltpu.async_copy(sbuf, out_view(t0), semSA)
            st1 = load_scalar(offs, t1)
            en1 = load_scalar(curs, t1)
            scatter_strip(sbufB, t1, st1, en1)
            h1 = pltpu.async_copy(sbufB, out_view(t1), semSB)
            h0.wait()
            clear_strip(sbuf, t0, st0, en0)
            h1.wait()
            clear_strip(sbufB, t1, st1, en1)
            return carry
        lax.fori_loop(0, n_strips // 2, strip_pair, 0)
        tl = jnp.int32(n_strips - 1)
        stl = load_scalar(offs, tl)
        enl = load_scalar(curs, tl)
        scatter_strip(sbuf, tl, stl, enl)
        pltpu.async_copy(sbuf, out_view(tl), semSA).wait()

    return run(x_flat, idf)


def kernel(x, idf):
    B, L = x.shape
    x_flat = x.astype(jnp.int32).reshape(-1)
    out_t = _document_model_t(x_flat, idf, B, L)
    return out_t.T

# --- scband reference (transcript-rebuilt; emitter-appended) ---
"""Pipeline reference for scband-document-model-25297357373868 (READ-ONLY COPY).

The authoritative reference and input builder live on the scoring server;
editing this copy changes nothing except your own understanding.
"""

import jax, jax.numpy as jnp
import numpy as np

VOCAB = 100000
BATCH = 1024
SEQ = 200


def setup_inputs(seed: int = 0) -> dict:
    key = jax.random.key(seed)
    kx, ki = jax.random.split(key)
    x = jax.random.randint(kx, (BATCH, SEQ), 0, VOCAB)
    # idf buffer normally loaded from '../models/idf.pt'; materialize it here
    idf = jax.random.uniform(ki, (VOCAB,), dtype=jnp.float32) + 0.1
    return {"x": x, "idf": idf}


def _tf(x, vocab_size):
    # Faithful to torch: scatter ones into (B, L, V) one-hot then sum over L,
    # which equals a scatter-add count histogram per row.
    B, L = x.shape
    rows = jnp.repeat(jnp.arange(B), L)
    cols = x.reshape(-1)
    o = jnp.zeros((B, vocab_size), dtype=jnp.float32)
    o = o.at[rows, cols].add(1.0)
    return o


def reference(x, idf):
    tf = _tf(x, VOCAB)
    tfidf = tf * idf
    n = jnp.sum(tfidf, axis=1)[:, None]
    tfidf = tfidf / n
    return tfidf

if __name__ == "__main__":
    import jax
    _d = setup_inputs()
    print(jax.jit(kernel)(*tuple(_d.values())))

</pallas_src>

<mosaic_0001>
#map = affine_map<(d0, d1) -> (0)>
#map1 = affine_map<(d0, d1) -> (0, 0)>
module attributes {stable_mosaic.version = 14 : i64} {
  func.func @run(%arg0: i32, %arg1: i32, %arg2: memref<204800xi32, #tpu.memory_space<hbm>>, %arg3: memref<100000xf32, #tpu.memory_space<hbm>>, %arg4: memref<100000x1024xf32, #tpu.memory_space<hbm>>, %arg5: memref<3328xi32, #tpu.memory_space<vmem>>, %arg6: memref<3328xf32, #tpu.memory_space<vmem>>, %arg7: memref<28640xi32, #tpu.memory_space<vmem>>, %arg8: memref<28640xf32, #tpu.memory_space<vmem>>, %arg9: memref<128xi32, #tpu.memory_space<vmem>>, %arg10: memref<128xi32, #tpu.memory_space<vmem>>, %arg11: memref<128xi32, #tpu.memory_space<vmem>>, %arg12: memref<200x128xf32, #tpu.memory_space<vmem>>, %arg13: memref<200x128xf32, #tpu.memory_space<vmem>>, %arg14: memref<!tpu.dma_semaphore, #tpu.memory_space<semaphore_mem>>, %arg15: memref<!tpu.dma_semaphore, #tpu.memory_space<semaphore_mem>>, %arg16: memref<!tpu.dma_semaphore, #tpu.memory_space<semaphore_mem>>) attributes {dimension_semantics = [#tpu.dimension_semantics<core_parallel>, #tpu.dimension_semantics<subcore_parallel>], iteration_bounds = array<i64: 2, 16>, scalar_prefetch = 0 : i64, scratch_operands = 12 : i64, tpu.core_type = #tpu.core_type<sc_vector_subcore>, window_params = [{transform_indices = #map}, {transform_indices = #map}, {transform_indices = #map1}]} {
    %mul3A = arith.constant 2 : i32
    %mul3A_0 = arith.muli %arg1, %mul3A : i32
    %add3A = arith.addi %mul3A_0, %arg0 : i32
    %jit3A = arith.constant 8 : i32
    %eq3A = arith.constant 0 : i32
    %eq3A_1 = arith.cmpi eq, %jit3A, %eq3A : i32
    %jit3A_2 = arith.constant 1 : i32
    %select_n3A = arith.select %eq3A_1, %jit3A_2, %jit3A : i32
    %rem3A = arith.remsi %add3A, %select_n3A : i32
    %ne3A = arith.constant 0 : i32
    %ne3A_3 = arith.cmpi ne, %rem3A, %ne3A : i32
    %lt3A = arith.constant 0 : i32
    %lt3A_4 = arith.cmpi slt, %rem3A, %lt3A : i32
    %lt3A_5 = arith.constant 0 : i32
    %lt3A_6 = arith.cmpi slt, %select_n3A, %lt3A_5 : i32
    %ne3A_7 = arith.xori %lt3A_4, %lt3A_6 : i1
    %and3A = arith.andi %ne3A_7, %ne3A_3 : i1
    %add3A_8 = arith.addi %rem3A, %select_n3A : i32
    %select_n3A_9 = arith.select %and3A, %add3A_8, %rem3A : i32
    %jit3A_10 = arith.constant 8 : i32
    %div3A = arith.divsi %add3A, %jit3A_10 : i32
    %sign3A = arith.constant 0 : i32
    %sign3A_11 = arith.cmpi sgt, %add3A, %sign3A : i32
    %sign3A_12 = arith.extui %sign3A_11 : i1 to i32
    %sign3A_13 = arith.constant 0 : i32
    %sign3A_14 = arith.cmpi slt, %add3A, %sign3A_13 : i32
    %sign3A_15 = arith.extui %sign3A_14 : i1 to i32
    %sign3A_16 = arith.subi %sign3A_12, %sign3A_15 : i32
    %sign3A_17 = arith.constant 0 : i32
    %sign3A_18 = arith.cmpi sgt, %jit3A_10, %sign3A_17 : i32
    %sign3A_19 = arith.extui %sign3A_18 : i1 to i32
    %sign3A_20 = arith.constant 0 : i32
    %sign3A_21 = arith.cmpi slt, %jit3A_10, %sign3A_20 : i32
    %sign3A_22 = arith.extui %sign3A_21 : i1 to i32
    %sign3A_23 = arith.subi %sign3A_19, %sign3A_22 : i32
    %ne3A_24 = arith.cmpi ne, %sign3A_16, %sign3A_23 : i32
    %rem3A_25 = arith.remsi %add3A, %jit3A_10 : i32
    %ne3A_26 = arith.constant 0 : i32
    %ne3A_27 = arith.cmpi ne, %rem3A_25, %ne3A_26 : i32
    %and3A_28 = arith.andi %ne3A_24, %ne3A_27 : i1
    %sub3A = arith.constant 1 : i32
    %sub3A_29 = arith.subi %div3A, %sub3A : i32
    %select_n3A_30 = arith.select %and3A_28, %sub3A_29, %div3A : i32
    %mul3A_31 = arith.constant 3125 : i32
    %mul3A_32 = arith.muli %select_n3A_30, %mul3A_31 : i32
    %iota3A = tpu.iota {dimensions = array<i32: 0>} : vector<16xi32>
    %broadcast_in_dim3A = arith.constant 0.000000e+00 : f32
    %broadcast_in_dim3A_33 = vector.broadcast %broadcast_in_dim3A : f32 to vector<16xf32>
    %broadcast_in_dim3A_34 = arith.constant 0 : i32
    %broadcast_in_dim3A_35 = vector.broadcast %broadcast_in_dim3A_34 : i32 to vector<16xi32>
    %broadcast_in_dim3A_36 = arith.constant 1 : i32
    %broadcast_in_dim3A_37 = vector.broadcast %broadcast_in_dim3A_36 : i32 to vector<16xi32>
    %swap3A = arith.constant 0 : index
    %swap3A_38 = tpu.vector_load %arg9[%swap3A] {strides = array<i32>} : memref<128xi32, #tpu.memory_space<vmem>>, vector<16xi32>,
    tpu.vector_store %arg9[%swap3A], %broadcast_in_dim3A_35 {strides = array<i32>} : memref<128xi32, #tpu.memory_space<vmem>>, vector<16xi32>,
    %swap3A_39 = arith.constant 16 : index
    %swap3A_40 = tpu.vector_load %arg9[%swap3A_39] {strides = array<i32>} : memref<128xi32, #tpu.memory_space<vmem>>, vector<16xi32>,
    tpu.vector_store %arg9[%swap3A_39], %broadcast_in_dim3A_35 {strides = array<i32>} : memref<128xi32, #tpu.memory_space<vmem>>, vector<16xi32>,
    %swap3A_41 = arith.constant 32 : index
    %swap3A_42 = tpu.vector_load %arg9[%swap3A_41] {strides = array<i32>} : memref<128xi32, #tpu.memory_space<vmem>>, vector<16xi32>,
    tpu.vector_store %arg9[%swap3A_41], %broadcast_in_dim3A_35 {strides = array<i32>} : memref<128xi32, #tpu.memory_space<vmem>>, vector<16xi32>,
    %swap3A_43 = arith.constant 48 : index
    %swap3A_44 = tpu.vector_load %arg9[%swap3A_43] {strides = array<i32>} : memref<128xi32, #tpu.memory_space<vmem>>, vector<16xi32>,
    tpu.vector_store %arg9[%swap3A_43], %broadcast_in_dim3A_35 {strides = array<i32>} : memref<128xi32, #tpu.memory_space<vmem>>, vector<16xi32>,
    %swap3A_45 = arith.constant 64 : index
    %swap3A_46 = tpu.vector_load %arg9[%swap3A_45] {strides = array<i32>} : memref<128xi32, #tpu.memory_space<vmem>>, vector<16xi32>,
    tpu.vector_store %arg9[%swap3A_45], %broadcast_in_dim3A_35 {strides = array<i32>} : memref<128xi32, #tpu.memory_space<vmem>>, vector<16xi32>,
    %swap3A_47 = arith.constant 80 : index
    %swap3A_48 = tpu.vector_load %arg9[%swap3A_47] {strides = array<i32>} : memref<128xi32, #tpu.memory_space<vmem>>, vector<16xi32>,
    tpu.vector_store %arg9[%swap3A_47], %broadcast_in_dim3A_35 {strides = array<i32>} : memref<128xi32, #tpu.memory_space<vmem>>, vector<16xi32>,
    %swap3A_49 = arith.constant 96 : index
    %swap3A_50 = tpu.vector_load %arg9[%swap3A_49] {strides = array<i32>} : memref<128xi32, #tpu.memory_space<vmem>>, vector<16xi32>,
    tpu.vector_store %arg9[%swap3A_49], %broadcast_in_dim3A_35 {strides = array<i32>} : memref<128xi32, #tpu.memory_space<vmem>>, vector<16xi32>,
    %swap3A_51 = arith.constant 112 : index
    %swap3A_52 = tpu.vector_load %arg9[%swap3A_51] {strides = array<i32>} : memref<128xi32, #tpu.memory_space<vmem>>, vector<16xi32>,
    tpu.vector_store %arg9[%swap3A_51], %broadcast_in_dim3A_35 {strides = array<i32>} : memref<128xi32, #tpu.memory_space<vmem>>, vector<16xi32>,
    %scan3A = arith.constant 0 : i32
    %scan3A_53 = arith.constant 0 : i32
    %scan3A_54 = arith.constant 208 : i32
    %scan3A_55 = arith.addi %scan3A_53, %scan3A_54 : i32
    %scan3A_56 = arith.constant 1 : i32
    scf.for %scan3A_375 = %scan3A_53 to %scan3A_55 step %scan3A_56  : i32 {
      %mul3A_376 = arith.constant 16 : i32
      %mul3A_377 = arith.muli %mul3A_376, %scan3A_375 : i32
      %swap3A_378 = arith.index_cast %mul3A_377 : i32 to index
      %swap3A_379 = tpu.vector_load %arg5[%swap3A_378] {strides = array<i32>} : memref<3328xi32, #tpu.memory_space<vmem>>, vector<16xi32>,
      tpu.vector_store %arg5[%swap3A_378], %broadcast_in_dim3A_35 {strides = array<i32>} : memref<3328xi32, #tpu.memory_space<vmem>>, vector<16xi32>,
    }
    %scan3A_57 = arith.constant 208 : i32
    %scan3A_58 = arith.constant 0 : i32
    %scan3A_59 = arith.constant 0 : i32
    %scan3A_60 = arith.constant 200 : i32
    %scan3A_61 = arith.addi %scan3A_59, %scan3A_60 : i32
    %scan3A_62 = arith.constant 1 : i32
    scf.for %scan3A_375 = %scan3A_59 to %scan3A_61 step %scan3A_62  : i32 {
      %swap3A_376 = arith.index_cast %scan3A_375 : i32 to index
      %swap3A_377 = arith.constant 0 : index
      %swap3A_378 = tpu.vector_load %arg12[%swap3A_376, %swap3A_377] {strides = array<i32>} : memref<200x128xf32, #tpu.memory_space<vmem>>, vector<16xf32>,
      tpu.vector_store %arg12[%swap3A_376, %swap3A_377], %broadcast_in_dim3A_33 {strides = array<i32>} : memref<200x128xf32, #tpu.memory_space<vmem>>, vector<16xf32>,
      %swap3A_379 = arith.index_cast %scan3A_375 : i32 to index
      %swap3A_380 = arith.constant 0 : index
      %swap3A_381 = tpu.vector_load %arg13[%swap3A_379, %swap3A_380] {strides = array<i32>} : memref<200x128xf32, #tpu.memory_space<vmem>>, vector<16xf32>,
      tpu.vector_store %arg13[%swap3A_379, %swap3A_380], %broadcast_in_dim3A_33 {strides = array<i32>} : memref<200x128xf32, #tpu.memory_space<vmem>>, vector<16xf32>,
      %swap3A_382 = arith.index_cast %scan3A_375 : i32 to index
      %swap3A_383 = arith.constant 16 : index
      %swap3A_384 = tpu.vector_load %arg12[%swap3A_382, %swap3A_383] {strides = array<i32>} : memref<200x128xf32, #tpu.memory_space<vmem>>, vector<16xf32>,
      tpu.vector_store %arg12[%swap3A_382, %swap3A_383], %broadcast_in_dim3A_33 {strides = array<i32>} : memref<200x128xf32, #tpu.memory_space<vmem>>, vector<16xf32>,
      %swap3A_385 = arith.index_cast %scan3A_375 : i32 to index
      %swap3A_386 = arith.constant 16 : index
      %swap3A_387 = tpu.vector_load %arg13[%swap3A_385, %swap3A_386] {strides = array<i32>} : memref<200x128xf32, #tpu.memory_space<vmem>>, vector<16xf32>,
      tpu.vector_store %arg13[%swap3A_385, %swap3A_386], %broadcast_in_dim3A_33 {strides = array<i32>} : memref<200x128xf32, #tpu.memory_space<vmem>>, vector<16xf32>,
      %swap3A_388 = arith.index_cast %scan3A_375 : i32 to index
      %swap3A_389 = arith.constant 32 : index
      %swap3A_390 = tpu.vector_load %arg12[%swap3A_388, %swap3A_389] {strides = array<i32>} : memref<200x128xf32, #tpu.memory_space<vmem>>, vector<16xf32>,
      tpu.vector_store %arg12[%swap3A_388, %swap3A_389], %broadcast_in_dim3A_33 {strides = array<i32>} : memref<200x128xf32, #tpu.memory_space<vmem>>, vector<16xf32>,
      %swap3A_391 = arith.index_cast %scan3A_375 : i32 to index
      %swap3A_392 = arith.constant 32 : index
      %swap3A_393 = tpu.vector_load %arg13[%swap3A_391, %swap3A_392] {strides = array<i32>} : memref<200x128xf32, #tpu.memory_space<vmem>>, vector<16xf32>,
      tpu.vector_store %arg13[%swap3A_391, %swap3A_392], %broadcast_in_dim3A_33 {strides = array<i32>} : memref<200x128xf32, #tpu.memory_space<vmem>>, vector<16xf32>,
      %swap3A_394 = arith.index_cast %scan3A_375 : i32 to index
      %swap3A_395 = arith.constant 48 : index
      %swap3A_396 = tpu.vector_load %arg12[%swap3A_394, %swap3A_395] {strides = array<i32>} : memref<200x128xf32, #tpu.memory_space<vmem>>, vector<16xf32>,
      tpu.vector_store %arg12[%swap3A_394, %swap3A_395], %broadcast_in_dim3A_33 {strides = array<i32>} : memref<200x128xf32, #tpu.memory_space<vmem>>, vector<16xf32>,
      %swap3A_397 = arith.index_cast %scan3A_375 : i32 to index
      %swap3A_398 = arith.constant 48 : index
      %swap3A_399 = tpu.vector_load %arg13[%swap3A_397, %swap3A_398] {strides = array<i32>} : memref<200x128xf32, #tpu.memory_space<vmem>>, vector<16xf32>,
      tpu.vector_store %arg13[%swap3A_397, %swap3A_398], %broadcast_in_dim3A_33 {strides = array<i32>} : memref<200x128xf32, #tpu.memory_space<vmem>>, vector<16xf32>,
      %swap3A_400 = arith.index_cast %scan3A_375 : i32 to index
      %swap3A_401 = arith.constant 64 : index
      %swap3A_402 = tpu.vector_load %arg12[%swap3A_400, %swap3A_401] {strides = array<i32>} : memref<200x128xf32, #tpu.memory_space<vmem>>, vector<16xf32>,
      tpu.vector_store %arg12[%swap3A_400, %swap3A_401], %broadcast_in_dim3A_33 {strides = array<i32>} : memref<200x128xf32, #tpu.memory_space<vmem>>, vector<16xf32>,
      %swap3A_403 = arith.index_cast %scan3A_375 : i32 to index
      %swap3A_404 = arith.constant 64 : index
      %swap3A_405 = tpu.vector_load %arg13[%swap3A_403, %swap3A_404] {strides = array<i32>} : memref<200x128xf32, #tpu.memory_space<vmem>>, vector<16xf32>,
      tpu.vector_store %arg13[%swap3A_403, %swap3A_404], %broadcast_in_dim3A_33 {strides = array<i32>} : memref<200x128xf32, #tpu.memory_space<vmem>>, vector<16xf32>,
      %swap3A_406 = arith.index_cast %scan3A_375 : i32 to index
      %swap3A_407 = arith.constant 80 : index
      %swap3A_408 = tpu.vector_load %arg12[%swap3A_406, %swap3A_407] {strides = array<i32>} : memref<200x128xf32, #tpu.memory_space<vmem>>, vector<16xf32>,
      tpu.vector_store %arg12[%swap3A_406, %swap3A_407], %broadcast_in_dim3A_33 {strides = array<i32>} : memref<200x128xf32, #tpu.memory_space<vmem>>, vector<16xf32>,
      %swap3A_409 = arith.index_cast %scan3A_375 : i32 to index
      %swap3A_410 = arith.constant 80 : index
      %swap3A_411 = tpu.vector_load %arg13[%swap3A_409, %swap3A_410] {strides = array<i32>} : memref<200x128xf32, #tpu.memory_space<vmem>>, vector<16xf32>,
      tpu.vector_store %arg13[%swap3A_409, %swap3A_410], %broadcast_in_dim3A_33 {strides = array<i32>} : memref<200x128xf32, #tpu.memory_space<vmem>>, vector<16xf32>,
      %swap3A_412 = arith.index_cast %scan3A_375 : i32 to index
      %swap3A_413 = arith.constant 96 : index
      %swap3A_414 = tpu.vector_load %arg12[%swap3A_412, %swap3A_413] {strides = array<i32>} : memref<200x128xf32, #tpu.memory_space<vmem>>, vector<16xf32>,
      tpu.vector_store %arg12[%swap3A_412, %swap3A_413], %broadcast_in_dim3A_33 {strides = array<i32>} : memref<200x128xf32, #tpu.memory_space<vmem>>, vector<16xf32>,
      %swap3A_415 = arith.index_cast %scan3A_375 : i32 to index
      %swap3A_416 = arith.constant 96 : index
      %swap3A_417 = tpu.vector_load %arg13[%swap3A_415, %swap3A_416] {strides = array<i32>} : memref<200x128xf32, #tpu.memory_space<vmem>>, vector<16xf32>,
      tpu.vector_store %arg13[%swap3A_415, %swap3A_416], %broadcast_in_dim3A_33 {strides = array<i32>} : memref<200x128xf32, #tpu.memory_space<vmem>>, vector<16xf32>,
      %swap3A_418 = arith.index_cast %scan3A_375 : i32 to index
      %swap3A_419 = arith.constant 112 : index
      %swap3A_420 = tpu.vector_load %arg12[%swap3A_418, %swap3A_419] {strides = array<i32>} : memref<200x128xf32, #tpu.memory_space<vmem>>, vector<16xf32>,
      tpu.vector_store %arg12[%swap3A_418, %swap3A_419], %broadcast_in_dim3A_33 {strides = array<i32>} : memref<200x128xf32, #tpu.memory_space<vmem>>, vector<16xf32>,
      %swap3A_421 = arith.index_cast %scan3A_375 : i32 to index
      %swap3A_422 = arith.constant 112 : index
      %swap3A_423 = tpu.vector_load %arg13[%swap3A_421, %swap3A_422] {strides = array<i32>} : memref<200x128xf32, #tpu.memory_space<vmem>>, vector<16xf32>,
      tpu.vector_store %arg13[%swap3A_421, %swap3A_422], %broadcast_in_dim3A_33 {strides = array<i32>} : memref<200x128xf32, #tpu.memory_space<vmem>>, vector<16xf32>,
    }
    %scan3A_63 = arith.constant 200 : i32
    %scan3A_64 = arith.constant 0 : i32
    %scan3A_65 = arith.constant 0 : i32
    %scan3A_66 = arith.constant 8 : i32
    %scan3A_67 = arith.addi %scan3A_65, %scan3A_66 : i32
    %scan3A_68 = arith.constant 1 : i32
    scf.for %scan3A_375 = %scan3A_65 to %scan3A_67 step %scan3A_68  : i32 {
      %mul3A_376 = arith.constant 128 : i32
      %mul3A_377 = arith.muli %mul3A_376, %select_n3A_9 : i32
      %mul3A_378 = arith.constant 16 : i32
      %mul3A_379 = arith.muli %mul3A_378, %scan3A_375 : i32
      %add3A_380 = arith.addi %mul3A_377, %mul3A_379 : i32
      %add3A_381 = arith.constant 0 : i32
      %add3A_382 = arith.addi %add3A_380, %add3A_381 : i32
      %mul3A_383 = arith.constant 200 : i32
      %mul3A_384 = arith.muli %add3A_382, %mul3A_383 : i32
      %dma_start3A_385 = arith.constant 0 : i32
      %dma_start3A_386 = tpu.memref_slice %arg5[%dma_start3A_385] : memref<3328xi32, #tpu.memory_space<vmem>> -> memref<200xi32, #tpu.memory_space<vmem>>
      %dma_start3A_387 = tpu.memref_slice %arg2[%mul3A_384] : memref<204800xi32, #tpu.memory_space<hbm>> -> memref<200xi32, #tpu.memory_space<hbm>>
      %dma_start3A_388 = arith.constant 0 : i32
      %dma_start3A_389 = tpu.memref_slice %arg5[%dma_start3A_388] : memref<3328xi32, #tpu.memory_space<vmem>> -> memref<200xi32, #tpu.memory_space<vmem>>
      %dma_start3A_390 = tpu.memref_slice %arg2[%mul3A_384] : memref<204800xi32, #tpu.memory_space<hbm>> -> memref<200xi32, #tpu.memory_space<hbm>>
      tpu.enqueue_dma source(%dma_start3A_390 : memref<200xi32, #tpu.memory_space<hbm>>) target(%dma_start3A_389 : memref<200xi32, #tpu.memory_space<vmem>>) target_semaphore(%arg14 : memref<!tpu.dma_semaphore, #tpu.memory_space<semaphore_mem>>)
      %mul3A_391 = arith.constant 128 : i32
      %mul3A_392 = arith.muli %mul3A_391, %select_n3A_9 : i32
      %mul3A_393 = arith.constant 16 : i32
      %mul3A_394 = arith.muli %mul3A_393, %scan3A_375 : i32
      %add3A_395 = arith.addi %mul3A_392, %mul3A_394 : i32
      %add3A_396 = arith.constant 1 : i32
      %add3A_397 = arith.addi %add3A_395, %add3A_396 : i32
      %mul3A_398 = arith.constant 200 : i32
      %mul3A_399 = arith.muli %add3A_397, %mul3A_398 : i32
      %dma_start3A_400 = arith.constant 208 : i32
      %dma_start3A_401 = tpu.memref_slice %arg5[%dma_start3A_400] : memref<3328xi32, #tpu.memory_space<vmem>> -> memref<200xi32, #tpu.memory_space<vmem>>
      %dma_start3A_402 = tpu.memref_slice %arg2[%mul3A_399] : memref<204800xi32, #tpu.memory_space<hbm>> -> memref<200xi32, #tpu.memory_space<hbm>>
      %dma_start3A_403 = arith.constant 208 : i32
      %dma_start3A_404 = tpu.memref_slice %arg5[%dma_start3A_403] : memref<3328xi32, #tpu.memory_space<vmem>> -> memref<200xi32, #tpu.memory_space<vmem>>
      %dma_start3A_405 = tpu.memref_slice %arg2[%mul3A_399] : memref<204800xi32, #tpu.memory_space<hbm>> -> memref<200xi32, #tpu.memory_space<hbm>>
      tpu.enqueue_dma source(%dma_start3A_405 : memref<200xi32, #tpu.memory_space<hbm>>) target(%dma_start3A_404 : memref<200xi32, #tpu.memory_space<vmem>>) target_semaphore(%arg14 : memref<!tpu.dma_semaphore, #tpu.memory_space<semaphore_mem>>)
      %mul3A_406 = arith.constant 128 : i32
      %mul3A_407 = arith.muli %mul3A_406, %select_n3A_9 : i32
      %mul3A_408 = arith.constant 16 : i32
      %mul3A_409 = arith.muli %mul3A_408, %scan3A_375 : i32
      %add3A_410 = arith.addi %mul3A_407, %mul3A_409 : i32
      %add3A_411 = arith.constant 2 : i32
      %add3A_412 = arith.addi %add3A_410, %add3A_411 : i32
      %mul3A_413 = arith.constant 200 : i32
      %mul3A_414 = arith.muli %add3A_412, %mul3A_413 : i32
      %dma_start3A_415 = arith.constant 416 : i32
      %dma_start3A_416 = tpu.memref_slice %arg5[%dma_start3A_415] : memref<3328xi32, #tpu.memory_space<vmem>> -> memref<200xi32, #tpu.memory_space<vmem>>
      %dma_start3A_417 = tpu.memref_slice %arg2[%mul3A_414] : memref<204800xi32, #tpu.memory_space<hbm>> -> memref<200xi32, #tpu.memory_space<hbm>>
      %dma_start3A_418 = arith.constant 416 : i32
      %dma_start3A_419 = tpu.memref_slice %arg5[%dma_start3A_418] : memref<3328xi32, #tpu.memory_space<vmem>> -> memref<200xi32, #tpu.memory_space<vmem>>
      %dma_start3A_420 = tpu.memref_slice %arg2[%mul3A_414] : memref<204800xi32, #tpu.memory_space<hbm>> -> memref<200xi32, #tpu.memory_space<hbm>>
      tpu.enqueue_dma source(%dma_start3A_420 : memref<200xi32, #tpu.memory_space<hbm>>) target(%dma_start3A_419 : memref<200xi32, #tpu.memory_space<vmem>>) target_semaphore(%arg14 : memref<!tpu.dma_semaphore, #tpu.memory_space<semaphore_mem>>)
      %mul3A_421 = arith.constant 128 : i32
      %mul3A_422 = arith.muli %mul3A_421, %select_n3A_9 : i32
      %mul3A_423 = arith.constant 16 : i32
      %mul3A_424 = arith.muli %mul3A_423, %scan3A_375 : i32
      %add3A_425 = arith.addi %mul3A_422, %mul3A_424 : i32
      %add3A_426 = arith.constant 3 : i32
      %add3A_427 = arith.addi %add3A_425, %add3A_426 : i32
      %mul3A_428 = arith.constant 200 : i32
      %mul3A_429 = arith.muli %add3A_427, %mul3A_428 : i32
      %dma_start3A_430 = arith.constant 624 : i32
      %dma_start3A_431 = tpu.memref_slice %arg5[%dma_start3A_430] : memref<3328xi32, #tpu.memory_space<vmem>> -> memref<200xi32, #tpu.memory_space<vmem>>
      %dma_start3A_432 = tpu.memref_slice %arg2[%mul3A_429] : memref<204800xi32, #tpu.memory_space<hbm>> -> memref<200xi32, #tpu.memory_space<hbm>>
      %dma_start3A_433 = arith.constant 624 : i32
      %dma_start3A_434 = tpu.memref_slice %arg5[%dma_start3A_433] : memref<3328xi32, #tpu.memory_space<vmem>> -> memref<200xi32, #tpu.memory_space<vmem>>
      %dma_start3A_435 = tpu.memref_slice %arg2[%mul3A_429] : memref<204800xi32, #tpu.memory_space<hbm>> -> memref<200xi32, #tpu.memory_space<hbm>>
      tpu.enqueue_dma source(%dma_start3A_435 : memref<200xi32, #tpu.memory_space<hbm>>) target(%dma_start3A_434 : memref<200xi32, #tpu.memory_space<vmem>>) target_semaphore(%arg14 : memref<!tpu.dma_semaphore, #tpu.memory_space<semaphore_mem>>)
      %mul3A_436 = arith.constant 128 : i32
      %mul3A_437 = arith.muli %mul3A_436, %select_n3A_9 : i32
      %mul3A_438 = arith.constant 16 : i32
      %mul3A_439 = arith.muli %mul3A_438, %scan3A_375 : i32
      %add3A_440 = arith.addi %mul3A_437, %mul3A_439 : i32
      %add3A_441 = arith.constant 4 : i32
      %add3A_442 = arith.addi %add3A_440, %add3A_441 : i32
      %mul3A_443 = arith.constant 200 : i32
      %mul3A_444 = arith.muli %add3A_442, %mul3A_443 : i32
      %dma_start3A_445 = arith.constant 832 : i32
      %dma_start3A_446 = tpu.memref_slice %arg5[%dma_start3A_445] : memref<3328xi32, #tpu.memory_space<vmem>> -> memref<200xi32, #tpu.memory_space<vmem>>
      %dma_start3A_447 = tpu.memref_slice %arg2[%mul3A_444] : memref<204800xi32, #tpu.memory_space<hbm>> -> memref<200xi32, #tpu.memory_space<hbm>>
      %dma_start3A_448 = arith.constant 832 : i32
      %dma_start3A_449 = tpu.memref_slice %arg5[%dma_start3A_448] : memref<3328xi32, #tpu.memory_space<vmem>> -> memref<200xi32, #tpu.memory_space<vmem>>
      %dma_start3A_450 = tpu.memref_slice %arg2[%mul3A_444] : memref<204800xi32, #tpu.memory_space<hbm>> -> memref<200xi32, #tpu.memory_space<hbm>>
      tpu.enqueue_dma source(%dma_start3A_450 : memref<200xi32, #tpu.memory_space<hbm>>) target(%dma_start3A_449 : memref<200xi32, #tpu.memory_space<vmem>>) target_semaphore(%arg14 : memref<!tpu.dma_semaphore, #tpu.memory_space<semaphore_mem>>)
      %mul3A_451 = arith.constant 128 : i32
      %mul3A_452 = arith.muli %mul3A_451, %select_n3A_9 : i32
      %mul3A_453 = arith.constant 16 : i32
      %mul3A_454 = arith.muli %mul3A_453, %scan3A_375 : i32
      %add3A_455 = arith.addi %mul3A_452, %mul3A_454 : i32
      %add3A_456 = arith.constant 5 : i32
      %add3A_457 = arith.addi %add3A_455, %add3A_456 : i32
      %mul3A_458 = arith.constant 200 : i32
      %mul3A_459 = arith.muli %add3A_457, %mul3A_458 : i32
      %dma_start3A_460 = arith.constant 1040 : i32
      %dma_start3A_461 = tpu.memref_slice %arg5[%dma_start3A_460] : memref<3328xi32, #tpu.memory_space<vmem>> -> memref<200xi32, #tpu.memory_space<vmem>>
      %dma_start3A_462 = tpu.memref_slice %arg2[%mul3A_459] : memref<204800xi32, #tpu.memory_space<hbm>> -> memref<200xi32, #tpu.memory_space<hbm>>
      %dma_start3A_463 = arith.constant 1040 : i32
      %dma_start3A_464 = tpu.memref_slice %arg5[%dma_start3A_463] : memref<3328xi32, #tpu.memory_space<vmem>> -> memref<200xi32, #tpu.memory_space<vmem>>
      %dma_start3A_465 = tpu.memref_slice %arg2[%mul3A_459] : memref<204800xi32, #tpu.memory_space<hbm>> -> memref<200xi32, #tpu.memory_space<hbm>>
      tpu.enqueue_dma source(%dma_start3A_465 : memref<200xi32, #tpu.memory_space<hbm>>) target(%dma_start3A_464 : memref<200xi32, #tpu.memory_space<vmem>>) target_semaphore(%arg14 : memref<!tpu.dma_semaphore, #tpu.memory_space<semaphore_mem>>)
      %mul3A_466 = arith.constant 128 : i32
      %mul3A_467 = arith.muli %mul3A_466, %select_n3A_9 : i32
      %mul3A_468 = arith.constant 16 : i32
      %mul3A_469 = arith.muli %mul3A_468, %scan3A_375 : i32
      %add3A_470 = arith.addi %mul3A_467, %mul3A_469 : i32
      %add3A_471 = arith.constant 6 : i32
      %add3A_472 = arith.addi %add3A_470, %add3A_471 : i32
      %mul3A_473 = arith.constant 200 : i32
      %mul3A_474 = arith.muli %add3A_472, %mul3A_473 : i32
      %dma_start3A_475 = arith.constant 1248 : i32
      %dma_start3A_476 = tpu.memref_slice %arg5[%dma_start3A_475] : memref<3328xi32, #tpu.memory_space<vmem>> -> memref<200xi32, #tpu.memory_space<vmem>>
      %dma_start3A_477 = tpu.memref_slice %arg2[%mul3A_474] : memref<204800xi32, #tpu.memory_space<hbm>> -> memref<200xi32, #tpu.memory_space<hbm>>
      %dma_start3A_478 = arith.constant 1248 : i32
      %dma_start3A_479 = tpu.memref_slice %arg5[%dma_start3A_478] : memref<3328xi32, #tpu.memory_space<vmem>> -> memref<200xi32, #tpu.memory_space<vmem>>
      %dma_start3A_480 = tpu.memref_slice %arg2[%mul3A_474] : memref<204800xi32, #tpu.memory_space<hbm>> -> memref<200xi32, #tpu.memory_space<hbm>>
      tpu.enqueue_dma source(%dma_start3A_480 : memref<200xi32, #tpu.memory_space<hbm>>) target(%dma_start3A_479 : memref<200xi32, #tpu.memory_space<vmem>>) target_semaphore(%arg14 : memref<!tpu.dma_semaphore, #tpu.memory_space<semaphore_mem>>)
      %mul3A_481 = arith.constant 128 : i32
      %mul3A_482 = arith.muli %mul3A_481, %select_n3A_9 : i32
      %mul3A_483 = arith.constant 16 : i32
      %mul3A_484 = arith.muli %mul3A_483, %scan3A_375 : i32
      %add3A_485 = arith.addi %mul3A_482, %mul3A_484 : i32
      %add3A_486 = arith.constant 7 : i32
      %add3A_487 = arith.addi %add3A_485, %add3A_486 : i32
      %mul3A_488 = arith.constant 200 : i32
      %mul3A_489 = arith.muli %add3A_487, %mul3A_488 : i32
      %dma_start3A_490 = arith.constant 1456 : i32
      %dma_start3A_491 = tpu.memref_slice %arg5[%dma_start3A_490] : memref<3328xi32, #tpu.memory_space<vmem>> -> memref<200xi32, #tpu.memory_space<vmem>>
      %dma_start3A_492 = tpu.memref_slice %arg2[%mul3A_489] : memref<204800xi32, #tpu.memory_space<hbm>> -> memref<200xi32, #tpu.memory_space<hbm>>
      %dma_start3A_493 = arith.constant 1456 : i32
      %dma_start3A_494 = tpu.memref_slice %arg5[%dma_start3A_493] : memref<3328xi32, #tpu.memory_space<vmem>> -> memref<200xi32, #tpu.memory_space<vmem>>
      %dma_start3A_495 = tpu.memref_slice %arg2[%mul3A_489] : memref<204800xi32, #tpu.memory_space<hbm>> -> memref<200xi32, #tpu.memory_space<hbm>>
      tpu.enqueue_dma source(%dma_start3A_495 : memref<200xi32, #tpu.memory_space<hbm>>) target(%dma_start3A_494 : memref<200xi32, #tpu.memory_space<vmem>>) target_semaphore(%arg14 : memref<!tpu.dma_semaphore, #tpu.memory_space<semaphore_mem>>)
      %mul3A_496 = arith.constant 128 : i32
      %mul3A_497 = arith.muli %mul3A_496, %select_n3A_9 : i32
      %mul3A_498 = arith.constant 16 : i32
      %mul3A_499 = arith.muli %mul3A_498, %scan3A_375 : i32
      %add3A_500 = arith.addi %mul3A_497, %mul3A_499 : i32
      %add3A_501 = arith.constant 8 : i32
      %add3A_502 = arith.addi %add3A_500, %add3A_501 : i32
      %mul3A_503 = arith.constant 200 : i32
      %mul3A_504 = arith.muli %add3A_502, %mul3A_503 : i32
      %dma_start3A_505 = arith.constant 1664 : i32
      %dma_start3A_506 = tpu.memref_slice %arg5[%dma_start3A_505] : memref<3328xi32, #tpu.memory_space<vmem>> -> memref<200xi32, #tpu.memory_space<vmem>>
      %dma_start3A_507 = tpu.memref_slice %arg2[%mul3A_504] : memref<204800xi32, #tpu.memory_space<hbm>> -> memref<200xi32, #tpu.memory_space<hbm>>
      %dma_start3A_508 = arith.constant 1664 : i32
      %dma_start3A_509 = tpu.memref_slice %arg5[%dma_start3A_508] : memref<3328xi32, #tpu.memory_space<vmem>> -> memref<200xi32, #tpu.memory_space<vmem>>
      %dma_start3A_510 = tpu.memref_slice %arg2[%mul3A_504] : memref<204800xi32, #tpu.memory_space<hbm>> -> memref<200xi32, #tpu.memory_space<hbm>>
      tpu.enqueue_dma source(%dma_start3A_510 : memref<200xi32, #tpu.memory_space<hbm>>) target(%dma_start3A_509 : memref<200xi32, #tpu.memory_space<vmem>>) target_semaphore(%arg14 : memref<!tpu.dma_semaphore, #tpu.memory_space<semaphore_mem>>)
      %mul3A_511 = arith.constant 128 : i32
      %mul3A_512 = arith.muli %mul3A_511, %select_n3A_9 : i32
      %mul3A_513 = arith.constant 16 : i32
      %mul3A_514 = arith.muli %mul3A_513, %scan3A_375 : i32
      %add3A_515 = arith.addi %mul3A_512, %mul3A_514 : i32
      %add3A_516 = arith.constant 9 : i32
      %add3A_517 = arith.addi %add3A_515, %add3A_516 : i32
      %mul3A_518 = arith.constant 200 : i32
      %mul3A_519 = arith.muli %add3A_517, %mul3A_518 : i32
      %dma_start3A_520 = arith.constant 1872 : i32
      %dma_start3A_521 = tpu.memref_slice %arg5[%dma_start3A_520] : memref<3328xi32, #tpu.memory_space<vmem>> -> memref<200xi32, #tpu.memory_space<vmem>>
      %dma_start3A_522 = tpu.memref_slice %arg2[%mul3A_519] : memref<204800xi32, #tpu.memory_space<hbm>> -> memref<200xi32, #tpu.memory_space<hbm>>
      %dma_start3A_523 = arith.constant 1872 : i32
      %dma_start3A_524 = tpu.memref_slice %arg5[%dma_start3A_523] : memref<3328xi32, #tpu.memory_space<vmem>> -> memref<200xi32, #tpu.memory_space<vmem>>
      %dma_start3A_525 = tpu.memref_slice %arg2[%mul3A_519] : memref<204800xi32, #tpu.memory_space<hbm>> -> memref<200xi32, #tpu.memory_space<hbm>>
      tpu.enqueue_dma source(%dma_start3A_525 : memref<200xi32, #tpu.memory_space<hbm>>) target(%dma_start3A_524 : memref<200xi32, #tpu.memory_space<vmem>>) target_semaphore(%arg14 : memref<!tpu.dma_semaphore, #tpu.memory_space<semaphore_mem>>)
      %mul3A_526 = arith.constant 128 : i32
      %mul3A_527 = arith.muli %mul3A_526, %select_n3A_9 : i32
      %mul3A_528 = arith.constant 16 : i32
      %mul3A_529 = arith.muli %mul3A_528, %scan3A_375 : i32
      %add3A_530 = arith.addi %mul3A_527, %mul3A_529 : i32
      %add3A_531 = arith.constant 10 : i32
      %add3A_532 = arith.addi %add3A_530, %add3A_531 : i32
      %mul3A_533 = arith.constant 200 : i32
      %mul3A_534 = arith.muli %add3A_532, %mul3A_533 : i32
      %dma_start3A_535 = arith.constant 2080 : i32
      %dma_start3A_536 = tpu.memref_slice %arg5[%dma_start3A_535] : memref<3328xi32, #tpu.memory_space<vmem>> -> memref<200xi32, #tpu.memory_space<vmem>>
      %dma_start3A_537 = tpu.memref_slice %arg2[%mul3A_534] : memref<204800xi32, #tpu.memory_space<hbm>> -> memref<200xi32, #tpu.memory_space<hbm>>
      %dma_start3A_538 = arith.constant 2080 : i32
      %dma_start3A_539 = tpu.memref_slice %arg5[%dma_start3A_538] : memref<3328xi32, #tpu.memory_space<vmem>> -> memref<200xi32, #tpu.memory_space<vmem>>
      %dma_start3A_540 = tpu.memref_slice %arg2[%mul3A_534] : memref<204800xi32, #tpu.memory_space<hbm>> -> memref<200xi32, #tpu.memory_space<hbm>>
      tpu.enqueue_dma source(%dma_start3A_540 : memref<200xi32, #tpu.memory_space<hbm>>) target(%dma_start3A_539 : memref<200xi32, #tpu.memory_space<vmem>>) target_semaphore(%arg14 : memref<!tpu.dma_semaphore, #tpu.memory_space<semaphore_mem>>)
      %mul3A_541 = arith.constant 128 : i32
      %mul3A_542 = arith.muli %mul3A_541, %select_n3A_9 : i32
      %mul3A_543 = arith.constant 16 : i32
      %mul3A_544 = arith.muli %mul3A_543, %scan3A_375 : i32
      %add3A_545 = arith.addi %mul3A_542, %mul3A_544 : i32
      %add3A_546 = arith.constant 11 : i32
      %add3A_547 = arith.addi %add3A_545, %add3A_546 : i32
      %mul3A_548 = arith.constant 200 : i32
      %mul3A_549 = arith.muli %add3A_547, %mul3A_548 : i32
      %dma_start3A_550 = arith.constant 2288 : i32
      %dma_start3A_551 = tpu.memref_slice %arg5[%dma_start3A_550] : memref<3328xi32, #tpu.memory_space<vmem>> -> memref<200xi32, #tpu.memory_space<vmem>>
      %dma_start3A_552 = tpu.memref_slice %arg2[%mul3A_549] : memref<204800xi32, #tpu.memory_space<hbm>> -> memref<200xi32, #tpu.memory_space<hbm>>
      %dma_start3A_553 = arith.constant 2288 : i32
      %dma_start3A_554 = tpu.memref_slice %arg5[%dma_start3A_553] : memref<3328xi32, #tpu.memory_space<vmem>> -> memref<200xi32, #tpu.memory_space<vmem>>
      %dma_start3A_555 = tpu.memref_slice %arg2[%mul3A_549] : memref<204800xi32, #tpu.memory_space<hbm>> -> memref<200xi32, #tpu.memory_space<hbm>>
      tpu.enqueue_dma source(%dma_start3A_555 : memref<200xi32, #tpu.memory_space<hbm>>) target(%dma_start3A_554 : memref<200xi32, #tpu.memory_space<vmem>>) target_semaphore(%arg14 : memref<!tpu.dma_semaphore, #tpu.memory_space<semaphore_mem>>)
      %mul3A_556 = arith.constant 128 : i32
      %mul3A_557 = arith.muli %mul3A_556, %select_n3A_9 : i32
      %mul3A_558 = arith.constant 16 : i32
      %mul3A_559 = arith.muli %mul3A_558, %scan3A_375 : i32
      %add3A_560 = arith.addi %mul3A_557, %mul3A_559 : i32
      %add3A_561 = arith.constant 12 : i32
      %add3A_562 = arith.addi %add3A_560, %add3A_561 : i32
      %mul3A_563 = arith.constant 200 : i32
      %mul3A_564 = arith.muli %add3A_562, %mul3A_563 : i32
      %dma_start3A_565 = arith.constant 2496 : i32
      %dma_start3A_566 = tpu.memref_slice %arg5[%dma_start3A_565] : memref<3328xi32, #tpu.memory_space<vmem>> -> memref<200xi32, #tpu.memory_space<vmem>>
      %dma_start3A_567 = tpu.memref_slice %arg2[%mul3A_564] : memref<204800xi32, #tpu.memory_space<hbm>> -> memref<200xi32, #tpu.memory_space<hbm>>
      %dma_start3A_568 = arith.constant 2496 : i32
      %dma_start3A_569 = tpu.memref_slice %arg5[%dma_start3A_568] : memref<3328xi32, #tpu.memory_space<vmem>> -> memref<200xi32, #tpu.memory_space<vmem>>
      %dma_start3A_570 = tpu.memref_slice %arg2[%mul3A_564] : memref<204800xi32, #tpu.memory_space<hbm>> -> memref<200xi32, #tpu.memory_space<hbm>>
      tpu.enqueue_dma source(%dma_start3A_570 : memref<200xi32, #tpu.memory_space<hbm>>) target(%dma_start3A_569 : memref<200xi32, #tpu.memory_space<vmem>>) target_semaphore(%arg14 : memref<!tpu.dma_semaphore, #tpu.memory_space<semaphore_mem>>)
      %mul3A_571 = arith.constant 128 : i32
      %mul3A_572 = arith.muli %mul3A_571, %select_n3A_9 : i32
      %mul3A_573 = arith.constant 16 : i32
      %mul3A_574 = arith.muli %mul3A_573, %scan3A_375 : i32
      %add3A_575 = arith.addi %mul3A_572, %mul3A_574 : i32
      %add3A_576 = arith.constant 13 : i32
      %add3A_577 = arith.addi %add3A_575, %add3A_576 : i32
      %mul3A_578 = arith.constant 200 : i32
      %mul3A_579 = arith.muli %add3A_577, %mul3A_578 : i32
      %dma_start3A_580 = arith.constant 2704 : i32
      %dma_start3A_581 = tpu.memref_slice %arg5[%dma_start3A_580] : memref<3328xi32, #tpu.memory_space<vmem>> -> memref<200xi32, #tpu.memory_space<vmem>>
      %dma_start3A_582 = tpu.memref_slice %arg2[%mul3A_579] : memref<204800xi32, #tpu.memory_space<hbm>> -> memref<200xi32, #tpu.memory_space<hbm>>
      %dma_start3A_583 = arith.constant 2704 : i32
      %dma_start3A_584 = tpu.memref_slice %arg5[%dma_start3A_583] : memref<3328xi32, #tpu.memory_space<vmem>> -> memref<200xi32, #tpu.memory_space<vmem>>
      %dma_start3A_585 = tpu.memref_slice %arg2[%mul3A_579] : memref<204800xi32, #tpu.memory_space<hbm>> -> memref<200xi32, #tpu.memory_space<hbm>>
      tpu.enqueue_dma source(%dma_start3A_585 : memref<200xi32, #tpu.memory_space<hbm>>) target(%dma_start3A_584 : memref<200xi32, #tpu.memory_space<vmem>>) target_semaphore(%arg14 : memref<!tpu.dma_semaphore, #tpu.memory_space<semaphore_mem>>)
      %mul3A_586 = arith.constant 128 : i32
      %mul3A_587 = arith.muli %mul3A_586, %select_n3A_9 : i32
      %mul3A_588 = arith.constant 16 : i32
      %mul3A_589 = arith.muli %mul3A_588, %scan3A_375 : i32
      %add3A_590 = arith.addi %mul3A_587, %mul3A_589 : i32
      %add3A_591 = arith.constant 14 : i32
      %add3A_592 = arith.addi %add3A_590, %add3A_591 : i32
      %mul3A_593 = arith.constant 200 : i32
      %mul3A_594 = arith.muli %add3A_592, %mul3A_593 : i32
      %dma_start3A_595 = arith.constant 2912 : i32
      %dma_start3A_596 = tpu.memref_slice %arg5[%dma_start3A_595] : memref<3328xi32, #tpu.memory_space<vmem>> -> memref<200xi32, #tpu.memory_space<vmem>>
      %dma_start3A_597 = tpu.memref_slice %arg2[%mul3A_594] : memref<204800xi32, #tpu.memory_space<hbm>> -> memref<200xi32, #tpu.memory_space<hbm>>
      %dma_start3A_598 = arith.constant 2912 : i32
      %dma_start3A_599 = tpu.memref_slice %arg5[%dma_start3A_598] : memref<3328xi32, #tpu.memory_space<vmem>> -> memref<200xi32, #tpu.memory_space<vmem>>
      %dma_start3A_600 = tpu.memref_slice %arg2[%mul3A_594] : memref<204800xi32, #tpu.memory_space<hbm>> -> memref<200xi32, #tpu.memory_space<hbm>>
      tpu.enqueue_dma source(%dma_start3A_600 : memref<200xi32, #tpu.memory_space<hbm>>) target(%dma_start3A_599 : memref<200xi32, #tpu.memory_space<vmem>>) target_semaphore(%arg14 : memref<!tpu.dma_semaphore, #tpu.memory_space<semaphore_mem>>)
      %mul3A_601 = arith.constant 128 : i32
      %mul3A_602 = arith.muli %mul3A_601, %select_n3A_9 : i32
      %mul3A_603 = arith.constant 16 : i32
      %mul3A_604 = arith.muli %mul3A_603, %scan3A_375 : i32
      %add3A_605 = arith.addi %mul3A_602, %mul3A_604 : i32
      %add3A_606 = arith.constant 15 : i32
      %add3A_607 = arith.addi %add3A_605, %add3A_606 : i32
      %mul3A_608 = arith.constant 200 : i32
      %mul3A_609 = arith.muli %add3A_607, %mul3A_608 : i32
      %dma_start3A_610 = arith.constant 3120 : i32
      %dma_start3A_611 = tpu.memref_slice %arg5[%dma_start3A_610] : memref<3328xi32, #tpu.memory_space<vmem>> -> memref<200xi32, #tpu.memory_space<vmem>>
      %dma_start3A_612 = tpu.memref_slice %arg2[%mul3A_609] : memref<204800xi32, #tpu.memory_space<hbm>> -> memref<200xi32, #tpu.memory_space<hbm>>
      %dma_start3A_613 = arith.constant 3120 : i32
      %dma_start3A_614 = tpu.memref_slice %arg5[%dma_start3A_613] : memref<3328xi32, #tpu.memory_space<vmem>> -> memref<200xi32, #tpu.memory_space<vmem>>
      %dma_start3A_615 = tpu.memref_slice %arg2[%mul3A_609] : memref<204800xi32, #tpu.memory_space<hbm>> -> memref<200xi32, #tpu.memory_space<hbm>>
      tpu.enqueue_dma source(%dma_start3A_615 : memref<200xi32, #tpu.memory_space<hbm>>) target(%dma_start3A_614 : memref<200xi32, #tpu.memory_space<vmem>>) target_semaphore(%arg14 : memref<!tpu.dma_semaphore, #tpu.memory_space<semaphore_mem>>)
      %dma_wait3A_616 = arith.constant 0 : i32
      %dma_wait3A_617 = tpu.memref_slice %arg5[%dma_wait3A_616] : memref<3328xi32, #tpu.memory_space<vmem>> -> memref<200xi32, #tpu.memory_space<vmem>>
      %dma_wait3A_618 = tpu.memref_slice %arg2[%mul3A_384] : memref<204800xi32, #tpu.memory_space<hbm>> -> memref<200xi32, #tpu.memory_space<hbm>>
      %dma_wait3A_619 = arith.constant 0 : i32
      %dma_wait3A_620 = tpu.memref_slice %arg5[%dma_wait3A_619] : memref<3328xi32, #tpu.memory_space<vmem>> -> memref<200xi32, #tpu.memory_space<vmem>>
      %dma_wait3A_621 = tpu.memref_slice %arg2[%mul3A_384] : memref<204800xi32, #tpu.memory_space<hbm>> -> memref<200xi32, #tpu.memory_space<hbm>>
      tpu.wait_dma2 semaphore(%arg14 : memref<!tpu.dma_semaphore, #tpu.memory_space<semaphore_mem>>) src(%dma_wait3A_621 : memref<200xi32, #tpu.memory_space<hbm>>) dst(%dma_wait3A_620 : memref<200xi32, #tpu.memory_space<vmem>>)
      %dma_wait3A_622 = arith.constant 208 : i32
      %dma_wait3A_623 = tpu.memref_slice %arg5[%dma_wait3A_622] : memref<3328xi32, #tpu.memory_space<vmem>> -> memref<200xi32, #tpu.memory_space<vmem>>
      %dma_wait3A_624 = tpu.memref_slice %arg2[%mul3A_399] : memref<204800xi32, #tpu.memory_space<hbm>> -> memref<200xi32, #tpu.memory_space<hbm>>
      %dma_wait3A_625 = arith.constant 208 : i32
      %dma_wait3A_626 = tpu.memref_slice %arg5[%dma_wait3A_625] : memref<3328xi32, #tpu.memory_space<vmem>> -> memref<200xi32, #tpu.memory_space<vmem>>
      %dma_wait3A_627 = tpu.memref_slice %arg2[%mul3A_399] : memref<204800xi32, #tpu.memory_space<hbm>> -> memref<200xi32, #tpu.memory_space<hbm>>
      tpu.wait_dma2 semaphore(%arg14 : memref<!tpu.dma_semaphore, #tpu.memory_space<semaphore_mem>>) src(%dma_wait3A_627 : memref<200xi32, #tpu.memory_space<hbm>>) dst(%dma_wait3A_626 : memref<200xi32, #tpu.memory_space<vmem>>)
      %dma_wait3A_628 = arith.constant 416 : i32
      %dma_wait3A_629 = tpu.memref_slice %arg5[%dma_wait3A_628] : memref<3328xi32, #tpu.memory_space<vmem>> -> memref<200xi32, #tpu.memory_space<vmem>>
      %dma_wait3A_630 = tpu.memref_slice %arg2[%mul3A_414] : memref<204800xi32, #tpu.memory_space<hbm>> -> memref<200xi32, #tpu.memory_space<hbm>>
      %dma_wait3A_631 = arith.constant 416 : i32
      %dma_wait3A_632 = tpu.memref_slice %arg5[%dma_wait3A_631] : memref<3328xi32, #tpu.memory_space<vmem>> -> memref<200xi32, #tpu.memory_space<vmem>>
      %dma_wait3A_633 = tpu.memref_slice %arg2[%mul3A_414] : memref<204800xi32, #tpu.memory_space<hbm>> -> memref<200xi32, #tpu.memory_space<hbm>>
      tpu.wait_dma2 semaphore(%arg14 : memref<!tpu.dma_semaphore, #tpu.memory_space<semaphore_mem>>) src(%dma_wait3A_633 : memref<200xi32, #tpu.memory_space<hbm>>) dst(%dma_wait3A_632 : memref<200xi32, #tpu.memory_space<vmem>>)
      %dma_wait3A_634 = arith.constant 624 : i32
      %dma_wait3A_635 = tpu.memref_slice %arg5[%dma_wait3A_634] : memref<3328xi32, #tpu.memory_space<vmem>> -> memref<200xi32, #tpu.memory_space<vmem>>
      %dma_wait3A_636 = tpu.memref_slice %arg2[%mul3A_429] : memref<204800xi32, #tpu.memory_space<hbm>> -> memref<200xi32, #tpu.memory_space<hbm>>
      %dma_wait3A_637 = arith.constant 624 : i32
      %dma_wait3A_638 = tpu.memref_slice %arg5[%dma_wait3A_637] : memref<3328xi32, #tpu.memory_space<vmem>> -> memref<200xi32, #tpu.memory_space<vmem>>
      %dma_wait3A_639 = tpu.memref_slice %arg2[%mul3A_429] : memref<204800xi32, #tpu.memory_space<hbm>> -> memref<200xi32, #tpu.memory_space<hbm>>
      tpu.wait_dma2 semaphore(%arg14 : memref<!tpu.dma_semaphore, #tpu.memory_space<semaphore_mem>>) src(%dma_wait3A_639 : memref<200xi32, #tpu.memory_space<hbm>>) dst(%dma_wait3A_638 : memref<200xi32, #tpu.memory_space<vmem>>)
      %dma_wait3A_640 = arith.constant 832 : i32
      %dma_wait3A_641 = tpu.memref_slice %arg5[%dma_wait3A_640] : memref<3328xi32, #tpu.memory_space<vmem>> -> memref<200xi32, #tpu.memory_space<vmem>>
      %dma_wait3A_642 = tpu.memref_slice %arg2[%mul3A_444] : memref<204800xi32, #tpu.memory_space<hbm>> -> memref<200xi32, #tpu.memory_space<hbm>>
      %dma_wait3A_643 = arith.constant 832 : i32
      %dma_wait3A_644 = tpu.memref_slice %arg5[%dma_wait3A_643] : memref<3328xi32, #tpu.memory_space<vmem>> -> memref<200xi32, #tpu.memory_space<vmem>>
      %dma_wait3A_645 = tpu.memref_slice %arg2[%mul3A_444] : memref<204800xi32, #tpu.memory_space<hbm>> -> memref<200xi32, #tpu.memory_space<hbm>>
      tpu.wait_dma2 semaphore(%arg14 : memref<!tpu.dma_semaphore, #tpu.memory_space<semaphore_mem>>) src(%dma_wait3A_645 : memref<200xi32, #tpu.memory_space<hbm>>) dst(%dma_wait3A_644 : memref<200xi32, #tpu.memory_space<vmem>>)
      %dma_wait3A_646 = arith.constant 1040 : i32
      %dma_wait3A_647 = tpu.memref_slice %arg5[%dma_wait3A_646] : memref<3328xi32, #tpu.memory_space<vmem>> -> memref<200xi32, #tpu.memory_space<vmem>>
      %dma_wait3A_648 = tpu.memref_slice %arg2[%mul3A_459] : memref<204800xi32, #tpu.memory_space<hbm>> -> memref<200xi32, #tpu.memory_space<hbm>>
      %dma_wait3A_649 = arith.constant 1040 : i32
      %dma_wait3A_650 = tpu.memref_slice %arg5[%dma_wait3A_649] : memref<3328xi32, #tpu.memory_space<vmem>> -> memref<200xi32, #tpu.memory_space<vmem>>
      %dma_wait3A_651 = tpu.memref_slice %arg2[%mul3A_459] : memref<204800xi32, #tpu.memory_space<hbm>> -> memref<200xi32, #tpu.memory_space<hbm>>
      tpu.wait_dma2 semaphore(%arg14 : memref<!tpu.dma_semaphore, #tpu.memory_space<semaphore_mem>>) src(%dma_wait3A_651 : memref<200xi32, #tpu.memory_space<hbm>>) dst(%dma_wait3A_650 : memref<200xi32, #tpu.memory_space<vmem>>)
      %dma_wait3A_652 = arith.constant 1248 : i32
      %dma_wait3A_653 = tpu.memref_slice %arg5[%dma_wait3A_652] : memref<3328xi32, #tpu.memory_space<vmem>> -> memref<200xi32, #tpu.memory_space<vmem>>
      %dma_wait3A_654 = tpu.memref_slice %arg2[%mul3A_474] : memref<204800xi32, #tpu.memory_space<hbm>> -> memref<200xi32, #tpu.memory_space<hbm>>
      %dma_wait3A_655 = arith.constant 1248 : i32
      %dma_wait3A_656 = tpu.memref_slice %arg5[%dma_wait3A_655] : memref<3328xi32, #tpu.memory_space<vmem>> -> memref<200xi32, #tpu.memory_space<vmem>>
      %dma_wait3A_657 = tpu.memref_slice %arg2[%mul3A_474] : memref<204800xi32, #tpu.memory_space<hbm>> -> memref<200xi32, #tpu.memory_space<hbm>>
      tpu.wait_dma2 semaphore(%arg14 : memref<!tpu.dma_semaphore, #tpu.memory_space<semaphore_mem>>) src(%dma_wait3A_657 : memref<200xi32, #tpu.memory_space<hbm>>) dst(%dma_wait3A_656 : memref<200xi32, #tpu.memory_space<vmem>>)
      %dma_wait3A_658 = arith.constant 1456 : i32
      %dma_wait3A_659 = tpu.memref_slice %arg5[%dma_wait3A_658] : memref<3328xi32, #tpu.memory_space<vmem>> -> memref<200xi32, #tpu.memory_space<vmem>>
      %dma_wait3A_660 = tpu.memref_slice %arg2[%mul3A_489] : memref<204800xi32, #tpu.memory_space<hbm>> -> memref<200xi32, #tpu.memory_space<hbm>>
      %dma_wait3A_661 = arith.constant 1456 : i32
      %dma_wait3A_662 = tpu.memref_slice %arg5[%dma_wait3A_661] : memref<3328xi32, #tpu.memory_space<vmem>> -> memref<200xi32, #tpu.memory_space<vmem>>
      %dma_wait3A_663 = tpu.memref_slice %arg2[%mul3A_489] : memref<204800xi32, #tpu.memory_space<hbm>> -> memref<200xi32, #tpu.memory_space<hbm>>
      tpu.wait_dma2 semaphore(%arg14 : memref<!tpu.dma_semaphore, #tpu.memory_space<semaphore_mem>>) src(%dma_wait3A_663 : memref<200xi32, #tpu.memory_space<hbm>>) dst(%dma_wait3A_662 : memref<200xi32, #tpu.memory_space<vmem>>)
      %dma_wait3A_664 = arith.constant 1664 : i32
      %dma_wait3A_665 = tpu.memref_slice %arg5[%dma_wait3A_664] : memref<3328xi32, #tpu.memory_space<vmem>> -> memref<200xi32, #tpu.memory_space<vmem>>
      %dma_wait3A_666 = tpu.memref_slice %arg2[%mul3A_504] : memref<204800xi32, #tpu.memory_space<hbm>> -> memref<200xi32, #tpu.memory_space<hbm>>
      %dma_wait3A_667 = arith.constant 1664 : i32
      %dma_wait3A_668 = tpu.memref_slice %arg5[%dma_wait3A_667] : memref<3328xi32, #tpu.memory_space<vmem>> -> memref<200xi32, #tpu.memory_space<vmem>>
      %dma_wait3A_669 = tpu.memref_slice %arg2[%mul3A_504] : memref<204800xi32, #tpu.memory_space<hbm>> -> memref<200xi32, #tpu.memory_space<hbm>>
      tpu.wait_dma2 semaphore(%arg14 : memref<!tpu.dma_semaphore, #tpu.memory_space<semaphore_mem>>) src(%dma_wait3A_669 : memref<200xi32, #tpu.memory_space<hbm>>) dst(%dma_wait3A_668 : memref<200xi32, #tpu.memory_space<vmem>>)
      %dma_wait3A_670 = arith.constant 1872 : i32
      %dma_wait3A_671 = tpu.memref_slice %arg5[%dma_wait3A_670] : memref<3328xi32, #tpu.memory_space<vmem>> -> memref<200xi32, #tpu.memory_space<vmem>>
      %dma_wait3A_672 = tpu.memref_slice %arg2[%mul3A_519] : memref<204800xi32, #tpu.memory_space<hbm>> -> memref<200xi32, #tpu.memory_space<hbm>>
      %dma_wait3A_673 = arith.constant 1872 : i32
      %dma_wait3A_674 = tpu.memref_slice %arg5[%dma_wait3A_673] : memref<3328xi32, #tpu.memory_space<vmem>> -> memref<200xi32, #tpu.memory_space<vmem>>
      %dma_wait3A_675 = tpu.memref_slice %arg2[%mul3A_519] : memref<204800xi32, #tpu.memory_space<hbm>> -> memref<200xi32, #tpu.memory_space<hbm>>
      tpu.wait_dma2 semaphore(%arg14 : memref<!tpu.dma_semaphore, #tpu.memory_space<semaphore_mem>>) src(%dma_wait3A_675 : memref<200xi32, #tpu.memory_space<hbm>>) dst(%dma_wait3A_674 : memref<200xi32, #tpu.memory_space<vmem>>)
      %dma_wait3A_676 = arith.constant 2080 : i32
      %dma_wait3A_677 = tpu.memref_slice %arg5[%dma_wait3A_676] : memref<3328xi32, #tpu.memory_space<vmem>> -> memref<200xi32, #tpu.memory_space<vmem>>
      %dma_wait3A_678 = tpu.memref_slice %arg2[%mul3A_534] : memref<204800xi32, #tpu.memory_space<hbm>> -> memref<200xi32, #tpu.memory_space<hbm>>
      %dma_wait3A_679 = arith.constant 2080 : i32
      %dma_wait3A_680 = tpu.memref_slice %arg5[%dma_wait3A_679] : memref<3328xi32, #tpu.memory_space<vmem>> -> memref<200xi32, #tpu.memory_space<vmem>>
      %dma_wait3A_681 = tpu.memref_slice %arg2[%mul3A_534] : memref<204800xi32, #tpu.memory_space<hbm>> -> memref<200xi32, #tpu.memory_space<hbm>>
      tpu.wait_dma2 semaphore(%arg14 : memref<!tpu.dma_semaphore, #tpu.memory_space<semaphore_mem>>) src(%dma_wait3A_681 : memref<200xi32, #tpu.memory_space<hbm>>) dst(%dma_wait3A_680 : memref<200xi32, #tpu.memory_space<vmem>>)
      %dma_wait3A_682 = arith.constant 2288 : i32
      %dma_wait3A_683 = tpu.memref_slice %arg5[%dma_wait3A_682] : memref<3328xi32, #tpu.memory_space<vmem>> -> memref<200xi32, #tpu.memory_space<vmem>>
      %dma_wait3A_684 = tpu.memref_slice %arg2[%mul3A_549] : memref<204800xi32, #tpu.memory_space<hbm>> -> memref<200xi32, #tpu.memory_space<hbm>>
      %dma_wait3A_685 = arith.constant 2288 : i32
      %dma_wait3A_686 = tpu.memref_slice %arg5[%dma_wait3A_685] : memref<3328xi32, #tpu.memory_space<vmem>> -> memref<200xi32, #tpu.memory_space<vmem>>
      %dma_wait3A_687 = tpu.memref_slice %arg2[%mul3A_549] : memref<204800xi32, #tpu.memory_space<hbm>> -> memref<200xi32, #tpu.memory_space<hbm>>
      tpu.wait_dma2 semaphore(%arg14 : memref<!tpu.dma_semaphore, #tpu.memory_space<semaphore_mem>>) src(%dma_wait3A_687 : memref<200xi32, #tpu.memory_space<hbm>>) dst(%dma_wait3A_686 : memref<200xi32, #tpu.memory_space<vmem>>)
      %dma_wait3A_688 = arith.constant 2496 : i32
      %dma_wait3A_689 = tpu.memref_slice %arg5[%dma_wait3A_688] : memref<3328xi32, #tpu.memory_space<vmem>> -> memref<200xi32, #tpu.memory_space<vmem>>
      %dma_wait3A_690 = tpu.memref_slice %arg2[%mul3A_564] : memref<204800xi32, #tpu.memory_space<hbm>> -> memref<200xi32, #tpu.memory_space<hbm>>
      %dma_wait3A_691 = arith.constant 2496 : i32
      %dma_wait3A_692 = tpu.memref_slice %arg5[%dma_wait3A_691] : memref<3328xi32, #tpu.memory_space<vmem>> -> memref<200xi32, #tpu.memory_space<vmem>>
      %dma_wait3A_693 = tpu.memref_slice %arg2[%mul3A_564] : memref<204800xi32, #tpu.memory_space<hbm>> -> memref<200xi32, #tpu.memory_space<hbm>>
      tpu.wait_dma2 semaphore(%arg14 : memref<!tpu.dma_semaphore, #tpu.memory_space<semaphore_mem>>) src(%dma_wait3A_693 : memref<200xi32, #tpu.memory_space<hbm>>) dst(%dma_wait3A_692 : memref<200xi32, #tpu.memory_space<vmem>>)
      %dma_wait3A_694 = arith.constant 2704 : i32
      %dma_wait3A_695 = tpu.memref_slice %arg5[%dma_wait3A_694] : memref<3328xi32, #tpu.memory_space<vmem>> -> memref<200xi32, #tpu.memory_space<vmem>>
      %dma_wait3A_696 = tpu.memref_slice %arg2[%mul3A_579] : memref<204800xi32, #tpu.memory_space<hbm>> -> memref<200xi32, #tpu.memory_space<hbm>>
      %dma_wait3A_697 = arith.constant 2704 : i32
      %dma_wait3A_698 = tpu.memref_slice %arg5[%dma_wait3A_697] : memref<3328xi32, #tpu.memory_space<vmem>> -> memref<200xi32, #tpu.memory_space<vmem>>
      %dma_wait3A_699 = tpu.memref_slice %arg2[%mul3A_579] : memref<204800xi32, #tpu.memory_space<hbm>> -> memref<200xi32, #tpu.memory_space<hbm>>
      tpu.wait_dma2 semaphore(%arg14 : memref<!tpu.dma_semaphore, #tpu.memory_space<semaphore_mem>>) src(%dma_wait3A_699 : memref<200xi32, #tpu.memory_space<hbm>>) dst(%dma_wait3A_698 : memref<200xi32, #tpu.memory_space<vmem>>)
      %dma_wait3A_700 = arith.constant 2912 : i32
      %dma_wait3A_701 = tpu.memref_slice %arg5[%dma_wait3A_700] : memref<3328xi32, #tpu.memory_space<vmem>> -> memref<200xi32, #tpu.memory_space<vmem>>
      %dma_wait3A_702 = tpu.memref_slice %arg2[%mul3A_594] : memref<204800xi32, #tpu.memory_space<hbm>> -> memref<200xi32, #tpu.memory_space<hbm>>
      %dma_wait3A_703 = arith.constant 2912 : i32
      %dma_wait3A_704 = tpu.memref_slice %arg5[%dma_wait3A_703] : memref<3328xi32, #tpu.memory_space<vmem>> -> memref<200xi32, #tpu.memory_space<vmem>>
      %dma_wait3A_705 = tpu.memref_slice %arg2[%mul3A_594] : memref<204800xi32, #tpu.memory_space<hbm>> -> memref<200xi32, #tpu.memory_space<hbm>>
      tpu.wait_dma2 semaphore(%arg14 : memref<!tpu.dma_semaphore, #tpu.memory_space<semaphore_mem>>) src(%dma_wait3A_705 : memref<200xi32, #tpu.memory_space<hbm>>) dst(%dma_wait3A_704 : memref<200xi32, #tpu.memory_space<vmem>>)
      %dma_wait3A_706 = arith.constant 3120 : i32
      %dma_wait3A_707 = tpu.memref_slice %arg5[%dma_wait3A_706] : memref<3328xi32, #tpu.memory_space<vmem>> -> memref<200xi32, #tpu.memory_space<vmem>>
      %dma_wait3A_708 = tpu.memref_slice %arg2[%mul3A_609] : memref<204800xi32, #tpu.memory_space<hbm>> -> memref<200xi32, #tpu.memory_space<hbm>>
      %dma_wait3A_709 = arith.constant 3120 : i32
      %dma_wait3A_710 = tpu.memref_slice %arg5[%dma_wait3A_709] : memref<3328xi32, #tpu.memory_space<vmem>> -> memref<200xi32, #tpu.memory_space<vmem>>
      %dma_wait3A_711 = tpu.memref_slice %arg2[%mul3A_609] : memref<204800xi32, #tpu.memory_space<hbm>> -> memref<200xi32, #tpu.memory_space<hbm>>
      tpu.wait_dma2 semaphore(%arg14 : memref<!tpu.dma_semaphore, #tpu.memory_space<semaphore_mem>>) src(%dma_wait3A_711 : memref<200xi32, #tpu.memory_space<hbm>>) dst(%dma_wait3A_710 : memref<200xi32, #tpu.memory_space<vmem>>)
      %scan3A_712 = arith.constant 0 : i32
      %scan3A_713 = arith.constant 0 : i32
      %scan3A_714 = arith.constant 16 : i32
      %scan3A_715 = arith.addi %scan3A_713, %scan3A_714 : i32
      %scan3A_716 = arith.constant 1 : i32
      scf.for %scan3A_718 = %scan3A_713 to %scan3A_715 step %scan3A_716  : i32 {
        %mul3A_719 = arith.constant 208 : i32
        %mul3A_720 = arith.muli %scan3A_718, %mul3A_719 : i32
        %add3A_721 = arith.constant 0 : i32
        %add3A_722 = arith.addi %mul3A_720, %add3A_721 : i32
        %get3A_723 = arith.index_cast %add3A_722 : i32 to index
        %get3A_724 = tpu.vector_load %arg5[%get3A_723] {strides = array<i32>} : memref<3328xi32, #tpu.memory_space<vmem>>, vector<16xi32>,
        %ge3A = arith.constant 0 : i32
        %ge3A_725 = vector.broadcast %ge3A : i32 to vector<16xi32>
        %ge3A_726 = arith.cmpi sge, %iota3A, %ge3A_725 : vector<16xi32>
        %shift_right_arithmetic3A = arith.constant 3 : i32
        %shift_right_arithmetic3A_727 = vector.broadcast %shift_right_arithmetic3A : i32 to vector<16xi32>
        %shift_right_arithmetic3A_728 = arith.shrsi %get3A_724, %shift_right_arithmetic3A_727 : vector<16xi32>
        %sub3A_729 = vector.broadcast %mul3A_32 : i32 to vector<16xi32>
        %sub3A_730 = arith.subi %shift_right_arithmetic3A_728, %sub3A_729 : vector<16xi32>
        %ge3A_731 = arith.constant 0 : i32
        %ge3A_732 = vector.broadcast %ge3A_731 : i32 to vector<16xi32>
        %ge3A_733 = arith.cmpi sge, %sub3A_730, %ge3A_732 : vector<16xi32>
        %and3A_734 = arith.andi %ge3A_726, %ge3A_733 : vector<16xi1>
        %lt3A_735 = arith.constant 3125 : i32
        %lt3A_736 = vector.broadcast %lt3A_735 : i32 to vector<16xi32>
        %lt3A_737 = arith.cmpi slt, %sub3A_730, %lt3A_736 : vector<16xi32>
        %and3A_738 = arith.andi %and3A_734, %lt3A_737 : vector<16xi1>
        %mul3A_739 = arith.constant 5243 : i32
        %mul3A_740 = vector.broadcast %mul3A_739 : i32 to vector<16xi32>
        %mul3A_741 = arith.muli %sub3A_730, %mul3A_740 : vector<16xi32>
        %shift_right_arithmetic3A_742 = arith.constant 17 : i32
        %shift_right_arithmetic3A_743 = vector.broadcast %shift_right_arithmetic3A_742 : i32 to vector<16xi32>
        %shift_right_arithmetic3A_744 = arith.shrsi %mul3A_741, %shift_right_arithmetic3A_743 : vector<16xi32>
        %jit3A_745 = arith.constant 125 : i32
        %broadcast_in_dim3A_746 = vector.broadcast %jit3A_745 : i32 to vector<16xi32>
        %select_n3A_747 = arith.select %and3A_738, %shift_right_arithmetic3A_744, %broadcast_in_dim3A_746 : vector<16xi1>, vector<16xi32>
        tpu.vector_store_idx %arg9[%select_n3A_747], %broadcast_in_dim3A_37 {add = true} : memref<128xi32, #tpu.memory_space<vmem>>[vector<16xi32>], vector<16xi32>,
        %add3A_748 = arith.constant 16 : i32
        %add3A_749 = arith.addi %mul3A_720, %add3A_748 : i32
        %get3A_750 = arith.index_cast %add3A_749 : i32 to index
        %get3A_751 = tpu.vector_load %arg5[%get3A_750] {strides = array<i32>} : memref<3328xi32, #tpu.memory_space<vmem>>, vector<16xi32>,
        %ge3A_752 = arith.constant 0 : i32
        %ge3A_753 = vector.broadcast %ge3A_752 : i32 to vector<16xi32>
        %ge3A_754 = arith.cmpi sge, %iota3A, %ge3A_753 : vector<16xi32>
        %shift_right_arithmetic3A_755 = arith.constant 3 : i32
        %shift_right_arithmetic3A_756 = vector.broadcast %shift_right_arithmetic3A_755 : i32 to vector<16xi32>
        %shift_right_arithmetic3A_757 = arith.shrsi %get3A_751, %shift_right_arithmetic3A_756 : vector<16xi32>
        %sub3A_758 = vector.broadcast %mul3A_32 : i32 to vector<16xi32>
        %sub3A_759 = arith.subi %shift_right_arithmetic3A_757, %sub3A_758 : vector<16xi32>
        %ge3A_760 = arith.constant 0 : i32
        %ge3A_761 = vector.broadcast %ge3A_760 : i32 to vector<16xi32>
        %ge3A_762 = arith.cmpi sge, %sub3A_759, %ge3A_761 : vector<16xi32>
        %and3A_763 = arith.andi %ge3A_754, %ge3A_762 : vector<16xi1>
        %lt3A_764 = arith.constant 3125 : i32
        %lt3A_765 = vector.broadcast %lt3A_764 : i32 to vector<16xi32>
        %lt3A_766 = arith.cmpi slt, %sub3A_759, %lt3A_765 : vector<16xi32>
        %and3A_767 = arith.andi %and3A_763, %lt3A_766 : vector<16xi1>
        %mul3A_768 = arith.constant 5243 : i32
        %mul3A_769 = vector.broadcast %mul3A_768 : i32 to vector<16xi32>
        %mul3A_770 = arith.muli %sub3A_759, %mul3A_769 : vector<16xi32>
        %shift_right_arithmetic3A_771 = arith.constant 17 : i32
        %shift_right_arithmetic3A_772 = vector.broadcast %shift_right_arithmetic3A_771 : i32 to vector<16xi32>
        %shift_right_arithmetic3A_773 = arith.shrsi %mul3A_770, %shift_right_arithmetic3A_772 : vector<16xi32>
        %jit3A_774 = arith.constant 125 : i32
        %broadcast_in_dim3A_775 = vector.broadcast %jit3A_774 : i32 to vector<16xi32>
        %select_n3A_776 = arith.select %and3A_767, %shift_right_arithmetic3A_773, %broadcast_in_dim3A_775 : vector<16xi1>, vector<16xi32>
        tpu.vector_store_idx %arg9[%select_n3A_776], %broadcast_in_dim3A_37 {add = true} : memref<128xi32, #tpu.memory_space<vmem>>[vector<16xi32>], vector<16xi32>,
        %add3A_777 = arith.constant 32 : i32
        %add3A_778 = arith.addi %mul3A_720, %add3A_777 : i32
        %get3A_779 = arith.index_cast %add3A_778 : i32 to index
        %get3A_780 = tpu.vector_load %arg5[%get3A_779] {strides = array<i32>} : memref<3328xi32, #tpu.memory_space<vmem>>, vector<16xi32>,
        %ge3A_781 = arith.constant 0 : i32
        %ge3A_782 = vector.broadcast %ge3A_781 : i32 to vector<16xi32>
        %ge3A_783 = arith.cmpi sge, %iota3A, %ge3A_782 : vector<16xi32>
        %shift_right_arithmetic3A_784 = arith.constant 3 : i32
        %shift_right_arithmetic3A_785 = vector.broadcast %shift_right_arithmetic3A_784 : i32 to vector<16xi32>
        %shift_right_arithmetic3A_786 = arith.shrsi %get3A_780, %shift_right_arithmetic3A_785 : vector<16xi32>
        %sub3A_787 = vector.broadcast %mul3A_32 : i32 to vector<16xi32>
        %sub3A_788 = arith.subi %shift_right_arithmetic3A_786, %sub3A_787 : vector<16xi32>
        %ge3A_789 = arith.constant 0 : i32
        %ge3A_790 = vector.broadcast %ge3A_789 : i32 to vector<16xi32>
        %ge3A_791 = arith.cmpi sge, %sub3A_788, %ge3A_790 : vector<16xi32>
        %and3A_792 = arith.andi %ge3A_783, %ge3A_791 : vector<16xi1>
        %lt3A_793 = arith.constant 3125 : i32
        %lt3A_794 = vector.broadcast %lt3A_793 : i32 to vector<16xi32>
        %lt3A_795 = arith.cmpi slt, %sub3A_788, %lt3A_794 : vector<16xi32>
        %and3A_796 = arith.andi %and3A_792, %lt3A_795 : vector<16xi1>
        %mul3A_797 = arith.constant 5243 : i32
        %mul3A_798 = vector.broadcast %mul3A_797 : i32 to vector<16xi32>
        %mul3A_799 = arith.muli %sub3A_788, %mul3A_798 : vector<16xi32>
        %shift_right_arithmetic3A_800 = arith.constant 17 : i32
        %shift_right_arithmetic3A_801 = vector.broadcast %shift_right_arithmetic3A_800 : i32 to vector<16xi32>
        %shift_right_arithmetic3A_802 = arith.shrsi %mul3A_799, %shift_right_arithmetic3A_801 : vector<16xi32>
        %jit3A_803 = arith.constant 125 : i32
        %broadcast_in_dim3A_804 = vector.broadcast %jit3A_803 : i32 to vector<16xi32>
        %select_n3A_805 = arith.select %and3A_796, %shift_right_arithmetic3A_802, %broadcast_in_dim3A_804 : vector<16xi1>, vector<16xi32>
        tpu.vector_store_idx %arg9[%select_n3A_805], %broadcast_in_dim3A_37 {add = true} : memref<128xi32, #tpu.memory_space<vmem>>[vector<16xi32>], vector<16xi32>,
        %add3A_806 = arith.constant 48 : i32
        %add3A_807 = arith.addi %mul3A_720, %add3A_806 : i32
        %get3A_808 = arith.index_cast %add3A_807 : i32 to index
        %get3A_809 = tpu.vector_load %arg5[%get3A_808] {strides = array<i32>} : memref<3328xi32, #tpu.memory_space<vmem>>, vector<16xi32>,
        %ge3A_810 = arith.constant 0 : i32
        %ge3A_811 = vector.broadcast %ge3A_810 : i32 to vector<16xi32>
        %ge3A_812 = arith.cmpi sge, %iota3A, %ge3A_811 : vector<16xi32>
        %shift_right_arithmetic3A_813 = arith.constant 3 : i32
        %shift_right_arithmetic3A_814 = vector.broadcast %shift_right_arithmetic3A_813 : i32 to vector<16xi32>
        %shift_right_arithmetic3A_815 = arith.shrsi %get3A_809, %shift_right_arithmetic3A_814 : vector<16xi32>
        %sub3A_816 = vector.broadcast %mul3A_32 : i32 to vector<16xi32>
        %sub3A_817 = arith.subi %shift_right_arithmetic3A_815, %sub3A_816 : vector<16xi32>
        %ge3A_818 = arith.constant 0 : i32
        %ge3A_819 = vector.broadcast %ge3A_818 : i32 to vector<16xi32>
        %ge3A_820 = arith.cmpi sge, %sub3A_817, %ge3A_819 : vector<16xi32>
        %and3A_821 = arith.andi %ge3A_812, %ge3A_820 : vector<16xi1>
        %lt3A_822 = arith.constant 3125 : i32
        %lt3A_823 = vector.broadcast %lt3A_822 : i32 to vector<16xi32>
        %lt3A_824 = arith.cmpi slt, %sub3A_817, %lt3A_823 : vector<16xi32>
        %and3A_825 = arith.andi %and3A_821, %lt3A_824 : vector<16xi1>
        %mul3A_826 = arith.constant 5243 : i32
        %mul3A_827 = vector.broadcast %mul3A_826 : i32 to vector<16xi32>
        %mul3A_828 = arith.muli %sub3A_817, %mul3A_827 : vector<16xi32>
        %shift_right_arithmetic3A_829 = arith.constant 17 : i32
        %shift_right_arithmetic3A_830 = vector.broadcast %shift_right_arithmetic3A_829 : i32 to vector<16xi32>
        %shift_right_arithmetic3A_831 = arith.shrsi %mul3A_828, %shift_right_arithmetic3A_830 : vector<16xi32>
        %jit3A_832 = arith.constant 125 : i32
        %broadcast_in_dim3A_833 = vector.broadcast %jit3A_832 : i32 to vector<16xi32>
        %select_n3A_834 = arith.select %and3A_825, %shift_right_arithmetic3A_831, %broadcast_in_dim3A_833 : vector<16xi1>, vector<16xi32>
        tpu.vector_store_idx %arg9[%select_n3A_834], %broadcast_in_dim3A_37 {add = true} : memref<128xi32, #tpu.memory_space<vmem>>[vector<16xi32>], vector<16xi32>,
        %add3A_835 = arith.constant 64 : i32
        %add3A_836 = arith.addi %mul3A_720, %add3A_835 : i32
        %get3A_837 = arith.index_cast %add3A_836 : i32 to index
        %get3A_838 = tpu.vector_load %arg5[%get3A_837] {strides = array<i32>} : memref<3328xi32, #tpu.memory_space<vmem>>, vector<16xi32>,
        %ge3A_839 = arith.constant 0 : i32
        %ge3A_840 = vector.broadcast %ge3A_839 : i32 to vector<16xi32>
        %ge3A_841 = arith.cmpi sge, %iota3A, %ge3A_840 : vector<16xi32>
        %shift_right_arithmetic3A_842 = arith.constant 3 : i32
        %shift_right_arithmetic3A_843 = vector.broadcast %shift_right_arithmetic3A_842 : i32 to vector<16xi32>
        %shift_right_arithmetic3A_844 = arith.shrsi %get3A_838, %shift_right_arithmetic3A_843 : vector<16xi32>
        %sub3A_845 = vector.broadcast %mul3A_32 : i32 to vector<16xi32>
        %sub3A_846 = arith.subi %shift_right_arithmetic3A_844, %sub3A_845 : vector<16xi32>
        %ge3A_847 = arith.constant 0 : i32
        %ge3A_848 = vector.broadcast %ge3A_847 : i32 to vector<16xi32>
        %ge3A_849 = arith.cmpi sge, %sub3A_846, %ge3A_848 : vector<16xi32>
        %and3A_850 = arith.andi %ge3A_841, %ge3A_849 : vector<16xi1>
        %lt3A_851 = arith.constant 3125 : i32
        %lt3A_852 = vector.broadcast %lt3A_851 : i32 to vector<16xi32>
        %lt3A_853 = arith.cmpi slt, %sub3A_846, %lt3A_852 : vector<16xi32>
        %and3A_854 = arith.andi %and3A_850, %lt3A_853 : vector<16xi1>
        %mul3A_855 = arith.constant 5243 : i32
        %mul3A_856 = vector.broadcast %mul3A_855 : i32 to vector<16xi32>
        %mul3A_857 = arith.muli %sub3A_846, %mul3A_856 : vector<16xi32>
        %shift_right_arithmetic3A_858 = arith.constant 17 : i32
        %shift_right_arithmetic3A_859 = vector.broadcast %shift_right_arithmetic3A_858 : i32 to vector<16xi32>
        %shift_right_arithmetic3A_860 = arith.shrsi %mul3A_857, %shift_right_arithmetic3A_859 : vector<16xi32>
        %jit3A_861 = arith.constant 125 : i32
        %broadcast_in_dim3A_862 = vector.broadcast %jit3A_861 : i32 to vector<16xi32>
        %select_n3A_863 = arith.select %and3A_854, %shift_right_arithmetic3A_860, %broadcast_in_dim3A_862 : vector<16xi1>, vector<16xi32>
        tpu.vector_store_idx %arg9[%select_n3A_863], %broadcast_in_dim3A_37 {add = true} : memref<128xi32, #tpu.memory_space<vmem>>[vector<16xi32>], vector<16xi32>,
        %add3A_864 = arith.constant 80 : i32
        %add3A_865 = arith.addi %mul3A_720, %add3A_864 : i32
        %get3A_866 = arith.index_cast %add3A_865 : i32 to index
        %get3A_867 = tpu.vector_load %arg5[%get3A_866] {strides = array<i32>} : memref<3328xi32, #tpu.memory_space<vmem>>, vector<16xi32>,
        %ge3A_868 = arith.constant 0 : i32
        %ge3A_869 = vector.broadcast %ge3A_868 : i32 to vector<16xi32>
        %ge3A_870 = arith.cmpi sge, %iota3A, %ge3A_869 : vector<16xi32>
        %shift_right_arithmetic3A_871 = arith.constant 3 : i32
        %shift_right_arithmetic3A_872 = vector.broadcast %shift_right_arithmetic3A_871 : i32 to vector<16xi32>
        %shift_right_arithmetic3A_873 = arith.shrsi %get3A_867, %shift_right_arithmetic3A_872 : vector<16xi32>
        %sub3A_874 = vector.broadcast %mul3A_32 : i32 to vector<16xi32>
        %sub3A_875 = arith.subi %shift_right_arithmetic3A_873, %sub3A_874 : vector<16xi32>
        %ge3A_876 = arith.constant 0 : i32
        %ge3A_877 = vector.broadcast %ge3A_876 : i32 to vector<16xi32>
        %ge3A_878 = arith.cmpi sge, %sub3A_875, %ge3A_877 : vector<16xi32>
        %and3A_879 = arith.andi %ge3A_870, %ge3A_878 : vector<16xi1>
        %lt3A_880 = arith.constant 3125 : i32
        %lt3A_881 = vector.broadcast %lt3A_880 : i32 to vector<16xi32>
        %lt3A_882 = arith.cmpi slt, %sub3A_875, %lt3A_881 : vector<16xi32>
        %and3A_883 = arith.andi %and3A_879, %lt3A_882 : vector<16xi1>
        %mul3A_884 = arith.constant 5243 : i32
        %mul3A_885 = vector.broadcast %mul3A_884 : i32 to vector<16xi32>
        %mul3A_886 = arith.muli %sub3A_875, %mul3A_885 : vector<16xi32>
        %shift_right_arithmetic3A_887 = arith.constant 17 : i32
        %shift_right_arithmetic3A_888 = vector.broadcast %shift_right_arithmetic3A_887 : i32 to vector<16xi32>
        %shift_right_arithmetic3A_889 = arith.shrsi %mul3A_886, %shift_right_arithmetic3A_888 : vector<16xi32>
        %jit3A_890 = arith.constant 125 : i32
        %broadcast_in_dim3A_891 = vector.broadcast %jit3A_890 : i32 to vector<16xi32>
        %select_n3A_892 = arith.select %and3A_883, %shift_right_arithmetic3A_889, %broadcast_in_dim3A_891 : vector<16xi1>, vector<16xi32>
        tpu.vector_store_idx %arg9[%select_n3A_892], %broadcast_in_dim3A_37 {add = true} : memref<128xi32, #tpu.memory_space<vmem>>[vector<16xi32>], vector<16xi32>,
        %add3A_893 = arith.constant 96 : i32
        %add3A_894 = arith.addi %mul3A_720, %add3A_893 : i32
        %get3A_895 = arith.index_cast %add3A_894 : i32 to index
        %get3A_896 = tpu.vector_load %arg5[%get3A_895] {strides = array<i32>} : memref<3328xi32, #tpu.memory_space<vmem>>, vector<16xi32>,
        %ge3A_897 = arith.constant 0 : i32
        %ge3A_898 = vector.broadcast %ge3A_897 : i32 to vector<16xi32>
        %ge3A_899 = arith.cmpi sge, %iota3A, %ge3A_898 : vector<16xi32>
        %shift_right_arithmetic3A_900 = arith.constant 3 : i32
        %shift_right_arithmetic3A_901 = vector.broadcast %shift_right_arithmetic3A_900 : i32 to vector<16xi32>
        %shift_right_arithmetic3A_902 = arith.shrsi %get3A_896, %shift_right_arithmetic3A_901 : vector<16xi32>
        %sub3A_903 = vector.broadcast %mul3A_32 : i32 to vector<16xi32>
        %sub3A_904 = arith.subi %shift_right_arithmetic3A_902, %sub3A_903 : vector<16xi32>
        %ge3A_905 = arith.constant 0 : i32
        %ge3A_906 = vector.broadcast %ge3A_905 : i32 to vector<16xi32>
        %ge3A_907 = arith.cmpi sge, %sub3A_904, %ge3A_906 : vector<16xi32>
        %and3A_908 = arith.andi %ge3A_899, %ge3A_907 : vector<16xi1>
        %lt3A_909 = arith.constant 3125 : i32
        %lt3A_910 = vector.broadcast %lt3A_909 : i32 to vector<16xi32>
        %lt3A_911 = arith.cmpi slt, %sub3A_904, %lt3A_910 : vector<16xi32>
        %and3A_912 = arith.andi %and3A_908, %lt3A_911 : vector<16xi1>
        %mul3A_913 = arith.constant 5243 : i32
        %mul3A_914 = vector.broadcast %mul3A_913 : i32 to vector<16xi32>
        %mul3A_915 = arith.muli %sub3A_904, %mul3A_914 : vector<16xi32>
        %shift_right_arithmetic3A_916 = arith.constant 17 : i32
        %shift_right_arithmetic3A_917 = vector.broadcast %shift_right_arithmetic3A_916 : i32 to vector<16xi32>
        %shift_right_arithmetic3A_918 = arith.shrsi %mul3A_915, %shift_right_arithmetic3A_917 : vector<16xi32>
        %jit3A_919 = arith.constant 125 : i32
        %broadcast_in_dim3A_920 = vector.broadcast %jit3A_919 : i32 to vector<16xi32>
        %select_n3A_921 = arith.select %and3A_912, %shift_right_arithmetic3A_918, %broadcast_in_dim3A_920 : vector<16xi1>, vector<16xi32>
        tpu.vector_store_idx %arg9[%select_n3A_921], %broadcast_in_dim3A_37 {add = true} : memref<128xi32, #tpu.memory_space<vmem>>[vector<16xi32>], vector<16xi32>,
        %add3A_922 = arith.constant 112 : i32
        %add3A_923 = arith.addi %mul3A_720, %add3A_922 : i32
        %get3A_924 = arith.index_cast %add3A_923 : i32 to index
        %get3A_925 = tpu.vector_load %arg5[%get3A_924] {strides = array<i32>} : memref<3328xi32, #tpu.memory_space<vmem>>, vector<16xi32>,
        %ge3A_926 = arith.constant 0 : i32
        %ge3A_927 = vector.broadcast %ge3A_926 : i32 to vector<16xi32>
        %ge3A_928 = arith.cmpi sge, %iota3A, %ge3A_927 : vector<16xi32>
        %shift_right_arithmetic3A_929 = arith.constant 3 : i32
        %shift_right_arithmetic3A_930 = vector.broadcast %shift_right_arithmetic3A_929 : i32 to vector<16xi32>
        %shift_right_arithmetic3A_931 = arith.shrsi %get3A_925, %shift_right_arithmetic3A_930 : vector<16xi32>
        %sub3A_932 = vector.broadcast %mul3A_32 : i32 to vector<16xi32>
        %sub3A_933 = arith.subi %shift_right_arithmetic3A_931, %sub3A_932 : vector<16xi32>
        %ge3A_934 = arith.constant 0 : i32
        %ge3A_935 = vector.broadcast %ge3A_934 : i32 to vector<16xi32>
        %ge3A_936 = arith.cmpi sge, %sub3A_933, %ge3A_935 : vector<16xi32>
        %and3A_937 = arith.andi %ge3A_928, %ge3A_936 : vector<16xi1>
        %lt3A_938 = arith.constant 3125 : i32
        %lt3A_939 = vector.broadcast %lt3A_938 : i32 to vector<16xi32>
        %lt3A_940 = arith.cmpi slt, %sub3A_933, %lt3A_939 : vector<16xi32>
        %and3A_941 = arith.andi %and3A_937, %lt3A_940 : vector<16xi1>
        %mul3A_942 = arith.constant 5243 : i32
        %mul3A_943 = vector.broadcast %mul3A_942 : i32 to vector<16xi32>
        %mul3A_944 = arith.muli %sub3A_933, %mul3A_943 : vector<16xi32>
        %shift_right_arithmetic3A_945 = arith.constant 17 : i32
        %shift_right_arithmetic3A_946 = vector.broadcast %shift_right_arithmetic3A_945 : i32 to vector<16xi32>
        %shift_right_arithmetic3A_947 = arith.shrsi %mul3A_944, %shift_right_arithmetic3A_946 : vector<16xi32>
        %jit3A_948 = arith.constant 125 : i32
        %broadcast_in_dim3A_949 = vector.broadcast %jit3A_948 : i32 to vector<16xi32>
        %select_n3A_950 = arith.select %and3A_941, %shift_right_arithmetic3A_947, %broadcast_in_dim3A_949 : vector<16xi1>, vector<16xi32>
        tpu.vector_store_idx %arg9[%select_n3A_950], %broadcast_in_dim3A_37 {add = true} : memref<128xi32, #tpu.memory_space<vmem>>[vector<16xi32>], vector<16xi32>,
        %add3A_951 = arith.constant 128 : i32
        %add3A_952 = arith.addi %mul3A_720, %add3A_951 : i32
        %get3A_953 = arith.index_cast %add3A_952 : i32 to index
        %get3A_954 = tpu.vector_load %arg5[%get3A_953] {strides = array<i32>} : memref<3328xi32, #tpu.memory_space<vmem>>, vector<16xi32>,
        %ge3A_955 = arith.constant 0 : i32
        %ge3A_956 = vector.broadcast %ge3A_955 : i32 to vector<16xi32>
        %ge3A_957 = arith.cmpi sge, %iota3A, %ge3A_956 : vector<16xi32>
        %shift_right_arithmetic3A_958 = arith.constant 3 : i32
        %shift_right_arithmetic3A_959 = vector.broadcast %shift_right_arithmetic3A_958 : i32 to vector<16xi32>
        %shift_right_arithmetic3A_960 = arith.shrsi %get3A_954, %shift_right_arithmetic3A_959 : vector<16xi32>
        %sub3A_961 = vector.broadcast %mul3A_32 : i32 to vector<16xi32>
        %sub3A_962 = arith.subi %shift_right_arithmetic3A_960, %sub3A_961 : vector<16xi32>
        %ge3A_963 = arith.constant 0 : i32
        %ge3A_964 = vector.broadcast %ge3A_963 : i32 to vector<16xi32>
        %ge3A_965 = arith.cmpi sge, %sub3A_962, %ge3A_964 : vector<16xi32>
        %and3A_966 = arith.andi %ge3A_957, %ge3A_965 : vector<16xi1>
        %lt3A_967 = arith.constant 3125 : i32
        %lt3A_968 = vector.broadcast %lt3A_967 : i32 to vector<16xi32>
        %lt3A_969 = arith.cmpi slt, %sub3A_962, %lt3A_968 : vector<16xi32>
        %and3A_970 = arith.andi %and3A_966, %lt3A_969 : vector<16xi1>
        %mul3A_971 = arith.constant 5243 : i32
        %mul3A_972 = vector.broadcast %mul3A_971 : i32 to vector<16xi32>
        %mul3A_973 = arith.muli %sub3A_962, %mul3A_972 : vector<16xi32>
        %shift_right_arithmetic3A_974 = arith.constant 17 : i32
        %shift_right_arithmetic3A_975 = vector.broadcast %shift_right_arithmetic3A_974 : i32 to vector<16xi32>
        %shift_right_arithmetic3A_976 = arith.shrsi %mul3A_973, %shift_right_arithmetic3A_975 : vector<16xi32>
        %jit3A_977 = arith.constant 125 : i32
        %broadcast_in_dim3A_978 = vector.broadcast %jit3A_977 : i32 to vector<16xi32>
        %select_n3A_979 = arith.select %and3A_970, %shift_right_arithmetic3A_976, %broadcast_in_dim3A_978 : vector<16xi1>, vector<16xi32>
        tpu.vector_store_idx %arg9[%select_n3A_979], %broadcast_in_dim3A_37 {add = true} : memref<128xi32, #tpu.memory_space<vmem>>[vector<16xi32>], vector<16xi32>,
        %add3A_980 = arith.constant 144 : i32
        %add3A_981 = arith.addi %mul3A_720, %add3A_980 : i32
        %get3A_982 = arith.index_cast %add3A_981 : i32 to index
        %get3A_983 = tpu.vector_load %arg5[%get3A_982] {strides = array<i32>} : memref<3328xi32, #tpu.memory_space<vmem>>, vector<16xi32>,
        %ge3A_984 = arith.constant 0 : i32
        %ge3A_985 = vector.broadcast %ge3A_984 : i32 to vector<16xi32>
        %ge3A_986 = arith.cmpi sge, %iota3A, %ge3A_985 : vector<16xi32>
        %shift_right_arithmetic3A_987 = arith.constant 3 : i32
        %shift_right_arithmetic3A_988 = vector.broadcast %shift_right_arithmetic3A_987 : i32 to vector<16xi32>
        %shift_right_arithmetic3A_989 = arith.shrsi %get3A_983, %shift_right_arithmetic3A_988 : vector<16xi32>
        %sub3A_990 = vector.broadcast %mul3A_32 : i32 to vector<16xi32>
        %sub3A_991 = arith.subi %shift_right_arithmetic3A_989, %sub3A_990 : vector<16xi32>
        %ge3A_992 = arith.constant 0 : i32
        %ge3A_993 = vector.broadcast %ge3A_992 : i32 to vector<16xi32>
        %ge3A_994 = arith.cmpi sge, %sub3A_991, %ge3A_993 : vector<16xi32>
        %and3A_995 = arith.andi %ge3A_986, %ge3A_994 : vector<16xi1>
        %lt3A_996 = arith.constant 3125 : i32
        %lt3A_997 = vector.broadcast %lt3A_996 : i32 to vector<16xi32>
        %lt3A_998 = arith.cmpi slt, %sub3A_991, %lt3A_997 : vector<16xi32>
        %and3A_999 = arith.andi %and3A_995, %lt3A_998 : vector<16xi1>
        %mul3A_1000 = arith.constant 5243 : i32
        %mul3A_1001 = vector.broadcast %mul3A_1000 : i32 to vector<16xi32>
        %mul3A_1002 = arith.muli %sub3A_991, %mul3A_1001 : vector<16xi32>
        %shift_right_arithmetic3A_1003 = arith.constant 17 : i32
        %shift_right_arithmetic3A_1004 = vector.broadcast %shift_right_arithmetic3A_1003 : i32 to vector<16xi32>
        %shift_right_arithmetic3A_1005 = arith.shrsi %mul3A_1002, %shift_right_arithmetic3A_1004 : vector<16xi32>
        %jit3A_1006 = arith.constant 125 : i32
        %broadcast_in_dim3A_1007 = vector.broadcast %jit3A_1006 : i32 to vector<16xi32>
        %select_n3A_1008 = arith.select %and3A_999, %shift_right_arithmetic3A_1005, %broadcast_in_dim3A_1007 : vector<16xi1>, vector<16xi32>
        tpu.vector_store_idx %arg9[%select_n3A_1008], %broadcast_in_dim3A_37 {add = true} : memref<128xi32, #tpu.memory_space<vmem>>[vector<16xi32>], vector<16xi32>,
        %add3A_1009 = arith.constant 160 : i32
        %add3A_1010 = arith.addi %mul3A_720, %add3A_1009 : i32
        %get3A_1011 = arith.index_cast %add3A_1010 : i32 to index
        %get3A_1012 = tpu.vector_load %arg5[%get3A_1011] {strides = array<i32>} : memref<3328xi32, #tpu.memory_space<vmem>>, vector<16xi32>,
        %ge3A_1013 = arith.constant 0 : i32
        %ge3A_1014 = vector.broadcast %ge3A_1013 : i32 to vector<16xi32>
        %ge3A_1015 = arith.cmpi sge, %iota3A, %ge3A_1014 : vector<16xi32>
        %shift_right_arithmetic3A_1016 = arith.constant 3 : i32
        %shift_right_arithmetic3A_1017 = vector.broadcast %shift_right_arithmetic3A_1016 : i32 to vector<16xi32>
        %shift_right_arithmetic3A_1018 = arith.shrsi %get3A_1012, %shift_right_arithmetic3A_1017 : vector<16xi32>
        %sub3A_1019 = vector.broadcast %mul3A_32 : i32 to vector<16xi32>
        %sub3A_1020 = arith.subi %shift_right_arithmetic3A_1018, %sub3A_1019 : vector<16xi32>
        %ge3A_1021 = arith.constant 0 : i32
        %ge3A_1022 = vector.broadcast %ge3A_1021 : i32 to vector<16xi32>
        %ge3A_1023 = arith.cmpi sge, %sub3A_1020, %ge3A_1022 : vector<16xi32>
        %and3A_1024 = arith.andi %ge3A_1015, %ge3A_1023 : vector<16xi1>
        %lt3A_1025 = arith.constant 3125 : i32
        %lt3A_1026 = vector.broadcast %lt3A_1025 : i32 to vector<16xi32>
        %lt3A_1027 = arith.cmpi slt, %sub3A_1020, %lt3A_1026 : vector<16xi32>
        %and3A_1028 = arith.andi %and3A_1024, %lt3A_1027 : vector<16xi1>
        %mul3A_1029 = arith.constant 5243 : i32
        %mul3A_1030 = vector.broadcast %mul3A_1029 : i32 to vector<16xi32>
        %mul3A_1031 = arith.muli %sub3A_1020, %mul3A_1030 : vector<16xi32>
        %shift_right_arithmetic3A_1032 = arith.constant 17 : i32
        %shift_right_arithmetic3A_1033 = vector.broadcast %shift_right_arithmetic3A_1032 : i32 to vector<16xi32>
        %shift_right_arithmetic3A_1034 = arith.shrsi %mul3A_1031, %shift_right_arithmetic3A_1033 : vector<16xi32>
        %jit3A_1035 = arith.constant 125 : i32
        %broadcast_in_dim3A_1036 = vector.broadcast %jit3A_1035 : i32 to vector<16xi32>
        %select_n3A_1037 = arith.select %and3A_1028, %shift_right_arithmetic3A_1034, %broadcast_in_dim3A_1036 : vector<16xi1>, vector<16xi32>
        tpu.vector_store_idx %arg9[%select_n3A_1037], %broadcast_in_dim3A_37 {add = true} : memref<128xi32, #tpu.memory_space<vmem>>[vector<16xi32>], vector<16xi32>,
        %add3A_1038 = arith.constant 176 : i32
        %add3A_1039 = arith.addi %mul3A_720, %add3A_1038 : i32
        %get3A_1040 = arith.index_cast %add3A_1039 : i32 to index
        %get3A_1041 = tpu.vector_load %arg5[%get3A_1040] {strides = array<i32>} : memref<3328xi32, #tpu.memory_space<vmem>>, vector<16xi32>,
        %ge3A_1042 = arith.constant 0 : i32
        %ge3A_1043 = vector.broadcast %ge3A_1042 : i32 to vector<16xi32>
        %ge3A_1044 = arith.cmpi sge, %iota3A, %ge3A_1043 : vector<16xi32>
        %shift_right_arithmetic3A_1045 = arith.constant 3 : i32
        %shift_right_arithmetic3A_1046 = vector.broadcast %shift_right_arithmetic3A_1045 : i32 to vector<16xi32>
        %shift_right_arithmetic3A_1047 = arith.shrsi %get3A_1041, %shift_right_arithmetic3A_1046 : vector<16xi32>
        %sub3A_1048 = vector.broadcast %mul3A_32 : i32 to vector<16xi32>
        %sub3A_1049 = arith.subi %shift_right_arithmetic3A_1047, %sub3A_1048 : vector<16xi32>
        %ge3A_1050 = arith.constant 0 : i32
        %ge3A_1051 = vector.broadcast %ge3A_1050 : i32 to vector<16xi32>
        %ge3A_1052 = arith.cmpi sge, %sub3A_1049, %ge3A_1051 : vector<16xi32>
        %and3A_1053 = arith.andi %ge3A_1044, %ge3A_1052 : vector<16xi1>
        %lt3A_1054 = arith.constant 3125 : i32
        %lt3A_1055 = vector.broadcast %lt3A_1054 : i32 to vector<16xi32>
        %lt3A_1056 = arith.cmpi slt, %sub3A_1049, %lt3A_1055 : vector<16xi32>
        %and3A_1057 = arith.andi %and3A_1053, %lt3A_1056 : vector<16xi1>
        %mul3A_1058 = arith.constant 5243 : i32
        %mul3A_1059 = vector.broadcast %mul3A_1058 : i32 to vector<16xi32>
        %mul3A_1060 = arith.muli %sub3A_1049, %mul3A_1059 : vector<16xi32>
        %shift_right_arithmetic3A_1061 = arith.constant 17 : i32
        %shift_right_arithmetic3A_1062 = vector.broadcast %shift_right_arithmetic3A_1061 : i32 to vector<16xi32>
        %shift_right_arithmetic3A_1063 = arith.shrsi %mul3A_1060, %shift_right_arithmetic3A_1062 : vector<16xi32>
        %jit3A_1064 = arith.constant 125 : i32
        %broadcast_in_dim3A_1065 = vector.broadcast %jit3A_1064 : i32 to vector<16xi32>
        %select_n3A_1066 = arith.select %and3A_1057, %shift_right_arithmetic3A_1063, %broadcast_in_dim3A_1065 : vector<16xi1>, vector<16xi32>
        tpu.vector_store_idx %arg9[%select_n3A_1066], %broadcast_in_dim3A_37 {add = true} : memref<128xi32, #tpu.memory_space<vmem>>[vector<16xi32>], vector<16xi32>,
        %add3A_1067 = arith.constant 192 : i32
        %add3A_1068 = arith.addi %mul3A_720, %add3A_1067 : i32
        %get3A_1069 = arith.index_cast %add3A_1068 : i32 to index
        %get3A_1070 = tpu.vector_load %arg5[%get3A_1069] {strides = array<i32>} : memref<3328xi32, #tpu.memory_space<vmem>>, vector<16xi32>,
        %lt3A_1071 = arith.constant 8 : i32
        %lt3A_1072 = vector.broadcast %lt3A_1071 : i32 to vector<16xi32>
        %lt3A_1073 = arith.cmpi slt, %iota3A, %lt3A_1072 : vector<16xi32>
        %shift_right_arithmetic3A_1074 = arith.constant 3 : i32
        %shift_right_arithmetic3A_1075 = vector.broadcast %shift_right_arithmetic3A_1074 : i32 to vector<16xi32>
        %shift_right_arithmetic3A_1076 = arith.shrsi %get3A_1070, %shift_right_arithmetic3A_1075 : vector<16xi32>
        %sub3A_1077 = vector.broadcast %mul3A_32 : i32 to vector<16xi32>
        %sub3A_1078 = arith.subi %shift_right_arithmetic3A_1076, %sub3A_1077 : vector<16xi32>
        %ge3A_1079 = arith.constant 0 : i32
        %ge3A_1080 = vector.broadcast %ge3A_1079 : i32 to vector<16xi32>
        %ge3A_1081 = arith.cmpi sge, %sub3A_1078, %ge3A_1080 : vector<16xi32>
        %and3A_1082 = arith.andi %lt3A_1073, %ge3A_1081 : vector<16xi1>
        %lt3A_1083 = arith.constant 3125 : i32
        %lt3A_1084 = vector.broadcast %lt3A_1083 : i32 to vector<16xi32>
        %lt3A_1085 = arith.cmpi slt, %sub3A_1078, %lt3A_1084 : vector<16xi32>
        %and3A_1086 = arith.andi %and3A_1082, %lt3A_1085 : vector<16xi1>
        %mul3A_1087 = arith.constant 5243 : i32
        %mul3A_1088 = vector.broadcast %mul3A_1087 : i32 to vector<16xi32>
        %mul3A_1089 = arith.muli %sub3A_1078, %mul3A_1088 : vector<16xi32>
        %shift_right_arithmetic3A_1090 = arith.constant 17 : i32
        %shift_right_arithmetic3A_1091 = vector.broadcast %shift_right_arithmetic3A_1090 : i32 to vector<16xi32>
        %shift_right_arithmetic3A_1092 = arith.shrsi %mul3A_1089, %shift_right_arithmetic3A_1091 : vector<16xi32>
        %jit3A_1093 = arith.constant 125 : i32
        %broadcast_in_dim3A_1094 = vector.broadcast %jit3A_1093 : i32 to vector<16xi32>
        %select_n3A_1095 = arith.select %and3A_1086, %shift_right_arithmetic3A_1092, %broadcast_in_dim3A_1094 : vector<16xi1>, vector<16xi32>
        tpu.vector_store_idx %arg9[%select_n3A_1095], %broadcast_in_dim3A_37 {add = true} : memref<128xi32, #tpu.memory_space<vmem>>[vector<16xi32>], vector<16xi32>,
      }
      %scan3A_717 = arith.constant 16 : i32
    }
    %scan3A_69 = arith.constant 8 : i32
    %broadcast_in_dim3A_70 = arith.constant 15 : i32
    %broadcast_in_dim3A_71 = vector.broadcast %broadcast_in_dim3A_70 : i32 to vector<16xi32>
    %get3A = arith.constant 0 : index
    %get3A_72 = tpu.vector_load %arg9[%get3A] {strides = array<i32>} : memref<128xi32, #tpu.memory_space<vmem>>, vector<16xi32>,
    %add3A_73 = arith.constant 15 : i32
    %add3A_74 = vector.broadcast %add3A_73 : i32 to vector<16xi32>
    %add3A_75 = arith.addi %get3A_72, %add3A_74 : vector<16xi32>
    %and3A_76 = arith.constant -16 : i32
    %and3A_77 = vector.broadcast %and3A_76 : i32 to vector<16xi32>
    %and3A_78 = arith.andi %add3A_75, %and3A_77 : vector<16xi32>
    %broadcast_in_dim3A_79 = arith.constant true
    %broadcast_in_dim3A_80 = vector.broadcast %broadcast_in_dim3A_79 : i1 to vector<16xi1>
    %masked_cumsum3A = tpu.scan <sum>, %and3A_78 masked %broadcast_in_dim3A_80 : vector<16xi32>, vector<16xi1> -> vector<16xi32>
    %sub3A_81 = arith.subi %masked_cumsum3A, %and3A_78 : vector<16xi32>
    %add3A_82 = arith.addi %sub3A_81, %broadcast_in_dim3A_35 : vector<16xi32>
    %swap3A_83 = arith.constant 0 : index
    %swap3A_84 = tpu.vector_load %arg10[%swap3A_83] {strides = array<i32>} : memref<128xi32, #tpu.memory_space<vmem>>, vector<16xi32>,
    tpu.vector_store %arg10[%swap3A_83], %add3A_82 {strides = array<i32>} : memref<128xi32, #tpu.memory_space<vmem>>, vector<16xi32>,
    %swap3A_85 = arith.constant 0 : index
    %swap3A_86 = tpu.vector_load %arg11[%swap3A_85] {strides = array<i32>} : memref<128xi32, #tpu.memory_space<vmem>>, vector<16xi32>,
    tpu.vector_store %arg11[%swap3A_85], %add3A_82 {strides = array<i32>} : memref<128xi32, #tpu.memory_space<vmem>>, vector<16xi32>,
    %broadcast_in_dim3A_87 = vector.shape_cast %broadcast_in_dim3A_71 : vector<16xi32> to vector<16x1xi32>
    %gather3A = vector.shape_cast %broadcast_in_dim3A_87 : vector<16x1xi32> to vector<16xi32>
    %gather3A_88 = tpu.dynamic_gather %masked_cumsum3A[%gather3A] in [0] : vector<16xi32>, vector<16xi32> -> vector<16xi32>
    %add3A_89 = arith.addi %broadcast_in_dim3A_35, %gather3A_88 : vector<16xi32>
    %get3A_90 = arith.constant 16 : index
    %get3A_91 = tpu.vector_load %arg9[%get3A_90] {strides = array<i32>} : memref<128xi32, #tpu.memory_space<vmem>>, vector<16xi32>,
    %add3A_92 = arith.constant 15 : i32
    %add3A_93 = vector.broadcast %add3A_92 : i32 to vector<16xi32>
    %add3A_94 = arith.addi %get3A_91, %add3A_93 : vector<16xi32>
    %and3A_95 = arith.constant -16 : i32
    %and3A_96 = vector.broadcast %and3A_95 : i32 to vector<16xi32>
    %and3A_97 = arith.andi %add3A_94, %and3A_96 : vector<16xi32>
    %broadcast_in_dim3A_98 = arith.constant true
    %broadcast_in_dim3A_99 = vector.broadcast %broadcast_in_dim3A_98 : i1 to vector<16xi1>
    %masked_cumsum3A_100 = tpu.scan <sum>, %and3A_97 masked %broadcast_in_dim3A_99 : vector<16xi32>, vector<16xi1> -> vector<16xi32>
    %sub3A_101 = arith.subi %masked_cumsum3A_100, %and3A_97 : vector<16xi32>
    %add3A_102 = arith.addi %sub3A_101, %add3A_89 : vector<16xi32>
    %swap3A_103 = arith.constant 16 : index
    %swap3A_104 = tpu.vector_load %arg10[%swap3A_103] {strides = array<i32>} : memref<128xi32, #tpu.memory_space<vmem>>, vector<16xi32>,
    tpu.vector_store %arg10[%swap3A_103], %add3A_102 {strides = array<i32>} : memref<128xi32, #tpu.memory_space<vmem>>, vector<16xi32>,
    %swap3A_105 = arith.constant 16 : index
    %swap3A_106 = tpu.vector_load %arg11[%swap3A_105] {strides = array<i32>} : memref<128xi32, #tpu.memory_space<vmem>>, vector<16xi32>,
    tpu.vector_store %arg11[%swap3A_105], %add3A_102 {strides = array<i32>} : memref<128xi32, #tpu.memory_space<vmem>>, vector<16xi32>,
    %broadcast_in_dim3A_107 = vector.shape_cast %broadcast_in_dim3A_71 : vector<16xi32> to vector<16x1xi32>
    %gather3A_108 = vector.shape_cast %broadcast_in_dim3A_107 : vector<16x1xi32> to vector<16xi32>
    %gather3A_109 = tpu.dynamic_gather %masked_cumsum3A_100[%gather3A_108] in [0] : vector<16xi32>, vector<16xi32> -> vector<16xi32>
    %add3A_110 = arith.addi %add3A_89, %gather3A_109 : vector<16xi32>
    %get3A_111 = arith.constant 32 : index
    %get3A_112 = tpu.vector_load %arg9[%get3A_111] {strides = array<i32>} : memref<128xi32, #tpu.memory_space<vmem>>, vector<16xi32>,
    %add3A_113 = arith.constant 15 : i32
    %add3A_114 = vector.broadcast %add3A_113 : i32 to vector<16xi32>
    %add3A_115 = arith.addi %get3A_112, %add3A_114 : vector<16xi32>
    %and3A_116 = arith.constant -16 : i32
    %and3A_117 = vector.broadcast %and3A_116 : i32 to vector<16xi32>
    %and3A_118 = arith.andi %add3A_115, %and3A_117 : vector<16xi32>
    %broadcast_in_dim3A_119 = arith.constant true
    %broadcast_in_dim3A_120 = vector.broadcast %broadcast_in_dim3A_119 : i1 to vector<16xi1>
    %masked_cumsum3A_121 = tpu.scan <sum>, %and3A_118 masked %broadcast_in_dim3A_120 : vector<16xi32>, vector<16xi1> -> vector<16xi32>
    %sub3A_122 = arith.subi %masked_cumsum3A_121, %and3A_118 : vector<16xi32>
    %add3A_123 = arith.addi %sub3A_122, %add3A_110 : vector<16xi32>
    %swap3A_124 = arith.constant 32 : index
    %swap3A_125 = tpu.vector_load %arg10[%swap3A_124] {strides = array<i32>} : memref<128xi32, #tpu.memory_space<vmem>>, vector<16xi32>,
    tpu.vector_store %arg10[%swap3A_124], %add3A_123 {strides = array<i32>} : memref<128xi32, #tpu.memory_space<vmem>>, vector<16xi32>,
    %swap3A_126 = arith.constant 32 : index
    %swap3A_127 = tpu.vector_load %arg11[%swap3A_126] {strides = array<i32>} : memref<128xi32, #tpu.memory_space<vmem>>, vector<16xi32>,
    tpu.vector_store %arg11[%swap3A_126], %add3A_123 {strides = array<i32>} : memref<128xi32, #tpu.memory_space<vmem>>, vector<16xi32>,
    %broadcast_in_dim3A_128 = vector.shape_cast %broadcast_in_dim3A_71 : vector<16xi32> to vector<16x1xi32>
    %gather3A_129 = vector.shape_cast %broadcast_in_dim3A_128 : vector<16x1xi32> to vector<16xi32>
    %gather3A_130 = tpu.dynamic_gather %masked_cumsum3A_121[%gather3A_129] in [0] : vector<16xi32>, vector<16xi32> -> vector<16xi32>
    %add3A_131 = arith.addi %add3A_110, %gather3A_130 : vector<16xi32>
    %get3A_132 = arith.constant 48 : index
    %get3A_133 = tpu.vector_load %arg9[%get3A_132] {strides = array<i32>} : memref<128xi32, #tpu.memory_space<vmem>>, vector<16xi32>,
    %add3A_134 = arith.constant 15 : i32
    %add3A_135 = vector.broadcast %add3A_134 : i32 to vector<16xi32>
    %add3A_136 = arith.addi %get3A_133, %add3A_135 : vector<16xi32>
    %and3A_137 = arith.constant -16 : i32
    %and3A_138 = vector.broadcast %and3A_137 : i32 to vector<16xi32>
    %and3A_139 = arith.andi %add3A_136, %and3A_138 : vector<16xi32>
    %broadcast_in_dim3A_140 = arith.constant true
    %broadcast_in_dim3A_141 = vector.broadcast %broadcast_in_dim3A_140 : i1 to vector<16xi1>
    %masked_cumsum3A_142 = tpu.scan <sum>, %and3A_139 masked %broadcast_in_dim3A_141 : vector<16xi32>, vector<16xi1> -> vector<16xi32>
    %sub3A_143 = arith.subi %masked_cumsum3A_142, %and3A_139 : vector<16xi32>
    %add3A_144 = arith.addi %sub3A_143, %add3A_131 : vector<16xi32>
    %swap3A_145 = arith.constant 48 : index
    %swap3A_146 = tpu.vector_load %arg10[%swap3A_145] {strides = array<i32>} : memref<128xi32, #tpu.memory_space<vmem>>, vector<16xi32>,
    tpu.vector_store %arg10[%swap3A_145], %add3A_144 {strides = array<i32>} : memref<128xi32, #tpu.memory_space<vmem>>, vector<16xi32>,
    %swap3A_147 = arith.constant 48 : index
    %swap3A_148 = tpu.vector_load %arg11[%swap3A_147] {strides = array<i32>} : memref<128xi32, #tpu.memory_space<vmem>>, vector<16xi32>,
    tpu.vector_store %arg11[%swap3A_147], %add3A_144 {strides = array<i32>} : memref<128xi32, #tpu.memory_space<vmem>>, vector<16xi32>,
    %broadcast_in_dim3A_149 = vector.shape_cast %broadcast_in_dim3A_71 : vector<16xi32> to vector<16x1xi32>
    %gather3A_150 = vector.shape_cast %broadcast_in_dim3A_149 : vector<16x1xi32> to vector<16xi32>
    %gather3A_151 = tpu.dynamic_gather %masked_cumsum3A_142[%gather3A_150] in [0] : vector<16xi32>, vector<16xi32> -> vector<16xi32>
    %add3A_152 = arith.addi %add3A_131, %gather3A_151 : vector<16xi32>
    %get3A_153 = arith.constant 64 : index
    %get3A_154 = tpu.vector_load %arg9[%get3A_153] {strides = array<i32>} : memref<128xi32, #tpu.memory_space<vmem>>, vector<16xi32>,
    %add3A_155 = arith.constant 15 : i32
    %add3A_156 = vector.broadcast %add3A_155 : i32 to vector<16xi32>
    %add3A_157 = arith.addi %get3A_154, %add3A_156 : vector<16xi32>
    %and3A_158 = arith.constant -16 : i32
    %and3A_159 = vector.broadcast %and3A_158 : i32 to vector<16xi32>
    %and3A_160 = arith.andi %add3A_157, %and3A_159 : vector<16xi32>
    %broadcast_in_dim3A_161 = arith.constant true
    %broadcast_in_dim3A_162 = vector.broadcast %broadcast_in_dim3A_161 : i1 to vector<16xi1>
    %masked_cumsum3A_163 = tpu.scan <sum>, %and3A_160 masked %broadcast_in_dim3A_162 : vector<16xi32>, vector<16xi1> -> vector<16xi32>
    %sub3A_164 = arith.subi %masked_cumsum3A_163, %and3A_160 : vector<16xi32>
    %add3A_165 = arith.addi %sub3A_164, %add3A_152 : vector<16xi32>
    %swap3A_166 = arith.constant 64 : index
    %swap3A_167 = tpu.vector_load %arg10[%swap3A_166] {strides = array<i32>} : memref<128xi32, #tpu.memory_space<vmem>>, vector<16xi32>,
    tpu.vector_store %arg10[%swap3A_166], %add3A_165 {strides = array<i32>} : memref<128xi32, #tpu.memory_space<vmem>>, vector<16xi32>,
    %swap3A_168 = arith.constant 64 : index
    %swap3A_169 = tpu.vector_load %arg11[%swap3A_168] {strides = array<i32>} : memref<128xi32, #tpu.memory_space<vmem>>, vector<16xi32>,
    tpu.vector_store %arg11[%swap3A_168], %add3A_165 {strides = array<i32>} : memref<128xi32, #tpu.memory_space<vmem>>, vector<16xi32>,
    %broadcast_in_dim3A_170 = vector.shape_cast %broadcast_in_dim3A_71 : vector<16xi32> to vector<16x1xi32>
    %gather3A_171 = vector.shape_cast %broadcast_in_dim3A_170 : vector<16x1xi32> to vector<16xi32>
    %gather3A_172 = tpu.dynamic_gather %masked_cumsum3A_163[%gather3A_171] in [0] : vector<16xi32>, vector<16xi32> -> vector<16xi32>
    %add3A_173 = arith.addi %add3A_152, %gather3A_172 : vector<16xi32>
    %get3A_174 = arith.constant 80 : index
    %get3A_175 = tpu.vector_load %arg9[%get3A_174] {strides = array<i32>} : memref<128xi32, #tpu.memory_space<vmem>>, vector<16xi32>,
    %add3A_176 = arith.constant 15 : i32
    %add3A_177 = vector.broadcast %add3A_176 : i32 to vector<16xi32>
    %add3A_178 = arith.addi %get3A_175, %add3A_177 : vector<16xi32>
    %and3A_179 = arith.constant -16 : i32
    %and3A_180 = vector.broadcast %and3A_179 : i32 to vector<16xi32>
    %and3A_181 = arith.andi %add3A_178, %and3A_180 : vector<16xi32>
    %broadcast_in_dim3A_182 = arith.constant true
    %broadcast_in_dim3A_183 = vector.broadcast %broadcast_in_dim3A_182 : i1 to vector<16xi1>
    %masked_cumsum3A_184 = tpu.scan <sum>, %and3A_181 masked %broadcast_in_dim3A_183 : vector<16xi32>, vector<16xi1> -> vector<16xi32>
    %sub3A_185 = arith.subi %masked_cumsum3A_184, %and3A_181 : vector<16xi32>
    %add3A_186 = arith.addi %sub3A_185, %add3A_173 : vector<16xi32>
    %swap3A_187 = arith.constant 80 : index
    %swap3A_188 = tpu.vector_load %arg10[%swap3A_187] {strides = array<i32>} : memref<128xi32, #tpu.memory_space<vmem>>, vector<16xi32>,
    tpu.vector_store %arg10[%swap3A_187], %add3A_186 {strides = array<i32>} : memref<128xi32, #tpu.memory_space<vmem>>, vector<16xi32>,
    %swap3A_189 = arith.constant 80 : index
    %swap3A_190 = tpu.vector_load %arg11[%swap3A_189] {strides = array<i32>} : memref<128xi32, #tpu.memory_space<vmem>>, vector<16xi32>,
    tpu.vector_store %arg11[%swap3A_189], %add3A_186 {strides = array<i32>} : memref<128xi32, #tpu.memory_space<vmem>>, vector<16xi32>,
    %broadcast_in_dim3A_191 = vector.shape_cast %broadcast_in_dim3A_71 : vector<16xi32> to vector<16x1xi32>
    %gather3A_192 = vector.shape_cast %broadcast_in_dim3A_191 : vector<16x1xi32> to vector<16xi32>
    %gather3A_193 = tpu.dynamic_gather %masked_cumsum3A_184[%gather3A_192] in [0] : vector<16xi32>, vector<16xi32> -> vector<16xi32>
    %add3A_194 = arith.addi %add3A_173, %gather3A_193 : vector<16xi32>
    %get3A_195 = arith.constant 96 : index
    %get3A_196 = tpu.vector_load %arg9[%get3A_195] {strides = array<i32>} : memref<128xi32, #tpu.memory_space<vmem>>, vector<16xi32>,
    %add3A_197 = arith.constant 15 : i32
    %add3A_198 = vector.broadcast %add3A_197 : i32 to vector<16xi32>
    %add3A_199 = arith.addi %get3A_196, %add3A_198 : vector<16xi32>
    %and3A_200 = arith.constant -16 : i32
    %and3A_201 = vector.broadcast %and3A_200 : i32 to vector<16xi32>
    %and3A_202 = arith.andi %add3A_199, %and3A_201 : vector<16xi32>
    %broadcast_in_dim3A_203 = arith.constant true
    %broadcast_in_dim3A_204 = vector.broadcast %broadcast_in_dim3A_203 : i1 to vector<16xi1>
    %masked_cumsum3A_205 = tpu.scan <sum>, %and3A_202 masked %broadcast_in_dim3A_204 : vector<16xi32>, vector<16xi1> -> vector<16xi32>
    %sub3A_206 = arith.subi %masked_cumsum3A_205, %and3A_202 : vector<16xi32>
    %add3A_207 = arith.addi %sub3A_206, %add3A_194 : vector<16xi32>
    %swap3A_208 = arith.constant 96 : index
    %swap3A_209 = tpu.vector_load %arg10[%swap3A_208] {strides = array<i32>} : memref<128xi32, #tpu.memory_space<vmem>>, vector<16xi32>,
    tpu.vector_store %arg10[%swap3A_208], %add3A_207 {strides = array<i32>} : memref<128xi32, #tpu.memory_space<vmem>>, vector<16xi32>,
    %swap3A_210 = arith.constant 96 : index
    %swap3A_211 = tpu.vector_load %arg11[%swap3A_210] {strides = array<i32>} : memref<128xi32, #tpu.memory_space<vmem>>, vector<16xi32>,
    tpu.vector_store %arg11[%swap3A_210], %add3A_207 {strides = array<i32>} : memref<128xi32, #tpu.memory_space<vmem>>, vector<16xi32>,
    %broadcast_in_dim3A_212 = vector.shape_cast %broadcast_in_dim3A_71 : vector<16xi32> to vector<16x1xi32>
    %gather3A_213 = vector.shape_cast %broadcast_in_dim3A_212 : vector<16x1xi32> to vector<16xi32>
    %gather3A_214 = tpu.dynamic_gather %masked_cumsum3A_205[%gather3A_213] in [0] : vector<16xi32>, vector<16xi32> -> vector<16xi32>
    %add3A_215 = arith.addi %add3A_194, %gather3A_214 : vector<16xi32>
    %get3A_216 = arith.constant 112 : index
    %get3A_217 = tpu.vector_load %arg9[%get3A_216] {strides = array<i32>} : memref<128xi32, #tpu.memory_space<vmem>>, vector<16xi32>,
    %add3A_218 = arith.constant 15 : i32
    %add3A_219 = vector.broadcast %add3A_218 : i32 to vector<16xi32>
    %add3A_220 = arith.addi %get3A_217, %add3A_219 : vector<16xi32>
    %and3A_221 = arith.constant -16 : i32
    %and3A_222 = vector.broadcast %and3A_221 : i32 to vector<16xi32>
    %and3A_223 = arith.andi %add3A_220, %and3A_222 : vector<16xi32>
    %broadcast_in_dim3A_224 = arith.constant true
    %broadcast_in_dim3A_225 = vector.broadcast %broadcast_in_dim3A_224 : i1 to vector<16xi1>
    %masked_cumsum3A_226 = tpu.scan <sum>, %and3A_223 masked %broadcast_in_dim3A_225 : vector<16xi32>, vector<16xi1> -> vector<16xi32>
    %sub3A_227 = arith.subi %masked_cumsum3A_226, %and3A_223 : vector<16xi32>
    %add3A_228 = arith.addi %sub3A_227, %add3A_215 : vector<16xi32>
    %swap3A_229 = arith.constant 112 : index
    %swap3A_230 = tpu.vector_load %arg10[%swap3A_229] {strides = array<i32>} : memref<128xi32, #tpu.memory_space<vmem>>, vector<16xi32>,
    tpu.vector_store %arg10[%swap3A_229], %add3A_228 {strides = array<i32>} : memref<128xi32, #tpu.memory_space<vmem>>, vector<16xi32>,
    %swap3A_231 = arith.constant 112 : index
    %swap3A_232 = tpu.vector_load %arg11[%swap3A_231] {strides = array<i32>} : memref<128xi32, #tpu.memory_space<vmem>>, vector<16xi32>,
    tpu.vector_store %arg11[%swap3A_231], %add3A_228 {strides = array<i32>} : memref<128xi32, #tpu.memory_space<vmem>>, vector<16xi32>,
    %broadcast_in_dim3A_233 = vector.shape_cast %broadcast_in_dim3A_71 : vector<16xi32> to vector<16x1xi32>
    %gather3A_234 = vector.shape_cast %broadcast_in_dim3A_233 : vector<16x1xi32> to vector<16xi32>
    %gather3A_235 = tpu.dynamic_gather %masked_cumsum3A_226[%gather3A_234] in [0] : vector<16xi32>, vector<16xi32> -> vector<16xi32>
    %add3A_236 = arith.addi %add3A_215, %gather3A_235 : vector<16xi32>
    %scan3A_237 = arith.constant 0 : i32
    %scan3A_238 = arith.constant 0 : i32
    %scan3A_239 = arith.constant 8 : i32
    %scan3A_240 = arith.addi %scan3A_238, %scan3A_239 : i32
    %scan3A_241 = arith.constant 1 : i32
    scf.for %scan3A_375 = %scan3A_238 to %scan3A_240 step %scan3A_241  : i32 {
      %mul3A_376 = arith.constant 128 : i32
      %mul3A_377 = arith.muli %mul3A_376, %select_n3A_9 : i32
      %mul3A_378 = arith.constant 16 : i32
      %mul3A_379 = arith.muli %mul3A_378, %scan3A_375 : i32
      %add3A_380 = arith.addi %mul3A_377, %mul3A_379 : i32
      %add3A_381 = arith.constant 0 : i32
      %add3A_382 = arith.addi %add3A_380, %add3A_381 : i32
      %mul3A_383 = arith.constant 200 : i32
      %mul3A_384 = arith.muli %add3A_382, %mul3A_383 : i32
      %dma_start3A_385 = arith.constant 0 : i32
      %dma_start3A_386 = tpu.memref_slice %arg5[%dma_start3A_385] : memref<3328xi32, #tpu.memory_space<vmem>> -> memref<200xi32, #tpu.memory_space<vmem>>
      %dma_start3A_387 = tpu.memref_slice %arg2[%mul3A_384] : memref<204800xi32, #tpu.memory_space<hbm>> -> memref<200xi32, #tpu.memory_space<hbm>>
      %dma_start3A_388 = arith.constant 0 : i32
      %dma_start3A_389 = tpu.memref_slice %arg5[%dma_start3A_388] : memref<3328xi32, #tpu.memory_space<vmem>> -> memref<200xi32, #tpu.memory_space<vmem>>
      %dma_start3A_390 = tpu.memref_slice %arg2[%mul3A_384] : memref<204800xi32, #tpu.memory_space<hbm>> -> memref<200xi32, #tpu.memory_space<hbm>>
      tpu.enqueue_dma source(%dma_start3A_390 : memref<200xi32, #tpu.memory_space<hbm>>) target(%dma_start3A_389 : memref<200xi32, #tpu.memory_space<vmem>>) target_semaphore(%arg14 : memref<!tpu.dma_semaphore, #tpu.memory_space<semaphore_mem>>)
      %mul3A_391 = arith.constant 128 : i32
      %mul3A_392 = arith.muli %mul3A_391, %select_n3A_9 : i32
      %mul3A_393 = arith.constant 16 : i32
      %mul3A_394 = arith.muli %mul3A_393, %scan3A_375 : i32
      %add3A_395 = arith.addi %mul3A_392, %mul3A_394 : i32
      %add3A_396 = arith.constant 1 : i32
      %add3A_397 = arith.addi %add3A_395, %add3A_396 : i32
      %mul3A_398 = arith.constant 200 : i32
      %mul3A_399 = arith.muli %add3A_397, %mul3A_398 : i32
      %dma_start3A_400 = arith.constant 208 : i32
      %dma_start3A_401 = tpu.memref_slice %arg5[%dma_start3A_400] : memref<3328xi32, #tpu.memory_space<vmem>> -> memref<200xi32, #tpu.memory_space<vmem>>
      %dma_start3A_402 = tpu.memref_slice %arg2[%mul3A_399] : memref<204800xi32, #tpu.memory_space<hbm>> -> memref<200xi32, #tpu.memory_space<hbm>>
      %dma_start3A_403 = arith.constant 208 : i32
      %dma_start3A_404 = tpu.memref_slice %arg5[%dma_start3A_403] : memref<3328xi32, #tpu.memory_space<vmem>> -> memref<200xi32, #tpu.memory_space<vmem>>
      %dma_start3A_405 = tpu.memref_slice %arg2[%mul3A_399] : memref<204800xi32, #tpu.memory_space<hbm>> -> memref<200xi32, #tpu.memory_space<hbm>>
      tpu.enqueue_dma source(%dma_start3A_405 : memref<200xi32, #tpu.memory_space<hbm>>) target(%dma_start3A_404 : memref<200xi32, #tpu.memory_space<vmem>>) target_semaphore(%arg14 : memref<!tpu.dma_semaphore, #tpu.memory_space<semaphore_mem>>)
      %mul3A_406 = arith.constant 128 : i32
      %mul3A_407 = arith.muli %mul3A_406, %select_n3A_9 : i32
      %mul3A_408 = arith.constant 16 : i32
      %mul3A_409 = arith.muli %mul3A_408, %scan3A_375 : i32
      %add3A_410 = arith.addi %mul3A_407, %mul3A_409 : i32
      %add3A_411 = arith.constant 2 : i32
      %add3A_412 = arith.addi %add3A_410, %add3A_411 : i32
      %mul3A_413 = arith.constant 200 : i32
      %mul3A_414 = arith.muli %add3A_412, %mul3A_413 : i32
      %dma_start3A_415 = arith.constant 416 : i32
      %dma_start3A_416 = tpu.memref_slice %arg5[%dma_start3A_415] : memref<3328xi32, #tpu.memory_space<vmem>> -> memref<200xi32, #tpu.memory_space<vmem>>
      %dma_start3A_417 = tpu.memref_slice %arg2[%mul3A_414] : memref<204800xi32, #tpu.memory_space<hbm>> -> memref<200xi32, #tpu.memory_space<hbm>>
      %dma_start3A_418 = arith.constant 416 : i32
      %dma_start3A_419 = tpu.memref_slice %arg5[%dma_start3A_418] : memref<3328xi32, #tpu.memory_space<vmem>> -> memref<200xi32, #tpu.memory_space<vmem>>
      %dma_start3A_420 = tpu.memref_slice %arg2[%mul3A_414] : memref<204800xi32, #tpu.memory_space<hbm>> -> memref<200xi32, #tpu.memory_space<hbm>>
      tpu.enqueue_dma source(%dma_start3A_420 : memref<200xi32, #tpu.memory_space<hbm>>) target(%dma_start3A_419 : memref<200xi32, #tpu.memory_space<vmem>>) target_semaphore(%arg14 : memref<!tpu.dma_semaphore, #tpu.memory_space<semaphore_mem>>)
      %mul3A_421 = arith.constant 128 : i32
      %mul3A_422 = arith.muli %mul3A_421, %select_n3A_9 : i32
      %mul3A_423 = arith.constant 16 : i32
      %mul3A_424 = arith.muli %mul3A_423, %scan3A_375 : i32
      %add3A_425 = arith.addi %mul3A_422, %mul3A_424 : i32
      %add3A_426 = arith.constant 3 : i32
      %add3A_427 = arith.addi %add3A_425, %add3A_426 : i32
      %mul3A_428 = arith.constant 200 : i32
      %mul3A_429 = arith.muli %add3A_427, %mul3A_428 : i32
      %dma_start3A_430 = arith.constant 624 : i32
      %dma_start3A_431 = tpu.memref_slice %arg5[%dma_start3A_430] : memref<3328xi32, #tpu.memory_space<vmem>> -> memref<200xi32, #tpu.memory_space<vmem>>
      %dma_start3A_432 = tpu.memref_slice %arg2[%mul3A_429] : memref<204800xi32, #tpu.memory_space<hbm>> -> memref<200xi32, #tpu.memory_space<hbm>>
      %dma_start3A_433 = arith.constant 624 : i32
      %dma_start3A_434 = tpu.memref_slice %arg5[%dma_start3A_433] : memref<3328xi32, #tpu.memory_space<vmem>> -> memref<200xi32, #tpu.memory_space<vmem>>
      %dma_start3A_435 = tpu.memref_slice %arg2[%mul3A_429] : memref<204800xi32, #tpu.memory_space<hbm>> -> memref<200xi32, #tpu.memory_space<hbm>>
      tpu.enqueue_dma source(%dma_start3A_435 : memref<200xi32, #tpu.memory_space<hbm>>) target(%dma_start3A_434 : memref<200xi32, #tpu.memory_space<vmem>>) target_semaphore(%arg14 : memref<!tpu.dma_semaphore, #tpu.memory_space<semaphore_mem>>)
      %mul3A_436 = arith.constant 128 : i32
      %mul3A_437 = arith.muli %mul3A_436, %select_n3A_9 : i32
      %mul3A_438 = arith.constant 16 : i32
      %mul3A_439 = arith.muli %mul3A_438, %scan3A_375 : i32
      %add3A_440 = arith.addi %mul3A_437, %mul3A_439 : i32
      %add3A_441 = arith.constant 4 : i32
      %add3A_442 = arith.addi %add3A_440, %add3A_441 : i32
      %mul3A_443 = arith.constant 200 : i32
      %mul3A_444 = arith.muli %add3A_442, %mul3A_443 : i32
      %dma_start3A_445 = arith.constant 832 : i32
      %dma_start3A_446 = tpu.memref_slice %arg5[%dma_start3A_445] : memref<3328xi32, #tpu.memory_space<vmem>> -> memref<200xi32, #tpu.memory_space<vmem>>
      %dma_start3A_447 = tpu.memref_slice %arg2[%mul3A_444] : memref<204800xi32, #tpu.memory_space<hbm>> -> memref<200xi32, #tpu.memory_space<hbm>>
      %dma_start3A_448 = arith.constant 832 : i32
      %dma_start3A_449 = tpu.memref_slice %arg5[%dma_start3A_448] : memref<3328xi32, #tpu.memory_space<vmem>> -> memref<200xi32, #tpu.memory_space<vmem>>
      %dma_start3A_450 = tpu.memref_slice %arg2[%mul3A_444] : memref<204800xi32, #tpu.memory_space<hbm>> -> memref<200xi32, #tpu.memory_space<hbm>>
      tpu.enqueue_dma source(%dma_start3A_450 : memref<200xi32, #tpu.memory_space<hbm>>) target(%dma_start3A_449 : memref<200xi32, #tpu.memory_space<vmem>>) target_semaphore(%arg14 : memref<!tpu.dma_semaphore, #tpu.memory_space<semaphore_mem>>)
      %mul3A_451 = arith.constant 128 : i32
      %mul3A_452 = arith.muli %mul3A_451, %select_n3A_9 : i32
      %mul3A_453 = arith.constant 16 : i32
      %mul3A_454 = arith.muli %mul3A_453, %scan3A_375 : i32
      %add3A_455 = arith.addi %mul3A_452, %mul3A_454 : i32
      %add3A_456 = arith.constant 5 : i32
      %add3A_457 = arith.addi %add3A_455, %add3A_456 : i32
      %mul3A_458 = arith.constant 200 : i32
      %mul3A_459 = arith.muli %add3A_457, %mul3A_458 : i32
      %dma_start3A_460 = arith.constant 1040 : i32
      %dma_start3A_461 = tpu.memref_slice %arg5[%dma_start3A_460] : memref<3328xi32, #tpu.memory_space<vmem>> -> memref<200xi32, #tpu.memory_space<vmem>>
      %dma_start3A_462 = tpu.memref_slice %arg2[%mul3A_459] : memref<204800xi32, #tpu.memory_space<hbm>> -> memref<200xi32, #tpu.memory_space<hbm>>
      %dma_start3A_463 = arith.constant 1040 : i32
      %dma_start3A_464 = tpu.memref_slice %arg5[%dma_start3A_463] : memref<3328xi32, #tpu.memory_space<vmem>> -> memref<200xi32, #tpu.memory_space<vmem>>
      %dma_start3A_465 = tpu.memref_slice %arg2[%mul3A_459] : memref<204800xi32, #tpu.memory_space<hbm>> -> memref<200xi32, #tpu.memory_space<hbm>>
      tpu.enqueue_dma source(%dma_start3A_465 : memref<200xi32, #tpu.memory_space<hbm>>) target(%dma_start3A_464 : memref<200xi32, #tpu.memory_space<vmem>>) target_semaphore(%arg14 : memref<!tpu.dma_semaphore, #tpu.memory_space<semaphore_mem>>)
      %mul3A_466 = arith.constant 128 : i32
      %mul3A_467 = arith.muli %mul3A_466, %select_n3A_9 : i32
      %mul3A_468 = arith.constant 16 : i32
      %mul3A_469 = arith.muli %mul3A_468, %scan3A_375 : i32
      %add3A_470 = arith.addi %mul3A_467, %mul3A_469 : i32
      %add3A_471 = arith.constant 6 : i32
      %add3A_472 = arith.addi %add3A_470, %add3A_471 : i32
      %mul3A_473 = arith.constant 200 : i32
      %mul3A_474 = arith.muli %add3A_472, %mul3A_473 : i32
      %dma_start3A_475 = arith.constant 1248 : i32
      %dma_start3A_476 = tpu.memref_slice %arg5[%dma_start3A_475] : memref<3328xi32, #tpu.memory_space<vmem>> -> memref<200xi32, #tpu.memory_space<vmem>>
      %dma_start3A_477 = tpu.memref_slice %arg2[%mul3A_474] : memref<204800xi32, #tpu.memory_space<hbm>> -> memref<200xi32, #tpu.memory_space<hbm>>
      %dma_start3A_478 = arith.constant 1248 : i32
      %dma_start3A_479 = tpu.memref_slice %arg5[%dma_start3A_478] : memref<3328xi32, #tpu.memory_space<vmem>> -> memref<200xi32, #tpu.memory_space<vmem>>
      %dma_start3A_480 = tpu.memref_slice %arg2[%mul3A_474] : memref<204800xi32, #tpu.memory_space<hbm>> -> memref<200xi32, #tpu.memory_space<hbm>>
      tpu.enqueue_dma source(%dma_start3A_480 : memref<200xi32, #tpu.memory_space<hbm>>) target(%dma_start3A_479 : memref<200xi32, #tpu.memory_space<vmem>>) target_semaphore(%arg14 : memref<!tpu.dma_semaphore, #tpu.memory_space<semaphore_mem>>)
      %mul3A_481 = arith.constant 128 : i32
      %mul3A_482 = arith.muli %mul3A_481, %select_n3A_9 : i32
      %mul3A_483 = arith.constant 16 : i32
      %mul3A_484 = arith.muli %mul3A_483, %scan3A_375 : i32
      %add3A_485 = arith.addi %mul3A_482, %mul3A_484 : i32
      %add3A_486 = arith.constant 7 : i32
      %add3A_487 = arith.addi %add3A_485, %add3A_486 : i32
      %mul3A_488 = arith.constant 200 : i32
      %mul3A_489 = arith.muli %add3A_487, %mul3A_488 : i32
      %dma_start3A_490 = arith.constant 1456 : i32
      %dma_start3A_491 = tpu.memref_slice %arg5[%dma_start3A_490] : memref<3328xi32, #tpu.memory_space<vmem>> -> memref<200xi32, #tpu.memory_space<vmem>>
      %dma_start3A_492 = tpu.memref_slice %arg2[%mul3A_489] : memref<204800xi32, #tpu.memory_space<hbm>> -> memref<200xi32, #tpu.memory_space<hbm>>
      %dma_start3A_493 = arith.constant 1456 : i32
      %dma_start3A_494 = tpu.memref_slice %arg5[%dma_start3A_493] : memref<3328xi32, #tpu.memory_space<vmem>> -> memref<200xi32, #tpu.memory_space<vmem>>
      %dma_start3A_495 = tpu.memref_slice %arg2[%mul3A_489] : memref<204800xi32, #tpu.memory_space<hbm>> -> memref<200xi32, #tpu.memory_space<hbm>>
      tpu.enqueue_dma source(%dma_start3A_495 : memref<200xi32, #tpu.memory_space<hbm>>) target(%dma_start3A_494 : memref<200xi32, #tpu.memory_space<vmem>>) target_semaphore(%arg14 : memref<!tpu.dma_semaphore, #tpu.memory_space<semaphore_mem>>)
      %mul3A_496 = arith.constant 128 : i32
      %mul3A_497 = arith.muli %mul3A_496, %select_n3A_9 : i32
      %mul3A_498 = arith.constant 16 : i32
      %mul3A_499 = arith.muli %mul3A_498, %scan3A_375 : i32
      %add3A_500 = arith.addi %mul3A_497, %mul3A_499 : i32
      %add3A_501 = arith.constant 8 : i32
      %add3A_502 = arith.addi %add3A_500, %add3A_501 : i32
      %mul3A_503 = arith.constant 200 : i32
      %mul3A_504 = arith.muli %add3A_502, %mul3A_503 : i32
      %dma_start3A_505 = arith.constant 1664 : i32
      %dma_start3A_506 = tpu.memref_slice %arg5[%dma_start3A_505] : memref<3328xi32, #tpu.memory_space<vmem>> -> memref<200xi32, #tpu.memory_space<vmem>>
      %dma_start3A_507 = tpu.memref_slice %arg2[%mul3A_504] : memref<204800xi32, #tpu.memory_space<hbm>> -> memref<200xi32, #tpu.memory_space<hbm>>
      %dma_start3A_508 = arith.constant 1664 : i32
      %dma_start3A_509 = tpu.memref_slice %arg5[%dma_start3A_508] : memref<3328xi32, #tpu.memory_space<vmem>> -> memref<200xi32, #tpu.memory_space<vmem>>
      %dma_start3A_510 = tpu.memref_slice %arg2[%mul3A_504] : memref<204800xi32, #tpu.memory_space<hbm>> -> memref<200xi32, #tpu.memory_space<hbm>>
      tpu.enqueue_dma source(%dma_start3A_510 : memref<200xi32, #tpu.memory_space<hbm>>) target(%dma_start3A_509 : memref<200xi32, #tpu.memory_space<vmem>>) target_semaphore(%arg14 : memref<!tpu.dma_semaphore, #tpu.memory_space<semaphore_mem>>)
      %mul3A_511 = arith.constant 128 : i32
      %mul3A_512 = arith.muli %mul3A_511, %select_n3A_9 : i32
      %mul3A_513 = arith.constant 16 : i32
      %mul3A_514 = arith.muli %mul3A_513, %scan3A_375 : i32
      %add3A_515 = arith.addi %mul3A_512, %mul3A_514 : i32
      %add3A_516 = arith.constant 9 : i32
      %add3A_517 = arith.addi %add3A_515, %add3A_516 : i32
      %mul3A_518 = arith.constant 200 : i32
      %mul3A_519 = arith.muli %add3A_517, %mul3A_518 : i32
      %dma_start3A_520 = arith.constant 1872 : i32
      %dma_start3A_521 = tpu.memref_slice %arg5[%dma_start3A_520] : memref<3328xi32, #tpu.memory_space<vmem>> -> memref<200xi32, #tpu.memory_space<vmem>>
      %dma_start3A_522 = tpu.memref_slice %arg2[%mul3A_519] : memref<204800xi32, #tpu.memory_space<hbm>> -> memref<200xi32, #tpu.memory_space<hbm>>
      %dma_start3A_523 = arith.constant 1872 : i32
      %dma_start3A_524 = tpu.memref_slice %arg5[%dma_start3A_523] : memref<3328xi32, #tpu.memory_space<vmem>> -> memref<200xi32, #tpu.memory_space<vmem>>
      %dma_start3A_525 = tpu.memref_slice %arg2[%mul3A_519] : memref<204800xi32, #tpu.memory_space<hbm>> -> memref<200xi32, #tpu.memory_space<hbm>>
      tpu.enqueue_dma source(%dma_start3A_525 : memref<200xi32, #tpu.memory_space<hbm>>) target(%dma_start3A_524 : memref<200xi32, #tpu.memory_space<vmem>>) target_semaphore(%arg14 : memref<!tpu.dma_semaphore, #tpu.memory_space<semaphore_mem>>)
      %mul3A_526 = arith.constant 128 : i32
      %mul3A_527 = arith.muli %mul3A_526, %select_n3A_9 : i32
      %mul3A_528 = arith.constant 16 : i32
      %mul3A_529 = arith.muli %mul3A_528, %scan3A_375 : i32
      %add3A_530 = arith.addi %mul3A_527, %mul3A_529 : i32
      %add3A_531 = arith.constant 10 : i32
      %add3A_532 = arith.addi %add3A_530, %add3A_531 : i32
      %mul3A_533 = arith.constant 200 : i32
      %mul3A_534 = arith.muli %add3A_532, %mul3A_533 : i32
      %dma_start3A_535 = arith.constant 2080 : i32
      %dma_start3A_536 = tpu.memref_slice %arg5[%dma_start3A_535] : memref<3328xi32, #tpu.memory_space<vmem>> -> memref<200xi32, #tpu.memory_space<vmem>>
      %dma_start3A_537 = tpu.memref_slice %arg2[%mul3A_534] : memref<204800xi32, #tpu.memory_space<hbm>> -> memref<200xi32, #tpu.memory_space<hbm>>
      %dma_start3A_538 = arith.constant 2080 : i32
      %dma_start3A_539 = tpu.memref_slice %arg5[%dma_start3A_538] : memref<3328xi32, #tpu.memory_space<vmem>> -> memref<200xi32, #tpu.memory_space<vmem>>
      %dma_start3A_540 = tpu.memref_slice %arg2[%mul3A_534] : memref<204800xi32, #tpu.memory_space<hbm>> -> memref<200xi32, #tpu.memory_space<hbm>>
      tpu.enqueue_dma source(%dma_start3A_540 : memref<200xi32, #tpu.memory_space<hbm>>) target(%dma_start3A_539 : memref<200xi32, #tpu.memory_space<vmem>>) target_semaphore(%arg14 : memref<!tpu.dma_semaphore, #tpu.memory_space<semaphore_mem>>)
      %mul3A_541 = arith.constant 128 : i32
      %mul3A_542 = arith.muli %mul3A_541, %select_n3A_9 : i32
      %mul3A_543 = arith.constant 16 : i32
      %mul3A_544 = arith.muli %mul3A_543, %scan3A_375 : i32
      %add3A_545 = arith.addi %mul3A_542, %mul3A_544 : i32
      %add3A_546 = arith.constant 11 : i32
      %add3A_547 = arith.addi %add3A_545, %add3A_546 : i32
      %mul3A_548 = arith.constant 200 : i32
      %mul3A_549 = arith.muli %add3A_547, %mul3A_548 : i32
      %dma_start3A_550 = arith.constant 2288 : i32
      %dma_start3A_551 = tpu.memref_slice %arg5[%dma_start3A_550] : memref<3328xi32, #tpu.memory_space<vmem>> -> memref<200xi32, #tpu.memory_space<vmem>>
      %dma_start3A_552 = tpu.memref_slice %arg2[%mul3A_549] : memref<204800xi32, #tpu.memory_space<hbm>> -> memref<200xi32, #tpu.memory_space<hbm>>
      %dma_start3A_553 = arith.constant 2288 : i32
      %dma_start3A_554 = tpu.memref_slice %arg5[%dma_start3A_553] : memref<3328xi32, #tpu.memory_space<vmem>> -> memref<200xi32, #tpu.memory_space<vmem>>
      %dma_start3A_555 = tpu.memref_slice %arg2[%mul3A_549] : memref<204800xi32, #tpu.memory_space<hbm>> -> memref<200xi32, #tpu.memory_space<hbm>>
      tpu.enqueue_dma source(%dma_start3A_555 : memref<200xi32, #tpu.memory_space<hbm>>) target(%dma_start3A_554 : memref<200xi32, #tpu.memory_space<vmem>>) target_semaphore(%arg14 : memref<!tpu.dma_semaphore, #tpu.memory_space<semaphore_mem>>)
      %mul3A_556 = arith.constant 128 : i32
      %mul3A_557 = arith.muli %mul3A_556, %select_n3A_9 : i32
      %mul3A_558 = arith.constant 16 : i32
      %mul3A_559 = arith.muli %mul3A_558, %scan3A_375 : i32
      %add3A_560 = arith.addi %mul3A_557, %mul3A_559 : i32
      %add3A_561 = arith.constant 12 : i32
      %add3A_562 = arith.addi %add3A_560, %add3A_561 : i32
      %mul3A_563 = arith.constant 200 : i32
      %mul3A_564 = arith.muli %add3A_562, %mul3A_563 : i32
      %dma_start3A_565 = arith.constant 2496 : i32
      %dma_start3A_566 = tpu.memref_slice %arg5[%dma_start3A_565] : memref<3328xi32, #tpu.memory_space<vmem>> -> memref<200xi32, #tpu.memory_space<vmem>>
      %dma_start3A_567 = tpu.memref_slice %arg2[%mul3A_564] : memref<204800xi32, #tpu.memory_space<hbm>> -> memref<200xi32, #tpu.memory_space<hbm>>
      %dma_start3A_568 = arith.constant 2496 : i32
      %dma_start3A_569 = tpu.memref_slice %arg5[%dma_start3A_568] : memref<3328xi32, #tpu.memory_space<vmem>> -> memref<200xi32, #tpu.memory_space<vmem>>
      %dma_start3A_570 = tpu.memref_slice %arg2[%mul3A_564] : memref<204800xi32, #tpu.memory_space<hbm>> -> memref<200xi32, #tpu.memory_space<hbm>>
      tpu.enqueue_dma source(%dma_start3A_570 : memref<200xi32, #tpu.memory_space<hbm>>) target(%dma_start3A_569 : memref<200xi32, #tpu.memory_space<vmem>>) target_semaphore(%arg14 : memref<!tpu.dma_semaphore, #tpu.memory_space<semaphore_mem>>)
      %mul3A_571 = arith.constant 128 : i32
      %mul3A_572 = arith.muli %mul3A_571, %select_n3A_9 : i32
      %mul3A_573 = arith.constant 16 : i32
      %mul3A_574 = arith.muli %mul3A_573, %scan3A_375 : i32
      %add3A_575 = arith.addi %mul3A_572, %mul3A_574 : i32
      %add3A_576 = arith.constant 13 : i32
      %add3A_577 = arith.addi %add3A_575, %add3A_576 : i32
      %mul3A_578 = arith.constant 200 : i32
      %mul3A_579 = arith.muli %add3A_577, %mul3A_578 : i32
      %dma_start3A_580 = arith.constant 2704 : i32
      %dma_start3A_581 = tpu.memref_slice %arg5[%dma_start3A_580] : memref<3328xi32, #tpu.memory_space<vmem>> -> memref<200xi32, #tpu.memory_space<vmem>>
      %dma_start3A_582 = tpu.memref_slice %arg2[%mul3A_579] : memref<204800xi32, #tpu.memory_space<hbm>> -> memref<200xi32, #tpu.memory_space<hbm>>
      %dma_start3A_583 = arith.constant 2704 : i32
      %dma_start3A_584 = tpu.memref_slice %arg5[%dma_start3A_583] : memref<3328xi32, #tpu.memory_space<vmem>> -> memref<200xi32, #tpu.memory_space<vmem>>
      %dma_start3A_585 = tpu.memref_slice %arg2[%mul3A_579] : memref<204800xi32, #tpu.memory_space<hbm>> -> memref<200xi32, #tpu.memory_space<hbm>>
      tpu.enqueue_dma source(%dma_start3A_585 : memref<200xi32, #tpu.memory_space<hbm>>) target(%dma_start3A_584 : memref<200xi32, #tpu.memory_space<vmem>>) target_semaphore(%arg14 : memref<!tpu.dma_semaphore, #tpu.memory_space<semaphore_mem>>)
      %mul3A_586 = arith.constant 128 : i32
      %mul3A_587 = arith.muli %mul3A_586, %select_n3A_9 : i32
      %mul3A_588 = arith.constant 16 : i32
      %mul3A_589 = arith.muli %mul3A_588, %scan3A_375 : i32
      %add3A_590 = arith.addi %mul3A_587, %mul3A_589 : i32
      %add3A_591 = arith.constant 14 : i32
      %add3A_592 = arith.addi %add3A_590, %add3A_591 : i32
      %mul3A_593 = arith.constant 200 : i32
      %mul3A_594 = arith.muli %add3A_592, %mul3A_593 : i32
      %dma_start3A_595 = arith.constant 2912 : i32
      %dma_start3A_596 = tpu.memref_slice %arg5[%dma_start3A_595] : memref<3328xi32, #tpu.memory_space<vmem>> -> memref<200xi32, #tpu.memory_space<vmem>>
      %dma_start3A_597 = tpu.memref_slice %arg2[%mul3A_594] : memref<204800xi32, #tpu.memory_space<hbm>> -> memref<200xi32, #tpu.memory_space<hbm>>
      %dma_start3A_598 = arith.constant 2912 : i32
      %dma_start3A_599 = tpu.memref_slice %arg5[%dma_start3A_598] : memref<3328xi32, #tpu.memory_space<vmem>> -> memref<200xi32, #tpu.memory_space<vmem>>
      %dma_start3A_600 = tpu.memref_slice %arg2[%mul3A_594] : memref<204800xi32, #tpu.memory_space<hbm>> -> memref<200xi32, #tpu.memory_space<hbm>>
      tpu.enqueue_dma source(%dma_start3A_600 : memref<200xi32, #tpu.memory_space<hbm>>) target(%dma_start3A_599 : memref<200xi32, #tpu.memory_space<vmem>>) target_semaphore(%arg14 : memref<!tpu.dma_semaphore, #tpu.memory_space<semaphore_mem>>)
      %mul3A_601 = arith.constant 128 : i32
      %mul3A_602 = arith.muli %mul3A_601, %select_n3A_9 : i32
      %mul3A_603 = arith.constant 16 : i32
      %mul3A_604 = arith.muli %mul3A_603, %scan3A_375 : i32
      %add3A_605 = arith.addi %mul3A_602, %mul3A_604 : i32
      %add3A_606 = arith.constant 15 : i32
      %add3A_607 = arith.addi %add3A_605, %add3A_606 : i32
      %mul3A_608 = arith.constant 200 : i32
      %mul3A_609 = arith.muli %add3A_607, %mul3A_608 : i32
      %dma_start3A_610 = arith.constant 3120 : i32
      %dma_start3A_611 = tpu.memref_slice %arg5[%dma_start3A_610] : memref<3328xi32, #tpu.memory_space<vmem>> -> memref<200xi32, #tpu.memory_space<vmem>>
      %dma_start3A_612 = tpu.memref_slice %arg2[%mul3A_609] : memref<204800xi32, #tpu.memory_space<hbm>> -> memref<200xi32, #tpu.memory_space<hbm>>
      %dma_start3A_613 = arith.constant 3120 : i32
      %dma_start3A_614 = tpu.memref_slice %arg5[%dma_start3A_613] : memref<3328xi32, #tpu.memory_space<vmem>> -> memref<200xi32, #tpu.memory_space<vmem>>
      %dma_start3A_615 = tpu.memref_slice %arg2[%mul3A_609] : memref<204800xi32, #tpu.memory_space<hbm>> -> memref<200xi32, #tpu.memory_space<hbm>>
      tpu.enqueue_dma source(%dma_start3A_615 : memref<200xi32, #tpu.memory_space<hbm>>) target(%dma_start3A_614 : memref<200xi32, #tpu.memory_space<vmem>>) target_semaphore(%arg14 : memref<!tpu.dma_semaphore, #tpu.memory_space<semaphore_mem>>)
      %dma_wait3A_616 = arith.constant 0 : i32
      %dma_wait3A_617 = tpu.memref_slice %arg5[%dma_wait3A_616] : memref<3328xi32, #tpu.memory_space<vmem>> -> memref<200xi32, #tpu.memory_space<vmem>>
      %dma_wait3A_618 = tpu.memref_slice %arg2[%mul3A_384] : memref<204800xi32, #tpu.memory_space<hbm>> -> memref<200xi32, #tpu.memory_space<hbm>>
      %dma_wait3A_619 = arith.constant 0 : i32
      %dma_wait3A_620 = tpu.memref_slice %arg5[%dma_wait3A_619] : memref<3328xi32, #tpu.memory_space<vmem>> -> memref<200xi32, #tpu.memory_space<vmem>>
      %dma_wait3A_621 = tpu.memref_slice %arg2[%mul3A_384] : memref<204800xi32, #tpu.memory_space<hbm>> -> memref<200xi32, #tpu.memory_space<hbm>>
      tpu.wait_dma2 semaphore(%arg14 : memref<!tpu.dma_semaphore, #tpu.memory_space<semaphore_mem>>) src(%dma_wait3A_621 : memref<200xi32, #tpu.memory_space<hbm>>) dst(%dma_wait3A_620 : memref<200xi32, #tpu.memory_space<vmem>>)
      %dma_wait3A_622 = arith.constant 208 : i32
      %dma_wait3A_623 = tpu.memref_slice %arg5[%dma_wait3A_622] : memref<3328xi32, #tpu.memory_space<vmem>> -> memref<200xi32, #tpu.memory_space<vmem>>
      %dma_wait3A_624 = tpu.memref_slice %arg2[%mul3A_399] : memref<204800xi32, #tpu.memory_space<hbm>> -> memref<200xi32, #tpu.memory_space<hbm>>
      %dma_wait3A_625 = arith.constant 208 : i32
      %dma_wait3A_626 = tpu.memref_slice %arg5[%dma_wait3A_625] : memref<3328xi32, #tpu.memory_space<vmem>> -> memref<200xi32, #tpu.memory_space<vmem>>
      %dma_wait3A_627 = tpu.memref_slice %arg2[%mul3A_399] : memref<204800xi32, #tpu.memory_space<hbm>> -> memref<200xi32, #tpu.memory_space<hbm>>
      tpu.wait_dma2 semaphore(%arg14 : memref<!tpu.dma_semaphore, #tpu.memory_space<semaphore_mem>>) src(%dma_wait3A_627 : memref<200xi32, #tpu.memory_space<hbm>>) dst(%dma_wait3A_626 : memref<200xi32, #tpu.memory_space<vmem>>)
      %dma_wait3A_628 = arith.constant 416 : i32
      %dma_wait3A_629 = tpu.memref_slice %arg5[%dma_wait3A_628] : memref<3328xi32, #tpu.memory_space<vmem>> -> memref<200xi32, #tpu.memory_space<vmem>>
      %dma_wait3A_630 = tpu.memref_slice %arg2[%mul3A_414] : memref<204800xi32, #tpu.memory_space<hbm>> -> memref<200xi32, #tpu.memory_space<hbm>>
      %dma_wait3A_631 = arith.constant 416 : i32
      %dma_wait3A_632 = tpu.memref_slice %arg5[%dma_wait3A_631] : memref<3328xi32, #tpu.memory_space<vmem>> -> memref<200xi32, #tpu.memory_space<vmem>>
      %dma_wait3A_633 = tpu.memref_slice %arg2[%mul3A_414] : memref<204800xi32, #tpu.memory_space<hbm>> -> memref<200xi32, #tpu.memory_space<hbm>>
      tpu.wait_dma2 semaphore(%arg14 : memref<!tpu.dma_semaphore, #tpu.memory_space<semaphore_mem>>) src(%dma_wait3A_633 : memref<200xi32, #tpu.memory_space<hbm>>) dst(%dma_wait3A_632 : memref<200xi32, #tpu.memory_space<vmem>>)
      %dma_wait3A_634 = arith.constant 624 : i32
      %dma_wait3A_635 = tpu.memref_slice %arg5[%dma_wait3A_634] : memref<3328xi32, #tpu.memory_space<vmem>> -> memref<200xi32, #tpu.memory_space<vmem>>
      %dma_wait3A_636 = tpu.memref_slice %arg2[%mul3A_429] : memref<204800xi32, #tpu.memory_space<hbm>> -> memref<200xi32, #tpu.memory_space<hbm>>
      %dma_wait3A_637 = arith.constant 624 : i32
      %dma_wait3A_638 = tpu.memref_slice %arg5[%dma_wait3A_637] : memref<3328xi32, #tpu.memory_space<vmem>> -> memref<200xi32, #tpu.memory_space<vmem>>
      %dma_wait3A_639 = tpu.memref_slice %arg2[%mul3A_429] : memref<204800xi32, #tpu.memory_space<hbm>> -> memref<200xi32, #tpu.memory_space<hbm>>
      tpu.wait_dma2 semaphore(%arg14 : memref<!tpu.dma_semaphore, #tpu.memory_space<semaphore_mem>>) src(%dma_wait3A_639 : memref<200xi32, #tpu.memory_space<hbm>>) dst(%dma_wait3A_638 : memref<200xi32, #tpu.memory_space<vmem>>)
      %dma_wait3A_640 = arith.constant 832 : i32
      %dma_wait3A_641 = tpu.memref_slice %arg5[%dma_wait3A_640] : memref<3328xi32, #tpu.memory_space<vmem>> -> memref<200xi32, #tpu.memory_space<vmem>>
      %dma_wait3A_642 = tpu.memref_slice %arg2[%mul3A_444] : memref<204800xi32, #tpu.memory_space<hbm>> -> memref<200xi32, #tpu.memory_space<hbm>>
      %dma_wait3A_643 = arith.constant 832 : i32
      %dma_wait3A_644 = tpu.memref_slice %arg5[%dma_wait3A_643] : memref<3328xi32, #tpu.memory_space<vmem>> -> memref<200xi32, #tpu.memory_space<vmem>>
      %dma_wait3A_645 = tpu.memref_slice %arg2[%mul3A_444] : memref<204800xi32, #tpu.memory_space<hbm>> -> memref<200xi32, #tpu.memory_space<hbm>>
      tpu.wait_dma2 semaphore(%arg14 : memref<!tpu.dma_semaphore, #tpu.memory_space<semaphore_mem>>) src(%dma_wait3A_645 : memref<200xi32, #tpu.memory_space<hbm>>) dst(%dma_wait3A_644 : memref<200xi32, #tpu.memory_space<vmem>>)
      %dma_wait3A_646 = arith.constant 1040 : i32
      %dma_wait3A_647 = tpu.memref_slice %arg5[%dma_wait3A_646] : memref<3328xi32, #tpu.memory_space<vmem>> -> memref<200xi32, #tpu.memory_space<vmem>>
      %dma_wait3A_648 = tpu.memref_slice %arg2[%mul3A_459] : memref<204800xi32, #tpu.memory_space<hbm>> -> memref<200xi32, #tpu.memory_space<hbm>>
      %dma_wait3A_649 = arith.constant 1040 : i32
      %dma_wait3A_650 = tpu.memref_slice %arg5[%dma_wait3A_649] : memref<3328xi32, #tpu.memory_space<vmem>> -> memref<200xi32, #tpu.memory_space<vmem>>
      %dma_wait3A_651 = tpu.memref_slice %arg2[%mul3A_459] : memref<204800xi32, #tpu.memory_space<hbm>> -> memref<200xi32, #tpu.memory_space<hbm>>
      tpu.wait_dma2 semaphore(%arg14 : memref<!tpu.dma_semaphore, #tpu.memory_space<semaphore_mem>>) src(%dma_wait3A_651 : memref<200xi32, #tpu.memory_space<hbm>>) dst(%dma_wait3A_650 : memref<200xi32, #tpu.memory_space<vmem>>)
      %dma_wait3A_652 = arith.constant 1248 : i32
      %dma_wait3A_653 = tpu.memref_slice %arg5[%dma_wait3A_652] : memref<3328xi32, #tpu.memory_space<vmem>> -> memref<200xi32, #tpu.memory_space<vmem>>
      %dma_wait3A_654 = tpu.memref_slice %arg2[%mul3A_474] : memref<204800xi32, #tpu.memory_space<hbm>> -> memref<200xi32, #tpu.memory_space<hbm>>
      %dma_wait3A_655 = arith.constant 1248 : i32
      %dma_wait3A_656 = tpu.memref_slice %arg5[%dma_wait3A_655] : memref<3328xi32, #tpu.memory_space<vmem>> -> memref<200xi32, #tpu.memory_space<vmem>>
      %dma_wait3A_657 = tpu.memref_slice %arg2[%mul3A_474] : memref<204800xi32, #tpu.memory_space<hbm>> -> memref<200xi32, #tpu.memory_space<hbm>>
      tpu.wait_dma2 semaphore(%arg14 : memref<!tpu.dma_semaphore, #tpu.memory_space<semaphore_mem>>) src(%dma_wait3A_657 : memref<200xi32, #tpu.memory_space<hbm>>) dst(%dma_wait3A_656 : memref<200xi32, #tpu.memory_space<vmem>>)
      %dma_wait3A_658 = arith.constant 1456 : i32
      %dma_wait3A_659 = tpu.memref_slice %arg5[%dma_wait3A_658] : memref<3328xi32, #tpu.memory_space<vmem>> -> memref<200xi32, #tpu.memory_space<vmem>>
      %dma_wait3A_660 = tpu.memref_slice %arg2[%mul3A_489] : memref<204800xi32, #tpu.memory_space<hbm>> -> memref<200xi32, #tpu.memory_space<hbm>>
      %dma_wait3A_661 = arith.constant 1456 : i32
      %dma_wait3A_662 = tpu.memref_slice %arg5[%dma_wait3A_661] : memref<3328xi32, #tpu.memory_space<vmem>> -> memref<200xi32, #tpu.memory_space<vmem>>
      %dma_wait3A_663 = tpu.memref_slice %arg2[%mul3A_489] : memref<204800xi32, #tpu.memory_space<hbm>> -> memref<200xi32, #tpu.memory_space<hbm>>
      tpu.wait_dma2 semaphore(%arg14 : memref<!tpu.dma_semaphore, #tpu.memory_space<semaphore_mem>>) src(%dma_wait3A_663 : memref<200xi32, #tpu.memory_space<hbm>>) dst(%dma_wait3A_662 : memref<200xi32, #tpu.memory_space<vmem>>)
      %dma_wait3A_664 = arith.constant 1664 : i32
      %dma_wait3A_665 = tpu.memref_slice %arg5[%dma_wait3A_664] : memref<3328xi32, #tpu.memory_space<vmem>> -> memref<200xi32, #tpu.memory_space<vmem>>
      %dma_wait3A_666 = tpu.memref_slice %arg2[%mul3A_504] : memref<204800xi32, #tpu.memory_space<hbm>> -> memref<200xi32, #tpu.memory_space<hbm>>
      %dma_wait3A_667 = arith.constant 1664 : i32
      %dma_wait3A_668 = tpu.memref_slice %arg5[%dma_wait3A_667] : memref<3328xi32, #tpu.memory_space<vmem>> -> memref<200xi32, #tpu.memory_space<vmem>>
      %dma_wait3A_669 = tpu.memref_slice %arg2[%mul3A_504] : memref<204800xi32, #tpu.memory_space<hbm>> -> memref<200xi32, #tpu.memory_space<hbm>>
      tpu.wait_dma2 semaphore(%arg14 : memref<!tpu.dma_semaphore, #tpu.memory_space<semaphore_mem>>) src(%dma_wait3A_669 : memref<200xi32, #tpu.memory_space<hbm>>) dst(%dma_wait3A_668 : memref<200xi32, #tpu.memory_space<vmem>>)
      %dma_wait3A_670 = arith.constant 1872 : i32
      %dma_wait3A_671 = tpu.memref_slice %arg5[%dma_wait3A_670] : memref<3328xi32, #tpu.memory_space<vmem>> -> memref<200xi32, #tpu.memory_space<vmem>>
      %dma_wait3A_672 = tpu.memref_slice %arg2[%mul3A_519] : memref<204800xi32, #tpu.memory_space<hbm>> -> memref<200xi32, #tpu.memory_space<hbm>>
      %dma_wait3A_673 = arith.constant 1872 : i32
      %dma_wait3A_674 = tpu.memref_slice %arg5[%dma_wait3A_673] : memref<3328xi32, #tpu.memory_space<vmem>> -> memref<200xi32, #tpu.memory_space<vmem>>
      %dma_wait3A_675 = tpu.memref_slice %arg2[%mul3A_519] : memref<204800xi32, #tpu.memory_space<hbm>> -> memref<200xi32, #tpu.memory_space<hbm>>
      tpu.wait_dma2 semaphore(%arg14 : memref<!tpu.dma_semaphore, #tpu.memory_space<semaphore_mem>>) src(%dma_wait3A_675 : memref<200xi32, #tpu.memory_space<hbm>>) dst(%dma_wait3A_674 : memref<200xi32, #tpu.memory_space<vmem>>)
      %dma_wait3A_676 = arith.constant 2080 : i32
      %dma_wait3A_677 = tpu.memref_slice %arg5[%dma_wait3A_676] : memref<3328xi32, #tpu.memory_space<vmem>> -> memref<200xi32, #tpu.memory_space<vmem>>
      %dma_wait3A_678 = tpu.memref_slice %arg2[%mul3A_534] : memref<204800xi32, #tpu.memory_space<hbm>> -> memref<200xi32, #tpu.memory_space<hbm>>
      %dma_wait3A_679 = arith.constant 2080 : i32
      %dma_wait3A_680 = tpu.memref_slice %arg5[%dma_wait3A_679] : memref<3328xi32, #tpu.memory_space<vmem>> -> memref<200xi32, #tpu.memory_space<vmem>>
      %dma_wait3A_681 = tpu.memref_slice %arg2[%mul3A_534] : memref<204800xi32, #tpu.memory_space<hbm>> -> memref<200xi32, #tpu.memory_space<hbm>>
      tpu.wait_dma2 semaphore(%arg14 : memref<!tpu.dma_semaphore, #tpu.memory_space<semaphore_mem>>) src(%dma_wait3A_681 : memref<200xi32, #tpu.memory_space<hbm>>) dst(%dma_wait3A_680 : memref<200xi32, #tpu.memory_space<vmem>>)
      %dma_wait3A_682 = arith.constant 2288 : i32
      %dma_wait3A_683 = tpu.memref_slice %arg5[%dma_wait3A_682] : memref<3328xi32, #tpu.memory_space<vmem>> -> memref<200xi32, #tpu.memory_space<vmem>>
      %dma_wait3A_684 = tpu.memref_slice %arg2[%mul3A_549] : memref<204800xi32, #tpu.memory_space<hbm>> -> memref<200xi32, #tpu.memory_space<hbm>>
      %dma_wait3A_685 = arith.constant 2288 : i32
      %dma_wait3A_686 = tpu.memref_slice %arg5[%dma_wait3A_685] : memref<3328xi32, #tpu.memory_space<vmem>> -> memref<200xi32, #tpu.memory_space<vmem>>
      %dma_wait3A_687 = tpu.memref_slice %arg2[%mul3A_549] : memref<204800xi32, #tpu.memory_space<hbm>> -> memref<200xi32, #tpu.memory_space<hbm>>
      tpu.wait_dma2 semaphore(%arg14 : memref<!tpu.dma_semaphore, #tpu.memory_space<semaphore_mem>>) src(%dma_wait3A_687 : memref<200xi32, #tpu.memory_space<hbm>>) dst(%dma_wait3A_686 : memref<200xi32, #tpu.memory_space<vmem>>)
      %dma_wait3A_688 = arith.constant 2496 : i32
      %dma_wait3A_689 = tpu.memref_slice %arg5[%dma_wait3A_688] : memref<3328xi32, #tpu.memory_space<vmem>> -> memref<200xi32, #tpu.memory_space<vmem>>
      %dma_wait3A_690 = tpu.memref_slice %arg2[%mul3A_564] : memref<204800xi32, #tpu.memory_space<hbm>> -> memref<200xi32, #tpu.memory_space<hbm>>
      %dma_wait3A_691 = arith.constant 2496 : i32
      %dma_wait3A_692 = tpu.memref_slice %arg5[%dma_wait3A_691] : memref<3328xi32, #tpu.memory_space<vmem>> -> memref<200xi32, #tpu.memory_space<vmem>>
      %dma_wait3A_693 = tpu.memref_slice %arg2[%mul3A_564] : memref<204800xi32, #tpu.memory_space<hbm>> -> memref<200xi32, #tpu.memory_space<hbm>>
      tpu.wait_dma2 semaphore(%arg14 : memref<!tpu.dma_semaphore, #tpu.memory_space<semaphore_mem>>) src(%dma_wait3A_693 : memref<200xi32, #tpu.memory_space<hbm>>) dst(%dma_wait3A_692 : memref<200xi32, #tpu.memory_space<vmem>>)
      %dma_wait3A_694 = arith.constant 2704 : i32
      %dma_wait3A_695 = tpu.memref_slice %arg5[%dma_wait3A_694] : memref<3328xi32, #tpu.memory_space<vmem>> -> memref<200xi32, #tpu.memory_space<vmem>>
      %dma_wait3A_696 = tpu.memref_slice %arg2[%mul3A_579] : memref<204800xi32, #tpu.memory_space<hbm>> -> memref<200xi32, #tpu.memory_space<hbm>>
      %dma_wait3A_697 = arith.constant 2704 : i32
      %dma_wait3A_698 = tpu.memref_slice %arg5[%dma_wait3A_697] : memref<3328xi32, #tpu.memory_space<vmem>> -> memref<200xi32, #tpu.memory_space<vmem>>
      %dma_wait3A_699 = tpu.memref_slice %arg2[%mul3A_579] : memref<204800xi32, #tpu.memory_space<hbm>> -> memref<200xi32, #tpu.memory_space<hbm>>
      tpu.wait_dma2 semaphore(%arg14 : memref<!tpu.dma_semaphore, #tpu.memory_space<semaphore_mem>>) src(%dma_wait3A_699 : memref<200xi32, #tpu.memory_space<hbm>>) dst(%dma_wait3A_698 : memref<200xi32, #tpu.memory_space<vmem>>)
      %dma_wait3A_700 = arith.constant 2912 : i32
      %dma_wait3A_701 = tpu.memref_slice %arg5[%dma_wait3A_700] : memref<3328xi32, #tpu.memory_space<vmem>> -> memref<200xi32, #tpu.memory_space<vmem>>
      %dma_wait3A_702 = tpu.memref_slice %arg2[%mul3A_594] : memref<204800xi32, #tpu.memory_space<hbm>> -> memref<200xi32, #tpu.memory_space<hbm>>
      %dma_wait3A_703 = arith.constant 2912 : i32
      %dma_wait3A_704 = tpu.memref_slice %arg5[%dma_wait3A_703] : memref<3328xi32, #tpu.memory_space<vmem>> -> memref<200xi32, #tpu.memory_space<vmem>>
      %dma_wait3A_705 = tpu.memref_slice %arg2[%mul3A_594] : memref<204800xi32, #tpu.memory_space<hbm>> -> memref<200xi32, #tpu.memory_space<hbm>>
      tpu.wait_dma2 semaphore(%arg14 : memref<!tpu.dma_semaphore, #tpu.memory_space<semaphore_mem>>) src(%dma_wait3A_705 : memref<200xi32, #tpu.memory_space<hbm>>) dst(%dma_wait3A_704 : memref<200xi32, #tpu.memory_space<vmem>>)
      %dma_wait3A_706 = arith.constant 3120 : i32
      %dma_wait3A_707 = tpu.memref_slice %arg5[%dma_wait3A_706] : memref<3328xi32, #tpu.memory_space<vmem>> -> memref<200xi32, #tpu.memory_space<vmem>>
      %dma_wait3A_708 = tpu.memref_slice %arg2[%mul3A_609] : memref<204800xi32, #tpu.memory_space<hbm>> -> memref<200xi32, #tpu.memory_space<hbm>>
      %dma_wait3A_709 = arith.constant 3120 : i32
      %dma_wait3A_710 = tpu.memref_slice %arg5[%dma_wait3A_709] : memref<3328xi32, #tpu.memory_space<vmem>> -> memref<200xi32, #tpu.memory_space<vmem>>
      %dma_wait3A_711 = tpu.memref_slice %arg2[%mul3A_609] : memref<204800xi32, #tpu.memory_space<hbm>> -> memref<200xi32, #tpu.memory_space<hbm>>
      tpu.wait_dma2 semaphore(%arg14 : memref<!tpu.dma_semaphore, #tpu.memory_space<semaphore_mem>>) src(%dma_wait3A_711 : memref<200xi32, #tpu.memory_space<hbm>>) dst(%dma_wait3A_710 : memref<200xi32, #tpu.memory_space<vmem>>)
      %dma_start3A_712 = arith.constant 0 : i32
      %dma_start3A_713 = tpu.memref_slice %arg6[%dma_start3A_712] : memref<3328xf32, #tpu.memory_space<vmem>> -> memref<104xf32, #tpu.memory_space<vmem>>
      %dma_start3A_714 = arith.constant 0 : i32
      %dma_start3A_715 = tpu.memref_slice %arg5[%dma_start3A_714] : memref<3328xi32, #tpu.memory_space<vmem>> -> memref<104xi32, #tpu.memory_space<vmem>>
      %dma_start3A_716 = arith.constant 0 : i32
      %dma_start3A_717 = tpu.memref_slice %arg3[%dma_start3A_716] : memref<100000xf32, #tpu.memory_space<hbm>> -> memref<100000xf32, #tpu.memory_space<hbm>>
      tpu.enqueue_indirect_dma source(%dma_start3A_717 : memref<100000xf32, #tpu.memory_space<hbm>>) target(%dma_start3A_713 : memref<104xf32, #tpu.memory_space<vmem>>) offsets(%dma_start3A_715 : memref<104xi32, #tpu.memory_space<vmem>>) semaphore(%arg14 : memref<!tpu.dma_semaphore, #tpu.memory_space<semaphore_mem>>)
      %dma_start3A_718 = arith.constant 104 : i32
      %dma_start3A_719 = tpu.memref_slice %arg6[%dma_start3A_718] : memref<3328xf32, #tpu.memory_space<vmem>> -> memref<104xf32, #tpu.memory_space<vmem>>
      %dma_start3A_720 = arith.constant 104 : i32
      %dma_start3A_721 = tpu.memref_slice %arg5[%dma_start3A_720] : memref<3328xi32, #tpu.memory_space<vmem>> -> memref<104xi32, #tpu.memory_space<vmem>>
      %dma_start3A_722 = arith.constant 0 : i32
      %dma_start3A_723 = tpu.memref_slice %arg3[%dma_start3A_722] : memref<100000xf32, #tpu.memory_space<hbm>> -> memref<100000xf32, #tpu.memory_space<hbm>>
      tpu.enqueue_indirect_dma source(%dma_start3A_723 : memref<100000xf32, #tpu.memory_space<hbm>>) target(%dma_start3A_719 : memref<104xf32, #tpu.memory_space<vmem>>) offsets(%dma_start3A_721 : memref<104xi32, #tpu.memory_space<vmem>>) semaphore(%arg14 : memref<!tpu.dma_semaphore, #tpu.memory_space<semaphore_mem>>)
      %dma_start3A_724 = arith.constant 208 : i32
      %dma_start3A_725 = tpu.memref_slice %arg6[%dma_start3A_724] : memref<3328xf32, #tpu.memory_space<vmem>> -> memref<104xf32, #tpu.memory_space<vmem>>
      %dma_start3A_726 = arith.constant 208 : i32
      %dma_start3A_727 = tpu.memref_slice %arg5[%dma_start3A_726] : memref<3328xi32, #tpu.memory_space<vmem>> -> memref<104xi32, #tpu.memory_space<vmem>>
      %dma_start3A_728 = arith.constant 0 : i32
      %dma_start3A_729 = tpu.memref_slice %arg3[%dma_start3A_728] : memref<100000xf32, #tpu.memory_space<hbm>> -> memref<100000xf32, #tpu.memory_space<hbm>>
      tpu.enqueue_indirect_dma source(%dma_start3A_729 : memref<100000xf32, #tpu.memory_space<hbm>>) target(%dma_start3A_725 : memref<104xf32, #tpu.memory_space<vmem>>) offsets(%dma_start3A_727 : memref<104xi32, #tpu.memory_space<vmem>>) semaphore(%arg14 : memref<!tpu.dma_semaphore, #tpu.memory_space<semaphore_mem>>)
      %dma_start3A_730 = arith.constant 312 : i32
      %dma_start3A_731 = tpu.memref_slice %arg6[%dma_start3A_730] : memref<3328xf32, #tpu.memory_space<vmem>> -> memref<104xf32, #tpu.memory_space<vmem>>
      %dma_start3A_732 = arith.constant 312 : i32
      %dma_start3A_733 = tpu.memref_slice %arg5[%dma_start3A_732] : memref<3328xi32, #tpu.memory_space<vmem>> -> memref<104xi32, #tpu.memory_space<vmem>>
      %dma_start3A_734 = arith.constant 0 : i32
      %dma_start3A_735 = tpu.memref_slice %arg3[%dma_start3A_734] : memref<100000xf32, #tpu.memory_space<hbm>> -> memref<100000xf32, #tpu.memory_space<hbm>>
      tpu.enqueue_indirect_dma source(%dma_start3A_735 : memref<100000xf32, #tpu.memory_space<hbm>>) target(%dma_start3A_731 : memref<104xf32, #tpu.memory_space<vmem>>) offsets(%dma_start3A_733 : memref<104xi32, #tpu.memory_space<vmem>>) semaphore(%arg14 : memref<!tpu.dma_semaphore, #tpu.memory_space<semaphore_mem>>)
      %dma_start3A_736 = arith.constant 416 : i32
      %dma_start3A_737 = tpu.memref_slice %arg6[%dma_start3A_736] : memref<3328xf32, #tpu.memory_space<vmem>> -> memref<104xf32, #tpu.memory_space<vmem>>
      %dma_start3A_738 = arith.constant 416 : i32
      %dma_start3A_739 = tpu.memref_slice %arg5[%dma_start3A_738] : memref<3328xi32, #tpu.memory_space<vmem>> -> memref<104xi32, #tpu.memory_space<vmem>>
      %dma_start3A_740 = arith.constant 0 : i32
      %dma_start3A_741 = tpu.memref_slice %arg3[%dma_start3A_740] : memref<100000xf32, #tpu.memory_space<hbm>> -> memref<100000xf32, #tpu.memory_space<hbm>>
      tpu.enqueue_indirect_dma source(%dma_start3A_741 : memref<100000xf32, #tpu.memory_space<hbm>>) target(%dma_start3A_737 : memref<104xf32, #tpu.memory_space<vmem>>) offsets(%dma_start3A_739 : memref<104xi32, #tpu.memory_space<vmem>>) semaphore(%arg14 : memref<!tpu.dma_semaphore, #tpu.memory_space<semaphore_mem>>)
      %dma_start3A_742 = arith.constant 520 : i32
      %dma_start3A_743 = tpu.memref_slice %arg6[%dma_start3A_742] : memref<3328xf32, #tpu.memory_space<vmem>> -> memref<104xf32, #tpu.memory_space<vmem>>
      %dma_start3A_744 = arith.constant 520 : i32
      %dma_start3A_745 = tpu.memref_slice %arg5[%dma_start3A_744] : memref<3328xi32, #tpu.memory_space<vmem>> -> memref<104xi32, #tpu.memory_space<vmem>>
      %dma_start3A_746 = arith.constant 0 : i32
      %dma_start3A_747 = tpu.memref_slice %arg3[%dma_start3A_746] : memref<100000xf32, #tpu.memory_space<hbm>> -> memref<100000xf32, #tpu.memory_space<hbm>>
      tpu.enqueue_indirect_dma source(%dma_start3A_747 : memref<100000xf32, #tpu.memory_space<hbm>>) target(%dma_start3A_743 : memref<104xf32, #tpu.memory_space<vmem>>) offsets(%dma_start3A_745 : memref<104xi32, #tpu.memory_space<vmem>>) semaphore(%arg14 : memref<!tpu.dma_semaphore, #tpu.memory_space<semaphore_mem>>)
      %dma_start3A_748 = arith.constant 624 : i32
      %dma_start3A_749 = tpu.memref_slice %arg6[%dma_start3A_748] : memref<3328xf32, #tpu.memory_space<vmem>> -> memref<104xf32, #tpu.memory_space<vmem>>
      %dma_start3A_750 = arith.constant 624 : i32
      %dma_start3A_751 = tpu.memref_slice %arg5[%dma_start3A_750] : memref<3328xi32, #tpu.memory_space<vmem>> -> memref<104xi32, #tpu.memory_space<vmem>>
      %dma_start3A_752 = arith.constant 0 : i32
      %dma_start3A_753 = tpu.memref_slice %arg3[%dma_start3A_752] : memref<100000xf32, #tpu.memory_space<hbm>> -> memref<100000xf32, #tpu.memory_space<hbm>>
      tpu.enqueue_indirect_dma source(%dma_start3A_753 : memref<100000xf32, #tpu.memory_space<hbm>>) target(%dma_start3A_749 : memref<104xf32, #tpu.memory_space<vmem>>) offsets(%dma_start3A_751 : memref<104xi32, #tpu.memory_space<vmem>>) semaphore(%arg14 : memref<!tpu.dma_semaphore, #tpu.memory_space<semaphore_mem>>)
      %dma_start3A_754 = arith.constant 728 : i32
      %dma_start3A_755 = tpu.memref_slice %arg6[%dma_start3A_754] : memref<3328xf32, #tpu.memory_space<vmem>> -> memref<104xf32, #tpu.memory_space<vmem>>
      %dma_start3A_756 = arith.constant 728 : i32
      %dma_start3A_757 = tpu.memref_slice %arg5[%dma_start3A_756] : memref<3328xi32, #tpu.memory_space<vmem>> -> memref<104xi32, #tpu.memory_space<vmem>>
      %dma_start3A_758 = arith.constant 0 : i32
      %dma_start3A_759 = tpu.memref_slice %arg3[%dma_start3A_758] : memref<100000xf32, #tpu.memory_space<hbm>> -> memref<100000xf32, #tpu.memory_space<hbm>>
      tpu.enqueue_indirect_dma source(%dma_start3A_759 : memref<100000xf32, #tpu.memory_space<hbm>>) target(%dma_start3A_755 : memref<104xf32, #tpu.memory_space<vmem>>) offsets(%dma_start3A_757 : memref<104xi32, #tpu.memory_space<vmem>>) semaphore(%arg14 : memref<!tpu.dma_semaphore, #tpu.memory_space<semaphore_mem>>)
      %dma_start3A_760 = arith.constant 832 : i32
      %dma_start3A_761 = tpu.memref_slice %arg6[%dma_start3A_760] : memref<3328xf32, #tpu.memory_space<vmem>> -> memref<104xf32, #tpu.memory_space<vmem>>
      %dma_start3A_762 = arith.constant 832 : i32
      %dma_start3A_763 = tpu.memref_slice %arg5[%dma_start3A_762] : memref<3328xi32, #tpu.memory_space<vmem>> -> memref<104xi32, #tpu.memory_space<vmem>>
      %dma_start3A_764 = arith.constant 0 : i32
      %dma_start3A_765 = tpu.memref_slice %arg3[%dma_start3A_764] : memref<100000xf32, #tpu.memory_space<hbm>> -> memref<100000xf32, #tpu.memory_space<hbm>>
      tpu.enqueue_indirect_dma source(%dma_start3A_765 : memref<100000xf32, #tpu.memory_space<hbm>>) target(%dma_start3A_761 : memref<104xf32, #tpu.memory_space<vmem>>) offsets(%dma_start3A_763 : memref<104xi32, #tpu.memory_space<vmem>>) semaphore(%arg14 : memref<!tpu.dma_semaphore, #tpu.memory_space<semaphore_mem>>)
      %dma_start3A_766 = arith.constant 936 : i32
      %dma_start3A_767 = tpu.memref_slice %arg6[%dma_start3A_766] : memref<3328xf32, #tpu.memory_space<vmem>> -> memref<104xf32, #tpu.memory_space<vmem>>
      %dma_start3A_768 = arith.constant 936 : i32
      %dma_start3A_769 = tpu.memref_slice %arg5[%dma_start3A_768] : memref<3328xi32, #tpu.memory_space<vmem>> -> memref<104xi32, #tpu.memory_space<vmem>>
      %dma_start3A_770 = arith.constant 0 : i32
      %dma_start3A_771 = tpu.memref_slice %arg3[%dma_start3A_770] : memref<100000xf32, #tpu.memory_space<hbm>> -> memref<100000xf32, #tpu.memory_space<hbm>>
      tpu.enqueue_indirect_dma source(%dma_start3A_771 : memref<100000xf32, #tpu.memory_space<hbm>>) target(%dma_start3A_767 : memref<104xf32, #tpu.memory_space<vmem>>) offsets(%dma_start3A_769 : memref<104xi32, #tpu.memory_space<vmem>>) semaphore(%arg14 : memref<!tpu.dma_semaphore, #tpu.memory_space<semaphore_mem>>)
      %dma_start3A_772 = arith.constant 1040 : i32
      %dma_start3A_773 = tpu.memref_slice %arg6[%dma_start3A_772] : memref<3328xf32, #tpu.memory_space<vmem>> -> memref<104xf32, #tpu.memory_space<vmem>>
      %dma_start3A_774 = arith.constant 1040 : i32
      %dma_start3A_775 = tpu.memref_slice %arg5[%dma_start3A_774] : memref<3328xi32, #tpu.memory_space<vmem>> -> memref<104xi32, #tpu.memory_space<vmem>>
      %dma_start3A_776 = arith.constant 0 : i32
      %dma_start3A_777 = tpu.memref_slice %arg3[%dma_start3A_776] : memref<100000xf32, #tpu.memory_space<hbm>> -> memref<100000xf32, #tpu.memory_space<hbm>>
      tpu.enqueue_indirect_dma source(%dma_start3A_777 : memref<100000xf32, #tpu.memory_space<hbm>>) target(%dma_start3A_773 : memref<104xf32, #tpu.memory_space<vmem>>) offsets(%dma_start3A_775 : memref<104xi32, #tpu.memory_space<vmem>>) semaphore(%arg14 : memref<!tpu.dma_semaphore, #tpu.memory_space<semaphore_mem>>)
      %dma_start3A_778 = arith.constant 1144 : i32
      %dma_start3A_779 = tpu.memref_slice %arg6[%dma_start3A_778] : memref<3328xf32, #tpu.memory_space<vmem>> -> memref<104xf32, #tpu.memory_space<vmem>>
      %dma_start3A_780 = arith.constant 1144 : i32
      %dma_start3A_781 = tpu.memref_slice %arg5[%dma_start3A_780] : memref<3328xi32, #tpu.memory_space<vmem>> -> memref<104xi32, #tpu.memory_space<vmem>>
      %dma_start3A_782 = arith.constant 0 : i32
      %dma_start3A_783 = tpu.memref_slice %arg3[%dma_start3A_782] : memref<100000xf32, #tpu.memory_space<hbm>> -> memref<100000xf32, #tpu.memory_space<hbm>>
      tpu.enqueue_indirect_dma source(%dma_start3A_783 : memref<100000xf32, #tpu.memory_space<hbm>>) target(%dma_start3A_779 : memref<104xf32, #tpu.memory_space<vmem>>) offsets(%dma_start3A_781 : memref<104xi32, #tpu.memory_space<vmem>>) semaphore(%arg14 : memref<!tpu.dma_semaphore, #tpu.memory_space<semaphore_mem>>)
      %dma_start3A_784 = arith.constant 1248 : i32
      %dma_start3A_785 = tpu.memref_slice %arg6[%dma_start3A_784] : memref<3328xf32, #tpu.memory_space<vmem>> -> memref<104xf32, #tpu.memory_space<vmem>>
      %dma_start3A_786 = arith.constant 1248 : i32
      %dma_start3A_787 = tpu.memref_slice %arg5[%dma_start3A_786] : memref<3328xi32, #tpu.memory_space<vmem>> -> memref<104xi32, #tpu.memory_space<vmem>>
      %dma_start3A_788 = arith.constant 0 : i32
      %dma_start3A_789 = tpu.memref_slice %arg3[%dma_start3A_788] : memref<100000xf32, #tpu.memory_space<hbm>> -> memref<100000xf32, #tpu.memory_space<hbm>>
      tpu.enqueue_indirect_dma source(%dma_start3A_789 : memref<100000xf32, #tpu.memory_space<hbm>>) target(%dma_start3A_785 : memref<104xf32, #tpu.memory_space<vmem>>) offsets(%dma_start3A_787 : memref<104xi32, #tpu.memory_space<vmem>>) semaphore(%arg14 : memref<!tpu.dma_semaphore, #tpu.memory_space<semaphore_mem>>)
      %dma_start3A_790 = arith.constant 1352 : i32
      %dma_start3A_791 = tpu.memref_slice %arg6[%dma_start3A_790] : memref<3328xf32, #tpu.memory_space<vmem>> -> memref<104xf32, #tpu.memory_space<vmem>>
      %dma_start3A_792 = arith.constant 1352 : i32
      %dma_start3A_793 = tpu.memref_slice %arg5[%dma_start3A_792] : memref<3328xi32, #tpu.memory_space<vmem>> -> memref<104xi32, #tpu.memory_space<vmem>>
      %dma_start3A_794 = arith.constant 0 : i32
      %dma_start3A_795 = tpu.memref_slice %arg3[%dma_start3A_794] : memref<100000xf32, #tpu.memory_space<hbm>> -> memref<100000xf32, #tpu.memory_space<hbm>>
      tpu.enqueue_indirect_dma source(%dma_start3A_795 : memref<100000xf32, #tpu.memory_space<hbm>>) target(%dma_start3A_791 : memref<104xf32, #tpu.memory_space<vmem>>) offsets(%dma_start3A_793 : memref<104xi32, #tpu.memory_space<vmem>>) semaphore(%arg14 : memref<!tpu.dma_semaphore, #tpu.memory_space<semaphore_mem>>)
      %dma_start3A_796 = arith.constant 1456 : i32
      %dma_start3A_797 = tpu.memref_slice %arg6[%dma_start3A_796] : memref<3328xf32, #tpu.memory_space<vmem>> -> memref<104xf32, #tpu.memory_space<vmem>>
      %dma_start3A_798 = arith.constant 1456 : i32
      %dma_start3A_799 = tpu.memref_slice %arg5[%dma_start3A_798] : memref<3328xi32, #tpu.memory_space<vmem>> -> memref<104xi32, #tpu.memory_space<vmem>>
      %dma_start3A_800 = arith.constant 0 : i32
      %dma_start3A_801 = tpu.memref_slice %arg3[%dma_start3A_800] : memref<100000xf32, #tpu.memory_space<hbm>> -> memref<100000xf32, #tpu.memory_space<hbm>>
      tpu.enqueue_indirect_dma source(%dma_start3A_801 : memref<100000xf32, #tpu.memory_space<hbm>>) target(%dma_start3A_797 : memref<104xf32, #tpu.memory_space<vmem>>) offsets(%dma_start3A_799 : memref<104xi32, #tpu.memory_space<vmem>>) semaphore(%arg14 : memref<!tpu.dma_semaphore, #tpu.memory_space<semaphore_mem>>)
      %dma_start3A_802 = arith.constant 1560 : i32
      %dma_start3A_803 = tpu.memref_slice %arg6[%dma_start3A_802] : memref<3328xf32, #tpu.memory_space<vmem>> -> memref<104xf32, #tpu.memory_space<vmem>>
      %dma_start3A_804 = arith.constant 1560 : i32
      %dma_start3A_805 = tpu.memref_slice %arg5[%dma_start3A_804] : memref<3328xi32, #tpu.memory_space<vmem>> -> memref<104xi32, #tpu.memory_space<vmem>>
      %dma_start3A_806 = arith.constant 0 : i32
      %dma_start3A_807 = tpu.memref_slice %arg3[%dma_start3A_806] : memref<100000xf32, #tpu.memory_space<hbm>> -> memref<100000xf32, #tpu.memory_space<hbm>>
      tpu.enqueue_indirect_dma source(%dma_start3A_807 : memref<100000xf32, #tpu.memory_space<hbm>>) target(%dma_start3A_803 : memref<104xf32, #tpu.memory_space<vmem>>) offsets(%dma_start3A_805 : memref<104xi32, #tpu.memory_space<vmem>>) semaphore(%arg14 : memref<!tpu.dma_semaphore, #tpu.memory_space<semaphore_mem>>)
      %dma_wait3A_808 = arith.constant 0 : i32
      %dma_wait3A_809 = tpu.memref_slice %arg6[%dma_wait3A_808] : memref<3328xf32, #tpu.memory_space<vmem>> -> memref<104xf32, #tpu.memory_space<vmem>>
      %dma_wait3A_810 = arith.constant 0 : i32
      %dma_wait3A_811 = tpu.memref_slice %arg5[%dma_wait3A_810] : memref<3328xi32, #tpu.memory_space<vmem>> -> memref<104xi32, #tpu.memory_space<vmem>>
      %dma_wait3A_812 = arith.constant 0 : i32
      %dma_wait3A_813 = tpu.memref_slice %arg3[%dma_wait3A_812] : memref<100000xf32, #tpu.memory_space<hbm>> -> memref<100000xf32, #tpu.memory_space<hbm>>
      tpu.wait_indirect_dma semaphore(%arg14 : memref<!tpu.dma_semaphore, #tpu.memory_space<semaphore_mem>>) src(%dma_wait3A_813 : memref<100000xf32, #tpu.memory_space<hbm>>) dst(%dma_wait3A_809 : memref<104xf32, #tpu.memory_space<vmem>>)
      %dma_wait3A_814 = arith.constant 104 : i32
      %dma_wait3A_815 = tpu.memref_slice %arg6[%dma_wait3A_814] : memref<3328xf32, #tpu.memory_space<vmem>> -> memref<104xf32, #tpu.memory_space<vmem>>
      %dma_wait3A_816 = arith.constant 104 : i32
      %dma_wait3A_817 = tpu.memref_slice %arg5[%dma_wait3A_816] : memref<3328xi32, #tpu.memory_space<vmem>> -> memref<104xi32, #tpu.memory_space<vmem>>
      %dma_wait3A_818 = arith.constant 0 : i32
      %dma_wait3A_819 = tpu.memref_slice %arg3[%dma_wait3A_818] : memref<100000xf32, #tpu.memory_space<hbm>> -> memref<100000xf32, #tpu.memory_space<hbm>>
      tpu.wait_indirect_dma semaphore(%arg14 : memref<!tpu.dma_semaphore, #tpu.memory_space<semaphore_mem>>) src(%dma_wait3A_819 : memref<100000xf32, #tpu.memory_space<hbm>>) dst(%dma_wait3A_815 : memref<104xf32, #tpu.memory_space<vmem>>)
      %dma_wait3A_820 = arith.constant 208 : i32
      %dma_wait3A_821 = tpu.memref_slice %arg6[%dma_wait3A_820] : memref<3328xf32, #tpu.memory_space<vmem>> -> memref<104xf32, #tpu.memory_space<vmem>>
      %dma_wait3A_822 = arith.constant 208 : i32
      %dma_wait3A_823 = tpu.memref_slice %arg5[%dma_wait3A_822] : memref<3328xi32, #tpu.memory_space<vmem>> -> memref<104xi32, #tpu.memory_space<vmem>>
      %dma_wait3A_824 = arith.constant 0 : i32
      %dma_wait3A_825 = tpu.memref_slice %arg3[%dma_wait3A_824] : memref<100000xf32, #tpu.memory_space<hbm>> -> memref<100000xf32, #tpu.memory_space<hbm>>
      tpu.wait_indirect_dma semaphore(%arg14 : memref<!tpu.dma_semaphore, #tpu.memory_space<semaphore_mem>>) src(%dma_wait3A_825 : memref<100000xf32, #tpu.memory_space<hbm>>) dst(%dma_wait3A_821 : memref<104xf32, #tpu.memory_space<vmem>>)
      %dma_wait3A_826 = arith.constant 312 : i32
      %dma_wait3A_827 = tpu.memref_slice %arg6[%dma_wait3A_826] : memref<3328xf32, #tpu.memory_space<vmem>> -> memref<104xf32, #tpu.memory_space<vmem>>
      %dma_wait3A_828 = arith.constant 312 : i32
      %dma_wait3A_829 = tpu.memref_slice %arg5[%dma_wait3A_828] : memref<3328xi32, #tpu.memory_space<vmem>> -> memref<104xi32, #tpu.memory_space<vmem>>
      %dma_wait3A_830 = arith.constant 0 : i32
      %dma_wait3A_831 = tpu.memref_slice %arg3[%dma_wait3A_830] : memref<100000xf32, #tpu.memory_space<hbm>> -> memref<100000xf32, #tpu.memory_space<hbm>>
      tpu.wait_indirect_dma semaphore(%arg14 : memref<!tpu.dma_semaphore, #tpu.memory_space<semaphore_mem>>) src(%dma_wait3A_831 : memref<100000xf32, #tpu.memory_space<hbm>>) dst(%dma_wait3A_827 : memref<104xf32, #tpu.memory_space<vmem>>)
      %dma_wait3A_832 = arith.constant 416 : i32
      %dma_wait3A_833 = tpu.memref_slice %arg6[%dma_wait3A_832] : memref<3328xf32, #tpu.memory_space<vmem>> -> memref<104xf32, #tpu.memory_space<vmem>>
      %dma_wait3A_834 = arith.constant 416 : i32
      %dma_wait3A_835 = tpu.memref_slice %arg5[%dma_wait3A_834] : memref<3328xi32, #tpu.memory_space<vmem>> -> memref<104xi32, #tpu.memory_space<vmem>>
      %dma_wait3A_836 = arith.constant 0 : i32
      %dma_wait3A_837 = tpu.memref_slice %arg3[%dma_wait3A_836] : memref<100000xf32, #tpu.memory_space<hbm>> -> memref<100000xf32, #tpu.memory_space<hbm>>
      tpu.wait_indirect_dma semaphore(%arg14 : memref<!tpu.dma_semaphore, #tpu.memory_space<semaphore_mem>>) src(%dma_wait3A_837 : memref<100000xf32, #tpu.memory_space<hbm>>) dst(%dma_wait3A_833 : memref<104xf32, #tpu.memory_space<vmem>>)
      %dma_wait3A_838 = arith.constant 520 : i32
      %dma_wait3A_839 = tpu.memref_slice %arg6[%dma_wait3A_838] : memref<3328xf32, #tpu.memory_space<vmem>> -> memref<104xf32, #tpu.memory_space<vmem>>
      %dma_wait3A_840 = arith.constant 520 : i32
      %dma_wait3A_841 = tpu.memref_slice %arg5[%dma_wait3A_840] : memref<3328xi32, #tpu.memory_space<vmem>> -> memref<104xi32, #tpu.memory_space<vmem>>
      %dma_wait3A_842 = arith.constant 0 : i32
      %dma_wait3A_843 = tpu.memref_slice %arg3[%dma_wait3A_842] : memref<100000xf32, #tpu.memory_space<hbm>> -> memref<100000xf32, #tpu.memory_space<hbm>>
      tpu.wait_indirect_dma semaphore(%arg14 : memref<!tpu.dma_semaphore, #tpu.memory_space<semaphore_mem>>) src(%dma_wait3A_843 : memref<100000xf32, #tpu.memory_space<hbm>>) dst(%dma_wait3A_839 : memref<104xf32, #tpu.memory_space<vmem>>)
      %dma_wait3A_844 = arith.constant 624 : i32
      %dma_wait3A_845 = tpu.memref_slice %arg6[%dma_wait3A_844] : memref<3328xf32, #tpu.memory_space<vmem>> -> memref<104xf32, #tpu.memory_space<vmem>>
      %dma_wait3A_846 = arith.constant 624 : i32
      %dma_wait3A_847 = tpu.memref_slice %arg5[%dma_wait3A_846] : memref<3328xi32, #tpu.memory_space<vmem>> -> memref<104xi32, #tpu.memory_space<vmem>>
      %dma_wait3A_848 = arith.constant 0 : i32
      %dma_wait3A_849 = tpu.memref_slice %arg3[%dma_wait3A_848] : memref<100000xf32, #tpu.memory_space<hbm>> -> memref<100000xf32, #tpu.memory_space<hbm>>
      tpu.wait_indirect_dma semaphore(%arg14 : memref<!tpu.dma_semaphore, #tpu.memory_space<semaphore_mem>>) src(%dma_wait3A_849 : memref<100000xf32, #tpu.memory_space<hbm>>) dst(%dma_wait3A_845 : memref<104xf32, #tpu.memory_space<vmem>>)
      %dma_wait3A_850 = arith.constant 728 : i32
      %dma_wait3A_851 = tpu.memref_slice %arg6[%dma_wait3A_850] : memref<3328xf32, #tpu.memory_space<vmem>> -> memref<104xf32, #tpu.memory_space<vmem>>
      %dma_wait3A_852 = arith.constant 728 : i32
      %dma_wait3A_853 = tpu.memref_slice %arg5[%dma_wait3A_852] : memref<3328xi32, #tpu.memory_space<vmem>> -> memref<104xi32, #tpu.memory_space<vmem>>
      %dma_wait3A_854 = arith.constant 0 : i32
      %dma_wait3A_855 = tpu.memref_slice %arg3[%dma_wait3A_854] : memref<100000xf32, #tpu.memory_space<hbm>> -> memref<100000xf32, #tpu.memory_space<hbm>>
      tpu.wait_indirect_dma semaphore(%arg14 : memref<!tpu.dma_semaphore, #tpu.memory_space<semaphore_mem>>) src(%dma_wait3A_855 : memref<100000xf32, #tpu.memory_space<hbm>>) dst(%dma_wait3A_851 : memref<104xf32, #tpu.memory_space<vmem>>)
      %dma_wait3A_856 = arith.constant 832 : i32
      %dma_wait3A_857 = tpu.memref_slice %arg6[%dma_wait3A_856] : memref<3328xf32, #tpu.memory_space<vmem>> -> memref<104xf32, #tpu.memory_space<vmem>>
      %dma_wait3A_858 = arith.constant 832 : i32
      %dma_wait3A_859 = tpu.memref_slice %arg5[%dma_wait3A_858] : memref<3328xi32, #tpu.memory_space<vmem>> -> memref<104xi32, #tpu.memory_space<vmem>>
      %dma_wait3A_860 = arith.constant 0 : i32
      %dma_wait3A_861 = tpu.memref_slice %arg3[%dma_wait3A_860] : memref<100000xf32, #tpu.memory_space<hbm>> -> memref<100000xf32, #tpu.memory_space<hbm>>
      tpu.wait_indirect_dma semaphore(%arg14 : memref<!tpu.dma_semaphore, #tpu.memory_space<semaphore_mem>>) src(%dma_wait3A_861 : memref<100000xf32, #tpu.memory_space<hbm>>) dst(%dma_wait3A_857 : memref<104xf32, #tpu.memory_space<vmem>>)
      %dma_wait3A_862 = arith.constant 936 : i32
      %dma_wait3A_863 = tpu.memref_slice %arg6[%dma_wait3A_862] : memref<3328xf32, #tpu.memory_space<vmem>> -> memref<104xf32, #tpu.memory_space<vmem>>
      %dma_wait3A_864 = arith.constant 936 : i32
      %dma_wait3A_865 = tpu.memref_slice %arg5[%dma_wait3A_864] : memref<3328xi32, #tpu.memory_space<vmem>> -> memref<104xi32, #tpu.memory_space<vmem>>
      %dma_wait3A_866 = arith.constant 0 : i32
      %dma_wait3A_867 = tpu.memref_slice %arg3[%dma_wait3A_866] : memref<100000xf32, #tpu.memory_space<hbm>> -> memref<100000xf32, #tpu.memory_space<hbm>>
      tpu.wait_indirect_dma semaphore(%arg14 : memref<!tpu.dma_semaphore, #tpu.memory_space<semaphore_mem>>) src(%dma_wait3A_867 : memref<100000xf32, #tpu.memory_space<hbm>>) dst(%dma_wait3A_863 : memref<104xf32, #tpu.memory_space<vmem>>)
      %dma_wait3A_868 = arith.constant 1040 : i32
      %dma_wait3A_869 = tpu.memref_slice %arg6[%dma_wait3A_868] : memref<3328xf32, #tpu.memory_space<vmem>> -> memref<104xf32, #tpu.memory_space<vmem>>
      %dma_wait3A_870 = arith.constant 1040 : i32
      %dma_wait3A_871 = tpu.memref_slice %arg5[%dma_wait3A_870] : memref<3328xi32, #tpu.memory_space<vmem>> -> memref<104xi32, #tpu.memory_space<vmem>>
      %dma_wait3A_872 = arith.constant 0 : i32
      %dma_wait3A_873 = tpu.memref_slice %arg3[%dma_wait3A_872] : memref<100000xf32, #tpu.memory_space<hbm>> -> memref<100000xf32, #tpu.memory_space<hbm>>
      tpu.wait_indirect_dma semaphore(%arg14 : memref<!tpu.dma_semaphore, #tpu.memory_space<semaphore_mem>>) src(%dma_wait3A_873 : memref<100000xf32, #tpu.memory_space<hbm>>) dst(%dma_wait3A_869 : memref<104xf32, #tpu.memory_space<vmem>>)
      %dma_wait3A_874 = arith.constant 1144 : i32
      %dma_wait3A_875 = tpu.memref_slice %arg6[%dma_wait3A_874] : memref<3328xf32, #tpu.memory_space<vmem>> -> memref<104xf32, #tpu.memory_space<vmem>>
      %dma_wait3A_876 = arith.constant 1144 : i32
      %dma_wait3A_877 = tpu.memref_slice %arg5[%dma_wait3A_876] : memref<3328xi32, #tpu.memory_space<vmem>> -> memref<104xi32, #tpu.memory_space<vmem>>
      %dma_wait3A_878 = arith.constant 0 : i32
      %dma_wait3A_879 = tpu.memref_slice %arg3[%dma_wait3A_878] : memref<100000xf32, #tpu.memory_space<hbm>> -> memref<100000xf32, #tpu.memory_space<hbm>>
      tpu.wait_indirect_dma semaphore(%arg14 : memref<!tpu.dma_semaphore, #tpu.memory_space<semaphore_mem>>) src(%dma_wait3A_879 : memref<100000xf32, #tpu.memory_space<hbm>>) dst(%dma_wait3A_875 : memref<104xf32, #tpu.memory_space<vmem>>)
      %dma_wait3A_880 = arith.constant 1248 : i32
      %dma_wait3A_881 = tpu.memref_slice %arg6[%dma_wait3A_880] : memref<3328xf32, #tpu.memory_space<vmem>> -> memref<104xf32, #tpu.memory_space<vmem>>
      %dma_wait3A_882 = arith.constant 1248 : i32
      %dma_wait3A_883 = tpu.memref_slice %arg5[%dma_wait3A_882] : memref<3328xi32, #tpu.memory_space<vmem>> -> memref<104xi32, #tpu.memory_space<vmem>>
      %dma_wait3A_884 = arith.constant 0 : i32
      %dma_wait3A_885 = tpu.memref_slice %arg3[%dma_wait3A_884] : memref<100000xf32, #tpu.memory_space<hbm>> -> memref<100000xf32, #tpu.memory_space<hbm>>
      tpu.wait_indirect_dma semaphore(%arg14 : memref<!tpu.dma_semaphore, #tpu.memory_space<semaphore_mem>>) src(%dma_wait3A_885 : memref<100000xf32, #tpu.memory_space<hbm>>) dst(%dma_wait3A_881 : memref<104xf32, #tpu.memory_space<vmem>>)
      %dma_wait3A_886 = arith.constant 1352 : i32
      %dma_wait3A_887 = tpu.memref_slice %arg6[%dma_wait3A_886] : memref<3328xf32, #tpu.memory_space<vmem>> -> memref<104xf32, #tpu.memory_space<vmem>>
      %dma_wait3A_888 = arith.constant 1352 : i32
      %dma_wait3A_889 = tpu.memref_slice %arg5[%dma_wait3A_888] : memref<3328xi32, #tpu.memory_space<vmem>> -> memref<104xi32, #tpu.memory_space<vmem>>
      %dma_wait3A_890 = arith.constant 0 : i32
      %dma_wait3A_891 = tpu.memref_slice %arg3[%dma_wait3A_890] : memref<100000xf32, #tpu.memory_space<hbm>> -> memref<100000xf32, #tpu.memory_space<hbm>>
      tpu.wait_indirect_dma semaphore(%arg14 : memref<!tpu.dma_semaphore, #tpu.memory_space<semaphore_mem>>) src(%dma_wait3A_891 : memref<100000xf32, #tpu.memory_space<hbm>>) dst(%dma_wait3A_887 : memref<104xf32, #tpu.memory_space<vmem>>)
      %dma_wait3A_892 = arith.constant 1456 : i32
      %dma_wait3A_893 = tpu.memref_slice %arg6[%dma_wait3A_892] : memref<3328xf32, #tpu.memory_space<vmem>> -> memref<104xf32, #tpu.memory_space<vmem>>
      %dma_wait3A_894 = arith.constant 1456 : i32
      %dma_wait3A_895 = tpu.memref_slice %arg5[%dma_wait3A_894] : memref<3328xi32, #tpu.memory_space<vmem>> -> memref<104xi32, #tpu.memory_space<vmem>>
      %dma_wait3A_896 = arith.constant 0 : i32
      %dma_wait3A_897 = tpu.memref_slice %arg3[%dma_wait3A_896] : memref<100000xf32, #tpu.memory_space<hbm>> -> memref<100000xf32, #tpu.memory_space<hbm>>
      tpu.wait_indirect_dma semaphore(%arg14 : memref<!tpu.dma_semaphore, #tpu.memory_space<semaphore_mem>>) src(%dma_wait3A_897 : memref<100000xf32, #tpu.memory_space<hbm>>) dst(%dma_wait3A_893 : memref<104xf32, #tpu.memory_space<vmem>>)
      %dma_wait3A_898 = arith.constant 1560 : i32
      %dma_wait3A_899 = tpu.memref_slice %arg6[%dma_wait3A_898] : memref<3328xf32, #tpu.memory_space<vmem>> -> memref<104xf32, #tpu.memory_space<vmem>>
      %dma_wait3A_900 = arith.constant 1560 : i32
      %dma_wait3A_901 = tpu.memref_slice %arg5[%dma_wait3A_900] : memref<3328xi32, #tpu.memory_space<vmem>> -> memref<104xi32, #tpu.memory_space<vmem>>
      %dma_wait3A_902 = arith.constant 0 : i32
      %dma_wait3A_903 = tpu.memref_slice %arg3[%dma_wait3A_902] : memref<100000xf32, #tpu.memory_space<hbm>> -> memref<100000xf32, #tpu.memory_space<hbm>>
      tpu.wait_indirect_dma semaphore(%arg14 : memref<!tpu.dma_semaphore, #tpu.memory_space<semaphore_mem>>) src(%dma_wait3A_903 : memref<100000xf32, #tpu.memory_space<hbm>>) dst(%dma_wait3A_899 : memref<104xf32, #tpu.memory_space<vmem>>)
      %dma_start3A_904 = arith.constant 1664 : i32
      %dma_start3A_905 = tpu.memref_slice %arg6[%dma_start3A_904] : memref<3328xf32, #tpu.memory_space<vmem>> -> memref<104xf32, #tpu.memory_space<vmem>>
      %dma_start3A_906 = arith.constant 1664 : i32
      %dma_start3A_907 = tpu.memref_slice %arg5[%dma_start3A_906] : memref<3328xi32, #tpu.memory_space<vmem>> -> memref<104xi32, #tpu.memory_space<vmem>>
      %dma_start3A_908 = arith.constant 0 : i32
      %dma_start3A_909 = tpu.memref_slice %arg3[%dma_start3A_908] : memref<100000xf32, #tpu.memory_space<hbm>> -> memref<100000xf32, #tpu.memory_space<hbm>>
      tpu.enqueue_indirect_dma source(%dma_start3A_909 : memref<100000xf32, #tpu.memory_space<hbm>>) target(%dma_start3A_905 : memref<104xf32, #tpu.memory_space<vmem>>) offsets(%dma_start3A_907 : memref<104xi32, #tpu.memory_space<vmem>>) semaphore(%arg14 : memref<!tpu.dma_semaphore, #tpu.memory_space<semaphore_mem>>)
      %dma_start3A_910 = arith.constant 1768 : i32
      %dma_start3A_911 = tpu.memref_slice %arg6[%dma_start3A_910] : memref<3328xf32, #tpu.memory_space<vmem>> -> memref<104xf32, #tpu.memory_space<vmem>>
      %dma_start3A_912 = arith.constant 1768 : i32
      %dma_start3A_913 = tpu.memref_slice %arg5[%dma_start3A_912] : memref<3328xi32, #tpu.memory_space<vmem>> -> memref<104xi32, #tpu.memory_space<vmem>>
      %dma_start3A_914 = arith.constant 0 : i32
      %dma_start3A_915 = tpu.memref_slice %arg3[%dma_start3A_914] : memref<100000xf32, #tpu.memory_space<hbm>> -> memref<100000xf32, #tpu.memory_space<hbm>>
      tpu.enqueue_indirect_dma source(%dma_start3A_915 : memref<100000xf32, #tpu.memory_space<hbm>>) target(%dma_start3A_911 : memref<104xf32, #tpu.memory_space<vmem>>) offsets(%dma_start3A_913 : memref<104xi32, #tpu.memory_space<vmem>>) semaphore(%arg14 : memref<!tpu.dma_semaphore, #tpu.memory_space<semaphore_mem>>)
      %dma_start3A_916 = arith.constant 1872 : i32
      %dma_start3A_917 = tpu.memref_slice %arg6[%dma_start3A_916] : memref<3328xf32, #tpu.memory_space<vmem>> -> memref<104xf32, #tpu.memory_space<vmem>>
      %dma_start3A_918 = arith.constant 1872 : i32
      %dma_start3A_919 = tpu.memref_slice %arg5[%dma_start3A_918] : memref<3328xi32, #tpu.memory_space<vmem>> -> memref<104xi32, #tpu.memory_space<vmem>>
      %dma_start3A_920 = arith.constant 0 : i32
      %dma_start3A_921 = tpu.memref_slice %arg3[%dma_start3A_920] : memref<100000xf32, #tpu.memory_space<hbm>> -> memref<100000xf32, #tpu.memory_space<hbm>>
      tpu.enqueue_indirect_dma source(%dma_start3A_921 : memref<100000xf32, #tpu.memory_space<hbm>>) target(%dma_start3A_917 : memref<104xf32, #tpu.memory_space<vmem>>) offsets(%dma_start3A_919 : memref<104xi32, #tpu.memory_space<vmem>>) semaphore(%arg14 : memref<!tpu.dma_semaphore, #tpu.memory_space<semaphore_mem>>)
      %dma_start3A_922 = arith.constant 1976 : i32
      %dma_start3A_923 = tpu.memref_slice %arg6[%dma_start3A_922] : memref<3328xf32, #tpu.memory_space<vmem>> -> memref<104xf32, #tpu.memory_space<vmem>>
      %dma_start3A_924 = arith.constant 1976 : i32
      %dma_start3A_925 = tpu.memref_slice %arg5[%dma_start3A_924] : memref<3328xi32, #tpu.memory_space<vmem>> -> memref<104xi32, #tpu.memory_space<vmem>>
      %dma_start3A_926 = arith.constant 0 : i32
      %dma_start3A_927 = tpu.memref_slice %arg3[%dma_start3A_926] : memref<100000xf32, #tpu.memory_space<hbm>> -> memref<100000xf32, #tpu.memory_space<hbm>>
      tpu.enqueue_indirect_dma source(%dma_start3A_927 : memref<100000xf32, #tpu.memory_space<hbm>>) target(%dma_start3A_923 : memref<104xf32, #tpu.memory_space<vmem>>) offsets(%dma_start3A_925 : memref<104xi32, #tpu.memory_space<vmem>>) semaphore(%arg14 : memref<!tpu.dma_semaphore, #tpu.memory_space<semaphore_mem>>)
      %dma_start3A_928 = arith.constant 2080 : i32
      %dma_start3A_929 = tpu.memref_slice %arg6[%dma_start3A_928] : memref<3328xf32, #tpu.memory_space<vmem>> -> memref<104xf32, #tpu.memory_space<vmem>>
      %dma_start3A_930 = arith.constant 2080 : i32
      %dma_start3A_931 = tpu.memref_slice %arg5[%dma_start3A_930] : memref<3328xi32, #tpu.memory_space<vmem>> -> memref<104xi32, #tpu.memory_space<vmem>>
      %dma_start3A_932 = arith.constant 0 : i32
      %dma_start3A_933 = tpu.memref_slice %arg3[%dma_start3A_932] : memref<100000xf32, #tpu.memory_space<hbm>> -> memref<100000xf32, #tpu.memory_space<hbm>>
      tpu.enqueue_indirect_dma source(%dma_start3A_933 : memref<100000xf32, #tpu.memory_space<hbm>>) target(%dma_start3A_929 : memref<104xf32, #tpu.memory_space<vmem>>) offsets(%dma_start3A_931 : memref<104xi32, #tpu.memory_space<vmem>>) semaphore(%arg14 : memref<!tpu.dma_semaphore, #tpu.memory_space<semaphore_mem>>)
      %dma_start3A_934 = arith.constant 2184 : i32
      %dma_start3A_935 = tpu.memref_slice %arg6[%dma_start3A_934] : memref<3328xf32, #tpu.memory_space<vmem>> -> memref<104xf32, #tpu.memory_space<vmem>>
      %dma_start3A_936 = arith.constant 2184 : i32
      %dma_start3A_937 = tpu.memref_slice %arg5[%dma_start3A_936] : memref<3328xi32, #tpu.memory_space<vmem>> -> memref<104xi32, #tpu.memory_space<vmem>>
      %dma_start3A_938 = arith.constant 0 : i32
      %dma_start3A_939 = tpu.memref_slice %arg3[%dma_start3A_938] : memref<100000xf32, #tpu.memory_space<hbm>> -> memref<100000xf32, #tpu.memory_space<hbm>>
      tpu.enqueue_indirect_dma source(%dma_start3A_939 : memref<100000xf32, #tpu.memory_space<hbm>>) target(%dma_start3A_935 : memref<104xf32, #tpu.memory_space<vmem>>) offsets(%dma_start3A_937 : memref<104xi32, #tpu.memory_space<vmem>>) semaphore(%arg14 : memref<!tpu.dma_semaphore, #tpu.memory_space<semaphore_mem>>)
      %dma_start3A_940 = arith.constant 2288 : i32
      %dma_start3A_941 = tpu.memref_slice %arg6[%dma_start3A_940] : memref<3328xf32, #tpu.memory_space<vmem>> -> memref<104xf32, #tpu.memory_space<vmem>>
      %dma_start3A_942 = arith.constant 2288 : i32
      %dma_start3A_943 = tpu.memref_slice %arg5[%dma_start3A_942] : memref<3328xi32, #tpu.memory_space<vmem>> -> memref<104xi32, #tpu.memory_space<vmem>>
      %dma_start3A_944 = arith.constant 0 : i32
      %dma_start3A_945 = tpu.memref_slice %arg3[%dma_start3A_944] : memref<100000xf32, #tpu.memory_space<hbm>> -> memref<100000xf32, #tpu.memory_space<hbm>>
      tpu.enqueue_indirect_dma source(%dma_start3A_945 : memref<100000xf32, #tpu.memory_space<hbm>>) target(%dma_start3A_941 : memref<104xf32, #tpu.memory_space<vmem>>) offsets(%dma_start3A_943 : memref<104xi32, #tpu.memory_space<vmem>>) semaphore(%arg14 : memref<!tpu.dma_semaphore, #tpu.memory_space<semaphore_mem>>)
      %dma_start3A_946 = arith.constant 2392 : i32
      %dma_start3A_947 = tpu.memref_slice %arg6[%dma_start3A_946] : memref<3328xf32, #tpu.memory_space<vmem>> -> memref<104xf32, #tpu.memory_space<vmem>>
      %dma_start3A_948 = arith.constant 2392 : i32
      %dma_start3A_949 = tpu.memref_slice %arg5[%dma_start3A_948] : memref<3328xi32, #tpu.memory_space<vmem>> -> memref<104xi32, #tpu.memory_space<vmem>>
      %dma_start3A_950 = arith.constant 0 : i32
      %dma_start3A_951 = tpu.memref_slice %arg3[%dma_start3A_950] : memref<100000xf32, #tpu.memory_space<hbm>> -> memref<100000xf32, #tpu.memory_space<hbm>>
      tpu.enqueue_indirect_dma source(%dma_start3A_951 : memref<100000xf32, #tpu.memory_space<hbm>>) target(%dma_start3A_947 : memref<104xf32, #tpu.memory_space<vmem>>) offsets(%dma_start3A_949 : memref<104xi32, #tpu.memory_space<vmem>>) semaphore(%arg14 : memref<!tpu.dma_semaphore, #tpu.memory_space<semaphore_mem>>)
      %dma_start3A_952 = arith.constant 2496 : i32
      %dma_start3A_953 = tpu.memref_slice %arg6[%dma_start3A_952] : memref<3328xf32, #tpu.memory_space<vmem>> -> memref<104xf32, #tpu.memory_space<vmem>>
      %dma_start3A_954 = arith.constant 2496 : i32
      %dma_start3A_955 = tpu.memref_slice %arg5[%dma_start3A_954] : memref<3328xi32, #tpu.memory_space<vmem>> -> memref<104xi32, #tpu.memory_space<vmem>>
      %dma_start3A_956 = arith.constant 0 : i32
      %dma_start3A_957 = tpu.memref_slice %arg3[%dma_start3A_956] : memref<100000xf32, #tpu.memory_space<hbm>> -> memref<100000xf32, #tpu.memory_space<hbm>>
      tpu.enqueue_indirect_dma source(%dma_start3A_957 : memref<100000xf32, #tpu.memory_space<hbm>>) target(%dma_start3A_953 : memref<104xf32, #tpu.memory_space<vmem>>) offsets(%dma_start3A_955 : memref<104xi32, #tpu.memory_space<vmem>>) semaphore(%arg14 : memref<!tpu.dma_semaphore, #tpu.memory_space<semaphore_mem>>)
      %dma_start3A_958 = arith.constant 2600 : i32
      %dma_start3A_959 = tpu.memref_slice %arg6[%dma_start3A_958] : memref<3328xf32, #tpu.memory_space<vmem>> -> memref<104xf32, #tpu.memory_space<vmem>>
      %dma_start3A_960 = arith.constant 2600 : i32
      %dma_start3A_961 = tpu.memref_slice %arg5[%dma_start3A_960] : memref<3328xi32, #tpu.memory_space<vmem>> -> memref<104xi32, #tpu.memory_space<vmem>>
      %dma_start3A_962 = arith.constant 0 : i32
      %dma_start3A_963 = tpu.memref_slice %arg3[%dma_start3A_962] : memref<100000xf32, #tpu.memory_space<hbm>> -> memref<100000xf32, #tpu.memory_space<hbm>>
      tpu.enqueue_indirect_dma source(%dma_start3A_963 : memref<100000xf32, #tpu.memory_space<hbm>>) target(%dma_start3A_959 : memref<104xf32, #tpu.memory_space<vmem>>) offsets(%dma_start3A_961 : memref<104xi32, #tpu.memory_space<vmem>>) semaphore(%arg14 : memref<!tpu.dma_semaphore, #tpu.memory_space<semaphore_mem>>)
      %dma_start3A_964 = arith.constant 2704 : i32
      %dma_start3A_965 = tpu.memref_slice %arg6[%dma_start3A_964] : memref<3328xf32, #tpu.memory_space<vmem>> -> memref<104xf32, #tpu.memory_space<vmem>>
      %dma_start3A_966 = arith.constant 2704 : i32
      %dma_start3A_967 = tpu.memref_slice %arg5[%dma_start3A_966] : memref<3328xi32, #tpu.memory_space<vmem>> -> memref<104xi32, #tpu.memory_space<vmem>>
      %dma_start3A_968 = arith.constant 0 : i32
      %dma_start3A_969 = tpu.memref_slice %arg3[%dma_start3A_968] : memref<100000xf32, #tpu.memory_space<hbm>> -> memref<100000xf32, #tpu.memory_space<hbm>>
      tpu.enqueue_indirect_dma source(%dma_start3A_969 : memref<100000xf32, #tpu.memory_space<hbm>>) target(%dma_start3A_965 : memref<104xf32, #tpu.memory_space<vmem>>) offsets(%dma_start3A_967 : memref<104xi32, #tpu.memory_space<vmem>>) semaphore(%arg14 : memref<!tpu.dma_semaphore, #tpu.memory_space<semaphore_mem>>)
      %dma_start3A_970 = arith.constant 2808 : i32
      %dma_start3A_971 = tpu.memref_slice %arg6[%dma_start3A_970] : memref<3328xf32, #tpu.memory_space<vmem>> -> memref<104xf32, #tpu.memory_space<vmem>>
      %dma_start3A_972 = arith.constant 2808 : i32
      %dma_start3A_973 = tpu.memref_slice %arg5[%dma_start3A_972] : memref<3328xi32, #tpu.memory_space<vmem>> -> memref<104xi32, #tpu.memory_space<vmem>>
      %dma_start3A_974 = arith.constant 0 : i32
      %dma_start3A_975 = tpu.memref_slice %arg3[%dma_start3A_974] : memref<100000xf32, #tpu.memory_space<hbm>> -> memref<100000xf32, #tpu.memory_space<hbm>>
      tpu.enqueue_indirect_dma source(%dma_start3A_975 : memref<100000xf32, #tpu.memory_space<hbm>>) target(%dma_start3A_971 : memref<104xf32, #tpu.memory_space<vmem>>) offsets(%dma_start3A_973 : memref<104xi32, #tpu.memory_space<vmem>>) semaphore(%arg14 : memref<!tpu.dma_semaphore, #tpu.memory_space<semaphore_mem>>)
      %dma_start3A_976 = arith.constant 2912 : i32
      %dma_start3A_977 = tpu.memref_slice %arg6[%dma_start3A_976] : memref<3328xf32, #tpu.memory_space<vmem>> -> memref<104xf32, #tpu.memory_space<vmem>>
      %dma_start3A_978 = arith.constant 2912 : i32
      %dma_start3A_979 = tpu.memref_slice %arg5[%dma_start3A_978] : memref<3328xi32, #tpu.memory_space<vmem>> -> memref<104xi32, #tpu.memory_space<vmem>>
      %dma_start3A_980 = arith.constant 0 : i32
      %dma_start3A_981 = tpu.memref_slice %arg3[%dma_start3A_980] : memref<100000xf32, #tpu.memory_space<hbm>> -> memref<100000xf32, #tpu.memory_space<hbm>>
      tpu.enqueue_indirect_dma source(%dma_start3A_981 : memref<100000xf32, #tpu.memory_space<hbm>>) target(%dma_start3A_977 : memref<104xf32, #tpu.memory_space<vmem>>) offsets(%dma_start3A_979 : memref<104xi32, #tpu.memory_space<vmem>>) semaphore(%arg14 : memref<!tpu.dma_semaphore, #tpu.memory_space<semaphore_mem>>)
      %dma_start3A_982 = arith.constant 3016 : i32
      %dma_start3A_983 = tpu.memref_slice %arg6[%dma_start3A_982] : memref<3328xf32, #tpu.memory_space<vmem>> -> memref<104xf32, #tpu.memory_space<vmem>>
      %dma_start3A_984 = arith.constant 3016 : i32
      %dma_start3A_985 = tpu.memref_slice %arg5[%dma_start3A_984] : memref<3328xi32, #tpu.memory_space<vmem>> -> memref<104xi32, #tpu.memory_space<vmem>>
      %dma_start3A_986 = arith.constant 0 : i32
      %dma_start3A_987 = tpu.memref_slice %arg3[%dma_start3A_986] : memref<100000xf32, #tpu.memory_space<hbm>> -> memref<100000xf32, #tpu.memory_space<hbm>>
      tpu.enqueue_indirect_dma source(%dma_start3A_987 : memref<100000xf32, #tpu.memory_space<hbm>>) target(%dma_start3A_983 : memref<104xf32, #tpu.memory_space<vmem>>) offsets(%dma_start3A_985 : memref<104xi32, #tpu.memory_space<vmem>>) semaphore(%arg14 : memref<!tpu.dma_semaphore, #tpu.memory_space<semaphore_mem>>)
      %dma_start3A_988 = arith.constant 3120 : i32
      %dma_start3A_989 = tpu.memref_slice %arg6[%dma_start3A_988] : memref<3328xf32, #tpu.memory_space<vmem>> -> memref<104xf32, #tpu.memory_space<vmem>>
      %dma_start3A_990 = arith.constant 3120 : i32
      %dma_start3A_991 = tpu.memref_slice %arg5[%dma_start3A_990] : memref<3328xi32, #tpu.memory_space<vmem>> -> memref<104xi32, #tpu.memory_space<vmem>>
      %dma_start3A_992 = arith.constant 0 : i32
      %dma_start3A_993 = tpu.memref_slice %arg3[%dma_start3A_992] : memref<100000xf32, #tpu.memory_space<hbm>> -> memref<100000xf32, #tpu.memory_space<hbm>>
      tpu.enqueue_indirect_dma source(%dma_start3A_993 : memref<100000xf32, #tpu.memory_space<hbm>>) target(%dma_start3A_989 : memref<104xf32, #tpu.memory_space<vmem>>) offsets(%dma_start3A_991 : memref<104xi32, #tpu.memory_space<vmem>>) semaphore(%arg14 : memref<!tpu.dma_semaphore, #tpu.memory_space<semaphore_mem>>)
      %dma_start3A_994 = arith.constant 3224 : i32
      %dma_start3A_995 = tpu.memref_slice %arg6[%dma_start3A_994] : memref<3328xf32, #tpu.memory_space<vmem>> -> memref<104xf32, #tpu.memory_space<vmem>>
      %dma_start3A_996 = arith.constant 3224 : i32
      %dma_start3A_997 = tpu.memref_slice %arg5[%dma_start3A_996] : memref<3328xi32, #tpu.memory_space<vmem>> -> memref<104xi32, #tpu.memory_space<vmem>>
      %dma_start3A_998 = arith.constant 0 : i32
      %dma_start3A_999 = tpu.memref_slice %arg3[%dma_start3A_998] : memref<100000xf32, #tpu.memory_space<hbm>> -> memref<100000xf32, #tpu.memory_space<hbm>>
      tpu.enqueue_indirect_dma source(%dma_start3A_999 : memref<100000xf32, #tpu.memory_space<hbm>>) target(%dma_start3A_995 : memref<104xf32, #tpu.memory_space<vmem>>) offsets(%dma_start3A_997 : memref<104xi32, #tpu.memory_space<vmem>>) semaphore(%arg14 : memref<!tpu.dma_semaphore, #tpu.memory_space<semaphore_mem>>)
      %dma_wait3A_1000 = arith.constant 1664 : i32
      %dma_wait3A_1001 = tpu.memref_slice %arg6[%dma_wait3A_1000] : memref<3328xf32, #tpu.memory_space<vmem>> -> memref<104xf32, #tpu.memory_space<vmem>>
      %dma_wait3A_1002 = arith.constant 1664 : i32
      %dma_wait3A_1003 = tpu.memref_slice %arg5[%dma_wait3A_1002] : memref<3328xi32, #tpu.memory_space<vmem>> -> memref<104xi32, #tpu.memory_space<vmem>>
      %dma_wait3A_1004 = arith.constant 0 : i32
      %dma_wait3A_1005 = tpu.memref_slice %arg3[%dma_wait3A_1004] : memref<100000xf32, #tpu.memory_space<hbm>> -> memref<100000xf32, #tpu.memory_space<hbm>>
      tpu.wait_indirect_dma semaphore(%arg14 : memref<!tpu.dma_semaphore, #tpu.memory_space<semaphore_mem>>) src(%dma_wait3A_1005 : memref<100000xf32, #tpu.memory_space<hbm>>) dst(%dma_wait3A_1001 : memref<104xf32, #tpu.memory_space<vmem>>)
      %dma_wait3A_1006 = arith.constant 1768 : i32
      %dma_wait3A_1007 = tpu.memref_slice %arg6[%dma_wait3A_1006] : memref<3328xf32, #tpu.memory_space<vmem>> -> memref<104xf32, #tpu.memory_space<vmem>>
      %dma_wait3A_1008 = arith.constant 1768 : i32
      %dma_wait3A_1009 = tpu.memref_slice %arg5[%dma_wait3A_1008] : memref<3328xi32, #tpu.memory_space<vmem>> -> memref<104xi32, #tpu.memory_space<vmem>>
      %dma_wait3A_1010 = arith.constant 0 : i32
      %dma_wait3A_1011 = tpu.memref_slice %arg3[%dma_wait3A_1010] : memref<100000xf32, #tpu.memory_space<hbm>> -> memref<100000xf32, #tpu.memory_space<hbm>>
      tpu.wait_indirect_dma semaphore(%arg14 : memref<!tpu.dma_semaphore, #tpu.memory_space<semaphore_mem>>) src(%dma_wait3A_1011 : memref<100000xf32, #tpu.memory_space<hbm>>) dst(%dma_wait3A_1007 : memref<104xf32, #tpu.memory_space<vmem>>)
      %dma_wait3A_1012 = arith.constant 1872 : i32
      %dma_wait3A_1013 = tpu.memref_slice %arg6[%dma_wait3A_1012] : memref<3328xf32, #tpu.memory_space<vmem>> -> memref<104xf32, #tpu.memory_space<vmem>>
      %dma_wait3A_1014 = arith.constant 1872 : i32
      %dma_wait3A_1015 = tpu.memref_slice %arg5[%dma_wait3A_1014] : memref<3328xi32, #tpu.memory_space<vmem>> -> memref<104xi32, #tpu.memory_space<vmem>>
      %dma_wait3A_1016 = arith.constant 0 : i32
      %dma_wait3A_1017 = tpu.memref_slice %arg3[%dma_wait3A_1016] : memref<100000xf32, #tpu.memory_space<hbm>> -> memref<100000xf32, #tpu.memory_space<hbm>>
      tpu.wait_indirect_dma semaphore(%arg14 : memref<!tpu.dma_semaphore, #tpu.memory_space<semaphore_mem>>) src(%dma_wait3A_1017 : memref<100000xf32, #tpu.memory_space<hbm>>) dst(%dma_wait3A_1013 : memref<104xf32, #tpu.memory_space<vmem>>)
      %dma_wait3A_1018 = arith.constant 1976 : i32
      %dma_wait3A_1019 = tpu.memref_slice %arg6[%dma_wait3A_1018] : memref<3328xf32, #tpu.memory_space<vmem>> -> memref<104xf32, #tpu.memory_space<vmem>>
      %dma_wait3A_1020 = arith.constant 1976 : i32
      %dma_wait3A_1021 = tpu.memref_slice %arg5[%dma_wait3A_1020] : memref<3328xi32, #tpu.memory_space<vmem>> -> memref<104xi32, #tpu.memory_space<vmem>>
      %dma_wait3A_1022 = arith.constant 0 : i32
      %dma_wait3A_1023 = tpu.memref_slice %arg3[%dma_wait3A_1022] : memref<100000xf32, #tpu.memory_space<hbm>> -> memref<100000xf32, #tpu.memory_space<hbm>>
      tpu.wait_indirect_dma semaphore(%arg14 : memref<!tpu.dma_semaphore, #tpu.memory_space<semaphore_mem>>) src(%dma_wait3A_1023 : memref<100000xf32, #tpu.memory_space<hbm>>) dst(%dma_wait3A_1019 : memref<104xf32, #tpu.memory_space<vmem>>)
      %dma_wait3A_1024 = arith.constant 2080 : i32
      %dma_wait3A_1025 = tpu.memref_slice %arg6[%dma_wait3A_1024] : memref<3328xf32, #tpu.memory_space<vmem>> -> memref<104xf32, #tpu.memory_space<vmem>>
      %dma_wait3A_1026 = arith.constant 2080 : i32
      %dma_wait3A_1027 = tpu.memref_slice %arg5[%dma_wait3A_1026] : memref<3328xi32, #tpu.memory_space<vmem>> -> memref<104xi32, #tpu.memory_space<vmem>>
      %dma_wait3A_1028 = arith.constant 0 : i32
      %dma_wait3A_1029 = tpu.memref_slice %arg3[%dma_wait3A_1028] : memref<100000xf32, #tpu.memory_space<hbm>> -> memref<100000xf32, #tpu.memory_space<hbm>>
      tpu.wait_indirect_dma semaphore(%arg14 : memref<!tpu.dma_semaphore, #tpu.memory_space<semaphore_mem>>) src(%dma_wait3A_1029 : memref<100000xf32, #tpu.memory_space<hbm>>) dst(%dma_wait3A_1025 : memref<104xf32, #tpu.memory_space<vmem>>)
      %dma_wait3A_1030 = arith.constant 2184 : i32
      %dma_wait3A_1031 = tpu.memref_slice %arg6[%dma_wait3A_1030] : memref<3328xf32, #tpu.memory_space<vmem>> -> memref<104xf32, #tpu.memory_space<vmem>>
      %dma_wait3A_1032 = arith.constant 2184 : i32
      %dma_wait3A_1033 = tpu.memref_slice %arg5[%dma_wait3A_1032] : memref<3328xi32, #tpu.memory_space<vmem>> -> memref<104xi32, #tpu.memory_space<vmem>>
      %dma_wait3A_1034 = arith.constant 0 : i32
      %dma_wait3A_1035 = tpu.memref_slice %arg3[%dma_wait3A_1034] : memref<100000xf32, #tpu.memory_space<hbm>> -> memref<100000xf32, #tpu.memory_space<hbm>>
      tpu.wait_indirect_dma semaphore(%arg14 : memref<!tpu.dma_semaphore, #tpu.memory_space<semaphore_mem>>) src(%dma_wait3A_1035 : memref<100000xf32, #tpu.memory_space<hbm>>) dst(%dma_wait3A_1031 : memref<104xf32, #tpu.memory_space<vmem>>)
      %dma_wait3A_1036 = arith.constant 2288 : i32
      %dma_wait3A_1037 = tpu.memref_slice %arg6[%dma_wait3A_1036] : memref<3328xf32, #tpu.memory_space<vmem>> -> memref<104xf32, #tpu.memory_space<vmem>>
      %dma_wait3A_1038 = arith.constant 2288 : i32
      %dma_wait3A_1039 = tpu.memref_slice %arg5[%dma_wait3A_1038] : memref<3328xi32, #tpu.memory_space<vmem>> -> memref<104xi32, #tpu.memory_space<vmem>>
      %dma_wait3A_1040 = arith.constant 0 : i32
      %dma_wait3A_1041 = tpu.memref_slice %arg3[%dma_wait3A_1040] : memref<100000xf32, #tpu.memory_space<hbm>> -> memref<100000xf32, #tpu.memory_space<hbm>>
      tpu.wait_indirect_dma semaphore(%arg14 : memref<!tpu.dma_semaphore, #tpu.memory_space<semaphore_mem>>) src(%dma_wait3A_1041 : memref<100000xf32, #tpu.memory_space<hbm>>) dst(%dma_wait3A_1037 : memref<104xf32, #tpu.memory_space<vmem>>)
      %dma_wait3A_1042 = arith.constant 2392 : i32
      %dma_wait3A_1043 = tpu.memref_slice %arg6[%dma_wait3A_1042] : memref<3328xf32, #tpu.memory_space<vmem>> -> memref<104xf32, #tpu.memory_space<vmem>>
      %dma_wait3A_1044 = arith.constant 2392 : i32
      %dma_wait3A_1045 = tpu.memref_slice %arg5[%dma_wait3A_1044] : memref<3328xi32, #tpu.memory_space<vmem>> -> memref<104xi32, #tpu.memory_space<vmem>>
      %dma_wait3A_1046 = arith.constant 0 : i32
      %dma_wait3A_1047 = tpu.memref_slice %arg3[%dma_wait3A_1046] : memref<100000xf32, #tpu.memory_space<hbm>> -> memref<100000xf32, #tpu.memory_space<hbm>>
      tpu.wait_indirect_dma semaphore(%arg14 : memref<!tpu.dma_semaphore, #tpu.memory_space<semaphore_mem>>) src(%dma_wait3A_1047 : memref<100000xf32, #tpu.memory_space<hbm>>) dst(%dma_wait3A_1043 : memref<104xf32, #tpu.memory_space<vmem>>)
      %dma_wait3A_1048 = arith.constant 2496 : i32
      %dma_wait3A_1049 = tpu.memref_slice %arg6[%dma_wait3A_1048] : memref<3328xf32, #tpu.memory_space<vmem>> -> memref<104xf32, #tpu.memory_space<vmem>>
      %dma_wait3A_1050 = arith.constant 2496 : i32
      %dma_wait3A_1051 = tpu.memref_slice %arg5[%dma_wait3A_1050] : memref<3328xi32, #tpu.memory_space<vmem>> -> memref<104xi32, #tpu.memory_space<vmem>>
      %dma_wait3A_1052 = arith.constant 0 : i32
      %dma_wait3A_1053 = tpu.memref_slice %arg3[%dma_wait3A_1052] : memref<100000xf32, #tpu.memory_space<hbm>> -> memref<100000xf32, #tpu.memory_space<hbm>>
      tpu.wait_indirect_dma semaphore(%arg14 : memref<!tpu.dma_semaphore, #tpu.memory_space<semaphore_mem>>) src(%dma_wait3A_1053 : memref<100000xf32, #tpu.memory_space<hbm>>) dst(%dma_wait3A_1049 : memref<104xf32, #tpu.memory_space<vmem>>)
      %dma_wait3A_1054 = arith.constant 2600 : i32
      %dma_wait3A_1055 = tpu.memref_slice %arg6[%dma_wait3A_1054] : memref<3328xf32, #tpu.memory_space<vmem>> -> memref<104xf32, #tpu.memory_space<vmem>>
      %dma_wait3A_1056 = arith.constant 2600 : i32
      %dma_wait3A_1057 = tpu.memref_slice %arg5[%dma_wait3A_1056] : memref<3328xi32, #tpu.memory_space<vmem>> -> memref<104xi32, #tpu.memory_space<vmem>>
      %dma_wait3A_1058 = arith.constant 0 : i32
      %dma_wait3A_1059 = tpu.memref_slice %arg3[%dma_wait3A_1058] : memref<100000xf32, #tpu.memory_space<hbm>> -> memref<100000xf32, #tpu.memory_space<hbm>>
      tpu.wait_indirect_dma semaphore(%arg14 : memref<!tpu.dma_semaphore, #tpu.memory_space<semaphore_mem>>) src(%dma_wait3A_1059 : memref<100000xf32, #tpu.memory_space<hbm>>) dst(%dma_wait3A_1055 : memref<104xf32, #tpu.memory_space<vmem>>)
      %dma_wait3A_1060 = arith.constant 2704 : i32
      %dma_wait3A_1061 = tpu.memref_slice %arg6[%dma_wait3A_1060] : memref<3328xf32, #tpu.memory_space<vmem>> -> memref<104xf32, #tpu.memory_space<vmem>>
      %dma_wait3A_1062 = arith.constant 2704 : i32
      %dma_wait3A_1063 = tpu.memref_slice %arg5[%dma_wait3A_1062] : memref<3328xi32, #tpu.memory_space<vmem>> -> memref<104xi32, #tpu.memory_space<vmem>>
      %dma_wait3A_1064 = arith.constant 0 : i32
      %dma_wait3A_1065 = tpu.memref_slice %arg3[%dma_wait3A_1064] : memref<100000xf32, #tpu.memory_space<hbm>> -> memref<100000xf32, #tpu.memory_space<hbm>>
      tpu.wait_indirect_dma semaphore(%arg14 : memref<!tpu.dma_semaphore, #tpu.memory_space<semaphore_mem>>) src(%dma_wait3A_1065 : memref<100000xf32, #tpu.memory_space<hbm>>) dst(%dma_wait3A_1061 : memref<104xf32, #tpu.memory_space<vmem>>)
      %dma_wait3A_1066 = arith.constant 2808 : i32
      %dma_wait3A_1067 = tpu.memref_slice %arg6[%dma_wait3A_1066] : memref<3328xf32, #tpu.memory_space<vmem>> -> memref<104xf32, #tpu.memory_space<vmem>>
      %dma_wait3A_1068 = arith.constant 2808 : i32
      %dma_wait3A_1069 = tpu.memref_slice %arg5[%dma_wait3A_1068] : memref<3328xi32, #tpu.memory_space<vmem>> -> memref<104xi32, #tpu.memory_space<vmem>>
      %dma_wait3A_1070 = arith.constant 0 : i32
      %dma_wait3A_1071 = tpu.memref_slice %arg3[%dma_wait3A_1070] : memref<100000xf32, #tpu.memory_space<hbm>> -> memref<100000xf32, #tpu.memory_space<hbm>>
      tpu.wait_indirect_dma semaphore(%arg14 : memref<!tpu.dma_semaphore, #tpu.memory_space<semaphore_mem>>) src(%dma_wait3A_1071 : memref<100000xf32, #tpu.memory_space<hbm>>) dst(%dma_wait3A_1067 : memref<104xf32, #tpu.memory_space<vmem>>)
      %dma_wait3A_1072 = arith.constant 2912 : i32
      %dma_wait3A_1073 = tpu.memref_slice %arg6[%dma_wait3A_1072] : memref<3328xf32, #tpu.memory_space<vmem>> -> memref<104xf32, #tpu.memory_space<vmem>>
      %dma_wait3A_1074 = arith.constant 2912 : i32
      %dma_wait3A_1075 = tpu.memref_slice %arg5[%dma_wait3A_1074] : memref<3328xi32, #tpu.memory_space<vmem>> -> memref<104xi32, #tpu.memory_space<vmem>>
      %dma_wait3A_1076 = arith.constant 0 : i32
      %dma_wait3A_1077 = tpu.memref_slice %arg3[%dma_wait3A_1076] : memref<100000xf32, #tpu.memory_space<hbm>> -> memref<100000xf32, #tpu.memory_space<hbm>>
      tpu.wait_indirect_dma semaphore(%arg14 : memref<!tpu.dma_semaphore, #tpu.memory_space<semaphore_mem>>) src(%dma_wait3A_1077 : memref<100000xf32, #tpu.memory_space<hbm>>) dst(%dma_wait3A_1073 : memref<104xf32, #tpu.memory_space<vmem>>)
      %dma_wait3A_1078 = arith.constant 3016 : i32
      %dma_wait3A_1079 = tpu.memref_slice %arg6[%dma_wait3A_1078] : memref<3328xf32, #tpu.memory_space<vmem>> -> memref<104xf32, #tpu.memory_space<vmem>>
      %dma_wait3A_1080 = arith.constant 3016 : i32
      %dma_wait3A_1081 = tpu.memref_slice %arg5[%dma_wait3A_1080] : memref<3328xi32, #tpu.memory_space<vmem>> -> memref<104xi32, #tpu.memory_space<vmem>>
      %dma_wait3A_1082 = arith.constant 0 : i32
      %dma_wait3A_1083 = tpu.memref_slice %arg3[%dma_wait3A_1082] : memref<100000xf32, #tpu.memory_space<hbm>> -> memref<100000xf32, #tpu.memory_space<hbm>>
      tpu.wait_indirect_dma semaphore(%arg14 : memref<!tpu.dma_semaphore, #tpu.memory_space<semaphore_mem>>) src(%dma_wait3A_1083 : memref<100000xf32, #tpu.memory_space<hbm>>) dst(%dma_wait3A_1079 : memref<104xf32, #tpu.memory_space<vmem>>)
      %dma_wait3A_1084 = arith.constant 3120 : i32
      %dma_wait3A_1085 = tpu.memref_slice %arg6[%dma_wait3A_1084] : memref<3328xf32, #tpu.memory_space<vmem>> -> memref<104xf32, #tpu.memory_space<vmem>>
      %dma_wait3A_1086 = arith.constant 3120 : i32
      %dma_wait3A_1087 = tpu.memref_slice %arg5[%dma_wait3A_1086] : memref<3328xi32, #tpu.memory_space<vmem>> -> memref<104xi32, #tpu.memory_space<vmem>>
      %dma_wait3A_1088 = arith.constant 0 : i32
      %dma_wait3A_1089 = tpu.memref_slice %arg3[%dma_wait3A_1088] : memref<100000xf32, #tpu.memory_space<hbm>> -> memref<100000xf32, #tpu.memory_space<hbm>>
      tpu.wait_indirect_dma semaphore(%arg14 : memref<!tpu.dma_semaphore, #tpu.memory_space<semaphore_mem>>) src(%dma_wait3A_1089 : memref<100000xf32, #tpu.memory_space<hbm>>) dst(%dma_wait3A_1085 : memref<104xf32, #tpu.memory_space<vmem>>)
      %dma_wait3A_1090 = arith.constant 3224 : i32
      %dma_wait3A_1091 = tpu.memref_slice %arg6[%dma_wait3A_1090] : memref<3328xf32, #tpu.memory_space<vmem>> -> memref<104xf32, #tpu.memory_space<vmem>>
      %dma_wait3A_1092 = arith.constant 3224 : i32
      %dma_wait3A_1093 = tpu.memref_slice %arg5[%dma_wait3A_1092] : memref<3328xi32, #tpu.memory_space<vmem>> -> memref<104xi32, #tpu.memory_space<vmem>>
      %dma_wait3A_1094 = arith.constant 0 : i32
      %dma_wait3A_1095 = tpu.memref_slice %arg3[%dma_wait3A_1094] : memref<100000xf32, #tpu.memory_space<hbm>> -> memref<100000xf32, #tpu.memory_space<hbm>>
      tpu.wait_indirect_dma semaphore(%arg14 : memref<!tpu.dma_semaphore, #tpu.memory_space<semaphore_mem>>) src(%dma_wait3A_1095 : memref<100000xf32, #tpu.memory_space<hbm>>) dst(%dma_wait3A_1091 : memref<104xf32, #tpu.memory_space<vmem>>)
      %scan3A_1096 = arith.constant 0 : i32
      %scan3A_1097 = arith.constant 0 : i32
      %scan3A_1098 = arith.constant 16 : i32
      %scan3A_1099 = arith.addi %scan3A_1097, %scan3A_1098 : i32
      %scan3A_1100 = arith.constant 1 : i32
      scf.for %scan3A_1102 = %scan3A_1097 to %scan3A_1099 step %scan3A_1100  : i32 {
        %mul3A_1103 = arith.constant 208 : i32
        %mul3A_1104 = arith.muli %scan3A_1102, %mul3A_1103 : i32
        %add3A_1105 = arith.constant 0 : i32
        %add3A_1106 = arith.addi %mul3A_1104, %add3A_1105 : i32
        %get3A_1107 = arith.index_cast %add3A_1106 : i32 to index
        %get3A_1108 = tpu.vector_load %arg6[%get3A_1107] {strides = array<i32>} : memref<3328xf32, #tpu.memory_space<vmem>>, vector<16xf32>,
        %add3A_1109 = arith.addf %broadcast_in_dim3A_33, %get3A_1108 : vector<16xf32>
        %add3A_1110 = arith.constant 16 : i32
        %add3A_1111 = arith.addi %mul3A_1104, %add3A_1110 : i32
        %get3A_1112 = arith.index_cast %add3A_1111 : i32 to index
        %get3A_1113 = tpu.vector_load %arg6[%get3A_1112] {strides = array<i32>} : memref<3328xf32, #tpu.memory_space<vmem>>, vector<16xf32>,
        %add3A_1114 = arith.addf %add3A_1109, %get3A_1113 : vector<16xf32>
        %add3A_1115 = arith.constant 32 : i32
        %add3A_1116 = arith.addi %mul3A_1104, %add3A_1115 : i32
        %get3A_1117 = arith.index_cast %add3A_1116 : i32 to index
        %get3A_1118 = tpu.vector_load %arg6[%get3A_1117] {strides = array<i32>} : memref<3328xf32, #tpu.memory_space<vmem>>, vector<16xf32>,
        %add3A_1119 = arith.addf %add3A_1114, %get3A_1118 : vector<16xf32>
        %add3A_1120 = arith.constant 48 : i32
        %add3A_1121 = arith.addi %mul3A_1104, %add3A_1120 : i32
        %get3A_1122 = arith.index_cast %add3A_1121 : i32 to index
        %get3A_1123 = tpu.vector_load %arg6[%get3A_1122] {strides = array<i32>} : memref<3328xf32, #tpu.memory_space<vmem>>, vector<16xf32>,
        %add3A_1124 = arith.addf %add3A_1119, %get3A_1123 : vector<16xf32>
        %add3A_1125 = arith.constant 64 : i32
        %add3A_1126 = arith.addi %mul3A_1104, %add3A_1125 : i32
        %get3A_1127 = arith.index_cast %add3A_1126 : i32 to index
        %get3A_1128 = tpu.vector_load %arg6[%get3A_1127] {strides = array<i32>} : memref<3328xf32, #tpu.memory_space<vmem>>, vector<16xf32>,
        %add3A_1129 = arith.addf %add3A_1124, %get3A_1128 : vector<16xf32>
        %add3A_1130 = arith.constant 80 : i32
        %add3A_1131 = arith.addi %mul3A_1104, %add3A_1130 : i32
        %get3A_1132 = arith.index_cast %add3A_1131 : i32 to index
        %get3A_1133 = tpu.vector_load %arg6[%get3A_1132] {strides = array<i32>} : memref<3328xf32, #tpu.memory_space<vmem>>, vector<16xf32>,
        %add3A_1134 = arith.addf %add3A_1129, %get3A_1133 : vector<16xf32>
        %add3A_1135 = arith.constant 96 : i32
        %add3A_1136 = arith.addi %mul3A_1104, %add3A_1135 : i32
        %get3A_1137 = arith.index_cast %add3A_1136 : i32 to index
        %get3A_1138 = tpu.vector_load %arg6[%get3A_1137] {strides = array<i32>} : memref<3328xf32, #tpu.memory_space<vmem>>, vector<16xf32>,
        %add3A_1139 = arith.addf %add3A_1134, %get3A_1138 : vector<16xf32>
        %add3A_1140 = arith.constant 112 : i32
        %add3A_1141 = arith.addi %mul3A_1104, %add3A_1140 : i32
        %get3A_1142 = arith.index_cast %add3A_1141 : i32 to index
        %get3A_1143 = tpu.vector_load %arg6[%get3A_1142] {strides = array<i32>} : memref<3328xf32, #tpu.memory_space<vmem>>, vector<16xf32>,
        %add3A_1144 = arith.addf %add3A_1139, %get3A_1143 : vector<16xf32>
        %add3A_1145 = arith.constant 128 : i32
        %add3A_1146 = arith.addi %mul3A_1104, %add3A_1145 : i32
        %get3A_1147 = arith.index_cast %add3A_1146 : i32 to index
        %get3A_1148 = tpu.vector_load %arg6[%get3A_1147] {strides = array<i32>} : memref<3328xf32, #tpu.memory_space<vmem>>, vector<16xf32>,
        %add3A_1149 = arith.addf %add3A_1144, %get3A_1148 : vector<16xf32>
        %add3A_1150 = arith.constant 144 : i32
        %add3A_1151 = arith.addi %mul3A_1104, %add3A_1150 : i32
        %get3A_1152 = arith.index_cast %add3A_1151 : i32 to index
        %get3A_1153 = tpu.vector_load %arg6[%get3A_1152] {strides = array<i32>} : memref<3328xf32, #tpu.memory_space<vmem>>, vector<16xf32>,
        %add3A_1154 = arith.addf %add3A_1149, %get3A_1153 : vector<16xf32>
        %add3A_1155 = arith.constant 160 : i32
        %add3A_1156 = arith.addi %mul3A_1104, %add3A_1155 : i32
        %get3A_1157 = arith.index_cast %add3A_1156 : i32 to index
        %get3A_1158 = tpu.vector_load %arg6[%get3A_1157] {strides = array<i32>} : memref<3328xf32, #tpu.memory_space<vmem>>, vector<16xf32>,
        %add3A_1159 = arith.addf %add3A_1154, %get3A_1158 : vector<16xf32>
        %add3A_1160 = arith.constant 176 : i32
        %add3A_1161 = arith.addi %mul3A_1104, %add3A_1160 : i32
        %get3A_1162 = arith.index_cast %add3A_1161 : i32 to index
        %get3A_1163 = tpu.vector_load %arg6[%get3A_1162] {strides = array<i32>} : memref<3328xf32, #tpu.memory_space<vmem>>, vector<16xf32>,
        %add3A_1164 = arith.addf %add3A_1159, %get3A_1163 : vector<16xf32>
        %add3A_1165 = arith.constant 192 : i32
        %add3A_1166 = arith.addi %mul3A_1104, %add3A_1165 : i32
        %get3A_1167 = arith.index_cast %add3A_1166 : i32 to index
        %get3A_1168 = tpu.vector_load %arg6[%get3A_1167] {strides = array<i32>} : memref<3328xf32, #tpu.memory_space<vmem>>, vector<16xf32>,
        %lt3A_1169 = arith.constant 8 : i32
        %lt3A_1170 = vector.broadcast %lt3A_1169 : i32 to vector<16xi32>
        %lt3A_1171 = arith.cmpi slt, %iota3A, %lt3A_1170 : vector<16xi32>
        %jit3A_1172 = arith.constant 0.000000e+00 : f32
        %broadcast_in_dim3A_1173 = vector.broadcast %jit3A_1172 : f32 to vector<16xf32>
        %select_n3A_1174 = arith.select %lt3A_1171, %get3A_1168, %broadcast_in_dim3A_1173 : vector<16xi1>, vector<16xf32>
        %add3A_1175 = arith.addf %add3A_1164, %select_n3A_1174 : vector<16xf32>
        %xor3A = arith.constant 8 : i32
        %xor3A_1176 = vector.broadcast %xor3A : i32 to vector<16xi32>
        %xor3A_1177 = arith.xori %iota3A, %xor3A_1176 : vector<16xi32>
        %broadcast_in_dim3A_1178 = vector.shape_cast %xor3A_1177 : vector<16xi32> to vector<16x1xi32>
        %gather3A_1179 = vector.shape_cast %broadcast_in_dim3A_1178 : vector<16x1xi32> to vector<16xi32>
        %gather3A_1180 = tpu.dynamic_gather %add3A_1175[%gather3A_1179] in [0] : vector<16xf32>, vector<16xi32> -> vector<16xf32>
        %add3A_1181 = arith.addf %add3A_1175, %gather3A_1180 : vector<16xf32>
        %xor3A_1182 = arith.constant 4 : i32
        %xor3A_1183 = vector.broadcast %xor3A_1182 : i32 to vector<16xi32>
        %xor3A_1184 = arith.xori %iota3A, %xor3A_1183 : vector<16xi32>
        %broadcast_in_dim3A_1185 = vector.shape_cast %xor3A_1184 : vector<16xi32> to vector<16x1xi32>
        %gather3A_1186 = vector.shape_cast %broadcast_in_dim3A_1185 : vector<16x1xi32> to vector<16xi32>
        %gather3A_1187 = tpu.dynamic_gather %add3A_1181[%gather3A_1186] in [0] : vector<16xf32>, vector<16xi32> -> vector<16xf32>
        %add3A_1188 = arith.addf %add3A_1181, %gather3A_1187 : vector<16xf32>
        %xor3A_1189 = arith.constant 2 : i32
        %xor3A_1190 = vector.broadcast %xor3A_1189 : i32 to vector<16xi32>
        %xor3A_1191 = arith.xori %iota3A, %xor3A_1190 : vector<16xi32>
        %broadcast_in_dim3A_1192 = vector.shape_cast %xor3A_1191 : vector<16xi32> to vector<16x1xi32>
        %gather3A_1193 = vector.shape_cast %broadcast_in_dim3A_1192 : vector<16x1xi32> to vector<16xi32>
        %gather3A_1194 = tpu.dynamic_gather %add3A_1188[%gather3A_1193] in [0] : vector<16xf32>, vector<16xi32> -> vector<16xf32>
        %add3A_1195 = arith.addf %add3A_1188, %gather3A_1194 : vector<16xf32>
        %xor3A_1196 = arith.constant 1 : i32
        %xor3A_1197 = vector.broadcast %xor3A_1196 : i32 to vector<16xi32>
        %xor3A_1198 = arith.xori %iota3A, %xor3A_1197 : vector<16xi32>
        %broadcast_in_dim3A_1199 = vector.shape_cast %xor3A_1198 : vector<16xi32> to vector<16x1xi32>
        %gather3A_1200 = vector.shape_cast %broadcast_in_dim3A_1199 : vector<16x1xi32> to vector<16xi32>
        %gather3A_1201 = tpu.dynamic_gather %add3A_1195[%gather3A_1200] in [0] : vector<16xf32>, vector<16xi32> -> vector<16xf32>
        %add3A_1202 = arith.addf %add3A_1195, %gather3A_1201 : vector<16xf32>
        %div3A_1203 = arith.constant 1.000000e+00 : f32
        %div3A_1204 = vector.broadcast %div3A_1203 : f32 to vector<16xf32>
        %div3A_1205 = arith.divf %div3A_1204, %add3A_1202 : vector<16xf32>
        %mul3A_1206 = arith.constant 16 : i32
        %mul3A_1207 = arith.muli %mul3A_1206, %scan3A_375 : i32
        %add3A_1208 = arith.addi %mul3A_1207, %scan3A_1102 : i32
        %add3A_1209 = arith.constant 0 : i32
        %add3A_1210 = arith.addi %mul3A_1104, %add3A_1209 : i32
        %get3A_1211 = arith.index_cast %add3A_1210 : i32 to index
        %get3A_1212 = tpu.vector_load %arg5[%get3A_1211] {strides = array<i32>} : memref<3328xi32, #tpu.memory_space<vmem>>, vector<16xi32>,
        %add3A_1213 = arith.constant 0 : i32
        %add3A_1214 = arith.addi %mul3A_1104, %add3A_1213 : i32
        %get3A_1215 = arith.index_cast %add3A_1214 : i32 to index
        %get3A_1216 = tpu.vector_load %arg6[%get3A_1215] {strides = array<i32>} : memref<3328xf32, #tpu.memory_space<vmem>>, vector<16xf32>,
        %mul3A_1217 = arith.mulf %get3A_1216, %div3A_1205 : vector<16xf32>
        %ge3A = arith.constant 0 : i32
        %ge3A_1218 = vector.broadcast %ge3A : i32 to vector<16xi32>
        %ge3A_1219 = arith.cmpi sge, %iota3A, %ge3A_1218 : vector<16xi32>
        %shift_right_arithmetic3A = arith.constant 3 : i32
        %shift_right_arithmetic3A_1220 = vector.broadcast %shift_right_arithmetic3A : i32 to vector<16xi32>
        %shift_right_arithmetic3A_1221 = arith.shrsi %get3A_1212, %shift_right_arithmetic3A_1220 : vector<16xi32>
        %sub3A_1222 = vector.broadcast %mul3A_32 : i32 to vector<16xi32>
        %sub3A_1223 = arith.subi %shift_right_arithmetic3A_1221, %sub3A_1222 : vector<16xi32>
        %ge3A_1224 = arith.constant 0 : i32
        %ge3A_1225 = vector.broadcast %ge3A_1224 : i32 to vector<16xi32>
        %ge3A_1226 = arith.cmpi sge, %sub3A_1223, %ge3A_1225 : vector<16xi32>
        %and3A_1227 = arith.andi %ge3A_1219, %ge3A_1226 : vector<16xi1>
        %lt3A_1228 = arith.constant 3125 : i32
        %lt3A_1229 = vector.broadcast %lt3A_1228 : i32 to vector<16xi32>
        %lt3A_1230 = arith.cmpi slt, %sub3A_1223, %lt3A_1229 : vector<16xi32>
        %and3A_1231 = arith.andi %and3A_1227, %lt3A_1230 : vector<16xi1>
        %mul3A_1232 = arith.constant 5243 : i32
        %mul3A_1233 = vector.broadcast %mul3A_1232 : i32 to vector<16xi32>
        %mul3A_1234 = arith.muli %sub3A_1223, %mul3A_1233 : vector<16xi32>
        %shift_right_arithmetic3A_1235 = arith.constant 17 : i32
        %shift_right_arithmetic3A_1236 = vector.broadcast %shift_right_arithmetic3A_1235 : i32 to vector<16xi32>
        %shift_right_arithmetic3A_1237 = arith.shrsi %mul3A_1234, %shift_right_arithmetic3A_1236 : vector<16xi32>
        %jit3A_1238 = arith.constant 125 : i32
        %broadcast_in_dim3A_1239 = vector.broadcast %jit3A_1238 : i32 to vector<16xi32>
        %select_n3A_1240 = arith.select %and3A_1231, %shift_right_arithmetic3A_1237, %broadcast_in_dim3A_1239 : vector<16xi1>, vector<16xi32>
        %masked_sort3A = arith.constant dense<true> : vector<16xi1>
        %masked_sort3A_1241 = arith.constant -2147483648 : i32
        %masked_sort3A_1242 = vector.broadcast %masked_sort3A_1241 : i32 to vector<16xi32>
        %masked_sort3A_1243 = arith.xori %select_n3A_1240, %masked_sort3A_1242 : vector<16xi32>
        %masked_sort3A_1244, %masked_sort3A_1245, %masked_sort3A_1246 = tpu.sort %masked_sort3A_1243, %iota3A masked %masked_sort3A : (vector<16xi32>, vector<16xi32>, vector<16xi1>) -> (vector<16xi1>, vector<16xi32>, vector<16xi32>)
        %masked_sort3A_1247 = arith.xori %masked_sort3A_1245, %masked_sort3A_1242 : vector<16xi32>
        %broadcast_in_dim3A_1248 = vector.shape_cast %masked_sort3A_1246 : vector<16xi32> to vector<16x1xi32>
        %gather3A_1249 = vector.shape_cast %broadcast_in_dim3A_1248 : vector<16x1xi32> to vector<16xi32>
        %gather3A_1250 = tpu.dynamic_gather %get3A_1212[%gather3A_1249] in [0] : vector<16xi32>, vector<16xi32> -> vector<16xi32>
        %broadcast_in_dim3A_1251 = vector.shape_cast %masked_sort3A_1246 : vector<16xi32> to vector<16x1xi32>
        %gather3A_1252 = vector.shape_cast %broadcast_in_dim3A_1251 : vector<16x1xi32> to vector<16xi32>
        %gather3A_1253 = tpu.dynamic_gather %mul3A_1217[%gather3A_1252] in [0] : vector<16xf32>, vector<16xi32> -> vector<16xf32>
        %sub3A_1254 = arith.constant 1 : i32
        %sub3A_1255 = vector.broadcast %sub3A_1254 : i32 to vector<16xi32>
        %sub3A_1256 = arith.subi %iota3A, %sub3A_1255 : vector<16xi32>
        %and3A_1257 = arith.constant 15 : i32
        %and3A_1258 = vector.broadcast %and3A_1257 : i32 to vector<16xi32>
        %and3A_1259 = arith.andi %sub3A_1256, %and3A_1258 : vector<16xi32>
        %broadcast_in_dim3A_1260 = vector.shape_cast %and3A_1259 : vector<16xi32> to vector<16x1xi32>
        %gather3A_1261 = vector.shape_cast %broadcast_in_dim3A_1260 : vector<16x1xi32> to vector<16xi32>
        %gather3A_1262 = tpu.dynamic_gather %masked_sort3A_1247[%gather3A_1261] in [0] : vector<16xi32>, vector<16xi32> -> vector<16xi32>
        %eq3A_1263 = arith.constant 0 : i32
        %eq3A_1264 = vector.broadcast %eq3A_1263 : i32 to vector<16xi32>
        %eq3A_1265 = arith.cmpi eq, %iota3A, %eq3A_1264 : vector<16xi32>
        %ne3A_1266 = arith.cmpi ne, %masked_sort3A_1247, %gather3A_1262 : vector<16xi32>
        %or3A = arith.ori %eq3A_1265, %ne3A_1266 : vector<16xi1>
        %jit3A_1267 = arith.constant 0 : i32
        %broadcast_in_dim3A_1268 = vector.broadcast %jit3A_1267 : i32 to vector<16xi32>
        %select_n3A_1269 = arith.select %or3A, %iota3A, %broadcast_in_dim3A_1268 : vector<16xi1>, vector<16xi32>
        %broadcast_in_dim3A_1270 = arith.constant true
        %broadcast_in_dim3A_1271 = vector.broadcast %broadcast_in_dim3A_1270 : i1 to vector<16xi1>
        %masked_cummax3A = arith.constant -2147483648 : i32
        %masked_cummax3A_1272 = vector.broadcast %masked_cummax3A : i32 to vector<16xi32>
        %masked_cummax3A_1273 = arith.xori %select_n3A_1269, %masked_cummax3A_1272 : vector<16xi32>
        %masked_cummax3A_1274 = tpu.scan <max>, %masked_cummax3A_1273 masked %broadcast_in_dim3A_1271 : vector<16xi32>, vector<16xi1> -> vector<16xi32>
        %masked_cummax3A_1275 = arith.xori %masked_cummax3A_1274, %masked_cummax3A_1272 : vector<16xi32>
        %sub3A_1276 = arith.subi %iota3A, %masked_cummax3A_1275 : vector<16xi32>
        %gather3A_1277 = tpu.vector_load_idx %arg11[%masked_sort3A_1247] : memref<128xi32, #tpu.memory_space<vmem>>[vector<16xi32>], vector<16xi32>,
        %add3A_1278 = arith.addi %gather3A_1277, %sub3A_1276 : vector<16xi32>
        %mul3A_1279 = arith.constant 128 : i32
        %mul3A_1280 = vector.broadcast %mul3A_1279 : i32 to vector<16xi32>
        %mul3A_1281 = arith.muli %gather3A_1250, %mul3A_1280 : vector<16xi32>
        %add3A_1282 = vector.broadcast %add3A_1208 : i32 to vector<16xi32>
        %add3A_1283 = arith.addi %mul3A_1281, %add3A_1282 : vector<16xi32>
        tpu.vector_store_idx %arg7[%add3A_1278], %add3A_1283 : memref<28640xi32, #tpu.memory_space<vmem>>[vector<16xi32>], vector<16xi32>,
        tpu.vector_store_idx %arg8[%add3A_1278], %gather3A_1253 : memref<28640xf32, #tpu.memory_space<vmem>>[vector<16xi32>], vector<16xf32>,
        tpu.vector_store_idx %arg11[%masked_sort3A_1247], %broadcast_in_dim3A_37 {add = true} : memref<128xi32, #tpu.memory_space<vmem>>[vector<16xi32>], vector<16xi32>,
        %add3A_1284 = arith.constant 16 : i32
        %add3A_1285 = arith.addi %mul3A_1104, %add3A_1284 : i32
        %get3A_1286 = arith.index_cast %add3A_1285 : i32 to index
        %get3A_1287 = tpu.vector_load %arg5[%get3A_1286] {strides = array<i32>} : memref<3328xi32, #tpu.memory_space<vmem>>, vector<16xi32>,
        %add3A_1288 = arith.constant 16 : i32
        %add3A_1289 = arith.addi %mul3A_1104, %add3A_1288 : i32
        %get3A_1290 = arith.index_cast %add3A_1289 : i32 to index
        %get3A_1291 = tpu.vector_load %arg6[%get3A_1290] {strides = array<i32>} : memref<3328xf32, #tpu.memory_space<vmem>>, vector<16xf32>,
        %mul3A_1292 = arith.mulf %get3A_1291, %div3A_1205 : vector<16xf32>
        %ge3A_1293 = arith.constant 0 : i32
        %ge3A_1294 = vector.broadcast %ge3A_1293 : i32 to vector<16xi32>
        %ge3A_1295 = arith.cmpi sge, %iota3A, %ge3A_1294 : vector<16xi32>
        %shift_right_arithmetic3A_1296 = arith.constant 3 : i32
        %shift_right_arithmetic3A_1297 = vector.broadcast %shift_right_arithmetic3A_1296 : i32 to vector<16xi32>
        %shift_right_arithmetic3A_1298 = arith.shrsi %get3A_1287, %shift_right_arithmetic3A_1297 : vector<16xi32>
        %sub3A_1299 = vector.broadcast %mul3A_32 : i32 to vector<16xi32>
        %sub3A_1300 = arith.subi %shift_right_arithmetic3A_1298, %sub3A_1299 : vector<16xi32>
        %ge3A_1301 = arith.constant 0 : i32
        %ge3A_1302 = vector.broadcast %ge3A_1301 : i32 to vector<16xi32>
        %ge3A_1303 = arith.cmpi sge, %sub3A_1300, %ge3A_1302 : vector<16xi32>
        %and3A_1304 = arith.andi %ge3A_1295, %ge3A_1303 : vector<16xi1>
        %lt3A_1305 = arith.constant 3125 : i32
        %lt3A_1306 = vector.broadcast %lt3A_1305 : i32 to vector<16xi32>
        %lt3A_1307 = arith.cmpi slt, %sub3A_1300, %lt3A_1306 : vector<16xi32>
        %and3A_1308 = arith.andi %and3A_1304, %lt3A_1307 : vector<16xi1>
        %mul3A_1309 = arith.constant 5243 : i32
        %mul3A_1310 = vector.broadcast %mul3A_1309 : i32 to vector<16xi32>
        %mul3A_1311 = arith.muli %sub3A_1300, %mul3A_1310 : vector<16xi32>
        %shift_right_arithmetic3A_1312 = arith.constant 17 : i32
        %shift_right_arithmetic3A_1313 = vector.broadcast %shift_right_arithmetic3A_1312 : i32 to vector<16xi32>
        %shift_right_arithmetic3A_1314 = arith.shrsi %mul3A_1311, %shift_right_arithmetic3A_1313 : vector<16xi32>
        %jit3A_1315 = arith.constant 125 : i32
        %broadcast_in_dim3A_1316 = vector.broadcast %jit3A_1315 : i32 to vector<16xi32>
        %select_n3A_1317 = arith.select %and3A_1308, %shift_right_arithmetic3A_1314, %broadcast_in_dim3A_1316 : vector<16xi1>, vector<16xi32>
        %masked_sort3A_1318 = arith.constant dense<true> : vector<16xi1>
        %masked_sort3A_1319 = arith.constant -2147483648 : i32
        %masked_sort3A_1320 = vector.broadcast %masked_sort3A_1319 : i32 to vector<16xi32>
        %masked_sort3A_1321 = arith.xori %select_n3A_1317, %masked_sort3A_1320 : vector<16xi32>
        %masked_sort3A_1322, %masked_sort3A_1323, %masked_sort3A_1324 = tpu.sort %masked_sort3A_1321, %iota3A masked %masked_sort3A_1318 : (vector<16xi32>, vector<16xi32>, vector<16xi1>) -> (vector<16xi1>, vector<16xi32>, vector<16xi32>)
        %masked_sort3A_1325 = arith.xori %masked_sort3A_1323, %masked_sort3A_1320 : vector<16xi32>
        %broadcast_in_dim3A_1326 = vector.shape_cast %masked_sort3A_1324 : vector<16xi32> to vector<16x1xi32>
        %gather3A_1327 = vector.shape_cast %broadcast_in_dim3A_1326 : vector<16x1xi32> to vector<16xi32>
        %gather3A_1328 = tpu.dynamic_gather %get3A_1287[%gather3A_1327] in [0] : vector<16xi32>, vector<16xi32> -> vector<16xi32>
        %broadcast_in_dim3A_1329 = vector.shape_cast %masked_sort3A_1324 : vector<16xi32> to vector<16x1xi32>
        %gather3A_1330 = vector.shape_cast %broadcast_in_dim3A_1329 : vector<16x1xi32> to vector<16xi32>
        %gather3A_1331 = tpu.dynamic_gather %mul3A_1292[%gather3A_1330] in [0] : vector<16xf32>, vector<16xi32> -> vector<16xf32>
        %sub3A_1332 = arith.constant 1 : i32
        %sub3A_1333 = vector.broadcast %sub3A_1332 : i32 to vector<16xi32>
        %sub3A_1334 = arith.subi %iota3A, %sub3A_1333 : vector<16xi32>
        %and3A_1335 = arith.constant 15 : i32
        %and3A_1336 = vector.broadcast %and3A_1335 : i32 to vector<16xi32>
        %and3A_1337 = arith.andi %sub3A_1334, %and3A_1336 : vector<16xi32>
        %broadcast_in_dim3A_1338 = vector.shape_cast %and3A_1337 : vector<16xi32> to vector<16x1xi32>
        %gather3A_1339 = vector.shape_cast %broadcast_in_dim3A_1338 : vector<16x1xi32> to vector<16xi32>
        %gather3A_1340 = tpu.dynamic_gather %masked_sort3A_1325[%gather3A_1339] in [0] : vector<16xi32>, vector<16xi32> -> vector<16xi32>
        %eq3A_1341 = arith.constant 0 : i32
        %eq3A_1342 = vector.broadcast %eq3A_1341 : i32 to vector<16xi32>
        %eq3A_1343 = arith.cmpi eq, %iota3A, %eq3A_1342 : vector<16xi32>
        %ne3A_1344 = arith.cmpi ne, %masked_sort3A_1325, %gather3A_1340 : vector<16xi32>
        %or3A_1345 = arith.ori %eq3A_1343, %ne3A_1344 : vector<16xi1>
        %jit3A_1346 = arith.constant 0 : i32
        %broadcast_in_dim3A_1347 = vector.broadcast %jit3A_1346 : i32 to vector<16xi32>
        %select_n3A_1348 = arith.select %or3A_1345, %iota3A, %broadcast_in_dim3A_1347 : vector<16xi1>, vector<16xi32>
        %broadcast_in_dim3A_1349 = arith.constant true
        %broadcast_in_dim3A_1350 = vector.broadcast %broadcast_in_dim3A_1349 : i1 to vector<16xi1>
        %masked_cummax3A_1351 = arith.constant -2147483648 : i32
        %masked_cummax3A_1352 = vector.broadcast %masked_cummax3A_1351 : i32 to vector<16xi32>
        %masked_cummax3A_1353 = arith.xori %select_n3A_1348, %masked_cummax3A_1352 : vector<16xi32>
        %masked_cummax3A_1354 = tpu.scan <max>, %masked_cummax3A_1353 masked %broadcast_in_dim3A_1350 : vector<16xi32>, vector<16xi1> -> vector<16xi32>
        %masked_cummax3A_1355 = arith.xori %masked_cummax3A_1354, %masked_cummax3A_1352 : vector<16xi32>
        %sub3A_1356 = arith.subi %iota3A, %masked_cummax3A_1355 : vector<16xi32>
        %gather3A_1357 = tpu.vector_load_idx %arg11[%masked_sort3A_1325] : memref<128xi32, #tpu.memory_space<vmem>>[vector<16xi32>], vector<16xi32>,
        %add3A_1358 = arith.addi %gather3A_1357, %sub3A_1356 : vector<16xi32>
        %mul3A_1359 = arith.constant 128 : i32
        %mul3A_1360 = vector.broadcast %mul3A_1359 : i32 to vector<16xi32>
        %mul3A_1361 = arith.muli %gather3A_1328, %mul3A_1360 : vector<16xi32>
        %add3A_1362 = vector.broadcast %add3A_1208 : i32 to vector<16xi32>
        %add3A_1363 = arith.addi %mul3A_1361, %add3A_1362 : vector<16xi32>
        tpu.vector_store_idx %arg7[%add3A_1358], %add3A_1363 : memref<28640xi32, #tpu.memory_space<vmem>>[vector<16xi32>], vector<16xi32>,
        tpu.vector_store_idx %arg8[%add3A_1358], %gather3A_1331 : memref<28640xf32, #tpu.memory_space<vmem>>[vector<16xi32>], vector<16xf32>,
        tpu.vector_store_idx %arg11[%masked_sort3A_1325], %broadcast_in_dim3A_37 {add = true} : memref<128xi32, #tpu.memory_space<vmem>>[vector<16xi32>], vector<16xi32>,
        %add3A_1364 = arith.constant 32 : i32
        %add3A_1365 = arith.addi %mul3A_1104, %add3A_1364 : i32
        %get3A_1366 = arith.index_cast %add3A_1365 : i32 to index
        %get3A_1367 = tpu.vector_load %arg5[%get3A_1366] {strides = array<i32>} : memref<3328xi32, #tpu.memory_space<vmem>>, vector<16xi32>,
        %add3A_1368 = arith.constant 32 : i32
        %add3A_1369 = arith.addi %mul3A_1104, %add3A_1368 : i32
        %get3A_1370 = arith.index_cast %add3A_1369 : i32 to index
        %get3A_1371 = tpu.vector_load %arg6[%get3A_1370] {strides = array<i32>} : memref<3328xf32, #tpu.memory_space<vmem>>, vector<16xf32>,
        %mul3A_1372 = arith.mulf %get3A_1371, %div3A_1205 : vector<16xf32>
        %ge3A_1373 = arith.constant 0 : i32
        %ge3A_1374 = vector.broadcast %ge3A_1373 : i32 to vector<16xi32>
        %ge3A_1375 = arith.cmpi sge, %iota3A, %ge3A_1374 : vector<16xi32>
        %shift_right_arithmetic3A_1376 = arith.constant 3 : i32
        %shift_right_arithmetic3A_1377 = vector.broadcast %shift_right_arithmetic3A_1376 : i32 to vector<16xi32>
        %shift_right_arithmetic3A_1378 = arith.shrsi %get3A_1367, %shift_right_arithmetic3A_1377 : vector<16xi32>
        %sub3A_1379 = vector.broadcast %mul3A_32 : i32 to vector<16xi32>
        %sub3A_1380 = arith.subi %shift_right_arithmetic3A_1378, %sub3A_1379 : vector<16xi32>
        %ge3A_1381 = arith.constant 0 : i32
        %ge3A_1382 = vector.broadcast %ge3A_1381 : i32 to vector<16xi32>
        %ge3A_1383 = arith.cmpi sge, %sub3A_1380, %ge3A_1382 : vector<16xi32>
        %and3A_1384 = arith.andi %ge3A_1375, %ge3A_1383 : vector<16xi1>
        %lt3A_1385 = arith.constant 3125 : i32
        %lt3A_1386 = vector.broadcast %lt3A_1385 : i32 to vector<16xi32>
        %lt3A_1387 = arith.cmpi slt, %sub3A_1380, %lt3A_1386 : vector<16xi32>
        %and3A_1388 = arith.andi %and3A_1384, %lt3A_1387 : vector<16xi1>
        %mul3A_1389 = arith.constant 5243 : i32
        %mul3A_1390 = vector.broadcast %mul3A_1389 : i32 to vector<16xi32>
        %mul3A_1391 = arith.muli %sub3A_1380, %mul3A_1390 : vector<16xi32>
        %shift_right_arithmetic3A_1392 = arith.constant 17 : i32
        %shift_right_arithmetic3A_1393 = vector.broadcast %shift_right_arithmetic3A_1392 : i32 to vector<16xi32>
        %shift_right_arithmetic3A_1394 = arith.shrsi %mul3A_1391, %shift_right_arithmetic3A_1393 : vector<16xi32>
        %jit3A_1395 = arith.constant 125 : i32
        %broadcast_in_dim3A_1396 = vector.broadcast %jit3A_1395 : i32 to vector<16xi32>
        %select_n3A_1397 = arith.select %and3A_1388, %shift_right_arithmetic3A_1394, %broadcast_in_dim3A_1396 : vector<16xi1>, vector<16xi32>
        %masked_sort3A_1398 = arith.constant dense<true> : vector<16xi1>
        %masked_sort3A_1399 = arith.constant -2147483648 : i32
        %masked_sort3A_1400 = vector.broadcast %masked_sort3A_1399 : i32 to vector<16xi32>
        %masked_sort3A_1401 = arith.xori %select_n3A_1397, %masked_sort3A_1400 : vector<16xi32>
        %masked_sort3A_1402, %masked_sort3A_1403, %masked_sort3A_1404 = tpu.sort %masked_sort3A_1401, %iota3A masked %masked_sort3A_1398 : (vector<16xi32>, vector<16xi32>, vector<16xi1>) -> (vector<16xi1>, vector<16xi32>, vector<16xi32>)
        %masked_sort3A_1405 = arith.xori %masked_sort3A_1403, %masked_sort3A_1400 : vector<16xi32>
        %broadcast_in_dim3A_1406 = vector.shape_cast %masked_sort3A_1404 : vector<16xi32> to vector<16x1xi32>
        %gather3A_1407 = vector.shape_cast %broadcast_in_dim3A_1406 : vector<16x1xi32> to vector<16xi32>
        %gather3A_1408 = tpu.dynamic_gather %get3A_1367[%gather3A_1407] in [0] : vector<16xi32>, vector<16xi32> -> vector<16xi32>
        %broadcast_in_dim3A_1409 = vector.shape_cast %masked_sort3A_1404 : vector<16xi32> to vector<16x1xi32>
        %gather3A_1410 = vector.shape_cast %broadcast_in_dim3A_1409 : vector<16x1xi32> to vector<16xi32>
        %gather3A_1411 = tpu.dynamic_gather %mul3A_1372[%gather3A_1410] in [0] : vector<16xf32>, vector<16xi32> -> vector<16xf32>
        %sub3A_1412 = arith.constant 1 : i32
        %sub3A_1413 = vector.broadcast %sub3A_1412 : i32 to vector<16xi32>
        %sub3A_1414 = arith.subi %iota3A, %sub3A_1413 : vector<16xi32>
        %and3A_1415 = arith.constant 15 : i32
        %and3A_1416 = vector.broadcast %and3A_1415 : i32 to vector<16xi32>
        %and3A_1417 = arith.andi %sub3A_1414, %and3A_1416 : vector<16xi32>
        %broadcast_in_dim3A_1418 = vector.shape_cast %and3A_1417 : vector<16xi32> to vector<16x1xi32>
        %gather3A_1419 = vector.shape_cast %broadcast_in_dim3A_1418 : vector<16x1xi32> to vector<16xi32>
        %gather3A_1420 = tpu.dynamic_gather %masked_sort3A_1405[%gather3A_1419] in [0] : vector<16xi32>, vector<16xi32> -> vector<16xi32>
        %eq3A_1421 = arith.constant 0 : i32
        %eq3A_1422 = vector.broadcast %eq3A_1421 : i32 to vector<16xi32>
        %eq3A_1423 = arith.cmpi eq, %iota3A, %eq3A_1422 : vector<16xi32>
        %ne3A_1424 = arith.cmpi ne, %masked_sort3A_1405, %gather3A_1420 : vector<16xi32>
        %or3A_1425 = arith.ori %eq3A_1423, %ne3A_1424 : vector<16xi1>
        %jit3A_1426 = arith.constant 0 : i32
        %broadcast_in_dim3A_1427 = vector.broadcast %jit3A_1426 : i32 to vector<16xi32>
        %select_n3A_1428 = arith.select %or3A_1425, %iota3A, %broadcast_in_dim3A_1427 : vector<16xi1>, vector<16xi32>
        %broadcast_in_dim3A_1429 = arith.constant true
        %broadcast_in_dim3A_1430 = vector.broadcast %broadcast_in_dim3A_1429 : i1 to vector<16xi1>
        %masked_cummax3A_1431 = arith.constant -2147483648 : i32
        %masked_cummax3A_1432 = vector.broadcast %masked_cummax3A_1431 : i32 to vector<16xi32>
        %masked_cummax3A_1433 = arith.xori %select_n3A_1428, %masked_cummax3A_1432 : vector<16xi32>
        %masked_cummax3A_1434 = tpu.scan <max>, %masked_cummax3A_1433 masked %broadcast_in_dim3A_1430 : vector<16xi32>, vector<16xi1> -> vector<16xi32>
        %masked_cummax3A_1435 = arith.xori %masked_cummax3A_1434, %masked_cummax3A_1432 : vector<16xi32>
        %sub3A_1436 = arith.subi %iota3A, %masked_cummax3A_1435 : vector<16xi32>
        %gather3A_1437 = tpu.vector_load_idx %arg11[%masked_sort3A_1405] : memref<128xi32, #tpu.memory_space<vmem>>[vector<16xi32>], vector<16xi32>,
        %add3A_1438 = arith.addi %gather3A_1437, %sub3A_1436 : vector<16xi32>
        %mul3A_1439 = arith.constant 128 : i32
        %mul3A_1440 = vector.broadcast %mul3A_1439 : i32 to vector<16xi32>
        %mul3A_1441 = arith.muli %gather3A_1408, %mul3A_1440 : vector<16xi32>
        %add3A_1442 = vector.broadcast %add3A_1208 : i32 to vector<16xi32>
        %add3A_1443 = arith.addi %mul3A_1441, %add3A_1442 : vector<16xi32>
        tpu.vector_store_idx %arg7[%add3A_1438], %add3A_1443 : memref<28640xi32, #tpu.memory_space<vmem>>[vector<16xi32>], vector<16xi32>,
        tpu.vector_store_idx %arg8[%add3A_1438], %gather3A_1411 : memref<28640xf32, #tpu.memory_space<vmem>>[vector<16xi32>], vector<16xf32>,
        tpu.vector_store_idx %arg11[%masked_sort3A_1405], %broadcast_in_dim3A_37 {add = true} : memref<128xi32, #tpu.memory_space<vmem>>[vector<16xi32>], vector<16xi32>,
        %add3A_1444 = arith.constant 48 : i32
        %add3A_1445 = arith.addi %mul3A_1104, %add3A_1444 : i32
        %get3A_1446 = arith.index_cast %add3A_1445 : i32 to index
        %get3A_1447 = tpu.vector_load %arg5[%get3A_1446] {strides = array<i32>} : memref<3328xi32, #tpu.memory_space<vmem>>, vector<16xi32>,
        %add3A_1448 = arith.constant 48 : i32
        %add3A_1449 = arith.addi %mul3A_1104, %add3A_1448 : i32
        %get3A_1450 = arith.index_cast %add3A_1449 : i32 to index
        %get3A_1451 = tpu.vector_load %arg6[%get3A_1450] {strides = array<i32>} : memref<3328xf32, #tpu.memory_space<vmem>>, vector<16xf32>,
        %mul3A_1452 = arith.mulf %get3A_1451, %div3A_1205 : vector<16xf32>
        %ge3A_1453 = arith.constant 0 : i32
        %ge3A_1454 = vector.broadcast %ge3A_1453 : i32 to vector<16xi32>
        %ge3A_1455 = arith.cmpi sge, %iota3A, %ge3A_1454 : vector<16xi32>
        %shift_right_arithmetic3A_1456 = arith.constant 3 : i32
        %shift_right_arithmetic3A_1457 = vector.broadcast %shift_right_arithmetic3A_1456 : i32 to vector<16xi32>
        %shift_right_arithmetic3A_1458 = arith.shrsi %get3A_1447, %shift_right_arithmetic3A_1457 : vector<16xi32>
        %sub3A_1459 = vector.broadcast %mul3A_32 : i32 to vector<16xi32>
        %sub3A_1460 = arith.subi %shift_right_arithmetic3A_1458, %sub3A_1459 : vector<16xi32>
        %ge3A_1461 = arith.constant 0 : i32
        %ge3A_1462 = vector.broadcast %ge3A_1461 : i32 to vector<16xi32>
        %ge3A_1463 = arith.cmpi sge, %sub3A_1460, %ge3A_1462 : vector<16xi32>
        %and3A_1464 = arith.andi %ge3A_1455, %ge3A_1463 : vector<16xi1>
        %lt3A_1465 = arith.constant 3125 : i32
        %lt3A_1466 = vector.broadcast %lt3A_1465 : i32 to vector<16xi32>
        %lt3A_1467 = arith.cmpi slt, %sub3A_1460, %lt3A_1466 : vector<16xi32>
        %and3A_1468 = arith.andi %and3A_1464, %lt3A_1467 : vector<16xi1>
        %mul3A_1469 = arith.constant 5243 : i32
        %mul3A_1470 = vector.broadcast %mul3A_1469 : i32 to vector<16xi32>
        %mul3A_1471 = arith.muli %sub3A_1460, %mul3A_1470 : vector<16xi32>
        %shift_right_arithmetic3A_1472 = arith.constant 17 : i32
        %shift_right_arithmetic3A_1473 = vector.broadcast %shift_right_arithmetic3A_1472 : i32 to vector<16xi32>
        %shift_right_arithmetic3A_1474 = arith.shrsi %mul3A_1471, %shift_right_arithmetic3A_1473 : vector<16xi32>
        %jit3A_1475 = arith.constant 125 : i32
        %broadcast_in_dim3A_1476 = vector.broadcast %jit3A_1475 : i32 to vector<16xi32>
        %select_n3A_1477 = arith.select %and3A_1468, %shift_right_arithmetic3A_1474, %broadcast_in_dim3A_1476 : vector<16xi1>, vector<16xi32>
        %masked_sort3A_1478 = arith.constant dense<true> : vector<16xi1>
        %masked_sort3A_1479 = arith.constant -2147483648 : i32
        %masked_sort3A_1480 = vector.broadcast %masked_sort3A_1479 : i32 to vector<16xi32>
        %masked_sort3A_1481 = arith.xori %select_n3A_1477, %masked_sort3A_1480 : vector<16xi32>
        %masked_sort3A_1482, %masked_sort3A_1483, %masked_sort3A_1484 = tpu.sort %masked_sort3A_1481, %iota3A masked %masked_sort3A_1478 : (vector<16xi32>, vector<16xi32>, vector<16xi1>) -> (vector<16xi1>, vector<16xi32>, vector<16xi32>)
        %masked_sort3A_1485 = arith.xori %masked_sort3A_1483, %masked_sort3A_1480 : vector<16xi32>
        %broadcast_in_dim3A_1486 = vector.shape_cast %masked_sort3A_1484 : vector<16xi32> to vector<16x1xi32>
        %gather3A_1487 = vector.shape_cast %broadcast_in_dim3A_1486 : vector<16x1xi32> to vector<16xi32>
        %gather3A_1488 = tpu.dynamic_gather %get3A_1447[%gather3A_1487] in [0] : vector<16xi32>, vector<16xi32> -> vector<16xi32>
        %broadcast_in_dim3A_1489 = vector.shape_cast %masked_sort3A_1484 : vector<16xi32> to vector<16x1xi32>
        %gather3A_1490 = vector.shape_cast %broadcast_in_dim3A_1489 : vector<16x1xi32> to vector<16xi32>
        %gather3A_1491 = tpu.dynamic_gather %mul3A_1452[%gather3A_1490] in [0] : vector<16xf32>, vector<16xi32> -> vector<16xf32>
        %sub3A_1492 = arith.constant 1 : i32
        %sub3A_1493 = vector.broadcast %sub3A_1492 : i32 to vector<16xi32>
        %sub3A_1494 = arith.subi %iota3A, %sub3A_1493 : vector<16xi32>
        %and3A_1495 = arith.constant 15 : i32
        %and3A_1496 = vector.broadcast %and3A_1495 : i32 to vector<16xi32>
        %and3A_1497 = arith.andi %sub3A_1494, %and3A_1496 : vector<16xi32>
        %broadcast_in_dim3A_1498 = vector.shape_cast %and3A_1497 : vector<16xi32> to vector<16x1xi32>
        %gather3A_1499 = vector.shape_cast %broadcast_in_dim3A_1498 : vector<16x1xi32> to vector<16xi32>
        %gather3A_1500 = tpu.dynamic_gather %masked_sort3A_1485[%gather3A_1499] in [0] : vector<16xi32>, vector<16xi32> -> vector<16xi32>
        %eq3A_1501 = arith.constant 0 : i32
        %eq3A_1502 = vector.broadcast %eq3A_1501 : i32 to vector<16xi32>
        %eq3A_1503 = arith.cmpi eq, %iota3A, %eq3A_1502 : vector<16xi32>
        %ne3A_1504 = arith.cmpi ne, %masked_sort3A_1485, %gather3A_1500 : vector<16xi32>
        %or3A_1505 = arith.ori %eq3A_1503, %ne3A_1504 : vector<16xi1>
        %jit3A_1506 = arith.constant 0 : i32
        %broadcast_in_dim3A_1507 = vector.broadcast %jit3A_1506 : i32 to vector<16xi32>
        %select_n3A_1508 = arith.select %or3A_1505, %iota3A, %broadcast_in_dim3A_1507 : vector<16xi1>, vector<16xi32>
        %broadcast_in_dim3A_1509 = arith.constant true
        %broadcast_in_dim3A_1510 = vector.broadcast %broadcast_in_dim3A_1509 : i1 to vector<16xi1>
        %masked_cummax3A_1511 = arith.constant -2147483648 : i32
        %masked_cummax3A_1512 = vector.broadcast %masked_cummax3A_1511 : i32 to vector<16xi32>
        %masked_cummax3A_1513 = arith.xori %select_n3A_1508, %masked_cummax3A_1512 : vector<16xi32>
        %masked_cummax3A_1514 = tpu.scan <max>, %masked_cummax3A_1513 masked %broadcast_in_dim3A_1510 : vector<16xi32>, vector<16xi1> -> vector<16xi32>
        %masked_cummax3A_1515 = arith.xori %masked_cummax3A_1514, %masked_cummax3A_1512 : vector<16xi32>
        %sub3A_1516 = arith.subi %iota3A, %masked_cummax3A_1515 : vector<16xi32>
        %gather3A_1517 = tpu.vector_load_idx %arg11[%masked_sort3A_1485] : memref<128xi32, #tpu.memory_space<vmem>>[vector<16xi32>], vector<16xi32>,
        %add3A_1518 = arith.addi %gather3A_1517, %sub3A_1516 : vector<16xi32>
        %mul3A_1519 = arith.constant 128 : i32
        %mul3A_1520 = vector.broadcast %mul3A_1519 : i32 to vector<16xi32>
        %mul3A_1521 = arith.muli %gather3A_1488, %mul3A_1520 : vector<16xi32>
        %add3A_1522 = vector.broadcast %add3A_1208 : i32 to vector<16xi32>
        %add3A_1523 = arith.addi %mul3A_1521, %add3A_1522 : vector<16xi32>
        tpu.vector_store_idx %arg7[%add3A_1518], %add3A_1523 : memref<28640xi32, #tpu.memory_space<vmem>>[vector<16xi32>], vector<16xi32>,
        tpu.vector_store_idx %arg8[%add3A_1518], %gather3A_1491 : memref<28640xf32, #tpu.memory_space<vmem>>[vector<16xi32>], vector<16xf32>,
        tpu.vector_store_idx %arg11[%masked_sort3A_1485], %broadcast_in_dim3A_37 {add = true} : memref<128xi32, #tpu.memory_space<vmem>>[vector<16xi32>], vector<16xi32>,
        %add3A_1524 = arith.constant 64 : i32
        %add3A_1525 = arith.addi %mul3A_1104, %add3A_1524 : i32
        %get3A_1526 = arith.index_cast %add3A_1525 : i32 to index
        %get3A_1527 = tpu.vector_load %arg5[%get3A_1526] {strides = array<i32>} : memref<3328xi32, #tpu.memory_space<vmem>>, vector<16xi32>,
        %add3A_1528 = arith.constant 64 : i32
        %add3A_1529 = arith.addi %mul3A_1104, %add3A_1528 : i32
        %get3A_1530 = arith.index_cast %add3A_1529 : i32 to index
        %get3A_1531 = tpu.vector_load %arg6[%get3A_1530] {strides = array<i32>} : memref<3328xf32, #tpu.memory_space<vmem>>, vector<16xf32>,
        %mul3A_1532 = arith.mulf %get3A_1531, %div3A_1205 : vector<16xf32>
        %ge3A_1533 = arith.constant 0 : i32
        %ge3A_1534 = vector.broadcast %ge3A_1533 : i32 to vector<16xi32>
        %ge3A_1535 = arith.cmpi sge, %iota3A, %ge3A_1534 : vector<16xi32>
        %shift_right_arithmetic3A_1536 = arith.constant 3 : i32
        %shift_right_arithmetic3A_1537 = vector.broadcast %shift_right_arithmetic3A_1536 : i32 to vector<16xi32>
        %shift_right_arithmetic3A_1538 = arith.shrsi %get3A_1527, %shift_right_arithmetic3A_1537 : vector<16xi32>
        %sub3A_1539 = vector.broadcast %mul3A_32 : i32 to vector<16xi32>
        %sub3A_1540 = arith.subi %shift_right_arithmetic3A_1538, %sub3A_1539 : vector<16xi32>
        %ge3A_1541 = arith.constant 0 : i32
        %ge3A_1542 = vector.broadcast %ge3A_1541 : i32 to vector<16xi32>
        %ge3A_1543 = arith.cmpi sge, %sub3A_1540, %ge3A_1542 : vector<16xi32>
        %and3A_1544 = arith.andi %ge3A_1535, %ge3A_1543 : vector<16xi1>
        %lt3A_1545 = arith.constant 3125 : i32
        %lt3A_1546 = vector.broadcast %lt3A_1545 : i32 to vector<16xi32>
        %lt3A_1547 = arith.cmpi slt, %sub3A_1540, %lt3A_1546 : vector<16xi32>
        %and3A_1548 = arith.andi %and3A_1544, %lt3A_1547 : vector<16xi1>
        %mul3A_1549 = arith.constant 5243 : i32
        %mul3A_1550 = vector.broadcast %mul3A_1549 : i32 to vector<16xi32>
        %mul3A_1551 = arith.muli %sub3A_1540, %mul3A_1550 : vector<16xi32>
        %shift_right_arithmetic3A_1552 = arith.constant 17 : i32
        %shift_right_arithmetic3A_1553 = vector.broadcast %shift_right_arithmetic3A_1552 : i32 to vector<16xi32>
        %shift_right_arithmetic3A_1554 = arith.shrsi %mul3A_1551, %shift_right_arithmetic3A_1553 : vector<16xi32>
        %jit3A_1555 = arith.constant 125 : i32
        %broadcast_in_dim3A_1556 = vector.broadcast %jit3A_1555 : i32 to vector<16xi32>
        %select_n3A_1557 = arith.select %and3A_1548, %shift_right_arithmetic3A_1554, %broadcast_in_dim3A_1556 : vector<16xi1>, vector<16xi32>
        %masked_sort3A_1558 = arith.constant dense<true> : vector<16xi1>
        %masked_sort3A_1559 = arith.constant -2147483648 : i32
        %masked_sort3A_1560 = vector.broadcast %masked_sort3A_1559 : i32 to vector<16xi32>
        %masked_sort3A_1561 = arith.xori %select_n3A_1557, %masked_sort3A_1560 : vector<16xi32>
        %masked_sort3A_1562, %masked_sort3A_1563, %masked_sort3A_1564 = tpu.sort %masked_sort3A_1561, %iota3A masked %masked_sort3A_1558 : (vector<16xi32>, vector<16xi32>, vector<16xi1>) -> (vector<16xi1>, vector<16xi32>, vector<16xi32>)
        %masked_sort3A_1565 = arith.xori %masked_sort3A_1563, %masked_sort3A_1560 : vector<16xi32>
        %broadcast_in_dim3A_1566 = vector.shape_cast %masked_sort3A_1564 : vector<16xi32> to vector<16x1xi32>
        %gather3A_1567 = vector.shape_cast %broadcast_in_dim3A_1566 : vector<16x1xi32> to vector<16xi32>
        %gather3A_1568 = tpu.dynamic_gather %get3A_1527[%gather3A_1567] in [0] : vector<16xi32>, vector<16xi32> -> vector<16xi32>
        %broadcast_in_dim3A_1569 = vector.shape_cast %masked_sort3A_1564 : vector<16xi32> to vector<16x1xi32>
        %gather3A_1570 = vector.shape_cast %broadcast_in_dim3A_1569 : vector<16x1xi32> to vector<16xi32>
        %gather3A_1571 = tpu.dynamic_gather %mul3A_1532[%gather3A_1570] in [0] : vector<16xf32>, vector<16xi32> -> vector<16xf32>
        %sub3A_1572 = arith.constant 1 : i32
        %sub3A_1573 = vector.broadcast %sub3A_1572 : i32 to vector<16xi32>
        %sub3A_1574 = arith.subi %iota3A, %sub3A_1573 : vector<16xi32>
        %and3A_1575 = arith.constant 15 : i32
        %and3A_1576 = vector.broadcast %and3A_1575 : i32 to vector<16xi32>
        %and3A_1577 = arith.andi %sub3A_1574, %and3A_1576 : vector<16xi32>
        %broadcast_in_dim3A_1578 = vector.shape_cast %and3A_1577 : vector<16xi32> to vector<16x1xi32>
        %gather3A_1579 = vector.shape_cast %broadcast_in_dim3A_1578 : vector<16x1xi32> to vector<16xi32>
        %gather3A_1580 = tpu.dynamic_gather %masked_sort3A_1565[%gather3A_1579] in [0] : vector<16xi32>, vector<16xi32> -> vector<16xi32>
        %eq3A_1581 = arith.constant 0 : i32
        %eq3A_1582 = vector.broadcast %eq3A_1581 : i32 to vector<16xi32>
        %eq3A_1583 = arith.cmpi eq, %iota3A, %eq3A_1582 : vector<16xi32>
        %ne3A_1584 = arith.cmpi ne, %masked_sort3A_1565, %gather3A_1580 : vector<16xi32>
        %or3A_1585 = arith.ori %eq3A_1583, %ne3A_1584 : vector<16xi1>
        %jit3A_1586 = arith.constant 0 : i32
        %broadcast_in_dim3A_1587 = vector.broadcast %jit3A_1586 : i32 to vector<16xi32>
        %select_n3A_1588 = arith.select %or3A_1585, %iota3A, %broadcast_in_dim3A_1587 : vector<16xi1>, vector<16xi32>
        %broadcast_in_dim3A_1589 = arith.constant true
        %broadcast_in_dim3A_1590 = vector.broadcast %broadcast_in_dim3A_1589 : i1 to vector<16xi1>
        %masked_cummax3A_1591 = arith.constant -2147483648 : i32
        %masked_cummax3A_1592 = vector.broadcast %masked_cummax3A_1591 : i32 to vector<16xi32>
        %masked_cummax3A_1593 = arith.xori %select_n3A_1588, %masked_cummax3A_1592 : vector<16xi32>
        %masked_cummax3A_1594 = tpu.scan <max>, %masked_cummax3A_1593 masked %broadcast_in_dim3A_1590 : vector<16xi32>, vector<16xi1> -> vector<16xi32>
        %masked_cummax3A_1595 = arith.xori %masked_cummax3A_1594, %masked_cummax3A_1592 : vector<16xi32>
        %sub3A_1596 = arith.subi %iota3A, %masked_cummax3A_1595 : vector<16xi32>
        %gather3A_1597 = tpu.vector_load_idx %arg11[%masked_sort3A_1565] : memref<128xi32, #tpu.memory_space<vmem>>[vector<16xi32>], vector<16xi32>,
        %add3A_1598 = arith.addi %gather3A_1597, %sub3A_1596 : vector<16xi32>
        %mul3A_1599 = arith.constant 128 : i32
        %mul3A_1600 = vector.broadcast %mul3A_1599 : i32 to vector<16xi32>
        %mul3A_1601 = arith.muli %gather3A_1568, %mul3A_1600 : vector<16xi32>
        %add3A_1602 = vector.broadcast %add3A_1208 : i32 to vector<16xi32>
        %add3A_1603 = arith.addi %mul3A_1601, %add3A_1602 : vector<16xi32>
        tpu.vector_store_idx %arg7[%add3A_1598], %add3A_1603 : memref<28640xi32, #tpu.memory_space<vmem>>[vector<16xi32>], vector<16xi32>,
        tpu.vector_store_idx %arg8[%add3A_1598], %gather3A_1571 : memref<28640xf32, #tpu.memory_space<vmem>>[vector<16xi32>], vector<16xf32>,
        tpu.vector_store_idx %arg11[%masked_sort3A_1565], %broadcast_in_dim3A_37 {add = true} : memref<128xi32, #tpu.memory_space<vmem>>[vector<16xi32>], vector<16xi32>,
        %add3A_1604 = arith.constant 80 : i32
        %add3A_1605 = arith.addi %mul3A_1104, %add3A_1604 : i32
        %get3A_1606 = arith.index_cast %add3A_1605 : i32 to index
        %get3A_1607 = tpu.vector_load %arg5[%get3A_1606] {strides = array<i32>} : memref<3328xi32, #tpu.memory_space<vmem>>, vector<16xi32>,
        %add3A_1608 = arith.constant 80 : i32
        %add3A_1609 = arith.addi %mul3A_1104, %add3A_1608 : i32
        %get3A_1610 = arith.index_cast %add3A_1609 : i32 to index
        %get3A_1611 = tpu.vector_load %arg6[%get3A_1610] {strides = array<i32>} : memref<3328xf32, #tpu.memory_space<vmem>>, vector<16xf32>,
        %mul3A_1612 = arith.mulf %get3A_1611, %div3A_1205 : vector<16xf32>
        %ge3A_1613 = arith.constant 0 : i32
        %ge3A_1614 = vector.broadcast %ge3A_1613 : i32 to vector<16xi32>
        %ge3A_1615 = arith.cmpi sge, %iota3A, %ge3A_1614 : vector<16xi32>
        %shift_right_arithmetic3A_1616 = arith.constant 3 : i32
        %shift_right_arithmetic3A_1617 = vector.broadcast %shift_right_arithmetic3A_1616 : i32 to vector<16xi32>
        %shift_right_arithmetic3A_1618 = arith.shrsi %get3A_1607, %shift_right_arithmetic3A_1617 : vector<16xi32>
        %sub3A_1619 = vector.broadcast %mul3A_32 : i32 to vector<16xi32>
        %sub3A_1620 = arith.subi %shift_right_arithmetic3A_1618, %sub3A_1619 : vector<16xi32>
        %ge3A_1621 = arith.constant 0 : i32
        %ge3A_1622 = vector.broadcast %ge3A_1621 : i32 to vector<16xi32>
        %ge3A_1623 = arith.cmpi sge, %sub3A_1620, %ge3A_1622 : vector<16xi32>
        %and3A_1624 = arith.andi %ge3A_1615, %ge3A_1623 : vector<16xi1>
        %lt3A_1625 = arith.constant 3125 : i32
        %lt3A_1626 = vector.broadcast %lt3A_1625 : i32 to vector<16xi32>
        %lt3A_1627 = arith.cmpi slt, %sub3A_1620, %lt3A_1626 : vector<16xi32>
        %and3A_1628 = arith.andi %and3A_1624, %lt3A_1627 : vector<16xi1>
        %mul3A_1629 = arith.constant 5243 : i32
        %mul3A_1630 = vector.broadcast %mul3A_1629 : i32 to vector<16xi32>
        %mul3A_1631 = arith.muli %sub3A_1620, %mul3A_1630 : vector<16xi32>
        %shift_right_arithmetic3A_1632 = arith.constant 17 : i32
        %shift_right_arithmetic3A_1633 = vector.broadcast %shift_right_arithmetic3A_1632 : i32 to vector<16xi32>
        %shift_right_arithmetic3A_1634 = arith.shrsi %mul3A_1631, %shift_right_arithmetic3A_1633 : vector<16xi32>
        %jit3A_1635 = arith.constant 125 : i32
        %broadcast_in_dim3A_1636 = vector.broadcast %jit3A_1635 : i32 to vector<16xi32>
        %select_n3A_1637 = arith.select %and3A_1628, %shift_right_arithmetic3A_1634, %broadcast_in_dim3A_1636 : vector<16xi1>, vector<16xi32>
        %masked_sort3A_1638 = arith.constant dense<true> : vector<16xi1>
        %masked_sort3A_1639 = arith.constant -2147483648 : i32
        %masked_sort3A_1640 = vector.broadcast %masked_sort3A_1639 : i32 to vector<16xi32>
        %masked_sort3A_1641 = arith.xori %select_n3A_1637, %masked_sort3A_1640 : vector<16xi32>
        %masked_sort3A_1642, %masked_sort3A_1643, %masked_sort3A_1644 = tpu.sort %masked_sort3A_1641, %iota3A masked %masked_sort3A_1638 : (vector<16xi32>, vector<16xi32>, vector<16xi1>) -> (vector<16xi1>, vector<16xi32>, vector<16xi32>)
        %masked_sort3A_1645 = arith.xori %masked_sort3A_1643, %masked_sort3A_1640 : vector<16xi32>
        %broadcast_in_dim3A_1646 = vector.shape_cast %masked_sort3A_1644 : vector<16xi32> to vector<16x1xi32>
        %gather3A_1647 = vector.shape_cast %broadcast_in_dim3A_1646 : vector<16x1xi32> to vector<16xi32>
        %gather3A_1648 = tpu.dynamic_gather %get3A_1607[%gather3A_1647] in [0] : vector<16xi32>, vector<16xi32> -> vector<16xi32>
        %broadcast_in_dim3A_1649 = vector.shape_cast %masked_sort3A_1644 : vector<16xi32> to vector<16x1xi32>
        %gather3A_1650 = vector.shape_cast %broadcast_in_dim3A_1649 : vector<16x1xi32> to vector<16xi32>
        %gather3A_1651 = tpu.dynamic_gather %mul3A_1612[%gather3A_1650] in [0] : vector<16xf32>, vector<16xi32> -> vector<16xf32>
        %sub3A_1652 = arith.constant 1 : i32
        %sub3A_1653 = vector.broadcast %sub3A_1652 : i32 to vector<16xi32>
        %sub3A_1654 = arith.subi %iota3A, %sub3A_1653 : vector<16xi32>
        %and3A_1655 = arith.constant 15 : i32
        %and3A_1656 = vector.broadcast %and3A_1655 : i32 to vector<16xi32>
        %and3A_1657 = arith.andi %sub3A_1654, %and3A_1656 : vector<16xi32>
        %broadcast_in_dim3A_1658 = vector.shape_cast %and3A_1657 : vector<16xi32> to vector<16x1xi32>
        %gather3A_1659 = vector.shape_cast %broadcast_in_dim3A_1658 : vector<16x1xi32> to vector<16xi32>
        %gather3A_1660 = tpu.dynamic_gather %masked_sort3A_1645[%gather3A_1659] in [0] : vector<16xi32>, vector<16xi32> -> vector<16xi32>
        %eq3A_1661 = arith.constant 0 : i32
        %eq3A_1662 = vector.broadcast %eq3A_1661 : i32 to vector<16xi32>
        %eq3A_1663 = arith.cmpi eq, %iota3A, %eq3A_1662 : vector<16xi32>
        %ne3A_1664 = arith.cmpi ne, %masked_sort3A_1645, %gather3A_1660 : vector<16xi32>
        %or3A_1665 = arith.ori %eq3A_1663, %ne3A_1664 : vector<16xi1>
        %jit3A_1666 = arith.constant 0 : i32
        %broadcast_in_dim3A_1667 = vector.broadcast %jit3A_1666 : i32 to vector<16xi32>
        %select_n3A_1668 = arith.select %or3A_1665, %iota3A, %broadcast_in_dim3A_1667 : vector<16xi1>, vector<16xi32>
        %broadcast_in_dim3A_1669 = arith.constant true
        %broadcast_in_dim3A_1670 = vector.broadcast %broadcast_in_dim3A_1669 : i1 to vector<16xi1>
        %masked_cummax3A_1671 = arith.constant -2147483648 : i32
        %masked_cummax3A_1672 = vector.broadcast %masked_cummax3A_1671 : i32 to vector<16xi32>
        %masked_cummax3A_1673 = arith.xori %select_n3A_1668, %masked_cummax3A_1672 : vector<16xi32>
        %masked_cummax3A_1674 = tpu.scan <max>, %masked_cummax3A_1673 masked %broadcast_in_dim3A_1670 : vector<16xi32>, vector<16xi1> -> vector<16xi32>
        %masked_cummax3A_1675 = arith.xori %masked_cummax3A_1674, %masked_cummax3A_1672 : vector<16xi32>
        %sub3A_1676 = arith.subi %iota3A, %masked_cummax3A_1675 : vector<16xi32>
        %gather3A_1677 = tpu.vector_load_idx %arg11[%masked_sort3A_1645] : memref<128xi32, #tpu.memory_space<vmem>>[vector<16xi32>], vector<16xi32>,
        %add3A_1678 = arith.addi %gather3A_1677, %sub3A_1676 : vector<16xi32>
        %mul3A_1679 = arith.constant 128 : i32
        %mul3A_1680 = vector.broadcast %mul3A_1679 : i32 to vector<16xi32>
        %mul3A_1681 = arith.muli %gather3A_1648, %mul3A_1680 : vector<16xi32>
        %add3A_1682 = vector.broadcast %add3A_1208 : i32 to vector<16xi32>
        %add3A_1683 = arith.addi %mul3A_1681, %add3A_1682 : vector<16xi32>
        tpu.vector_store_idx %arg7[%add3A_1678], %add3A_1683 : memref<28640xi32, #tpu.memory_space<vmem>>[vector<16xi32>], vector<16xi32>,
        tpu.vector_store_idx %arg8[%add3A_1678], %gather3A_1651 : memref<28640xf32, #tpu.memory_space<vmem>>[vector<16xi32>], vector<16xf32>,
        tpu.vector_store_idx %arg11[%masked_sort3A_1645], %broadcast_in_dim3A_37 {add = true} : memref<128xi32, #tpu.memory_space<vmem>>[vector<16xi32>], vector<16xi32>,
        %add3A_1684 = arith.constant 96 : i32
        %add3A_1685 = arith.addi %mul3A_1104, %add3A_1684 : i32
        %get3A_1686 = arith.index_cast %add3A_1685 : i32 to index
        %get3A_1687 = tpu.vector_load %arg5[%get3A_1686] {strides = array<i32>} : memref<3328xi32, #tpu.memory_space<vmem>>, vector<16xi32>,
        %add3A_1688 = arith.constant 96 : i32
        %add3A_1689 = arith.addi %mul3A_1104, %add3A_1688 : i32
        %get3A_1690 = arith.index_cast %add3A_1689 : i32 to index
        %get3A_1691 = tpu.vector_load %arg6[%get3A_1690] {strides = array<i32>} : memref<3328xf32, #tpu.memory_space<vmem>>, vector<16xf32>,
        %mul3A_1692 = arith.mulf %get3A_1691, %div3A_1205 : vector<16xf32>
        %ge3A_1693 = arith.constant 0 : i32
        %ge3A_1694 = vector.broadcast %ge3A_1693 : i32 to vector<16xi32>
        %ge3A_1695 = arith.cmpi sge, %iota3A, %ge3A_1694 : vector<16xi32>
        %shift_right_arithmetic3A_1696 = arith.constant 3 : i32
        %shift_right_arithmetic3A_1697 = vector.broadcast %shift_right_arithmetic3A_1696 : i32 to vector<16xi32>
        %shift_right_arithmetic3A_1698 = arith.shrsi %get3A_1687, %shift_right_arithmetic3A_1697 : vector<16xi32>
        %sub3A_1699 = vector.broadcast %mul3A_32 : i32 to vector<16xi32>
        %sub3A_1700 = arith.subi %shift_right_arithmetic3A_1698, %sub3A_1699 : vector<16xi32>
        %ge3A_1701 = arith.constant 0 : i32
        %ge3A_1702 = vector.broadcast %ge3A_1701 : i32 to vector<16xi32>
        %ge3A_1703 = arith.cmpi sge, %sub3A_1700, %ge3A_1702 : vector<16xi32>
        %and3A_1704 = arith.andi %ge3A_1695, %ge3A_1703 : vector<16xi1>
        %lt3A_1705 = arith.constant 3125 : i32
        %lt3A_1706 = vector.broadcast %lt3A_1705 : i32 to vector<16xi32>
        %lt3A_1707 = arith.cmpi slt, %sub3A_1700, %lt3A_1706 : vector<16xi32>
        %and3A_1708 = arith.andi %and3A_1704, %lt3A_1707 : vector<16xi1>
        %mul3A_1709 = arith.constant 5243 : i32
        %mul3A_1710 = vector.broadcast %mul3A_1709 : i32 to vector<16xi32>
        %mul3A_1711 = arith.muli %sub3A_1700, %mul3A_1710 : vector<16xi32>
        %shift_right_arithmetic3A_1712 = arith.constant 17 : i32
        %shift_right_arithmetic3A_1713 = vector.broadcast %shift_right_arithmetic3A_1712 : i32 to vector<16xi32>
        %shift_right_arithmetic3A_1714 = arith.shrsi %mul3A_1711, %shift_right_arithmetic3A_1713 : vector<16xi32>
        %jit3A_1715 = arith.constant 125 : i32
        %broadcast_in_dim3A_1716 = vector.broadcast %jit3A_1715 : i32 to vector<16xi32>
        %select_n3A_1717 = arith.select %and3A_1708, %shift_right_arithmetic3A_1714, %broadcast_in_dim3A_1716 : vector<16xi1>, vector<16xi32>
        %masked_sort3A_1718 = arith.constant dense<true> : vector<16xi1>
        %masked_sort3A_1719 = arith.constant -2147483648 : i32
        %masked_sort3A_1720 = vector.broadcast %masked_sort3A_1719 : i32 to vector<16xi32>
        %masked_sort3A_1721 = arith.xori %select_n3A_1717, %masked_sort3A_1720 : vector<16xi32>
        %masked_sort3A_1722, %masked_sort3A_1723, %masked_sort3A_1724 = tpu.sort %masked_sort3A_1721, %iota3A masked %masked_sort3A_1718 : (vector<16xi32>, vector<16xi32>, vector<16xi1>) -> (vector<16xi1>, vector<16xi32>, vector<16xi32>)
        %masked_sort3A_1725 = arith.xori %masked_sort3A_1723, %masked_sort3A_1720 : vector<16xi32>
        %broadcast_in_dim3A_1726 = vector.shape_cast %masked_sort3A_1724 : vector<16xi32> to vector<16x1xi32>
        %gather3A_1727 = vector.shape_cast %broadcast_in_dim3A_1726 : vector<16x1xi32> to vector<16xi32>
        %gather3A_1728 = tpu.dynamic_gather %get3A_1687[%gather3A_1727] in [0] : vector<16xi32>, vector<16xi32> -> vector<16xi32>
        %broadcast_in_dim3A_1729 = vector.shape_cast %masked_sort3A_1724 : vector<16xi32> to vector<16x1xi32>
        %gather3A_1730 = vector.shape_cast %broadcast_in_dim3A_1729 : vector<16x1xi32> to vector<16xi32>
        %gather3A_1731 = tpu.dynamic_gather %mul3A_1692[%gather3A_1730] in [0] : vector<16xf32>, vector<16xi32> -> vector<16xf32>
        %sub3A_1732 = arith.constant 1 : i32
        %sub3A_1733 = vector.broadcast %sub3A_1732 : i32 to vector<16xi32>
        %sub3A_1734 = arith.subi %iota3A, %sub3A_1733 : vector<16xi32>
        %and3A_1735 = arith.constant 15 : i32
        %and3A_1736 = vector.broadcast %and3A_1735 : i32 to vector<16xi32>
        %and3A_1737 = arith.andi %sub3A_1734, %and3A_1736 : vector<16xi32>
        %broadcast_in_dim3A_1738 = vector.shape_cast %and3A_1737 : vector<16xi32> to vector<16x1xi32>
        %gather3A_1739 = vector.shape_cast %broadcast_in_dim3A_1738 : vector<16x1xi32> to vector<16xi32>
        %gather3A_1740 = tpu.dynamic_gather %masked_sort3A_1725[%gather3A_1739] in [0] : vector<16xi32>, vector<16xi32> -> vector<16xi32>
        %eq3A_1741 = arith.constant 0 : i32
        %eq3A_1742 = vector.broadcast %eq3A_1741 : i32 to vector<16xi32>
        %eq3A_1743 = arith.cmpi eq, %iota3A, %eq3A_1742 : vector<16xi32>
        %ne3A_1744 = arith.cmpi ne, %masked_sort3A_1725, %gather3A_1740 : vector<16xi32>
        %or3A_1745 = arith.ori %eq3A_1743, %ne3A_1744 : vector<16xi1>
        %jit3A_1746 = arith.constant 0 : i32
        %broadcast_in_dim3A_1747 = vector.broadcast %jit3A_1746 : i32 to vector<16xi32>
        %select_n3A_1748 = arith.select %or3A_1745, %iota3A, %broadcast_in_dim3A_1747 : vector<16xi1>, vector<16xi32>
        %broadcast_in_dim3A_1749 = arith.constant true
        %broadcast_in_dim3A_1750 = vector.broadcast %broadcast_in_dim3A_1749 : i1 to vector<16xi1>
        %masked_cummax3A_1751 = arith.constant -2147483648 : i32
        %masked_cummax3A_1752 = vector.broadcast %masked_cummax3A_1751 : i32 to vector<16xi32>
        %masked_cummax3A_1753 = arith.xori %select_n3A_1748, %masked_cummax3A_1752 : vector<16xi32>
        %masked_cummax3A_1754 = tpu.scan <max>, %masked_cummax3A_1753 masked %broadcast_in_dim3A_1750 : vector<16xi32>, vector<16xi1> -> vector<16xi32>
        %masked_cummax3A_1755 = arith.xori %masked_cummax3A_1754, %masked_cummax3A_1752 : vector<16xi32>
        %sub3A_1756 = arith.subi %iota3A, %masked_cummax3A_1755 : vector<16xi32>
        %gather3A_1757 = tpu.vector_load_idx %arg11[%masked_sort3A_1725] : memref<128xi32, #tpu.memory_space<vmem>>[vector<16xi32>], vector<16xi32>,
        %add3A_1758 = arith.addi %gather3A_1757, %sub3A_1756 : vector<16xi32>
        %mul3A_1759 = arith.constant 128 : i32
        %mul3A_1760 = vector.broadcast %mul3A_1759 : i32 to vector<16xi32>
        %mul3A_1761 = arith.muli %gather3A_1728, %mul3A_1760 : vector<16xi32>
        %add3A_1762 = vector.broadcast %add3A_1208 : i32 to vector<16xi32>
        %add3A_1763 = arith.addi %mul3A_1761, %add3A_1762 : vector<16xi32>
        tpu.vector_store_idx %arg7[%add3A_1758], %add3A_1763 : memref<28640xi32, #tpu.memory_space<vmem>>[vector<16xi32>], vector<16xi32>,
        tpu.vector_store_idx %arg8[%add3A_1758], %gather3A_1731 : memref<28640xf32, #tpu.memory_space<vmem>>[vector<16xi32>], vector<16xf32>,
        tpu.vector_store_idx %arg11[%masked_sort3A_1725], %broadcast_in_dim3A_37 {add = true} : memref<128xi32, #tpu.memory_space<vmem>>[vector<16xi32>], vector<16xi32>,
        %add3A_1764 = arith.constant 112 : i32
        %add3A_1765 = arith.addi %mul3A_1104, %add3A_1764 : i32
        %get3A_1766 = arith.index_cast %add3A_1765 : i32 to index
        %get3A_1767 = tpu.vector_load %arg5[%get3A_1766] {strides = array<i32>} : memref<3328xi32, #tpu.memory_space<vmem>>, vector<16xi32>,
        %add3A_1768 = arith.constant 112 : i32
        %add3A_1769 = arith.addi %mul3A_1104, %add3A_1768 : i32
        %get3A_1770 = arith.index_cast %add3A_1769 : i32 to index
        %get3A_1771 = tpu.vector_load %arg6[%get3A_1770] {strides = array<i32>} : memref<3328xf32, #tpu.memory_space<vmem>>, vector<16xf32>,
        %mul3A_1772 = arith.mulf %get3A_1771, %div3A_1205 : vector<16xf32>
        %ge3A_1773 = arith.constant 0 : i32
        %ge3A_1774 = vector.broadcast %ge3A_1773 : i32 to vector<16xi32>
        %ge3A_1775 = arith.cmpi sge, %iota3A, %ge3A_1774 : vector<16xi32>
        %shift_right_arithmetic3A_1776 = arith.constant 3 : i32
        %shift_right_arithmetic3A_1777 = vector.broadcast %shift_right_arithmetic3A_1776 : i32 to vector<16xi32>
        %shift_right_arithmetic3A_1778 = arith.shrsi %get3A_1767, %shift_right_arithmetic3A_1777 : vector<16xi32>
        %sub3A_1779 = vector.broadcast %mul3A_32 : i32 to vector<16xi32>
        %sub3A_1780 = arith.subi %shift_right_arithmetic3A_1778, %sub3A_1779 : vector<16xi32>
        %ge3A_1781 = arith.constant 0 : i32
        %ge3A_1782 = vector.broadcast %ge3A_1781 : i32 to vector<16xi32>
        %ge3A_1783 = arith.cmpi sge, %sub3A_1780, %ge3A_1782 : vector<16xi32>
        %and3A_1784 = arith.andi %ge3A_1775, %ge3A_1783 : vector<16xi1>
        %lt3A_1785 = arith.constant 3125 : i32
        %lt3A_1786 = vector.broadcast %lt3A_1785 : i32 to vector<16xi32>
        %lt3A_1787 = arith.cmpi slt, %sub3A_1780, %lt3A_1786 : vector<16xi32>
        %and3A_1788 = arith.andi %and3A_1784, %lt3A_1787 : vector<16xi1>
        %mul3A_1789 = arith.constant 5243 : i32
        %mul3A_1790 = vector.broadcast %mul3A_1789 : i32 to vector<16xi32>
        %mul3A_1791 = arith.muli %sub3A_1780, %mul3A_1790 : vector<16xi32>
        %shift_right_arithmetic3A_1792 = arith.constant 17 : i32
        %shift_right_arithmetic3A_1793 = vector.broadcast %shift_right_arithmetic3A_1792 : i32 to vector<16xi32>
        %shift_right_arithmetic3A_1794 = arith.shrsi %mul3A_1791, %shift_right_arithmetic3A_1793 : vector<16xi32>
        %jit3A_1795 = arith.constant 125 : i32
        %broadcast_in_dim3A_1796 = vector.broadcast %jit3A_1795 : i32 to vector<16xi32>
        %select_n3A_1797 = arith.select %and3A_1788, %shift_right_arithmetic3A_1794, %broadcast_in_dim3A_1796 : vector<16xi1>, vector<16xi32>
        %masked_sort3A_1798 = arith.constant dense<true> : vector<16xi1>
        %masked_sort3A_1799 = arith.constant -2147483648 : i32
        %masked_sort3A_1800 = vector.broadcast %masked_sort3A_1799 : i32 to vector<16xi32>
        %masked_sort3A_1801 = arith.xori %select_n3A_1797, %masked_sort3A_1800 : vector<16xi32>
        %masked_sort3A_1802, %masked_sort3A_1803, %masked_sort3A_1804 = tpu.sort %masked_sort3A_1801, %iota3A masked %masked_sort3A_1798 : (vector<16xi32>, vector<16xi32>, vector<16xi1>) -> (vector<16xi1>, vector<16xi32>, vector<16xi32>)
        %masked_sort3A_1805 = arith.xori %masked_sort3A_1803, %masked_sort3A_1800 : vector<16xi32>
        %broadcast_in_dim3A_1806 = vector.shape_cast %masked_sort3A_1804 : vector<16xi32> to vector<16x1xi32>
        %gather3A_1807 = vector.shape_cast %broadcast_in_dim3A_1806 : vector<16x1xi32> to vector<16xi32>
        %gather3A_1808 = tpu.dynamic_gather %get3A_1767[%gather3A_1807] in [0] : vector<16xi32>, vector<16xi32> -> vector<16xi32>
        %broadcast_in_dim3A_1809 = vector.shape_cast %masked_sort3A_1804 : vector<16xi32> to vector<16x1xi32>
        %gather3A_1810 = vector.shape_cast %broadcast_in_dim3A_1809 : vector<16x1xi32> to vector<16xi32>
        %gather3A_1811 = tpu.dynamic_gather %mul3A_1772[%gather3A_1810] in [0] : vector<16xf32>, vector<16xi32> -> vector<16xf32>
        %sub3A_1812 = arith.constant 1 : i32
        %sub3A_1813 = vector.broadcast %sub3A_1812 : i32 to vector<16xi32>
        %sub3A_1814 = arith.subi %iota3A, %sub3A_1813 : vector<16xi32>
        %and3A_1815 = arith.constant 15 : i32
        %and3A_1816 = vector.broadcast %and3A_1815 : i32 to vector<16xi32>
        %and3A_1817 = arith.andi %sub3A_1814, %and3A_1816 : vector<16xi32>
        %broadcast_in_dim3A_1818 = vector.shape_cast %and3A_1817 : vector<16xi32> to vector<16x1xi32>
        %gather3A_1819 = vector.shape_cast %broadcast_in_dim3A_1818 : vector<16x1xi32> to vector<16xi32>
        %gather3A_1820 = tpu.dynamic_gather %masked_sort3A_1805[%gather3A_1819] in [0] : vector<16xi32>, vector<16xi32> -> vector<16xi32>
        %eq3A_1821 = arith.constant 0 : i32
        %eq3A_1822 = vector.broadcast %eq3A_1821 : i32 to vector<16xi32>
        %eq3A_1823 = arith.cmpi eq, %iota3A, %eq3A_1822 : vector<16xi32>
        %ne3A_1824 = arith.cmpi ne, %masked_sort3A_1805, %gather3A_1820 : vector<16xi32>
        %or3A_1825 = arith.ori %eq3A_1823, %ne3A_1824 : vector<16xi1>
        %jit3A_1826 = arith.constant 0 : i32
        %broadcast_in_dim3A_1827 = vector.broadcast %jit3A_1826 : i32 to vector<16xi32>
        %select_n3A_1828 = arith.select %or3A_1825, %iota3A, %broadcast_in_dim3A_1827 : vector<16xi1>, vector<16xi32>
        %broadcast_in_dim3A_1829 = arith.constant true
        %broadcast_in_dim3A_1830 = vector.broadcast %broadcast_in_dim3A_1829 : i1 to vector<16xi1>
        %masked_cummax3A_1831 = arith.constant -2147483648 : i32
        %masked_cummax3A_1832 = vector.broadcast %masked_cummax3A_1831 : i32 to vector<16xi32>
        %masked_cummax3A_1833 = arith.xori %select_n3A_1828, %masked_cummax3A_1832 : vector<16xi32>
        %masked_cummax3A_1834 = tpu.scan <max>, %masked_cummax3A_1833 masked %broadcast_in_dim3A_1830 : vector<16xi32>, vector<16xi1> -> vector<16xi32>
        %masked_cummax3A_1835 = arith.xori %masked_cummax3A_1834, %masked_cummax3A_1832 : vector<16xi32>
        %sub3A_1836 = arith.subi %iota3A, %masked_cummax3A_1835 : vector<16xi32>
        %gather3A_1837 = tpu.vector_load_idx %arg11[%masked_sort3A_1805] : memref<128xi32, #tpu.memory_space<vmem>>[vector<16xi32>], vector<16xi32>,
        %add3A_1838 = arith.addi %gather3A_1837, %sub3A_1836 : vector<16xi32>
        %mul3A_1839 = arith.constant 128 : i32
        %mul3A_1840 = vector.broadcast %mul3A_1839 : i32 to vector<16xi32>
        %mul3A_1841 = arith.muli %gather3A_1808, %mul3A_1840 : vector<16xi32>
        %add3A_1842 = vector.broadcast %add3A_1208 : i32 to vector<16xi32>
        %add3A_1843 = arith.addi %mul3A_1841, %add3A_1842 : vector<16xi32>
        tpu.vector_store_idx %arg7[%add3A_1838], %add3A_1843 : memref<28640xi32, #tpu.memory_space<vmem>>[vector<16xi32>], vector<16xi32>,
        tpu.vector_store_idx %arg8[%add3A_1838], %gather3A_1811 : memref<28640xf32, #tpu.memory_space<vmem>>[vector<16xi32>], vector<16xf32>,
        tpu.vector_store_idx %arg11[%masked_sort3A_1805], %broadcast_in_dim3A_37 {add = true} : memref<128xi32, #tpu.memory_space<vmem>>[vector<16xi32>], vector<16xi32>,
        %add3A_1844 = arith.constant 128 : i32
        %add3A_1845 = arith.addi %mul3A_1104, %add3A_1844 : i32
        %get3A_1846 = arith.index_cast %add3A_1845 : i32 to index
        %get3A_1847 = tpu.vector_load %arg5[%get3A_1846] {strides = array<i32>} : memref<3328xi32, #tpu.memory_space<vmem>>, vector<16xi32>,
        %add3A_1848 = arith.constant 128 : i32
        %add3A_1849 = arith.addi %mul3A_1104, %add3A_1848 : i32
        %get3A_1850 = arith.index_cast %add3A_1849 : i32 to index
        %get3A_1851 = tpu.vector_load %arg6[%get3A_1850] {strides = array<i32>} : memref<3328xf32, #tpu.memory_space<vmem>>, vector<16xf32>,
        %mul3A_1852 = arith.mulf %get3A_1851, %div3A_1205 : vector<16xf32>
        %ge3A_1853 = arith.constant 0 : i32
        %ge3A_1854 = vector.broadcast %ge3A_1853 : i32 to vector<16xi32>
        %ge3A_1855 = arith.cmpi sge, %iota3A, %ge3A_1854 : vector<16xi32>
        %shift_right_arithmetic3A_1856 = arith.constant 3 : i32
        %shift_right_arithmetic3A_1857 = vector.broadcast %shift_right_arithmetic3A_1856 : i32 to vector<16xi32>
        %shift_right_arithmetic3A_1858 = arith.shrsi %get3A_1847, %shift_right_arithmetic3A_1857 : vector<16xi32>
        %sub3A_1859 = vector.broadcast %mul3A_32 : i32 to vector<16xi32>
        %sub3A_1860 = arith.subi %shift_right_arithmetic3A_1858, %sub3A_1859 : vector<16xi32>
        %ge3A_1861 = arith.constant 0 : i32
        %ge3A_1862 = vector.broadcast %ge3A_1861 : i32 to vector<16xi32>
        %ge3A_1863 = arith.cmpi sge, %sub3A_1860, %ge3A_1862 : vector<16xi32>
        %and3A_1864 = arith.andi %ge3A_1855, %ge3A_1863 : vector<16xi1>
        %lt3A_1865 = arith.constant 3125 : i32
        %lt3A_1866 = vector.broadcast %lt3A_1865 : i32 to vector<16xi32>
        %lt3A_1867 = arith.cmpi slt, %sub3A_1860, %lt3A_1866 : vector<16xi32>
        %and3A_1868 = arith.andi %and3A_1864, %lt3A_1867 : vector<16xi1>
        %mul3A_1869 = arith.constant 5243 : i32
        %mul3A_1870 = vector.broadcast %mul3A_1869 : i32 to vector<16xi32>
        %mul3A_1871 = arith.muli %sub3A_1860, %mul3A_1870 : vector<16xi32>
        %shift_right_arithmetic3A_1872 = arith.constant 17 : i32
        %shift_right_arithmetic3A_1873 = vector.broadcast %shift_right_arithmetic3A_1872 : i32 to vector<16xi32>
        %shift_right_arithmetic3A_1874 = arith.shrsi %mul3A_1871, %shift_right_arithmetic3A_1873 : vector<16xi32>
        %jit3A_1875 = arith.constant 125 : i32
        %broadcast_in_dim3A_1876 = vector.broadcast %jit3A_1875 : i32 to vector<16xi32>
        %select_n3A_1877 = arith.select %and3A_1868, %shift_right_arithmetic3A_1874, %broadcast_in_dim3A_1876 : vector<16xi1>, vector<16xi32>
        %masked_sort3A_1878 = arith.constant dense<true> : vector<16xi1>
        %masked_sort3A_1879 = arith.constant -2147483648 : i32
        %masked_sort3A_1880 = vector.broadcast %masked_sort3A_1879 : i32 to vector<16xi32>
        %masked_sort3A_1881 = arith.xori %select_n3A_1877, %masked_sort3A_1880 : vector<16xi32>
        %masked_sort3A_1882, %masked_sort3A_1883, %masked_sort3A_1884 = tpu.sort %masked_sort3A_1881, %iota3A masked %masked_sort3A_1878 : (vector<16xi32>, vector<16xi32>, vector<16xi1>) -> (vector<16xi1>, vector<16xi32>, vector<16xi32>)
        %masked_sort3A_1885 = arith.xori %masked_sort3A_1883, %masked_sort3A_1880 : vector<16xi32>
        %broadcast_in_dim3A_1886 = vector.shape_cast %masked_sort3A_1884 : vector<16xi32> to vector<16x1xi32>
        %gather3A_1887 = vector.shape_cast %broadcast_in_dim3A_1886 : vector<16x1xi32> to vector<16xi32>
        %gather3A_1888 = tpu.dynamic_gather %get3A_1847[%gather3A_1887] in [0] : vector<16xi32>, vector<16xi32> -> vector<16xi32>
        %broadcast_in_dim3A_1889 = vector.shape_cast %masked_sort3A_1884 : vector<16xi32> to vector<16x1xi32>
        %gather3A_1890 = vector.shape_cast %broadcast_in_dim3A_1889 : vector<16x1xi32> to vector<16xi32>
        %gather3A_1891 = tpu.dynamic_gather %mul3A_1852[%gather3A_1890] in [0] : vector<16xf32>, vector<16xi32> -> vector<16xf32>
        %sub3A_1892 = arith.constant 1 : i32
        %sub3A_1893 = vector.broadcast %sub3A_1892 : i32 to vector<16xi32>
        %sub3A_1894 = arith.subi %iota3A, %sub3A_1893 : vector<16xi32>
        %and3A_1895 = arith.constant 15 : i32
        %and3A_1896 = vector.broadcast %and3A_1895 : i32 to vector<16xi32>
        %and3A_1897 = arith.andi %sub3A_1894, %and3A_1896 : vector<16xi32>
        %broadcast_in_dim3A_1898 = vector.shape_cast %and3A_1897 : vector<16xi32> to vector<16x1xi32>
        %gather3A_1899 = vector.shape_cast %broadcast_in_dim3A_1898 : vector<16x1xi32> to vector<16xi32>
        %gather3A_1900 = tpu.dynamic_gather %masked_sort3A_1885[%gather3A_1899] in [0] : vector<16xi32>, vector<16xi32> -> vector<16xi32>
        %eq3A_1901 = arith.constant 0 : i32
        %eq3A_1902 = vector.broadcast %eq3A_1901 : i32 to vector<16xi32>
        %eq3A_1903 = arith.cmpi eq, %iota3A, %eq3A_1902 : vector<16xi32>
        %ne3A_1904 = arith.cmpi ne, %masked_sort3A_1885, %gather3A_1900 : vector<16xi32>
        %or3A_1905 = arith.ori %eq3A_1903, %ne3A_1904 : vector<16xi1>
        %jit3A_1906 = arith.constant 0 : i32
        %broadcast_in_dim3A_1907 = vector.broadcast %jit3A_1906 : i32 to vector<16xi32>
        %select_n3A_1908 = arith.select %or3A_1905, %iota3A, %broadcast_in_dim3A_1907 : vector<16xi1>, vector<16xi32>
        %broadcast_in_dim3A_1909 = arith.constant true
        %broadcast_in_dim3A_1910 = vector.broadcast %broadcast_in_dim3A_1909 : i1 to vector<16xi1>
        %masked_cummax3A_1911 = arith.constant -2147483648 : i32
        %masked_cummax3A_1912 = vector.broadcast %masked_cummax3A_1911 : i32 to vector<16xi32>
        %masked_cummax3A_1913 = arith.xori %select_n3A_1908, %masked_cummax3A_1912 : vector<16xi32>
        %masked_cummax3A_1914 = tpu.scan <max>, %masked_cummax3A_1913 masked %broadcast_in_dim3A_1910 : vector<16xi32>, vector<16xi1> -> vector<16xi32>
        %masked_cummax3A_1915 = arith.xori %masked_cummax3A_1914, %masked_cummax3A_1912 : vector<16xi32>
        %sub3A_1916 = arith.subi %iota3A, %masked_cummax3A_1915 : vector<16xi32>
        %gather3A_1917 = tpu.vector_load_idx %arg11[%masked_sort3A_1885] : memref<128xi32, #tpu.memory_space<vmem>>[vector<16xi32>], vector<16xi32>,
        %add3A_1918 = arith.addi %gather3A_1917, %sub3A_1916 : vector<16xi32>
        %mul3A_1919 = arith.constant 128 : i32
        %mul3A_1920 = vector.broadcast %mul3A_1919 : i32 to vector<16xi32>
        %mul3A_1921 = arith.muli %gather3A_1888, %mul3A_1920 : vector<16xi32>
        %add3A_1922 = vector.broadcast %add3A_1208 : i32 to vector<16xi32>
        %add3A_1923 = arith.addi %mul3A_1921, %add3A_1922 : vector<16xi32>
        tpu.vector_store_idx %arg7[%add3A_1918], %add3A_1923 : memref<28640xi32, #tpu.memory_space<vmem>>[vector<16xi32>], vector<16xi32>,
        tpu.vector_store_idx %arg8[%add3A_1918], %gather3A_1891 : memref<28640xf32, #tpu.memory_space<vmem>>[vector<16xi32>], vector<16xf32>,
        tpu.vector_store_idx %arg11[%masked_sort3A_1885], %broadcast_in_dim3A_37 {add = true} : memref<128xi32, #tpu.memory_space<vmem>>[vector<16xi32>], vector<16xi32>,
        %add3A_1924 = arith.constant 144 : i32
        %add3A_1925 = arith.addi %mul3A_1104, %add3A_1924 : i32
        %get3A_1926 = arith.index_cast %add3A_1925 : i32 to index
        %get3A_1927 = tpu.vector_load %arg5[%get3A_1926] {strides = array<i32>} : memref<3328xi32, #tpu.memory_space<vmem>>, vector<16xi32>,
        %add3A_1928 = arith.constant 144 : i32
        %add3A_1929 = arith.addi %mul3A_1104, %add3A_1928 : i32
        %get3A_1930 = arith.index_cast %add3A_1929 : i32 to index
        %get3A_1931 = tpu.vector_load %arg6[%get3A_1930] {strides = array<i32>} : memref<3328xf32, #tpu.memory_space<vmem>>, vector<16xf32>,
        %mul3A_1932 = arith.mulf %get3A_1931, %div3A_1205 : vector<16xf32>
        %ge3A_1933 = arith.constant 0 : i32
        %ge3A_1934 = vector.broadcast %ge3A_1933 : i32 to vector<16xi32>
        %ge3A_1935 = arith.cmpi sge, %iota3A, %ge3A_1934 : vector<16xi32>
        %shift_right_arithmetic3A_1936 = arith.constant 3 : i32
        %shift_right_arithmetic3A_1937 = vector.broadcast %shift_right_arithmetic3A_1936 : i32 to vector<16xi32>
        %shift_right_arithmetic3A_1938 = arith.shrsi %get3A_1927, %shift_right_arithmetic3A_1937 : vector<16xi32>
        %sub3A_1939 = vector.broadcast %mul3A_32 : i32 to vector<16xi32>
        %sub3A_1940 = arith.subi %shift_right_arithmetic3A_1938, %sub3A_1939 : vector<16xi32>
        %ge3A_1941 = arith.constant 0 : i32
        %ge3A_1942 = vector.broadcast %ge3A_1941 : i32 to vector<16xi32>
        %ge3A_1943 = arith.cmpi sge, %sub3A_1940, %ge3A_1942 : vector<16xi32>
        %and3A_1944 = arith.andi %ge3A_1935, %ge3A_1943 : vector<16xi1>
        %lt3A_1945 = arith.constant 3125 : i32
        %lt3A_1946 = vector.broadcast %lt3A_1945 : i32 to vector<16xi32>
        %lt3A_1947 = arith.cmpi slt, %sub3A_1940, %lt3A_1946 : vector<16xi32>
        %and3A_1948 = arith.andi %and3A_1944, %lt3A_1947 : vector<16xi1>
        %mul3A_1949 = arith.constant 5243 : i32
        %mul3A_1950 = vector.broadcast %mul3A_1949 : i32 to vector<16xi32>
        %mul3A_1951 = arith.muli %sub3A_1940, %mul3A_1950 : vector<16xi32>
        %shift_right_arithmetic3A_1952 = arith.constant 17 : i32
        %shift_right_arithmetic3A_1953 = vector.broadcast %shift_right_arithmetic3A_1952 : i32 to vector<16xi32>
        %shift_right_arithmetic3A_1954 = arith.shrsi %mul3A_1951, %shift_right_arithmetic3A_1953 : vector<16xi32>
        %jit3A_1955 = arith.constant 125 : i32
        %broadcast_in_dim3A_1956 = vector.broadcast %jit3A_1955 : i32 to vector<16xi32>
        %select_n3A_1957 = arith.select %and3A_1948, %shift_right_arithmetic3A_1954, %broadcast_in_dim3A_1956 : vector<16xi1>, vector<16xi32>
        %masked_sort3A_1958 = arith.constant dense<true> : vector<16xi1>
        %masked_sort3A_1959 = arith.constant -2147483648 : i32
        %masked_sort3A_1960 = vector.broadcast %masked_sort3A_1959 : i32 to vector<16xi32>
        %masked_sort3A_1961 = arith.xori %select_n3A_1957, %masked_sort3A_1960 : vector<16xi32>
        %masked_sort3A_1962, %masked_sort3A_1963, %masked_sort3A_1964 = tpu.sort %masked_sort3A_1961, %iota3A masked %masked_sort3A_1958 : (vector<16xi32>, vector<16xi32>, vector<16xi1>) -> (vector<16xi1>, vector<16xi32>, vector<16xi32>)
        %masked_sort3A_1965 = arith.xori %masked_sort3A_1963, %masked_sort3A_1960 : vector<16xi32>
        %broadcast_in_dim3A_1966 = vector.shape_cast %masked_sort3A_1964 : vector<16xi32> to vector<16x1xi32>
        %gather3A_1967 = vector.shape_cast %broadcast_in_dim3A_1966 : vector<16x1xi32> to vector<16xi32>
        %gather3A_1968 = tpu.dynamic_gather %get3A_1927[%gather3A_1967] in [0] : vector<16xi32>, vector<16xi32> -> vector<16xi32>
        %broadcast_in_dim3A_1969 = vector.shape_cast %masked_sort3A_1964 : vector<16xi32> to vector<16x1xi32>
        %gather3A_1970 = vector.shape_cast %broadcast_in_dim3A_1969 : vector<16x1xi32> to vector<16xi32>
        %gather3A_1971 = tpu.dynamic_gather %mul3A_1932[%gather3A_1970] in [0] : vector<16xf32>, vector<16xi32> -> vector<16xf32>
        %sub3A_1972 = arith.constant 1 : i32
        %sub3A_1973 = vector.broadcast %sub3A_1972 : i32 to vector<16xi32>
        %sub3A_1974 = arith.subi %iota3A, %sub3A_1973 : vector<16xi32>
        %and3A_1975 = arith.constant 15 : i32
        %and3A_1976 = vector.broadcast %and3A_1975 : i32 to vector<16xi32>
        %and3A_1977 = arith.andi %sub3A_1974, %and3A_1976 : vector<16xi32>
        %broadcast_in_dim3A_1978 = vector.shape_cast %and3A_1977 : vector<16xi32> to vector<16x1xi32>
        %gather3A_1979 = vector.shape_cast %broadcast_in_dim3A_1978 : vector<16x1xi32> to vector<16xi32>
        %gather3A_1980 = tpu.dynamic_gather %masked_sort3A_1965[%gather3A_1979] in [0] : vector<16xi32>, vector<16xi32> -> vector<16xi32>
        %eq3A_1981 = arith.constant 0 : i32
        %eq3A_1982 = vector.broadcast %eq3A_1981 : i32 to vector<16xi32>
        %eq3A_1983 = arith.cmpi eq, %iota3A, %eq3A_1982 : vector<16xi32>
        %ne3A_1984 = arith.cmpi ne, %masked_sort3A_1965, %gather3A_1980 : vector<16xi32>
        %or3A_1985 = arith.ori %eq3A_1983, %ne3A_1984 : vector<16xi1>
        %jit3A_1986 = arith.constant 0 : i32
        %broadcast_in_dim3A_1987 = vector.broadcast %jit3A_1986 : i32 to vector<16xi32>
        %select_n3A_1988 = arith.select %or3A_1985, %iota3A, %broadcast_in_dim3A_1987 : vector<16xi1>, vector<16xi32>
        %broadcast_in_dim3A_1989 = arith.constant true
        %broadcast_in_dim3A_1990 = vector.broadcast %broadcast_in_dim3A_1989 : i1 to vector<16xi1>
        %masked_cummax3A_1991 = arith.constant -2147483648 : i32
        %masked_cummax3A_1992 = vector.broadcast %masked_cummax3A_1991 : i32 to vector<16xi32>
        %masked_cummax3A_1993 = arith.xori %select_n3A_1988, %masked_cummax3A_1992 : vector<16xi32>
        %masked_cummax3A_1994 = tpu.scan <max>, %masked_cummax3A_1993 masked %broadcast_in_dim3A_1990 : vector<16xi32>, vector<16xi1> -> vector<16xi32>
        %masked_cummax3A_1995 = arith.xori %masked_cummax3A_1994, %masked_cummax3A_1992 : vector<16xi32>
        %sub3A_1996 = arith.subi %iota3A, %masked_cummax3A_1995 : vector<16xi32>
        %gather3A_1997 = tpu.vector_load_idx %arg11[%masked_sort3A_1965] : memref<128xi32, #tpu.memory_space<vmem>>[vector<16xi32>], vector<16xi32>,
        %add3A_1998 = arith.addi %gather3A_1997, %sub3A_1996 : vector<16xi32>
        %mul3A_1999 = arith.constant 128 : i32
        %mul3A_2000 = vector.broadcast %mul3A_1999 : i32 to vector<16xi32>
        %mul3A_2001 = arith.muli %gather3A_1968, %mul3A_2000 : vector<16xi32>
        %add3A_2002 = vector.broadcast %add3A_1208 : i32 to vector<16xi32>
        %add3A_2003 = arith.addi %mul3A_2001, %add3A_2002 : vector<16xi32>
        tpu.vector_store_idx %arg7[%add3A_1998], %add3A_2003 : memref<28640xi32, #tpu.memory_space<vmem>>[vector<16xi32>], vector<16xi32>,
        tpu.vector_store_idx %arg8[%add3A_1998], %gather3A_1971 : memref<28640xf32, #tpu.memory_space<vmem>>[vector<16xi32>], vector<16xf32>,
        tpu.vector_store_idx %arg11[%masked_sort3A_1965], %broadcast_in_dim3A_37 {add = true} : memref<128xi32, #tpu.memory_space<vmem>>[vector<16xi32>], vector<16xi32>,
        %add3A_2004 = arith.constant 160 : i32
        %add3A_2005 = arith.addi %mul3A_1104, %add3A_2004 : i32
        %get3A_2006 = arith.index_cast %add3A_2005 : i32 to index
        %get3A_2007 = tpu.vector_load %arg5[%get3A_2006] {strides = array<i32>} : memref<3328xi32, #tpu.memory_space<vmem>>, vector<16xi32>,
        %add3A_2008 = arith.constant 160 : i32
        %add3A_2009 = arith.addi %mul3A_1104, %add3A_2008 : i32
        %get3A_2010 = arith.index_cast %add3A_2009 : i32 to index
        %get3A_2011 = tpu.vector_load %arg6[%get3A_2010] {strides = array<i32>} : memref<3328xf32, #tpu.memory_space<vmem>>, vector<16xf32>,
        %mul3A_2012 = arith.mulf %get3A_2011, %div3A_1205 : vector<16xf32>
        %ge3A_2013 = arith.constant 0 : i32
        %ge3A_2014 = vector.broadcast %ge3A_2013 : i32 to vector<16xi32>
        %ge3A_2015 = arith.cmpi sge, %iota3A, %ge3A_2014 : vector<16xi32>
        %shift_right_arithmetic3A_2016 = arith.constant 3 : i32
        %shift_right_arithmetic3A_2017 = vector.broadcast %shift_right_arithmetic3A_2016 : i32 to vector<16xi32>
        %shift_right_arithmetic3A_2018 = arith.shrsi %get3A_2007, %shift_right_arithmetic3A_2017 : vector<16xi32>
        %sub3A_2019 = vector.broadcast %mul3A_32 : i32 to vector<16xi32>
        %sub3A_2020 = arith.subi %shift_right_arithmetic3A_2018, %sub3A_2019 : vector<16xi32>
        %ge3A_2021 = arith.constant 0 : i32
        %ge3A_2022 = vector.broadcast %ge3A_2021 : i32 to vector<16xi32>
        %ge3A_2023 = arith.cmpi sge, %sub3A_2020, %ge3A_2022 : vector<16xi32>
        %and3A_2024 = arith.andi %ge3A_2015, %ge3A_2023 : vector<16xi1>
        %lt3A_2025 = arith.constant 3125 : i32
        %lt3A_2026 = vector.broadcast %lt3A_2025 : i32 to vector<16xi32>
        %lt3A_2027 = arith.cmpi slt, %sub3A_2020, %lt3A_2026 : vector<16xi32>
        %and3A_2028 = arith.andi %and3A_2024, %lt3A_2027 : vector<16xi1>
        %mul3A_2029 = arith.constant 5243 : i32
        %mul3A_2030 = vector.broadcast %mul3A_2029 : i32 to vector<16xi32>
        %mul3A_2031 = arith.muli %sub3A_2020, %mul3A_2030 : vector<16xi32>
        %shift_right_arithmetic3A_2032 = arith.constant 17 : i32
        %shift_right_arithmetic3A_2033 = vector.broadcast %shift_right_arithmetic3A_2032 : i32 to vector<16xi32>
        %shift_right_arithmetic3A_2034 = arith.shrsi %mul3A_2031, %shift_right_arithmetic3A_2033 : vector<16xi32>
        %jit3A_2035 = arith.constant 125 : i32
        %broadcast_in_dim3A_2036 = vector.broadcast %jit3A_2035 : i32 to vector<16xi32>
        %select_n3A_2037 = arith.select %and3A_2028, %shift_right_arithmetic3A_2034, %broadcast_in_dim3A_2036 : vector<16xi1>, vector<16xi32>
        %masked_sort3A_2038 = arith.constant dense<true> : vector<16xi1>
        %masked_sort3A_2039 = arith.constant -2147483648 : i32
        %masked_sort3A_2040 = vector.broadcast %masked_sort3A_2039 : i32 to vector<16xi32>
        %masked_sort3A_2041 = arith.xori %select_n3A_2037, %masked_sort3A_2040 : vector<16xi32>
        %masked_sort3A_2042, %masked_sort3A_2043, %masked_sort3A_2044 = tpu.sort %masked_sort3A_2041, %iota3A masked %masked_sort3A_2038 : (vector<16xi32>, vector<16xi32>, vector<16xi1>) -> (vector<16xi1>, vector<16xi32>, vector<16xi32>)
        %masked_sort3A_2045 = arith.xori %masked_sort3A_2043, %masked_sort3A_2040 : vector<16xi32>
        %broadcast_in_dim3A_2046 = vector.shape_cast %masked_sort3A_2044 : vector<16xi32> to vector<16x1xi32>
        %gather3A_2047 = vector.shape_cast %broadcast_in_dim3A_2046 : vector<16x1xi32> to vector<16xi32>
        %gather3A_2048 = tpu.dynamic_gather %get3A_2007[%gather3A_2047] in [0] : vector<16xi32>, vector<16xi32> -> vector<16xi32>
        %broadcast_in_dim3A_2049 = vector.shape_cast %masked_sort3A_2044 : vector<16xi32> to vector<16x1xi32>
        %gather3A_2050 = vector.shape_cast %broadcast_in_dim3A_2049 : vector<16x1xi32> to vector<16xi32>
        %gather3A_2051 = tpu.dynamic_gather %mul3A_2012[%gather3A_2050] in [0] : vector<16xf32>, vector<16xi32> -> vector<16xf32>
        %sub3A_2052 = arith.constant 1 : i32
        %sub3A_2053 = vector.broadcast %sub3A_2052 : i32 to vector<16xi32>
        %sub3A_2054 = arith.subi %iota3A, %sub3A_2053 : vector<16xi32>
        %and3A_2055 = arith.constant 15 : i32
        %and3A_2056 = vector.broadcast %and3A_2055 : i32 to vector<16xi32>
        %and3A_2057 = arith.andi %sub3A_2054, %and3A_2056 : vector<16xi32>
        %broadcast_in_dim3A_2058 = vector.shape_cast %and3A_2057 : vector<16xi32> to vector<16x1xi32>
        %gather3A_2059 = vector.shape_cast %broadcast_in_dim3A_2058 : vector<16x1xi32> to vector<16xi32>
        %gather3A_2060 = tpu.dynamic_gather %masked_sort3A_2045[%gather3A_2059] in [0] : vector<16xi32>, vector<16xi32> -> vector<16xi32>
        %eq3A_2061 = arith.constant 0 : i32
        %eq3A_2062 = vector.broadcast %eq3A_2061 : i32 to vector<16xi32>
        %eq3A_2063 = arith.cmpi eq, %iota3A, %eq3A_2062 : vector<16xi32>
        %ne3A_2064 = arith.cmpi ne, %masked_sort3A_2045, %gather3A_2060 : vector<16xi32>
        %or3A_2065 = arith.ori %eq3A_2063, %ne3A_2064 : vector<16xi1>
        %jit3A_2066 = arith.constant 0 : i32
        %broadcast_in_dim3A_2067 = vector.broadcast %jit3A_2066 : i32 to vector<16xi32>
        %select_n3A_2068 = arith.select %or3A_2065, %iota3A, %broadcast_in_dim3A_2067 : vector<16xi1>, vector<16xi32>
        %broadcast_in_dim3A_2069 = arith.constant true
        %broadcast_in_dim3A_2070 = vector.broadcast %broadcast_in_dim3A_2069 : i1 to vector<16xi1>
        %masked_cummax3A_2071 = arith.constant -2147483648 : i32
        %masked_cummax3A_2072 = vector.broadcast %masked_cummax3A_2071 : i32 to vector<16xi32>
        %masked_cummax3A_2073 = arith.xori %select_n3A_2068, %masked_cummax3A_2072 : vector<16xi32>
        %masked_cummax3A_2074 = tpu.scan <max>, %masked_cummax3A_2073 masked %broadcast_in_dim3A_2070 : vector<16xi32>, vector<16xi1> -> vector<16xi32>
        %masked_cummax3A_2075 = arith.xori %masked_cummax3A_2074, %masked_cummax3A_2072 : vector<16xi32>
        %sub3A_2076 = arith.subi %iota3A, %masked_cummax3A_2075 : vector<16xi32>
        %gather3A_2077 = tpu.vector_load_idx %arg11[%masked_sort3A_2045] : memref<128xi32, #tpu.memory_space<vmem>>[vector<16xi32>], vector<16xi32>,
        %add3A_2078 = arith.addi %gather3A_2077, %sub3A_2076 : vector<16xi32>
        %mul3A_2079 = arith.constant 128 : i32
        %mul3A_2080 = vector.broadcast %mul3A_2079 : i32 to vector<16xi32>
        %mul3A_2081 = arith.muli %gather3A_2048, %mul3A_2080 : vector<16xi32>
        %add3A_2082 = vector.broadcast %add3A_1208 : i32 to vector<16xi32>
        %add3A_2083 = arith.addi %mul3A_2081, %add3A_2082 : vector<16xi32>
        tpu.vector_store_idx %arg7[%add3A_2078], %add3A_2083 : memref<28640xi32, #tpu.memory_space<vmem>>[vector<16xi32>], vector<16xi32>,
        tpu.vector_store_idx %arg8[%add3A_2078], %gather3A_2051 : memref<28640xf32, #tpu.memory_space<vmem>>[vector<16xi32>], vector<16xf32>,
        tpu.vector_store_idx %arg11[%masked_sort3A_2045], %broadcast_in_dim3A_37 {add = true} : memref<128xi32, #tpu.memory_space<vmem>>[vector<16xi32>], vector<16xi32>,
        %add3A_2084 = arith.constant 176 : i32
        %add3A_2085 = arith.addi %mul3A_1104, %add3A_2084 : i32
        %get3A_2086 = arith.index_cast %add3A_2085 : i32 to index
        %get3A_2087 = tpu.vector_load %arg5[%get3A_2086] {strides = array<i32>} : memref<3328xi32, #tpu.memory_space<vmem>>, vector<16xi32>,
        %add3A_2088 = arith.constant 176 : i32
        %add3A_2089 = arith.addi %mul3A_1104, %add3A_2088 : i32
        %get3A_2090 = arith.index_cast %add3A_2089 : i32 to index
        %get3A_2091 = tpu.vector_load %arg6[%get3A_2090] {strides = array<i32>} : memref<3328xf32, #tpu.memory_space<vmem>>, vector<16xf32>,
        %mul3A_2092 = arith.mulf %get3A_2091, %div3A_1205 : vector<16xf32>
        %ge3A_2093 = arith.constant 0 : i32
        %ge3A_2094 = vector.broadcast %ge3A_2093 : i32 to vector<16xi32>
        %ge3A_2095 = arith.cmpi sge, %iota3A, %ge3A_2094 : vector<16xi32>
        %shift_right_arithmetic3A_2096 = arith.constant 3 : i32
        %shift_right_arithmetic3A_2097 = vector.broadcast %shift_right_arithmetic3A_2096 : i32 to vector<16xi32>
        %shift_right_arithmetic3A_2098 = arith.shrsi %get3A_2087, %shift_right_arithmetic3A_2097 : vector<16xi32>
        %sub3A_2099 = vector.broadcast %mul3A_32 : i32 to vector<16xi32>
        %sub3A_2100 = arith.subi %shift_right_arithmetic3A_2098, %sub3A_2099 : vector<16xi32>
        %ge3A_2101 = arith.constant 0 : i32
        %ge3A_2102 = vector.broadcast %ge3A_2101 : i32 to vector<16xi32>
        %ge3A_2103 = arith.cmpi sge, %sub3A_2100, %ge3A_2102 : vector<16xi32>
        %and3A_2104 = arith.andi %ge3A_2095, %ge3A_2103 : vector<16xi1>
        %lt3A_2105 = arith.constant 3125 : i32
        %lt3A_2106 = vector.broadcast %lt3A_2105 : i32 to vector<16xi32>
        %lt3A_2107 = arith.cmpi slt, %sub3A_2100, %lt3A_2106 : vector<16xi32>
        %and3A_2108 = arith.andi %and3A_2104, %lt3A_2107 : vector<16xi1>
        %mul3A_2109 = arith.constant 5243 : i32
        %mul3A_2110 = vector.broadcast %mul3A_2109 : i32 to vector<16xi32>
        %mul3A_2111 = arith.muli %sub3A_2100, %mul3A_2110 : vector<16xi32>
        %shift_right_arithmetic3A_2112 = arith.constant 17 : i32
        %shift_right_arithmetic3A_2113 = vector.broadcast %shift_right_arithmetic3A_2112 : i32 to vector<16xi32>
        %shift_right_arithmetic3A_2114 = arith.shrsi %mul3A_2111, %shift_right_arithmetic3A_2113 : vector<16xi32>
        %jit3A_2115 = arith.constant 125 : i32
        %broadcast_in_dim3A_2116 = vector.broadcast %jit3A_2115 : i32 to vector<16xi32>
        %select_n3A_2117 = arith.select %and3A_2108, %shift_right_arithmetic3A_2114, %broadcast_in_dim3A_2116 : vector<16xi1>, vector<16xi32>
        %masked_sort3A_2118 = arith.constant dense<true> : vector<16xi1>
        %masked_sort3A_2119 = arith.constant -2147483648 : i32
        %masked_sort3A_2120 = vector.broadcast %masked_sort3A_2119 : i32 to vector<16xi32>
        %masked_sort3A_2121 = arith.xori %select_n3A_2117, %masked_sort3A_2120 : vector<16xi32>
        %masked_sort3A_2122, %masked_sort3A_2123, %masked_sort3A_2124 = tpu.sort %masked_sort3A_2121, %iota3A masked %masked_sort3A_2118 : (vector<16xi32>, vector<16xi32>, vector<16xi1>) -> (vector<16xi1>, vector<16xi32>, vector<16xi32>)
        %masked_sort3A_2125 = arith.xori %masked_sort3A_2123, %masked_sort3A_2120 : vector<16xi32>
        %broadcast_in_dim3A_2126 = vector.shape_cast %masked_sort3A_2124 : vector<16xi32> to vector<16x1xi32>
        %gather3A_2127 = vector.shape_cast %broadcast_in_dim3A_2126 : vector<16x1xi32> to vector<16xi32>
        %gather3A_2128 = tpu.dynamic_gather %get3A_2087[%gather3A_2127] in [0] : vector<16xi32>, vector<16xi32> -> vector<16xi32>
        %broadcast_in_dim3A_2129 = vector.shape_cast %masked_sort3A_2124 : vector<16xi32> to vector<16x1xi32>
        %gather3A_2130 = vector.shape_cast %broadcast_in_dim3A_2129 : vector<16x1xi32> to vector<16xi32>
        %gather3A_2131 = tpu.dynamic_gather %mul3A_2092[%gather3A_2130] in [0] : vector<16xf32>, vector<16xi32> -> vector<16xf32>
        %sub3A_2132 = arith.constant 1 : i32
        %sub3A_2133 = vector.broadcast %sub3A_2132 : i32 to vector<16xi32>
        %sub3A_2134 = arith.subi %iota3A, %sub3A_2133 : vector<16xi32>
        %and3A_2135 = arith.constant 15 : i32
        %and3A_2136 = vector.broadcast %and3A_2135 : i32 to vector<16xi32>
        %and3A_2137 = arith.andi %sub3A_2134, %and3A_2136 : vector<16xi32>
        %broadcast_in_dim3A_2138 = vector.shape_cast %and3A_2137 : vector<16xi32> to vector<16x1xi32>
        %gather3A_2139 = vector.shape_cast %broadcast_in_dim3A_2138 : vector<16x1xi32> to vector<16xi32>
        %gather3A_2140 = tpu.dynamic_gather %masked_sort3A_2125[%gather3A_2139] in [0] : vector<16xi32>, vector<16xi32> -> vector<16xi32>
        %eq3A_2141 = arith.constant 0 : i32
        %eq3A_2142 = vector.broadcast %eq3A_2141 : i32 to vector<16xi32>
        %eq3A_2143 = arith.cmpi eq, %iota3A, %eq3A_2142 : vector<16xi32>
        %ne3A_2144 = arith.cmpi ne, %masked_sort3A_2125, %gather3A_2140 : vector<16xi32>
        %or3A_2145 = arith.ori %eq3A_2143, %ne3A_2144 : vector<16xi1>
        %jit3A_2146 = arith.constant 0 : i32
        %broadcast_in_dim3A_2147 = vector.broadcast %jit3A_2146 : i32 to vector<16xi32>
        %select_n3A_2148 = arith.select %or3A_2145, %iota3A, %broadcast_in_dim3A_2147 : vector<16xi1>, vector<16xi32>
        %broadcast_in_dim3A_2149 = arith.constant true
        %broadcast_in_dim3A_2150 = vector.broadcast %broadcast_in_dim3A_2149 : i1 to vector<16xi1>
        %masked_cummax3A_2151 = arith.constant -2147483648 : i32
        %masked_cummax3A_2152 = vector.broadcast %masked_cummax3A_2151 : i32 to vector<16xi32>
        %masked_cummax3A_2153 = arith.xori %select_n3A_2148, %masked_cummax3A_2152 : vector<16xi32>
        %masked_cummax3A_2154 = tpu.scan <max>, %masked_cummax3A_2153 masked %broadcast_in_dim3A_2150 : vector<16xi32>, vector<16xi1> -> vector<16xi32>
        %masked_cummax3A_2155 = arith.xori %masked_cummax3A_2154, %masked_cummax3A_2152 : vector<16xi32>
        %sub3A_2156 = arith.subi %iota3A, %masked_cummax3A_2155 : vector<16xi32>
        %gather3A_2157 = tpu.vector_load_idx %arg11[%masked_sort3A_2125] : memref<128xi32, #tpu.memory_space<vmem>>[vector<16xi32>], vector<16xi32>,
        %add3A_2158 = arith.addi %gather3A_2157, %sub3A_2156 : vector<16xi32>
        %mul3A_2159 = arith.constant 128 : i32
        %mul3A_2160 = vector.broadcast %mul3A_2159 : i32 to vector<16xi32>
        %mul3A_2161 = arith.muli %gather3A_2128, %mul3A_2160 : vector<16xi32>
        %add3A_2162 = vector.broadcast %add3A_1208 : i32 to vector<16xi32>
        %add3A_2163 = arith.addi %mul3A_2161, %add3A_2162 : vector<16xi32>
        tpu.vector_store_idx %arg7[%add3A_2158], %add3A_2163 : memref<28640xi32, #tpu.memory_space<vmem>>[vector<16xi32>], vector<16xi32>,
        tpu.vector_store_idx %arg8[%add3A_2158], %gather3A_2131 : memref<28640xf32, #tpu.memory_space<vmem>>[vector<16xi32>], vector<16xf32>,
        tpu.vector_store_idx %arg11[%masked_sort3A_2125], %broadcast_in_dim3A_37 {add = true} : memref<128xi32, #tpu.memory_space<vmem>>[vector<16xi32>], vector<16xi32>,
        %add3A_2164 = arith.constant 192 : i32
        %add3A_2165 = arith.addi %mul3A_1104, %add3A_2164 : i32
        %get3A_2166 = arith.index_cast %add3A_2165 : i32 to index
        %get3A_2167 = tpu.vector_load %arg5[%get3A_2166] {strides = array<i32>} : memref<3328xi32, #tpu.memory_space<vmem>>, vector<16xi32>,
        %add3A_2168 = arith.constant 192 : i32
        %add3A_2169 = arith.addi %mul3A_1104, %add3A_2168 : i32
        %get3A_2170 = arith.index_cast %add3A_2169 : i32 to index
        %get3A_2171 = tpu.vector_load %arg6[%get3A_2170] {strides = array<i32>} : memref<3328xf32, #tpu.memory_space<vmem>>, vector<16xf32>,
        %mul3A_2172 = arith.mulf %get3A_2171, %div3A_1205 : vector<16xf32>
        %lt3A_2173 = arith.constant 8 : i32
        %lt3A_2174 = vector.broadcast %lt3A_2173 : i32 to vector<16xi32>
        %lt3A_2175 = arith.cmpi slt, %iota3A, %lt3A_2174 : vector<16xi32>
        %shift_right_arithmetic3A_2176 = arith.constant 3 : i32
        %shift_right_arithmetic3A_2177 = vector.broadcast %shift_right_arithmetic3A_2176 : i32 to vector<16xi32>
        %shift_right_arithmetic3A_2178 = arith.shrsi %get3A_2167, %shift_right_arithmetic3A_2177 : vector<16xi32>
        %sub3A_2179 = vector.broadcast %mul3A_32 : i32 to vector<16xi32>
        %sub3A_2180 = arith.subi %shift_right_arithmetic3A_2178, %sub3A_2179 : vector<16xi32>
        %ge3A_2181 = arith.constant 0 : i32
        %ge3A_2182 = vector.broadcast %ge3A_2181 : i32 to vector<16xi32>
        %ge3A_2183 = arith.cmpi sge, %sub3A_2180, %ge3A_2182 : vector<16xi32>
        %and3A_2184 = arith.andi %lt3A_2175, %ge3A_2183 : vector<16xi1>
        %lt3A_2185 = arith.constant 3125 : i32
        %lt3A_2186 = vector.broadcast %lt3A_2185 : i32 to vector<16xi32>
        %lt3A_2187 = arith.cmpi slt, %sub3A_2180, %lt3A_2186 : vector<16xi32>
        %and3A_2188 = arith.andi %and3A_2184, %lt3A_2187 : vector<16xi1>
        %mul3A_2189 = arith.constant 5243 : i32
        %mul3A_2190 = vector.broadcast %mul3A_2189 : i32 to vector<16xi32>
        %mul3A_2191 = arith.muli %sub3A_2180, %mul3A_2190 : vector<16xi32>
        %shift_right_arithmetic3A_2192 = arith.constant 17 : i32
        %shift_right_arithmetic3A_2193 = vector.broadcast %shift_right_arithmetic3A_2192 : i32 to vector<16xi32>
        %shift_right_arithmetic3A_2194 = arith.shrsi %mul3A_2191, %shift_right_arithmetic3A_2193 : vector<16xi32>
        %jit3A_2195 = arith.constant 125 : i32
        %broadcast_in_dim3A_2196 = vector.broadcast %jit3A_2195 : i32 to vector<16xi32>
        %select_n3A_2197 = arith.select %and3A_2188, %shift_right_arithmetic3A_2194, %broadcast_in_dim3A_2196 : vector<16xi1>, vector<16xi32>
        %masked_sort3A_2198 = arith.constant dense<true> : vector<16xi1>
        %masked_sort3A_2199 = arith.constant -2147483648 : i32
        %masked_sort3A_2200 = vector.broadcast %masked_sort3A_2199 : i32 to vector<16xi32>
        %masked_sort3A_2201 = arith.xori %select_n3A_2197, %masked_sort3A_2200 : vector<16xi32>
        %masked_sort3A_2202, %masked_sort3A_2203, %masked_sort3A_2204 = tpu.sort %masked_sort3A_2201, %iota3A masked %masked_sort3A_2198 : (vector<16xi32>, vector<16xi32>, vector<16xi1>) -> (vector<16xi1>, vector<16xi32>, vector<16xi32>)
        %masked_sort3A_2205 = arith.xori %masked_sort3A_2203, %masked_sort3A_2200 : vector<16xi32>
        %broadcast_in_dim3A_2206 = vector.shape_cast %masked_sort3A_2204 : vector<16xi32> to vector<16x1xi32>
        %gather3A_2207 = vector.shape_cast %broadcast_in_dim3A_2206 : vector<16x1xi32> to vector<16xi32>
        %gather3A_2208 = tpu.dynamic_gather %get3A_2167[%gather3A_2207] in [0] : vector<16xi32>, vector<16xi32> -> vector<16xi32>
        %broadcast_in_dim3A_2209 = vector.shape_cast %masked_sort3A_2204 : vector<16xi32> to vector<16x1xi32>
        %gather3A_2210 = vector.shape_cast %broadcast_in_dim3A_2209 : vector<16x1xi32> to vector<16xi32>
        %gather3A_2211 = tpu.dynamic_gather %mul3A_2172[%gather3A_2210] in [0] : vector<16xf32>, vector<16xi32> -> vector<16xf32>
        %sub3A_2212 = arith.constant 1 : i32
        %sub3A_2213 = vector.broadcast %sub3A_2212 : i32 to vector<16xi32>
        %sub3A_2214 = arith.subi %iota3A, %sub3A_2213 : vector<16xi32>
        %and3A_2215 = arith.constant 15 : i32
        %and3A_2216 = vector.broadcast %and3A_2215 : i32 to vector<16xi32>
        %and3A_2217 = arith.andi %sub3A_2214, %and3A_2216 : vector<16xi32>
        %broadcast_in_dim3A_2218 = vector.shape_cast %and3A_2217 : vector<16xi32> to vector<16x1xi32>
        %gather3A_2219 = vector.shape_cast %broadcast_in_dim3A_2218 : vector<16x1xi32> to vector<16xi32>
        %gather3A_2220 = tpu.dynamic_gather %masked_sort3A_2205[%gather3A_2219] in [0] : vector<16xi32>, vector<16xi32> -> vector<16xi32>
        %eq3A_2221 = arith.constant 0 : i32
        %eq3A_2222 = vector.broadcast %eq3A_2221 : i32 to vector<16xi32>
        %eq3A_2223 = arith.cmpi eq, %iota3A, %eq3A_2222 : vector<16xi32>
        %ne3A_2224 = arith.cmpi ne, %masked_sort3A_2205, %gather3A_2220 : vector<16xi32>
        %or3A_2225 = arith.ori %eq3A_2223, %ne3A_2224 : vector<16xi1>
        %jit3A_2226 = arith.constant 0 : i32
        %broadcast_in_dim3A_2227 = vector.broadcast %jit3A_2226 : i32 to vector<16xi32>
        %select_n3A_2228 = arith.select %or3A_2225, %iota3A, %broadcast_in_dim3A_2227 : vector<16xi1>, vector<16xi32>
        %broadcast_in_dim3A_2229 = arith.constant true
        %broadcast_in_dim3A_2230 = vector.broadcast %broadcast_in_dim3A_2229 : i1 to vector<16xi1>
        %masked_cummax3A_2231 = arith.constant -2147483648 : i32
        %masked_cummax3A_2232 = vector.broadcast %masked_cummax3A_2231 : i32 to vector<16xi32>
        %masked_cummax3A_2233 = arith.xori %select_n3A_2228, %masked_cummax3A_2232 : vector<16xi32>
        %masked_cummax3A_2234 = tpu.scan <max>, %masked_cummax3A_2233 masked %broadcast_in_dim3A_2230 : vector<16xi32>, vector<16xi1> -> vector<16xi32>
        %masked_cummax3A_2235 = arith.xori %masked_cummax3A_2234, %masked_cummax3A_2232 : vector<16xi32>
        %sub3A_2236 = arith.subi %iota3A, %masked_cummax3A_2235 : vector<16xi32>
        %gather3A_2237 = tpu.vector_load_idx %arg11[%masked_sort3A_2205] : memref<128xi32, #tpu.memory_space<vmem>>[vector<16xi32>], vector<16xi32>,
        %add3A_2238 = arith.addi %gather3A_2237, %sub3A_2236 : vector<16xi32>
        %mul3A_2239 = arith.constant 128 : i32
        %mul3A_2240 = vector.broadcast %mul3A_2239 : i32 to vector<16xi32>
        %mul3A_2241 = arith.muli %gather3A_2208, %mul3A_2240 : vector<16xi32>
        %add3A_2242 = vector.broadcast %add3A_1208 : i32 to vector<16xi32>
        %add3A_2243 = arith.addi %mul3A_2241, %add3A_2242 : vector<16xi32>
        tpu.vector_store_idx %arg7[%add3A_2238], %add3A_2243 : memref<28640xi32, #tpu.memory_space<vmem>>[vector<16xi32>], vector<16xi32>,
        tpu.vector_store_idx %arg8[%add3A_2238], %gather3A_2211 : memref<28640xf32, #tpu.memory_space<vmem>>[vector<16xi32>], vector<16xf32>,
        tpu.vector_store_idx %arg11[%masked_sort3A_2205], %broadcast_in_dim3A_37 {add = true} : memref<128xi32, #tpu.memory_space<vmem>>[vector<16xi32>], vector<16xi32>,
      }
      %scan3A_1101 = arith.constant 16 : i32
    }
    %scan3A_242 = arith.constant 8 : i32
    %scan3A_243 = arith.constant 0 : i32
    %scan3A_244 = arith.constant 0 : i32
    %scan3A_245 = arith.constant 62 : i32
    %scan3A_246 = arith.addi %scan3A_244, %scan3A_245 : i32
    %scan3A_247 = arith.constant 1 : i32
    scf.for %scan3A_375 = %scan3A_244 to %scan3A_246 step %scan3A_247  : i32 {
      %mul3A_376 = arith.constant 2 : i32
      %mul3A_377 = arith.muli %mul3A_376, %scan3A_375 : i32
      %add3A_378 = arith.constant 1 : i32
      %add3A_379 = arith.addi %mul3A_377, %add3A_378 : i32
      %jit3A_380 = arith.constant 16 : i32
      %div3A_381 = arith.divsi %mul3A_377, %jit3A_380 : i32
      %sign3A_382 = arith.constant 0 : i32
      %sign3A_383 = arith.cmpi sgt, %mul3A_377, %sign3A_382 : i32
      %sign3A_384 = arith.extui %sign3A_383 : i1 to i32
      %sign3A_385 = arith.constant 0 : i32
      %sign3A_386 = arith.cmpi slt, %mul3A_377, %sign3A_385 : i32
      %sign3A_387 = arith.extui %sign3A_386 : i1 to i32
      %sign3A_388 = arith.subi %sign3A_384, %sign3A_387 : i32
      %sign3A_389 = arith.constant 0 : i32
      %sign3A_390 = arith.cmpi sgt, %jit3A_380, %sign3A_389 : i32
      %sign3A_391 = arith.extui %sign3A_390 : i1 to i32
      %sign3A_392 = arith.constant 0 : i32
      %sign3A_393 = arith.cmpi slt, %jit3A_380, %sign3A_392 : i32
      %sign3A_394 = arith.extui %sign3A_393 : i1 to i32
      %sign3A_395 = arith.subi %sign3A_391, %sign3A_394 : i32
      %ne3A_396 = arith.cmpi ne, %sign3A_388, %sign3A_395 : i32
      %rem3A_397 = arith.remsi %mul3A_377, %jit3A_380 : i32
      %ne3A_398 = arith.constant 0 : i32
      %ne3A_399 = arith.cmpi ne, %rem3A_397, %ne3A_398 : i32
      %and3A_400 = arith.andi %ne3A_396, %ne3A_399 : i1
      %sub3A_401 = arith.constant 1 : i32
      %sub3A_402 = arith.subi %div3A_381, %sub3A_401 : i32
      %select_n3A_403 = arith.select %and3A_400, %sub3A_402, %div3A_381 : i32
      %mul3A_404 = arith.constant 16 : i32
      %mul3A_405 = arith.muli %select_n3A_403, %mul3A_404 : i32
      %get3A_406 = arith.index_cast %mul3A_405 : i32 to index
      %get3A_407 = tpu.vector_load %arg10[%get3A_406] {strides = array<i32>} : memref<128xi32, #tpu.memory_space<vmem>>, vector<16xi32>,
      %sub3A_408 = arith.subi %mul3A_377, %mul3A_405 : i32
      %broadcast_in_dim3A_409 = vector.broadcast %sub3A_408 : i32 to vector<16xi32>
      %broadcast_in_dim3A_410 = vector.shape_cast %broadcast_in_dim3A_409 : vector<16xi32> to vector<16x1xi32>
      %gather3A_411 = vector.shape_cast %broadcast_in_dim3A_410 : vector<16x1xi32> to vector<16xi32>
      %gather3A_412 = tpu.dynamic_gather %get3A_407[%gather3A_411] in [0] : vector<16xi32>, vector<16xi32> -> vector<16xi32>
      %slice3A_413 = vector.extract_strided_slice %gather3A_412 {offsets = [0], sizes = [1], strides = [1]} : vector<16xi32> to vector<1xi32>
      %squeeze3A_414 = vector.extract %slice3A_413[0] : i32 from vector<1xi32>
      %jit3A_415 = arith.constant 16 : i32
      %div3A_416 = arith.divsi %mul3A_377, %jit3A_415 : i32
      %sign3A_417 = arith.constant 0 : i32
      %sign3A_418 = arith.cmpi sgt, %mul3A_377, %sign3A_417 : i32
      %sign3A_419 = arith.extui %sign3A_418 : i1 to i32
      %sign3A_420 = arith.constant 0 : i32
      %sign3A_421 = arith.cmpi slt, %mul3A_377, %sign3A_420 : i32
      %sign3A_422 = arith.extui %sign3A_421 : i1 to i32
      %sign3A_423 = arith.subi %sign3A_419, %sign3A_422 : i32
      %sign3A_424 = arith.constant 0 : i32
      %sign3A_425 = arith.cmpi sgt, %jit3A_415, %sign3A_424 : i32
      %sign3A_426 = arith.extui %sign3A_425 : i1 to i32
      %sign3A_427 = arith.constant 0 : i32
      %sign3A_428 = arith.cmpi slt, %jit3A_415, %sign3A_427 : i32
      %sign3A_429 = arith.extui %sign3A_428 : i1 to i32
      %sign3A_430 = arith.subi %sign3A_426, %sign3A_429 : i32
      %ne3A_431 = arith.cmpi ne, %sign3A_423, %sign3A_430 : i32
      %rem3A_432 = arith.remsi %mul3A_377, %jit3A_415 : i32
      %ne3A_433 = arith.constant 0 : i32
      %ne3A_434 = arith.cmpi ne, %rem3A_432, %ne3A_433 : i32
      %and3A_435 = arith.andi %ne3A_431, %ne3A_434 : i1
      %sub3A_436 = arith.constant 1 : i32
      %sub3A_437 = arith.subi %div3A_416, %sub3A_436 : i32
      %select_n3A_438 = arith.select %and3A_435, %sub3A_437, %div3A_416 : i32
      %mul3A_439 = arith.constant 16 : i32
      %mul3A_440 = arith.muli %select_n3A_438, %mul3A_439 : i32
      %get3A_441 = arith.index_cast %mul3A_440 : i32 to index
      %get3A_442 = tpu.vector_load %arg11[%get3A_441] {strides = array<i32>} : memref<128xi32, #tpu.memory_space<vmem>>, vector<16xi32>,
      %sub3A_443 = arith.subi %mul3A_377, %mul3A_440 : i32
      %broadcast_in_dim3A_444 = vector.broadcast %sub3A_443 : i32 to vector<16xi32>
      %broadcast_in_dim3A_445 = vector.shape_cast %broadcast_in_dim3A_444 : vector<16xi32> to vector<16x1xi32>
      %gather3A_446 = vector.shape_cast %broadcast_in_dim3A_445 : vector<16x1xi32> to vector<16xi32>
      %gather3A_447 = tpu.dynamic_gather %get3A_442[%gather3A_446] in [0] : vector<16xi32>, vector<16xi32> -> vector<16xi32>
      %slice3A_448 = vector.extract_strided_slice %gather3A_447 {offsets = [0], sizes = [1], strides = [1]} : vector<16xi32> to vector<1xi32>
      %squeeze3A_449 = vector.extract %slice3A_448[0] : i32 from vector<1xi32>
      %mul3A_450 = arith.constant 25 : i32
      %mul3A_451 = arith.muli %mul3A_450, %mul3A_377 : i32
      %add3A_452 = arith.addi %mul3A_32, %mul3A_451 : i32
      %mul3A_453 = arith.constant 8 : i32
      %mul3A_454 = arith.muli %mul3A_453, %add3A_452 : i32
      %sub3A_455 = arith.subi %squeeze3A_449, %squeeze3A_414 : i32
      %add3A_456 = arith.constant 16 : i32
      %add3A_457 = arith.addi %sub3A_455, %add3A_456 : i32
      %sub3A_458 = arith.constant 1 : i32
      %sub3A_459 = arith.subi %add3A_457, %sub3A_458 : i32
      %jit3A_460 = arith.constant 16 : i32
      %div3A_461 = arith.divsi %sub3A_459, %jit3A_460 : i32
      %sign3A_462 = arith.constant 0 : i32
      %sign3A_463 = arith.cmpi sgt, %sub3A_459, %sign3A_462 : i32
      %sign3A_464 = arith.extui %sign3A_463 : i1 to i32
      %sign3A_465 = arith.constant 0 : i32
      %sign3A_466 = arith.cmpi slt, %sub3A_459, %sign3A_465 : i32
      %sign3A_467 = arith.extui %sign3A_466 : i1 to i32
      %sign3A_468 = arith.subi %sign3A_464, %sign3A_467 : i32
      %sign3A_469 = arith.constant 0 : i32
      %sign3A_470 = arith.cmpi sgt, %jit3A_460, %sign3A_469 : i32
      %sign3A_471 = arith.extui %sign3A_470 : i1 to i32
      %sign3A_472 = arith.constant 0 : i32
      %sign3A_473 = arith.cmpi slt, %jit3A_460, %sign3A_472 : i32
      %sign3A_474 = arith.extui %sign3A_473 : i1 to i32
      %sign3A_475 = arith.subi %sign3A_471, %sign3A_474 : i32
      %ne3A_476 = arith.cmpi ne, %sign3A_468, %sign3A_475 : i32
      %rem3A_477 = arith.remsi %sub3A_459, %jit3A_460 : i32
      %ne3A_478 = arith.constant 0 : i32
      %ne3A_479 = arith.cmpi ne, %rem3A_477, %ne3A_478 : i32
      %and3A_480 = arith.andi %ne3A_476, %ne3A_479 : i1
      %sub3A_481 = arith.constant 1 : i32
      %sub3A_482 = arith.subi %div3A_461, %sub3A_481 : i32
      %select_n3A_483 = arith.select %and3A_480, %sub3A_482, %div3A_461 : i32
      %while3A_484 = arith.constant 0 : i32
      %while3A_485 = arith.constant 0 : i32
      %while3A_486 = arith.subi %select_n3A_483, %while3A_485 : i32
      %while3A_487 = arith.addi %while3A_485, %while3A_486 : i32
      %while3A_488 = arith.constant 1 : i32
      %while3A_489 = arith.divsi %while3A_486, %while3A_488 : i32
      %while3A_490 = arith.muli %while3A_489, %while3A_488 : i32
      %while3A_491 = arith.addi %while3A_485, %while3A_490 : i32
      %while3A_492 = arith.constant 1 : i32
      scf.for %while3A_718 = %while3A_485 to %while3A_491 step %while3A_492  : i32 {
        %mul3A_719 = arith.constant 16 : i32
        %mul3A_720 = arith.muli %mul3A_719, %while3A_718 : i32
        %add3A_721 = arith.addi %squeeze3A_414, %mul3A_720 : i32
        %add3A_722 = vector.broadcast %add3A_721 : i32 to vector<16xi32>
        %add3A_723 = arith.addi %add3A_722, %iota3A : vector<16xi32>
        %lt3A_724 = vector.broadcast %squeeze3A_449 : i32 to vector<16xi32>
        %lt3A_725 = arith.cmpi slt, %add3A_723, %lt3A_724 : vector<16xi32>
        %get3A_726 = arith.index_cast %add3A_721 : i32 to index
        %get3A_727 = tpu.vector_load %arg7[%get3A_726] {strides = array<i32>} : memref<28640xi32, #tpu.memory_space<vmem>>, vector<16xi32>,
        %get3A_728 = arith.index_cast %add3A_721 : i32 to index
        %get3A_729 = tpu.vector_load %arg8[%get3A_728] {strides = array<i32>} : memref<28640xf32, #tpu.memory_space<vmem>>, vector<16xf32>,
        %jit3A_730 = arith.constant 0.000000e+00 : f32
        %broadcast_in_dim3A_731 = vector.broadcast %jit3A_730 : f32 to vector<16xf32>
        %select_n3A_732 = arith.select %lt3A_725, %get3A_729, %broadcast_in_dim3A_731 : vector<16xi1>, vector<16xf32>
        %shift_right_arithmetic3A = arith.constant 7 : i32
        %shift_right_arithmetic3A_733 = vector.broadcast %shift_right_arithmetic3A : i32 to vector<16xi32>
        %shift_right_arithmetic3A_734 = arith.shrsi %get3A_727, %shift_right_arithmetic3A_733 : vector<16xi32>
        %sub3A_735 = vector.broadcast %mul3A_454 : i32 to vector<16xi32>
        %sub3A_736 = arith.subi %shift_right_arithmetic3A_734, %sub3A_735 : vector<16xi32>
        %and3A_737 = arith.constant 127 : i32
        %and3A_738 = vector.broadcast %and3A_737 : i32 to vector<16xi32>
        %and3A_739 = arith.andi %get3A_727, %and3A_738 : vector<16xi32>
        tpu.vector_store_idx %arg12[%sub3A_736, %and3A_739], %select_n3A_732 masked %lt3A_725 {add = true} : memref<200x128xf32, #tpu.memory_space<vmem>>[vector<16xi32>, vector<16xi32>], vector<16xf32>, vector<16xi1>
      }
      %while3A_493 = arith.constant 1 : i32
      scf.for %while3A_718 = %while3A_491 to %while3A_487 step %while3A_493  : i32 {
        %mul3A_719 = arith.constant 16 : i32
        %mul3A_720 = arith.muli %mul3A_719, %while3A_718 : i32
        %add3A_721 = arith.addi %squeeze3A_414, %mul3A_720 : i32
        %add3A_722 = vector.broadcast %add3A_721 : i32 to vector<16xi32>
        %add3A_723 = arith.addi %add3A_722, %iota3A : vector<16xi32>
        %lt3A_724 = vector.broadcast %squeeze3A_449 : i32 to vector<16xi32>
        %lt3A_725 = arith.cmpi slt, %add3A_723, %lt3A_724 : vector<16xi32>
        %get3A_726 = arith.index_cast %add3A_721 : i32 to index
        %get3A_727 = tpu.vector_load %arg7[%get3A_726] {strides = array<i32>} : memref<28640xi32, #tpu.memory_space<vmem>>, vector<16xi32>,
        %get3A_728 = arith.index_cast %add3A_721 : i32 to index
        %get3A_729 = tpu.vector_load %arg8[%get3A_728] {strides = array<i32>} : memref<28640xf32, #tpu.memory_space<vmem>>, vector<16xf32>,
        %jit3A_730 = arith.constant 0.000000e+00 : f32
        %broadcast_in_dim3A_731 = vector.broadcast %jit3A_730 : f32 to vector<16xf32>
        %select_n3A_732 = arith.select %lt3A_725, %get3A_729, %broadcast_in_dim3A_731 : vector<16xi1>, vector<16xf32>
        %shift_right_arithmetic3A = arith.constant 7 : i32
        %shift_right_arithmetic3A_733 = vector.broadcast %shift_right_arithmetic3A : i32 to vector<16xi32>
        %shift_right_arithmetic3A_734 = arith.shrsi %get3A_727, %shift_right_arithmetic3A_733 : vector<16xi32>
        %sub3A_735 = vector.broadcast %mul3A_454 : i32 to vector<16xi32>
        %sub3A_736 = arith.subi %shift_right_arithmetic3A_734, %sub3A_735 : vector<16xi32>
        %and3A_737 = arith.constant 127 : i32
        %and3A_738 = vector.broadcast %and3A_737 : i32 to vector<16xi32>
        %and3A_739 = arith.andi %get3A_727, %and3A_738 : vector<16xi32>
        tpu.vector_store_idx %arg12[%sub3A_736, %and3A_739], %select_n3A_732 masked %lt3A_725 {add = true} : memref<200x128xf32, #tpu.memory_space<vmem>>[vector<16xi32>, vector<16xi32>], vector<16xf32>, vector<16xi1>
      }
      %mul3A_494 = arith.constant 25 : i32
      %mul3A_495 = arith.muli %mul3A_494, %mul3A_377 : i32
      %add3A_496 = arith.addi %mul3A_32, %mul3A_495 : i32
      %mul3A_497 = arith.constant 8 : i32
      %mul3A_498 = arith.muli %mul3A_497, %add3A_496 : i32
      %mul3A_499 = arith.constant 128 : i32
      %mul3A_500 = arith.muli %mul3A_499, %select_n3A_9 : i32
      %dma_start3A_501 = tpu.memref_slice %arg4[%mul3A_498, %mul3A_500] : memref<100000x1024xf32, #tpu.memory_space<hbm>> -> memref<200x128xf32, #tpu.memory_space<hbm>>
      %dma_start3A_502 = tpu.memref_slice %arg4[%mul3A_498, %mul3A_500] : memref<100000x1024xf32, #tpu.memory_space<hbm>> -> memref<200x128xf32, #tpu.memory_space<hbm>>
      tpu.enqueue_dma source(%arg12 : memref<200x128xf32, #tpu.memory_space<vmem>>) target(%dma_start3A_502 : memref<200x128xf32, #tpu.memory_space<hbm>>) target_semaphore(%arg15 : memref<!tpu.dma_semaphore, #tpu.memory_space<semaphore_mem>>)
      %jit3A_503 = arith.constant 16 : i32
      %div3A_504 = arith.divsi %add3A_379, %jit3A_503 : i32
      %sign3A_505 = arith.constant 0 : i32
      %sign3A_506 = arith.cmpi sgt, %add3A_379, %sign3A_505 : i32
      %sign3A_507 = arith.extui %sign3A_506 : i1 to i32
      %sign3A_508 = arith.constant 0 : i32
      %sign3A_509 = arith.cmpi slt, %add3A_379, %sign3A_508 : i32
      %sign3A_510 = arith.extui %sign3A_509 : i1 to i32
      %sign3A_511 = arith.subi %sign3A_507, %sign3A_510 : i32
      %sign3A_512 = arith.constant 0 : i32
      %sign3A_513 = arith.cmpi sgt, %jit3A_503, %sign3A_512 : i32
      %sign3A_514 = arith.extui %sign3A_513 : i1 to i32
      %sign3A_515 = arith.constant 0 : i32
      %sign3A_516 = arith.cmpi slt, %jit3A_503, %sign3A_515 : i32
      %sign3A_517 = arith.extui %sign3A_516 : i1 to i32
      %sign3A_518 = arith.subi %sign3A_514, %sign3A_517 : i32
      %ne3A_519 = arith.cmpi ne, %sign3A_511, %sign3A_518 : i32
      %rem3A_520 = arith.remsi %add3A_379, %jit3A_503 : i32
      %ne3A_521 = arith.constant 0 : i32
      %ne3A_522 = arith.cmpi ne, %rem3A_520, %ne3A_521 : i32
      %and3A_523 = arith.andi %ne3A_519, %ne3A_522 : i1
      %sub3A_524 = arith.constant 1 : i32
      %sub3A_525 = arith.subi %div3A_504, %sub3A_524 : i32
      %select_n3A_526 = arith.select %and3A_523, %sub3A_525, %div3A_504 : i32
      %mul3A_527 = arith.constant 16 : i32
      %mul3A_528 = arith.muli %select_n3A_526, %mul3A_527 : i32
      %get3A_529 = arith.index_cast %mul3A_528 : i32 to index
      %get3A_530 = tpu.vector_load %arg10[%get3A_529] {strides = array<i32>} : memref<128xi32, #tpu.memory_space<vmem>>, vector<16xi32>,
      %sub3A_531 = arith.subi %add3A_379, %mul3A_528 : i32
      %broadcast_in_dim3A_532 = vector.broadcast %sub3A_531 : i32 to vector<16xi32>
      %broadcast_in_dim3A_533 = vector.shape_cast %broadcast_in_dim3A_532 : vector<16xi32> to vector<16x1xi32>
      %gather3A_534 = vector.shape_cast %broadcast_in_dim3A_533 : vector<16x1xi32> to vector<16xi32>
      %gather3A_535 = tpu.dynamic_gather %get3A_530[%gather3A_534] in [0] : vector<16xi32>, vector<16xi32> -> vector<16xi32>
      %slice3A_536 = vector.extract_strided_slice %gather3A_535 {offsets = [0], sizes = [1], strides = [1]} : vector<16xi32> to vector<1xi32>
      %squeeze3A_537 = vector.extract %slice3A_536[0] : i32 from vector<1xi32>
      %jit3A_538 = arith.constant 16 : i32
      %div3A_539 = arith.divsi %add3A_379, %jit3A_538 : i32
      %sign3A_540 = arith.constant 0 : i32
      %sign3A_541 = arith.cmpi sgt, %add3A_379, %sign3A_540 : i32
      %sign3A_542 = arith.extui %sign3A_541 : i1 to i32
      %sign3A_543 = arith.constant 0 : i32
      %sign3A_544 = arith.cmpi slt, %add3A_379, %sign3A_543 : i32
      %sign3A_545 = arith.extui %sign3A_544 : i1 to i32
      %sign3A_546 = arith.subi %sign3A_542, %sign3A_545 : i32
      %sign3A_547 = arith.constant 0 : i32
      %sign3A_548 = arith.cmpi sgt, %jit3A_538, %sign3A_547 : i32
      %sign3A_549 = arith.extui %sign3A_548 : i1 to i32
      %sign3A_550 = arith.constant 0 : i32
      %sign3A_551 = arith.cmpi slt, %jit3A_538, %sign3A_550 : i32
      %sign3A_552 = arith.extui %sign3A_551 : i1 to i32
      %sign3A_553 = arith.subi %sign3A_549, %sign3A_552 : i32
      %ne3A_554 = arith.cmpi ne, %sign3A_546, %sign3A_553 : i32
      %rem3A_555 = arith.remsi %add3A_379, %jit3A_538 : i32
      %ne3A_556 = arith.constant 0 : i32
      %ne3A_557 = arith.cmpi ne, %rem3A_555, %ne3A_556 : i32
      %and3A_558 = arith.andi %ne3A_554, %ne3A_557 : i1
      %sub3A_559 = arith.constant 1 : i32
      %sub3A_560 = arith.subi %div3A_539, %sub3A_559 : i32
      %select_n3A_561 = arith.select %and3A_558, %sub3A_560, %div3A_539 : i32
      %mul3A_562 = arith.constant 16 : i32
      %mul3A_563 = arith.muli %select_n3A_561, %mul3A_562 : i32
      %get3A_564 = arith.index_cast %mul3A_563 : i32 to index
      %get3A_565 = tpu.vector_load %arg11[%get3A_564] {strides = array<i32>} : memref<128xi32, #tpu.memory_space<vmem>>, vector<16xi32>,
      %sub3A_566 = arith.subi %add3A_379, %mul3A_563 : i32
      %broadcast_in_dim3A_567 = vector.broadcast %sub3A_566 : i32 to vector<16xi32>
      %broadcast_in_dim3A_568 = vector.shape_cast %broadcast_in_dim3A_567 : vector<16xi32> to vector<16x1xi32>
      %gather3A_569 = vector.shape_cast %broadcast_in_dim3A_568 : vector<16x1xi32> to vector<16xi32>
      %gather3A_570 = tpu.dynamic_gather %get3A_565[%gather3A_569] in [0] : vector<16xi32>, vector<16xi32> -> vector<16xi32>
      %slice3A_571 = vector.extract_strided_slice %gather3A_570 {offsets = [0], sizes = [1], strides = [1]} : vector<16xi32> to vector<1xi32>
      %squeeze3A_572 = vector.extract %slice3A_571[0] : i32 from vector<1xi32>
      %mul3A_573 = arith.constant 25 : i32
      %mul3A_574 = arith.muli %mul3A_573, %add3A_379 : i32
      %add3A_575 = arith.addi %mul3A_32, %mul3A_574 : i32
      %mul3A_576 = arith.constant 8 : i32
      %mul3A_577 = arith.muli %mul3A_576, %add3A_575 : i32
      %sub3A_578 = arith.subi %squeeze3A_572, %squeeze3A_537 : i32
      %add3A_579 = arith.constant 16 : i32
      %add3A_580 = arith.addi %sub3A_578, %add3A_579 : i32
      %sub3A_581 = arith.constant 1 : i32
      %sub3A_582 = arith.subi %add3A_580, %sub3A_581 : i32
      %jit3A_583 = arith.constant 16 : i32
      %div3A_584 = arith.divsi %sub3A_582, %jit3A_583 : i32
      %sign3A_585 = arith.constant 0 : i32
      %sign3A_586 = arith.cmpi sgt, %sub3A_582, %sign3A_585 : i32
      %sign3A_587 = arith.extui %sign3A_586 : i1 to i32
      %sign3A_588 = arith.constant 0 : i32
      %sign3A_589 = arith.cmpi slt, %sub3A_582, %sign3A_588 : i32
      %sign3A_590 = arith.extui %sign3A_589 : i1 to i32
      %sign3A_591 = arith.subi %sign3A_587, %sign3A_590 : i32
      %sign3A_592 = arith.constant 0 : i32
      %sign3A_593 = arith.cmpi sgt, %jit3A_583, %sign3A_592 : i32
      %sign3A_594 = arith.extui %sign3A_593 : i1 to i32
      %sign3A_595 = arith.constant 0 : i32
      %sign3A_596 = arith.cmpi slt, %jit3A_583, %sign3A_595 : i32
      %sign3A_597 = arith.extui %sign3A_596 : i1 to i32
      %sign3A_598 = arith.subi %sign3A_594, %sign3A_597 : i32
      %ne3A_599 = arith.cmpi ne, %sign3A_591, %sign3A_598 : i32
      %rem3A_600 = arith.remsi %sub3A_582, %jit3A_583 : i32
      %ne3A_601 = arith.constant 0 : i32
      %ne3A_602 = arith.cmpi ne, %rem3A_600, %ne3A_601 : i32
      %and3A_603 = arith.andi %ne3A_599, %ne3A_602 : i1
      %sub3A_604 = arith.constant 1 : i32
      %sub3A_605 = arith.subi %div3A_584, %sub3A_604 : i32
      %select_n3A_606 = arith.select %and3A_603, %sub3A_605, %div3A_584 : i32
      %while3A_607 = arith.constant 0 : i32
      %while3A_608 = arith.constant 0 : i32
      %while3A_609 = arith.subi %select_n3A_606, %while3A_608 : i32
      %while3A_610 = arith.addi %while3A_608, %while3A_609 : i32
      %while3A_611 = arith.constant 1 : i32
      %while3A_612 = arith.divsi %while3A_609, %while3A_611 : i32
      %while3A_613 = arith.muli %while3A_612, %while3A_611 : i32
      %while3A_614 = arith.addi %while3A_608, %while3A_613 : i32
      %while3A_615 = arith.constant 1 : i32
      scf.for %while3A_718 = %while3A_608 to %while3A_614 step %while3A_615  : i32 {
        %mul3A_719 = arith.constant 16 : i32
        %mul3A_720 = arith.muli %mul3A_719, %while3A_718 : i32
        %add3A_721 = arith.addi %squeeze3A_537, %mul3A_720 : i32
        %add3A_722 = vector.broadcast %add3A_721 : i32 to vector<16xi32>
        %add3A_723 = arith.addi %add3A_722, %iota3A : vector<16xi32>
        %lt3A_724 = vector.broadcast %squeeze3A_572 : i32 to vector<16xi32>
        %lt3A_725 = arith.cmpi slt, %add3A_723, %lt3A_724 : vector<16xi32>
        %get3A_726 = arith.index_cast %add3A_721 : i32 to index
        %get3A_727 = tpu.vector_load %arg7[%get3A_726] {strides = array<i32>} : memref<28640xi32, #tpu.memory_space<vmem>>, vector<16xi32>,
        %get3A_728 = arith.index_cast %add3A_721 : i32 to index
        %get3A_729 = tpu.vector_load %arg8[%get3A_728] {strides = array<i32>} : memref<28640xf32, #tpu.memory_space<vmem>>, vector<16xf32>,
        %jit3A_730 = arith.constant 0.000000e+00 : f32
        %broadcast_in_dim3A_731 = vector.broadcast %jit3A_730 : f32 to vector<16xf32>
        %select_n3A_732 = arith.select %lt3A_725, %get3A_729, %broadcast_in_dim3A_731 : vector<16xi1>, vector<16xf32>
        %shift_right_arithmetic3A = arith.constant 7 : i32
        %shift_right_arithmetic3A_733 = vector.broadcast %shift_right_arithmetic3A : i32 to vector<16xi32>
        %shift_right_arithmetic3A_734 = arith.shrsi %get3A_727, %shift_right_arithmetic3A_733 : vector<16xi32>
        %sub3A_735 = vector.broadcast %mul3A_577 : i32 to vector<16xi32>
        %sub3A_736 = arith.subi %shift_right_arithmetic3A_734, %sub3A_735 : vector<16xi32>
        %and3A_737 = arith.constant 127 : i32
        %and3A_738 = vector.broadcast %and3A_737 : i32 to vector<16xi32>
        %and3A_739 = arith.andi %get3A_727, %and3A_738 : vector<16xi32>
        tpu.vector_store_idx %arg13[%sub3A_736, %and3A_739], %select_n3A_732 masked %lt3A_725 {add = true} : memref<200x128xf32, #tpu.memory_space<vmem>>[vector<16xi32>, vector<16xi32>], vector<16xf32>, vector<16xi1>
      }
      %while3A_616 = arith.constant 1 : i32
      scf.for %while3A_718 = %while3A_614 to %while3A_610 step %while3A_616  : i32 {
        %mul3A_719 = arith.constant 16 : i32
        %mul3A_720 = arith.muli %mul3A_719, %while3A_718 : i32
        %add3A_721 = arith.addi %squeeze3A_537, %mul3A_720 : i32
        %add3A_722 = vector.broadcast %add3A_721 : i32 to vector<16xi32>
        %add3A_723 = arith.addi %add3A_722, %iota3A : vector<16xi32>
        %lt3A_724 = vector.broadcast %squeeze3A_572 : i32 to vector<16xi32>
        %lt3A_725 = arith.cmpi slt, %add3A_723, %lt3A_724 : vector<16xi32>
        %get3A_726 = arith.index_cast %add3A_721 : i32 to index
        %get3A_727 = tpu.vector_load %arg7[%get3A_726] {strides = array<i32>} : memref<28640xi32, #tpu.memory_space<vmem>>, vector<16xi32>,
        %get3A_728 = arith.index_cast %add3A_721 : i32 to index
        %get3A_729 = tpu.vector_load %arg8[%get3A_728] {strides = array<i32>} : memref<28640xf32, #tpu.memory_space<vmem>>, vector<16xf32>,
        %jit3A_730 = arith.constant 0.000000e+00 : f32
        %broadcast_in_dim3A_731 = vector.broadcast %jit3A_730 : f32 to vector<16xf32>
        %select_n3A_732 = arith.select %lt3A_725, %get3A_729, %broadcast_in_dim3A_731 : vector<16xi1>, vector<16xf32>
        %shift_right_arithmetic3A = arith.constant 7 : i32
        %shift_right_arithmetic3A_733 = vector.broadcast %shift_right_arithmetic3A : i32 to vector<16xi32>
        %shift_right_arithmetic3A_734 = arith.shrsi %get3A_727, %shift_right_arithmetic3A_733 : vector<16xi32>
        %sub3A_735 = vector.broadcast %mul3A_577 : i32 to vector<16xi32>
        %sub3A_736 = arith.subi %shift_right_arithmetic3A_734, %sub3A_735 : vector<16xi32>
        %and3A_737 = arith.constant 127 : i32
        %and3A_738 = vector.broadcast %and3A_737 : i32 to vector<16xi32>
        %and3A_739 = arith.andi %get3A_727, %and3A_738 : vector<16xi32>
        tpu.vector_store_idx %arg13[%sub3A_736, %and3A_739], %select_n3A_732 masked %lt3A_725 {add = true} : memref<200x128xf32, #tpu.memory_space<vmem>>[vector<16xi32>, vector<16xi32>], vector<16xf32>, vector<16xi1>
      }
      %mul3A_617 = arith.constant 25 : i32
      %mul3A_618 = arith.muli %mul3A_617, %add3A_379 : i32
      %add3A_619 = arith.addi %mul3A_32, %mul3A_618 : i32
      %mul3A_620 = arith.constant 8 : i32
      %mul3A_621 = arith.muli %mul3A_620, %add3A_619 : i32
      %mul3A_622 = arith.constant 128 : i32
      %mul3A_623 = arith.muli %mul3A_622, %select_n3A_9 : i32
      %dma_start3A_624 = tpu.memref_slice %arg4[%mul3A_621, %mul3A_623] : memref<100000x1024xf32, #tpu.memory_space<hbm>> -> memref<200x128xf32, #tpu.memory_space<hbm>>
      %dma_start3A_625 = tpu.memref_slice %arg4[%mul3A_621, %mul3A_623] : memref<100000x1024xf32, #tpu.memory_space<hbm>> -> memref<200x128xf32, #tpu.memory_space<hbm>>
      tpu.enqueue_dma source(%arg13 : memref<200x128xf32, #tpu.memory_space<vmem>>) target(%dma_start3A_625 : memref<200x128xf32, #tpu.memory_space<hbm>>) target_semaphore(%arg16 : memref<!tpu.dma_semaphore, #tpu.memory_space<semaphore_mem>>)
      %dma_wait3A_626 = tpu.memref_slice %arg4[%mul3A_498, %mul3A_500] : memref<100000x1024xf32, #tpu.memory_space<hbm>> -> memref<200x128xf32, #tpu.memory_space<hbm>>
      %dma_wait3A_627 = tpu.memref_slice %arg4[%mul3A_498, %mul3A_500] : memref<100000x1024xf32, #tpu.memory_space<hbm>> -> memref<200x128xf32, #tpu.memory_space<hbm>>
      tpu.wait_dma2 semaphore(%arg15 : memref<!tpu.dma_semaphore, #tpu.memory_space<semaphore_mem>>) src(%arg12 : memref<200x128xf32, #tpu.memory_space<vmem>>) dst(%dma_wait3A_627 : memref<200x128xf32, #tpu.memory_space<hbm>>)
      %mul3A_628 = arith.constant 25 : i32
      %mul3A_629 = arith.muli %mul3A_628, %mul3A_377 : i32
      %add3A_630 = arith.addi %mul3A_32, %mul3A_629 : i32
      %mul3A_631 = arith.constant 8 : i32
      %mul3A_632 = arith.muli %mul3A_631, %add3A_630 : i32
      %sub3A_633 = arith.subi %squeeze3A_449, %squeeze3A_414 : i32
      %add3A_634 = arith.constant 16 : i32
      %add3A_635 = arith.addi %sub3A_633, %add3A_634 : i32
      %sub3A_636 = arith.constant 1 : i32
      %sub3A_637 = arith.subi %add3A_635, %sub3A_636 : i32
      %jit3A_638 = arith.constant 16 : i32
      %div3A_639 = arith.divsi %sub3A_637, %jit3A_638 : i32
      %sign3A_640 = arith.constant 0 : i32
      %sign3A_641 = arith.cmpi sgt, %sub3A_637, %sign3A_640 : i32
      %sign3A_642 = arith.extui %sign3A_641 : i1 to i32
      %sign3A_643 = arith.constant 0 : i32
      %sign3A_644 = arith.cmpi slt, %sub3A_637, %sign3A_643 : i32
      %sign3A_645 = arith.extui %sign3A_644 : i1 to i32
      %sign3A_646 = arith.subi %sign3A_642, %sign3A_645 : i32
      %sign3A_647 = arith.constant 0 : i32
      %sign3A_648 = arith.cmpi sgt, %jit3A_638, %sign3A_647 : i32
      %sign3A_649 = arith.extui %sign3A_648 : i1 to i32
      %sign3A_650 = arith.constant 0 : i32
      %sign3A_651 = arith.cmpi slt, %jit3A_638, %sign3A_650 : i32
      %sign3A_652 = arith.extui %sign3A_651 : i1 to i32
      %sign3A_653 = arith.subi %sign3A_649, %sign3A_652 : i32
      %ne3A_654 = arith.cmpi ne, %sign3A_646, %sign3A_653 : i32
      %rem3A_655 = arith.remsi %sub3A_637, %jit3A_638 : i32
      %ne3A_656 = arith.constant 0 : i32
      %ne3A_657 = arith.cmpi ne, %rem3A_655, %ne3A_656 : i32
      %and3A_658 = arith.andi %ne3A_654, %ne3A_657 : i1
      %sub3A_659 = arith.constant 1 : i32
      %sub3A_660 = arith.subi %div3A_639, %sub3A_659 : i32
      %select_n3A_661 = arith.select %and3A_658, %sub3A_660, %div3A_639 : i32
      %while3A_662 = arith.constant 0 : i32
      %while3A_663 = arith.constant 0 : i32
      %while3A_664 = arith.subi %select_n3A_661, %while3A_663 : i32
      %while3A_665 = arith.addi %while3A_663, %while3A_664 : i32
      %while3A_666 = arith.constant 1 : i32
      %while3A_667 = arith.divsi %while3A_664, %while3A_666 : i32
      %while3A_668 = arith.muli %while3A_667, %while3A_666 : i32
      %while3A_669 = arith.addi %while3A_663, %while3A_668 : i32
      %while3A_670 = arith.constant 1 : i32
      scf.for %while3A_718 = %while3A_663 to %while3A_669 step %while3A_670  : i32 {
        %mul3A_719 = arith.constant 16 : i32
        %mul3A_720 = arith.muli %mul3A_719, %while3A_718 : i32
        %add3A_721 = arith.addi %squeeze3A_414, %mul3A_720 : i32
        %add3A_722 = vector.broadcast %add3A_721 : i32 to vector<16xi32>
        %add3A_723 = arith.addi %add3A_722, %iota3A : vector<16xi32>
        %lt3A_724 = vector.broadcast %squeeze3A_449 : i32 to vector<16xi32>
        %lt3A_725 = arith.cmpi slt, %add3A_723, %lt3A_724 : vector<16xi32>
        %get3A_726 = arith.index_cast %add3A_721 : i32 to index
        %get3A_727 = tpu.vector_load %arg7[%get3A_726] {strides = array<i32>} : memref<28640xi32, #tpu.memory_space<vmem>>, vector<16xi32>,
        %shift_right_arithmetic3A = arith.constant 7 : i32
        %shift_right_arithmetic3A_728 = vector.broadcast %shift_right_arithmetic3A : i32 to vector<16xi32>
        %shift_right_arithmetic3A_729 = arith.shrsi %get3A_727, %shift_right_arithmetic3A_728 : vector<16xi32>
        %sub3A_730 = vector.broadcast %mul3A_632 : i32 to vector<16xi32>
        %sub3A_731 = arith.subi %shift_right_arithmetic3A_729, %sub3A_730 : vector<16xi32>
        %and3A_732 = arith.constant 127 : i32
        %and3A_733 = vector.broadcast %and3A_732 : i32 to vector<16xi32>
        %and3A_734 = arith.andi %get3A_727, %and3A_733 : vector<16xi32>
        tpu.vector_store_idx %arg12[%sub3A_731, %and3A_734], %broadcast_in_dim3A_33 masked %lt3A_725 : memref<200x128xf32, #tpu.memory_space<vmem>>[vector<16xi32>, vector<16xi32>], vector<16xf32>, vector<16xi1>
      }
      %while3A_671 = arith.constant 1 : i32
      scf.for %while3A_718 = %while3A_669 to %while3A_665 step %while3A_671  : i32 {
        %mul3A_719 = arith.constant 16 : i32
        %mul3A_720 = arith.muli %mul3A_719, %while3A_718 : i32
        %add3A_721 = arith.addi %squeeze3A_414, %mul3A_720 : i32
        %add3A_722 = vector.broadcast %add3A_721 : i32 to vector<16xi32>
        %add3A_723 = arith.addi %add3A_722, %iota3A : vector<16xi32>
        %lt3A_724 = vector.broadcast %squeeze3A_449 : i32 to vector<16xi32>
        %lt3A_725 = arith.cmpi slt, %add3A_723, %lt3A_724 : vector<16xi32>
        %get3A_726 = arith.index_cast %add3A_721 : i32 to index
        %get3A_727 = tpu.vector_load %arg7[%get3A_726] {strides = array<i32>} : memref<28640xi32, #tpu.memory_space<vmem>>, vector<16xi32>,
        %shift_right_arithmetic3A = arith.constant 7 : i32
        %shift_right_arithmetic3A_728 = vector.broadcast %shift_right_arithmetic3A : i32 to vector<16xi32>
        %shift_right_arithmetic3A_729 = arith.shrsi %get3A_727, %shift_right_arithmetic3A_728 : vector<16xi32>
        %sub3A_730 = vector.broadcast %mul3A_632 : i32 to vector<16xi32>
        %sub3A_731 = arith.subi %shift_right_arithmetic3A_729, %sub3A_730 : vector<16xi32>
        %and3A_732 = arith.constant 127 : i32
        %and3A_733 = vector.broadcast %and3A_732 : i32 to vector<16xi32>
        %and3A_734 = arith.andi %get3A_727, %and3A_733 : vector<16xi32>
        tpu.vector_store_idx %arg12[%sub3A_731, %and3A_734], %broadcast_in_dim3A_33 masked %lt3A_725 : memref<200x128xf32, #tpu.memory_space<vmem>>[vector<16xi32>, vector<16xi32>], vector<16xf32>, vector<16xi1>
      }
      %dma_wait3A_672 = tpu.memref_slice %arg4[%mul3A_621, %mul3A_623] : memref<100000x1024xf32, #tpu.memory_space<hbm>> -> memref<200x128xf32, #tpu.memory_space<hbm>>
      %dma_wait3A_673 = tpu.memref_slice %arg4[%mul3A_621, %mul3A_623] : memref<100000x1024xf32, #tpu.memory_space<hbm>> -> memref<200x128xf32, #tpu.memory_space<hbm>>
      tpu.wait_dma2 semaphore(%arg16 : memref<!tpu.dma_semaphore, #tpu.memory_space<semaphore_mem>>) src(%arg13 : memref<200x128xf32, #tpu.memory_space<vmem>>) dst(%dma_wait3A_673 : memref<200x128xf32, #tpu.memory_space<hbm>>)
      %mul3A_674 = arith.constant 25 : i32
      %mul3A_675 = arith.muli %mul3A_674, %add3A_379 : i32
      %add3A_676 = arith.addi %mul3A_32, %mul3A_675 : i32
      %mul3A_677 = arith.constant 8 : i32
      %mul3A_678 = arith.muli %mul3A_677, %add3A_676 : i32
      %sub3A_679 = arith.subi %squeeze3A_572, %squeeze3A_537 : i32
      %add3A_680 = arith.constant 16 : i32
      %add3A_681 = arith.addi %sub3A_679, %add3A_680 : i32
      %sub3A_682 = arith.constant 1 : i32
      %sub3A_683 = arith.subi %add3A_681, %sub3A_682 : i32
      %jit3A_684 = arith.constant 16 : i32
      %div3A_685 = arith.divsi %sub3A_683, %jit3A_684 : i32
      %sign3A_686 = arith.constant 0 : i32
      %sign3A_687 = arith.cmpi sgt, %sub3A_683, %sign3A_686 : i32
      %sign3A_688 = arith.extui %sign3A_687 : i1 to i32
      %sign3A_689 = arith.constant 0 : i32
      %sign3A_690 = arith.cmpi slt, %sub3A_683, %sign3A_689 : i32
      %sign3A_691 = arith.extui %sign3A_690 : i1 to i32
      %sign3A_692 = arith.subi %sign3A_688, %sign3A_691 : i32
      %sign3A_693 = arith.constant 0 : i32
      %sign3A_694 = arith.cmpi sgt, %jit3A_684, %sign3A_693 : i32
      %sign3A_695 = arith.extui %sign3A_694 : i1 to i32
      %sign3A_696 = arith.constant 0 : i32
      %sign3A_697 = arith.cmpi slt, %jit3A_684, %sign3A_696 : i32
      %sign3A_698 = arith.extui %sign3A_697 : i1 to i32
      %sign3A_699 = arith.subi %sign3A_695, %sign3A_698 : i32
      %ne3A_700 = arith.cmpi ne, %sign3A_692, %sign3A_699 : i32
      %rem3A_701 = arith.remsi %sub3A_683, %jit3A_684 : i32
      %ne3A_702 = arith.constant 0 : i32
      %ne3A_703 = arith.cmpi ne, %rem3A_701, %ne3A_702 : i32
      %and3A_704 = arith.andi %ne3A_700, %ne3A_703 : i1
      %sub3A_705 = arith.constant 1 : i32
      %sub3A_706 = arith.subi %div3A_685, %sub3A_705 : i32
      %select_n3A_707 = arith.select %and3A_704, %sub3A_706, %div3A_685 : i32
      %while3A_708 = arith.constant 0 : i32
      %while3A_709 = arith.constant 0 : i32
      %while3A_710 = arith.subi %select_n3A_707, %while3A_709 : i32
      %while3A_711 = arith.addi %while3A_709, %while3A_710 : i32
      %while3A_712 = arith.constant 1 : i32
      %while3A_713 = arith.divsi %while3A_710, %while3A_712 : i32
      %while3A_714 = arith.muli %while3A_713, %while3A_712 : i32
      %while3A_715 = arith.addi %while3A_709, %while3A_714 : i32
      %while3A_716 = arith.constant 1 : i32
      scf.for %while3A_718 = %while3A_709 to %while3A_715 step %while3A_716  : i32 {
        %mul3A_719 = arith.constant 16 : i32
        %mul3A_720 = arith.muli %mul3A_719, %while3A_718 : i32
        %add3A_721 = arith.addi %squeeze3A_537, %mul3A_720 : i32
        %add3A_722 = vector.broadcast %add3A_721 : i32 to vector<16xi32>
        %add3A_723 = arith.addi %add3A_722, %iota3A : vector<16xi32>
        %lt3A_724 = vector.broadcast %squeeze3A_572 : i32 to vector<16xi32>
        %lt3A_725 = arith.cmpi slt, %add3A_723, %lt3A_724 : vector<16xi32>
        %get3A_726 = arith.index_cast %add3A_721 : i32 to index
        %get3A_727 = tpu.vector_load %arg7[%get3A_726] {strides = array<i32>} : memref<28640xi32, #tpu.memory_space<vmem>>, vector<16xi32>,
        %shift_right_arithmetic3A = arith.constant 7 : i32
        %shift_right_arithmetic3A_728 = vector.broadcast %shift_right_arithmetic3A : i32 to vector<16xi32>
        %shift_right_arithmetic3A_729 = arith.shrsi %get3A_727, %shift_right_arithmetic3A_728 : vector<16xi32>
        %sub3A_730 = vector.broadcast %mul3A_678 : i32 to vector<16xi32>
        %sub3A_731 = arith.subi %shift_right_arithmetic3A_729, %sub3A_730 : vector<16xi32>
        %and3A_732 = arith.constant 127 : i32
        %and3A_733 = vector.broadcast %and3A_732 : i32 to vector<16xi32>
        %and3A_734 = arith.andi %get3A_727, %and3A_733 : vector<16xi32>
        tpu.vector_store_idx %arg13[%sub3A_731, %and3A_734], %broadcast_in_dim3A_33 masked %lt3A_725 : memref<200x128xf32, #tpu.memory_space<vmem>>[vector<16xi32>, vector<16xi32>], vector<16xf32>, vector<16xi1>
      }
      %while3A_717 = arith.constant 1 : i32
      scf.for %while3A_718 = %while3A_715 to %while3A_711 step %while3A_717  : i32 {
        %mul3A_719 = arith.constant 16 : i32
        %mul3A_720 = arith.muli %mul3A_719, %while3A_718 : i32
        %add3A_721 = arith.addi %squeeze3A_537, %mul3A_720 : i32
        %add3A_722 = vector.broadcast %add3A_721 : i32 to vector<16xi32>
        %add3A_723 = arith.addi %add3A_722, %iota3A : vector<16xi32>
        %lt3A_724 = vector.broadcast %squeeze3A_572 : i32 to vector<16xi32>
        %lt3A_725 = arith.cmpi slt, %add3A_723, %lt3A_724 : vector<16xi32>
        %get3A_726 = arith.index_cast %add3A_721 : i32 to index
        %get3A_727 = tpu.vector_load %arg7[%get3A_726] {strides = array<i32>} : memref<28640xi32, #tpu.memory_space<vmem>>, vector<16xi32>,
        %shift_right_arithmetic3A = arith.constant 7 : i32
        %shift_right_arithmetic3A_728 = vector.broadcast %shift_right_arithmetic3A : i32 to vector<16xi32>
        %shift_right_arithmetic3A_729 = arith.shrsi %get3A_727, %shift_right_arithmetic3A_728 : vector<16xi32>
        %sub3A_730 = vector.broadcast %mul3A_678 : i32 to vector<16xi32>
        %sub3A_731 = arith.subi %shift_right_arithmetic3A_729, %sub3A_730 : vector<16xi32>
        %and3A_732 = arith.constant 127 : i32
        %and3A_733 = vector.broadcast %and3A_732 : i32 to vector<16xi32>
        %and3A_734 = arith.andi %get3A_727, %and3A_733 : vector<16xi32>
        tpu.vector_store_idx %arg13[%sub3A_731, %and3A_734], %broadcast_in_dim3A_33 masked %lt3A_725 : memref<200x128xf32, #tpu.memory_space<vmem>>[vector<16xi32>, vector<16xi32>], vector<16xf32>, vector<16xi1>
      }
    }
    %scan3A_248 = arith.constant 62 : i32
    %jit3A_249 = arith.constant 124 : i32
    %jit3A_250 = arith.constant 16 : i32
    %div3A_251 = arith.divsi %jit3A_249, %jit3A_250 : i32
    %sign3A_252 = arith.constant 0 : i32
    %sign3A_253 = arith.cmpi sgt, %jit3A_249, %sign3A_252 : i32
    %sign3A_254 = arith.extui %sign3A_253 : i1 to i32
    %sign3A_255 = arith.constant 0 : i32
    %sign3A_256 = arith.cmpi slt, %jit3A_249, %sign3A_255 : i32
    %sign3A_257 = arith.extui %sign3A_256 : i1 to i32
    %sign3A_258 = arith.subi %sign3A_254, %sign3A_257 : i32
    %sign3A_259 = arith.constant 0 : i32
    %sign3A_260 = arith.cmpi sgt, %jit3A_250, %sign3A_259 : i32
    %sign3A_261 = arith.extui %sign3A_260 : i1 to i32
    %sign3A_262 = arith.constant 0 : i32
    %sign3A_263 = arith.cmpi slt, %jit3A_250, %sign3A_262 : i32
    %sign3A_264 = arith.extui %sign3A_263 : i1 to i32
    %sign3A_265 = arith.subi %sign3A_261, %sign3A_264 : i32
    %ne3A_266 = arith.cmpi ne, %sign3A_258, %sign3A_265 : i32
    %rem3A_267 = arith.remsi %jit3A_249, %jit3A_250 : i32
    %ne3A_268 = arith.constant 0 : i32
    %ne3A_269 = arith.cmpi ne, %rem3A_267, %ne3A_268 : i32
    %and3A_270 = arith.andi %ne3A_266, %ne3A_269 : i1
    %sub3A_271 = arith.constant 1 : i32
    %sub3A_272 = arith.subi %div3A_251, %sub3A_271 : i32
    %select_n3A_273 = arith.select %and3A_270, %sub3A_272, %div3A_251 : i32
    %mul3A_274 = arith.constant 16 : i32
    %mul3A_275 = arith.muli %select_n3A_273, %mul3A_274 : i32
    %get3A_276 = arith.index_cast %mul3A_275 : i32 to index
    %get3A_277 = tpu.vector_load %arg10[%get3A_276] {strides = array<i32>} : memref<128xi32, #tpu.memory_space<vmem>>, vector<16xi32>,
    %sub3A_278 = arith.constant 124 : i32
    %sub3A_279 = arith.subi %sub3A_278, %mul3A_275 : i32
    %broadcast_in_dim3A_280 = vector.broadcast %sub3A_279 : i32 to vector<16xi32>
    %broadcast_in_dim3A_281 = vector.shape_cast %broadcast_in_dim3A_280 : vector<16xi32> to vector<16x1xi32>
    %gather3A_282 = vector.shape_cast %broadcast_in_dim3A_281 : vector<16x1xi32> to vector<16xi32>
    %gather3A_283 = tpu.dynamic_gather %get3A_277[%gather3A_282] in [0] : vector<16xi32>, vector<16xi32> -> vector<16xi32>
    %slice3A = vector.extract_strided_slice %gather3A_283 {offsets = [0], sizes = [1], strides = [1]} : vector<16xi32> to vector<1xi32>
    %squeeze3A = vector.extract %slice3A[0] : i32 from vector<1xi32>
    %jit3A_284 = arith.constant 124 : i32
    %jit3A_285 = arith.constant 16 : i32
    %div3A_286 = arith.divsi %jit3A_284, %jit3A_285 : i32
    %sign3A_287 = arith.constant 0 : i32
    %sign3A_288 = arith.cmpi sgt, %jit3A_284, %sign3A_287 : i32
    %sign3A_289 = arith.extui %sign3A_288 : i1 to i32
    %sign3A_290 = arith.constant 0 : i32
    %sign3A_291 = arith.cmpi slt, %jit3A_284, %sign3A_290 : i32
    %sign3A_292 = arith.extui %sign3A_291 : i1 to i32
    %sign3A_293 = arith.subi %sign3A_289, %sign3A_292 : i32
    %sign3A_294 = arith.constant 0 : i32
    %sign3A_295 = arith.cmpi sgt, %jit3A_285, %sign3A_294 : i32
    %sign3A_296 = arith.extui %sign3A_295 : i1 to i32
    %sign3A_297 = arith.constant 0 : i32
    %sign3A_298 = arith.cmpi slt, %jit3A_285, %sign3A_297 : i32
    %sign3A_299 = arith.extui %sign3A_298 : i1 to i32
    %sign3A_300 = arith.subi %sign3A_296, %sign3A_299 : i32
    %ne3A_301 = arith.cmpi ne, %sign3A_293, %sign3A_300 : i32
    %rem3A_302 = arith.remsi %jit3A_284, %jit3A_285 : i32
    %ne3A_303 = arith.constant 0 : i32
    %ne3A_304 = arith.cmpi ne, %rem3A_302, %ne3A_303 : i32
    %and3A_305 = arith.andi %ne3A_301, %ne3A_304 : i1
    %sub3A_306 = arith.constant 1 : i32
    %sub3A_307 = arith.subi %div3A_286, %sub3A_306 : i32
    %select_n3A_308 = arith.select %and3A_305, %sub3A_307, %div3A_286 : i32
    %mul3A_309 = arith.constant 16 : i32
    %mul3A_310 = arith.muli %select_n3A_308, %mul3A_309 : i32
    %get3A_311 = arith.index_cast %mul3A_310 : i32 to index
    %get3A_312 = tpu.vector_load %arg11[%get3A_311] {strides = array<i32>} : memref<128xi32, #tpu.memory_space<vmem>>, vector<16xi32>,
    %sub3A_313 = arith.constant 124 : i32
    %sub3A_314 = arith.subi %sub3A_313, %mul3A_310 : i32
    %broadcast_in_dim3A_315 = vector.broadcast %sub3A_314 : i32 to vector<16xi32>
    %broadcast_in_dim3A_316 = vector.shape_cast %broadcast_in_dim3A_315 : vector<16xi32> to vector<16x1xi32>
    %gather3A_317 = vector.shape_cast %broadcast_in_dim3A_316 : vector<16x1xi32> to vector<16xi32>
    %gather3A_318 = tpu.dynamic_gather %get3A_312[%gather3A_317] in [0] : vector<16xi32>, vector<16xi32> -> vector<16xi32>
    %slice3A_319 = vector.extract_strided_slice %gather3A_318 {offsets = [0], sizes = [1], strides = [1]} : vector<16xi32> to vector<1xi32>
    %squeeze3A_320 = vector.extract %slice3A_319[0] : i32 from vector<1xi32>
    %mul3A_321 = arith.constant 25 : i32
    %mul3A_322 = arith.constant 124 : i32
    %mul3A_323 = arith.muli %mul3A_321, %mul3A_322 : i32
    %add3A_324 = arith.addi %mul3A_32, %mul3A_323 : i32
    %mul3A_325 = arith.constant 8 : i32
    %mul3A_326 = arith.muli %mul3A_325, %add3A_324 : i32
    %sub3A_327 = arith.subi %squeeze3A_320, %squeeze3A : i32
    %add3A_328 = arith.constant 16 : i32
    %add3A_329 = arith.addi %sub3A_327, %add3A_328 : i32
    %sub3A_330 = arith.constant 1 : i32
    %sub3A_331 = arith.subi %add3A_329, %sub3A_330 : i32
    %jit3A_332 = arith.constant 16 : i32
    %div3A_333 = arith.divsi %sub3A_331, %jit3A_332 : i32
    %sign3A_334 = arith.constant 0 : i32
    %sign3A_335 = arith.cmpi sgt, %sub3A_331, %sign3A_334 : i32
    %sign3A_336 = arith.extui %sign3A_335 : i1 to i32
    %sign3A_337 = arith.constant 0 : i32
    %sign3A_338 = arith.cmpi slt, %sub3A_331, %sign3A_337 : i32
    %sign3A_339 = arith.extui %sign3A_338 : i1 to i32
    %sign3A_340 = arith.subi %sign3A_336, %sign3A_339 : i32
    %sign3A_341 = arith.constant 0 : i32
    %sign3A_342 = arith.cmpi sgt, %jit3A_332, %sign3A_341 : i32
    %sign3A_343 = arith.extui %sign3A_342 : i1 to i32
    %sign3A_344 = arith.constant 0 : i32
    %sign3A_345 = arith.cmpi slt, %jit3A_332, %sign3A_344 : i32
    %sign3A_346 = arith.extui %sign3A_345 : i1 to i32
    %sign3A_347 = arith.subi %sign3A_343, %sign3A_346 : i32
    %ne3A_348 = arith.cmpi ne, %sign3A_340, %sign3A_347 : i32
    %rem3A_349 = arith.remsi %sub3A_331, %jit3A_332 : i32
    %ne3A_350 = arith.constant 0 : i32
    %ne3A_351 = arith.cmpi ne, %rem3A_349, %ne3A_350 : i32
    %and3A_352 = arith.andi %ne3A_348, %ne3A_351 : i1
    %sub3A_353 = arith.constant 1 : i32
    %sub3A_354 = arith.subi %div3A_333, %sub3A_353 : i32
    %select_n3A_355 = arith.select %and3A_352, %sub3A_354, %div3A_333 : i32
    %while3A = arith.constant 0 : i32
    %while3A_356 = arith.constant 0 : i32
    %while3A_357 = arith.subi %select_n3A_355, %while3A_356 : i32
    %while3A_358 = arith.addi %while3A_356, %while3A_357 : i32
    %while3A_359 = arith.constant 1 : i32
    %while3A_360 = arith.divsi %while3A_357, %while3A_359 : i32
    %while3A_361 = arith.muli %while3A_360, %while3A_359 : i32
    %while3A_362 = arith.addi %while3A_356, %while3A_361 : i32
    %while3A_363 = arith.constant 1 : i32
    scf.for %while3A_375 = %while3A_356 to %while3A_362 step %while3A_363  : i32 {
      %mul3A_376 = arith.constant 16 : i32
      %mul3A_377 = arith.muli %mul3A_376, %while3A_375 : i32
      %add3A_378 = arith.addi %squeeze3A, %mul3A_377 : i32
      %add3A_379 = vector.broadcast %add3A_378 : i32 to vector<16xi32>
      %add3A_380 = arith.addi %add3A_379, %iota3A : vector<16xi32>
      %lt3A_381 = vector.broadcast %squeeze3A_320 : i32 to vector<16xi32>
      %lt3A_382 = arith.cmpi slt, %add3A_380, %lt3A_381 : vector<16xi32>
      %get3A_383 = arith.index_cast %add3A_378 : i32 to index
      %get3A_384 = tpu.vector_load %arg7[%get3A_383] {strides = array<i32>} : memref<28640xi32, #tpu.memory_space<vmem>>, vector<16xi32>,
      %get3A_385 = arith.index_cast %add3A_378 : i32 to index
      %get3A_386 = tpu.vector_load %arg8[%get3A_385] {strides = array<i32>} : memref<28640xf32, #tpu.memory_space<vmem>>, vector<16xf32>,
      %jit3A_387 = arith.constant 0.000000e+00 : f32
      %broadcast_in_dim3A_388 = vector.broadcast %jit3A_387 : f32 to vector<16xf32>
      %select_n3A_389 = arith.select %lt3A_382, %get3A_386, %broadcast_in_dim3A_388 : vector<16xi1>, vector<16xf32>
      %shift_right_arithmetic3A = arith.constant 7 : i32
      %shift_right_arithmetic3A_390 = vector.broadcast %shift_right_arithmetic3A : i32 to vector<16xi32>
      %shift_right_arithmetic3A_391 = arith.shrsi %get3A_384, %shift_right_arithmetic3A_390 : vector<16xi32>
      %sub3A_392 = vector.broadcast %mul3A_326 : i32 to vector<16xi32>
      %sub3A_393 = arith.subi %shift_right_arithmetic3A_391, %sub3A_392 : vector<16xi32>
      %and3A_394 = arith.constant 127 : i32
      %and3A_395 = vector.broadcast %and3A_394 : i32 to vector<16xi32>
      %and3A_396 = arith.andi %get3A_384, %and3A_395 : vector<16xi32>
      tpu.vector_store_idx %arg12[%sub3A_393, %and3A_396], %select_n3A_389 masked %lt3A_382 {add = true} : memref<200x128xf32, #tpu.memory_space<vmem>>[vector<16xi32>, vector<16xi32>], vector<16xf32>, vector<16xi1>
    }
    %while3A_364 = arith.constant 1 : i32
    scf.for %while3A_375 = %while3A_362 to %while3A_358 step %while3A_364  : i32 {
      %mul3A_376 = arith.constant 16 : i32
      %mul3A_377 = arith.muli %mul3A_376, %while3A_375 : i32
      %add3A_378 = arith.addi %squeeze3A, %mul3A_377 : i32
      %add3A_379 = vector.broadcast %add3A_378 : i32 to vector<16xi32>
      %add3A_380 = arith.addi %add3A_379, %iota3A : vector<16xi32>
      %lt3A_381 = vector.broadcast %squeeze3A_320 : i32 to vector<16xi32>
      %lt3A_382 = arith.cmpi slt, %add3A_380, %lt3A_381 : vector<16xi32>
      %get3A_383 = arith.index_cast %add3A_378 : i32 to index
      %get3A_384 = tpu.vector_load %arg7[%get3A_383] {strides = array<i32>} : memref<28640xi32, #tpu.memory_space<vmem>>, vector<16xi32>,
      %get3A_385 = arith.index_cast %add3A_378 : i32 to index
      %get3A_386 = tpu.vector_load %arg8[%get3A_385] {strides = array<i32>} : memref<28640xf32, #tpu.memory_space<vmem>>, vector<16xf32>,
      %jit3A_387 = arith.constant 0.000000e+00 : f32
      %broadcast_in_dim3A_388 = vector.broadcast %jit3A_387 : f32 to vector<16xf32>
      %select_n3A_389 = arith.select %lt3A_382, %get3A_386, %broadcast_in_dim3A_388 : vector<16xi1>, vector<16xf32>
      %shift_right_arithmetic3A = arith.constant 7 : i32
      %shift_right_arithmetic3A_390 = vector.broadcast %shift_right_arithmetic3A : i32 to vector<16xi32>
      %shift_right_arithmetic3A_391 = arith.shrsi %get3A_384, %shift_right_arithmetic3A_390 : vector<16xi32>
      %sub3A_392 = vector.broadcast %mul3A_326 : i32 to vector<16xi32>
      %sub3A_393 = arith.subi %shift_right_arithmetic3A_391, %sub3A_392 : vector<16xi32>
      %and3A_394 = arith.constant 127 : i32
      %and3A_395 = vector.broadcast %and3A_394 : i32 to vector<16xi32>
      %and3A_396 = arith.andi %get3A_384, %and3A_395 : vector<16xi32>
      tpu.vector_store_idx %arg12[%sub3A_393, %and3A_396], %select_n3A_389 masked %lt3A_382 {add = true} : memref<200x128xf32, #tpu.memory_space<vmem>>[vector<16xi32>, vector<16xi32>], vector<16xf32>, vector<16xi1>
    }
    %mul3A_365 = arith.constant 25 : i32
    %mul3A_366 = arith.constant 124 : i32
    %mul3A_367 = arith.muli %mul3A_365, %mul3A_366 : i32
    %add3A_368 = arith.addi %mul3A_32, %mul3A_367 : i32
    %mul3A_369 = arith.constant 8 : i32
    %mul3A_370 = arith.muli %mul3A_369, %add3A_368 : i32
    %mul3A_371 = arith.constant 128 : i32
    %mul3A_372 = arith.muli %mul3A_371, %select_n3A_9 : i32
    %dma_start3A = tpu.memref_slice %arg4[%mul3A_370, %mul3A_372] : memref<100000x1024xf32, #tpu.memory_space<hbm>> -> memref<200x128xf32, #tpu.memory_space<hbm>>
    %dma_start3A_373 = tpu.memref_slice %arg4[%mul3A_370, %mul3A_372] : memref<100000x1024xf32, #tpu.memory_space<hbm>> -> memref<200x128xf32, #tpu.memory_space<hbm>>
    tpu.enqueue_dma source(%arg12 : memref<200x128xf32, #tpu.memory_space<vmem>>) target(%dma_start3A_373 : memref<200x128xf32, #tpu.memory_space<hbm>>) target_semaphore(%arg15 : memref<!tpu.dma_semaphore, #tpu.memory_space<semaphore_mem>>)
    %dma_wait3A = tpu.memref_slice %arg4[%mul3A_370, %mul3A_372] : memref<100000x1024xf32, #tpu.memory_space<hbm>> -> memref<200x128xf32, #tpu.memory_space<hbm>>
    %dma_wait3A_374 = tpu.memref_slice %arg4[%mul3A_370, %mul3A_372] : memref<100000x1024xf32, #tpu.memory_space<hbm>> -> memref<200x128xf32, #tpu.memory_space<hbm>>
    tpu.wait_dma2 semaphore(%arg15 : memref<!tpu.dma_semaphore, #tpu.memory_space<semaphore_mem>>) src(%arg12 : memref<200x128xf32, #tpu.memory_space<vmem>>) dst(%dma_wait3A_374 : memref<200x128xf32, #tpu.memory_space<hbm>>)
    return
  }
}

</mosaic_0001>

<sc_bundles>
// kernel: kernel.3.cloned.1.call-start
scs
__scs_entry_jumppad:
0x0: {  	(pc) =	sbr.rel $0x88, $3  }
0x1: {  	(tag) =	ssettag $0x0;
	lr =	simm.s32 $0x1  }
0x2: {  	[smem:$0x3F9F] =	sst lr;
	_ =	strace $0xD0000000  }
0x3: {  	_ = 	snop  }
0x4: {  	_ = 	snop  }
0x5: {  	_ = 	snop  }
0x6: {  	_ = 	snop  }
0x7: {  	_ = 	snop  }
__scs_overlays_trampoline_lowered:
0x8: {  	[smem:$0x3FAE] =	sst s0  }
0x9: {  	[smem:$0x3FAF] =	sst s1  }
0xa: {  	[smem:$0x3FB0] =	sst s2  }
0xb: {  	[smem:$0x3FB1] =	sst s3  }
0xc: {  	[smem:$0x3FB2] =	sst s4  }
0xd: {  	[smem:$0x3FB3] =	sst s5  }
0xe: {  	[smem:$0x3FB4] =	sst s6  }
0xf: {  	[smem:$0x3FB5] =	sst s7  }
0x10: {  	[smem:$0x3FB6] =	sst s8  }
0x11: {  	[smem:$0x3FB7] =	sst s9;
	s0 =	simm.s32 @!p0 $0x0  }
0x12: {  	s1 =	sld [smem:$0x3F9D];
	s0 =	simm.s32 @p0 $0x1  }
0x13: {  	[smem:$0x3FB8] =	sst s0;
	s0 =	simm.s32 @!p1 $0x0  }
0x14: {  	s2 =	sld [smem:$0x3F9C];
	s0 =	simm.s32 @p1 $0x1  }
0x15: {  	[smem:$0x3FB9] =	sst s0;
	s0 =	simm.s32 @!p2 $0x0  }
0x16: {  	s3 =	sld [smem:$0x3FDB];
	s0 =	simm.s32 @p2 $0x1  }
0x17: {  	s4 =	simm.s32 $0x1BF5;
	[smem:$0x3FBB] =	sst s0  }
0x18: {  	s0 =	sld [smem:$0x3F9E];
	_ =	swait.ge [sflag:s4], $0x0  }
0x19: {  	s7 =	sld [smem:$0x3F9F]  }
0x1a: {  	s8 =	sadd.s32 $0xFFFFE003, lr  }
0x1b: {  	s9 =	sadd.s32 $0xFFFFFEF7, lr;
	s5 =	simm.s32 $0xFFFFFFFF;
	p2 =	slt.u32 s8, $0xFFFFF086  }
0x1c: {  	p1 =	slt.u32 s9, $0xF7A;
	s5 =	simm.s32 @!p2 $0x0  }
0x1d: {  	s5 =	simm.s32 @p1 $0x1;
	p0 =	seq.s32 s7, s2  }
0x1e: {  	s7 =	smul.u32 @!p0 $0xF7A, s2;
	p2 =	seq.s32 @!p0 s5, $0x0  }
0x1f: {  	s9 =	smul.u32 $0xF7A, s1;
	s8 =	simm.s32 @!p0 $0x1BF5;
	p2 =	por !p2, p0  }
0x20: {  	[sflag:s8] =	ssyncset.s32 @!p0 $0xFFFFF086;
	s6 =	sadd.s32 @!p0 s3, s7;
	s7 =	simm.s32 @!p0 $0x108  }
0x21: {  	s3 =	sadd.s32 s3, s9;
	s6 =	sadd.s32 @!p0 $0x88, s6;
	s7 =	simm.s32 @p2 $0x1082  }
0x22: {  	[simem:s7], [sflag:s8] =	dma.local @!p0 [hbm:s6], $0xF7A  }
0x23: {  	s9 =	sor.u32 $0xD0000000, s2;
	s6 =	simm.s32 $0x108;
	_ =	swait.ge @!p0 [sflag:s8], $0x0  }
0x24: {  	s3 =	sadd.s32 $0x88, s3;
	s6 =	simm.s32 @!p1 $0x1082;
	[sflag:s4] =	ssyncset.s32 $0xFFFFF086  }
0x25: {  	[simem:s6], [sflag:s4] =	dma.local [hbm:s3], $0xF7A  }
0x26: {  	[smem:$0x3F9F] =	sst s1;
	(tag) =	ssettag s2;
	_ =	strace s9  }
0x27: {  	s1 =	sld [smem:$0x3FAF]  }
0x28: {  	s2 =	sld [smem:$0x3FB0]  }
0x29: {  	s4 =	sld [smem:$0x3FB2]  }
0x2a: {  	p0 =	seq.s32 s5, $0x0;
	s5 =	sld [smem:$0x3FB3]  }
0x2b: {  	s6 =	sld [smem:$0x3FB4]  }
0x2c: {  	s7 =	sld [smem:$0x3FB5]  }
0x2d: {  	s3 =	simm.s32 $0x108;
	s8 =	sld [smem:$0x3FB6]  }
0x2e: {  	s3 =	simm.s32 @!p0 $0x1082;
	s9 =	sld [smem:$0x3FB7]  }
0x2f: {  	lr =	sadd.s32 s0, s3;
	s0 =	sld [smem:$0x3FAE]  }
0x30: {  	s3 =	sld [smem:$0x3FB1]  }
0x31: {  	[smem:$0x3FBA] =	sst s10  }
0x32: {  	s10 =	sld [smem:$0x3FB8];
	_ =	sdelay $0x3  }
0x33: {  	p0 =	seq.s32 s10, $0x1;
	s10 =	sld [smem:$0x3FBA];
	_ =	sdelay $0x3  }
0x34: {  	[smem:$0x3FBA] =	sst s10  }
0x35: {  	s10 =	sld [smem:$0x3FB9];
	_ =	sdelay $0x3  }
0x36: {  	p1 =	seq.s32 s10, $0x1;
	s10 =	sld [smem:$0x3FBA];
	_ =	sdelay $0x3  }
0x37: {  	[smem:$0x3FBA] =	sst s10  }
0x38: {  	s10 =	sld [smem:$0x3FBB]  }
0x39: {  	_ = 	snop;
	(pc) =	sbr.ind lr, $3  }
0x3a: {  	_ = 	snop  }
0x3b: {  	_ = 	snop  }
0x3c: {  	p2 =	seq.s32 s10, $0x1;
	s10 =	sld [smem:$0x3FBA]  }
0x3d: {  	_ =	shalt  }
0x3e: {  	_ =	shalt  }
0x3f: {  	_ =	shalt  }
0x40: {  	_ =	shalt  }
0x41: {  	_ =	shalt  }
0x42: {  	_ =	shalt  }
0x43: {  	_ =	shalt  }
0x44: {  	_ =	shalt  }
0x45: {  	_ =	shalt  }
0x46: {  	_ =	shalt  }
0x47: {  	_ =	shalt  }
0x48: {  	_ =	shalt  }
0x49: {  	_ =	shalt  }
0x4a: {  	_ =	shalt  }
0x4b: {  	_ =	shalt  }
0x4c: {  	_ =	shalt  }
0x4d: {  	_ =	shalt  }
0x4e: {  	_ =	shalt  }
0x4f: {  	_ =	shalt  }
0x50: {  	_ =	shalt  }
0x51: {  	_ =	shalt  }
0x52: {  	_ =	shalt  }
0x53: {  	_ =	shalt  }
0x54: {  	_ =	shalt  }
0x55: {  	_ =	shalt  }
0x56: {  	_ =	shalt  }
0x57: {  	_ =	shalt  }
0x58: {  	_ =	shalt  }
0x59: {  	_ =	shalt  }
0x5a: {  	_ =	shalt  }
0x5b: {  	_ =	shalt  }
0x5c: {  	_ =	shalt  }
0x5d: {  	_ =	shalt  }
0x5e: {  	_ =	shalt  }
0x5f: {  	_ =	shalt  }
0x60: {  	_ =	shalt  }
0x61: {  	_ =	shalt  }
0x62: {  	_ =	shalt  }
0x63: {  	_ =	shalt  }
0x64: {  	_ =	shalt  }
0x65: {  	_ =	shalt  }
0x66: {  	_ =	shalt  }
0x67: {  	_ =	shalt  }
0x68: {  	_ =	shalt  }
0x69: {  	_ =	shalt  }
0x6a: {  	_ =	shalt  }
0x6b: {  	_ =	shalt  }
0x6c: {  	_ =	shalt  }
0x6d: {  	_ =	shalt  }
0x6e: {  	_ =	shalt  }
0x6f: {  	_ =	shalt  }
0x70: {  	_ =	shalt  }
0x71: {  	_ =	shalt  }
0x72: {  	_ =	shalt  }
0x73: {  	_ =	shalt  }
0x74: {  	_ =	shalt  }
0x75: {  	_ =	shalt  }
0x76: {  	_ =	shalt  }
0x77: {  	_ =	shalt  }
0x78: {  	_ =	shalt  }
0x79: {  	_ =	shalt  }
0x7a: {  	_ =	shalt  }
0x7b: {  	_ =	shalt  }
0x7c: {  	_ =	shalt  }
0x7d: {  	_ =	shalt  }
0x7e: {  	_ =	shalt  }
0x7f: {  	_ =	shalt  }
0x80: {  	_ =	shalt  }
0x81: {  	_ =	shalt  }
0x82: {  	_ =	shalt  }
0x83: {  	_ =	shalt  }
0x84: {  	_ =	shalt  }
0x85: {  	_ =	shalt  }
0x86: {  	_ =	shalt  }
0x87: {  	_ =	shalt  }
.Lfunc_end0:
.L_simem_size_0:
called_computation_lowered:
.L_overlay_start_0:
0x88: {  	s2 =	sld [smem:$0x3FD9]  }
0x89: {  	s3 =	sld [smem:$0x3FFE];
	_ =	sdelay $0x1  }
0x8a: {  	s1 =	srdreg.scid  }
0x8b: {  	s0 =	sand.u32 $0x1, s1  }
0x8c: {  	s17 =	sshll.u32 s0, $0xA;
	s2 =	sadd.s32 s3, s2  }
0x8d: {  	s2 =	sadd.s32 s2, s17  }
0x8e: {  	[smem:$0x3FC6] =	sst s2  }
0x8f: {  	_ = 	snop  }
0x90: {  	s2 =	sld [smem:$0x3FC8]  }
0x91: {  	s18 =	sld [smem:$0x3FD0];
	(tm) =	ssettm $0x1  }
0x92: {  	s4 =	sld [smem:$0x3FFB];
	_ =	sdelay $0x3  }
0x93: {  	_ =	strace s4  }
0x94: {  	s4 =	sld [smem:$0x3FFC];
	_ =	sdelay $0x3  }
0x95: {  	_ =	strace s4  }
0x96: {  	s4 =	sld [smem:$0x3FFD];
	_ =	sdelay $0x3  }
0x97: {  	_ =	strace s4  }
0x98: {  	_ =	strace $0x8FFFFFFF  }
0x99: {  	s19 =	sld [smem:$0x3FDB];
	_ =	sdelay $0x1  }
0x9a: {  	s5 =	simm.s32 $_scs_section_size  }
0x9b: {  	s6 =	simm.s32 $_size__tile_overlayer_lowered;
	s7 =	simm.s32 $_tile_overlayer_lowered  }
0x9c: {  	s22 =	simm.s32 $0x1BFF;
	s21 =	sshll.u32 s7, $0x1;
	s4 =	sadd.s32 s5, s19  }
0x9d: {  	s8 =	simm.s32 $0x0;
	s20 =	sshll.u32 s6, $0x1;
	s6 =	sadd.s32 s21, s4  }
0x9e: {  	[timem:s8], [sflag:s22] =	dma.local [hbm:s6], s20  }
0x9f: {  	_ =	swait.ge [sflag:s22], s20  }
0xa0: {  	s5 =	ssub.s32 $0x0, s20;
	[sflag:s22] =	ssyncset.done $0x0  }
0xa1: {  	[sflag:s22] =	ssyncadd.s32 s5;
	_ =	sdelay $0x1  }
0xa2: {  	s23 =	simm.s32 $0x1B8B  }
0xa3: {  	_ =	swait.ge [sflag:s23], $0x1  }
0xa4: {  	[sflag:s23] =	ssyncset.done $0x0  }
0xa5: {  	s25 =	simm.s32 $0x1B8E;
	s24 =	sld [smem:$0x3FFE];
	[sflag:s23] =	ssyncadd.s32 $0xFFFFFFFF  }
0xa6: {  	s26 =	simm.s32 $execute0_lowered;
	[smem:$0x3FD2] =	sst s25  }
0xa7: {  	s6 =	sshll.u32 s26, $0x1;
	_ =	strace $0x80000046;
	[dreg:$0x1] =	wrdreg $0xFFFFFFFF  }
0xa8: {  	s28 =	simm.s32 $_size_execute0_lowered;
	s4 =	sadd.s32 s4, s6;
	[dreg:$0x0] =	wrdreg $0x0  }
0xa9: {  	s6 =	sshll.u32 s28, $0x1;
	[dreg:$0x2] =	wrdreg s4  }
0xaa: {  	[dreg:$0x3] =	wrdreg s6  }
0xab: {  	[dreg:$0x4] =	wrdreg $0xC0  }
0xac: {  	_ =	task [dreg:s8], $0x5FFFF  }
0xad: {  	[dreg:$0x1] =	wrdreg $0xFFFFFFFF  }
0xae: {  	[dreg:$0x0] =	wrdreg $0x60  }
0xaf: {  	[dreg:$0x2] =	wrdreg s24  }
0xb0: {  	[dreg:$0x3] =	wrdreg s2  }
0xb1: {  	[dreg:$0x4] =	wrdreg s18  }
0xb2: {  	[dreg:$0x5] =	wrdreg $0x9  }
0xb3: {  	_ =	task.clear_ibuf [dreg:s8], $0x6FFFF;
	_ =	strace $0x90000046  }
0xb4: {  	s29 =	simm.s32 $0x9;
	_ =	strace $0x80000048  }
0xb5: {  	_ =	swait.ge [sflag:s29], $0x1  }
0xb6: {  	[sflag:s29] =	ssyncadd.s32 $0xFFFFFFFF  }
0xb7: {  	_ =	strace $0x90000048  }
0xb8: {  	_ =	sfence  }
0xb9: {  	s30 =	sld [smem:$0x0];
	_ =	sdelay $0x2  }
0xba: {  	s31 =	sshll.u32 s1, $0xD;
	s1 =	sshrl.u32 s1, $0x2  }
0xbb: {  	s3 =	sand.u32 $0x4000, s31;
	s1 =	sadd.s32 s1, s30  }
0xbc: {  	s0 =	sor.u32 s3, s0;
	s1 =	sshll.u32 s1, $0x11  }
0xbd: {  	s0 =	sor.u32 s1, s0  }
0xbe: {  	s0 =	sadd.s32 $0x8F2B, s0  }
0xbf: {  	[sflag:s0] =	ssyncadd.remote.s32 $0x1  }
0xc0: {  	_ =	sfence.sel $0xFFFF  }
0xc1: {  	[dreg:$0x0] =	wrdreg $0xFFFFFFFF;
	(pc) =	sbr.abs _section_cstart, $3  }
0xc2: {  	[dreg:$0x1] =	wrdreg $0xFFFFFFFF  }
0xc3: {  	_ =	task.clear_ibuf [dreg:s8], $0x2FFFF;
	_ =	strace $0x9FFFFFFF  }
0xc4: {  	(tm) =	ssettm $0x7FFFFFFF  }
0xc5: {  	_ =	shalt  }
tec
execute0_lowered:
.L_overlay_start_1:
0x0: {  	(tag) =	ssettag $0x1  }
0x1: {  	v5 =	vimm.s32 $0x76543210  }
0x2: {  	s0 =	rddreg [dreg:$0x0];
	v2 =	vimm.s32 $0x0;
	v4 =	vimm.s32 $0xFEDCBA98;
	v3 =	vimm.f32 $0.0e+00  }
0x3: {  	s2 =	rddreg [dreg:$0x1];
	s18 =	simm.s32 $0xD0;
	s19 =	simm.s32 $0x1A0;
	v7 =	vimm.s32 $0xBA98FEDC;
	v8 =	vimm.s32 $0x32107654;
	vm0 =	vmmov $0xff  }
0x4: {  	s23 =	rddreg [dreg:$0x2];
	s11 =	simm.s32 $0x0;
	s4 =	stileid.u32;
	v9 =	vimm.s32 $0xDCFE98BA;
	v10 =	vimm.s32 $0x54761032;
	v11 =	vimm.s32 $0xEFCDAB89  }
0x5: {  	s3 =	srdreg.scid;
	s25 =	simm.s32 $0xA90;
	s28 =	simm.s32 $0xFA00;
	v12 =	vimm.s32 $0x6543210F;
	v13 =	vimm.s32 $0x67452301;
	v6 =	vunpack.c.l.s4.s8 v4  }
0x6: {  	s29 =	simm.s32 $0x68;
	s10 =	simm.s32 $0xFB00;
	s30 =	simm.s32 $0x8A00;
	v4 =	vimm.s32 $0x1;
	v5 =	vunpack.c.l.s4.s8 v5;
	v7 =	vunpack.c.l.s4.s8 v7  }
0x7: {  	s31 =	simm.s32 $0xFB80;
	s9 =	simm.s32 $0x15F80;
	[smem:$0x7FF] =	sst s11;
	v8 =	vunpack.c.l.s4.s8 v8;
	v9 =	vunpack.c.l.s4.s8 v9;
	v6 =	vunpack.c.0.s8.s32 v6  }
0x8: {  	s1 =	sshrl.u32 s4, $0x2;
	s4 =	sshll.u32 s4, $0x1;
	s3 =	sand.u32 $0x1, s3;
	v12 =	vunpack.c.l.s4.s8 v12;
	v10 =	vunpack.c.l.s4.s8 v10;
	v5 =	vunpack.c.0.s8.s32 v5  }
0x9: {  	v11 =	vunpack.c.l.s4.s8 v11;
	v13 =	vunpack.c.l.s4.s8 v13;
	s5 =	smul.u32 $0x61A8, s1;
	_ =	strace $0x80000047;
	s4 =	sand.u32 $0x6, s4;
	v6 =	vand.u32 $0xF, v6  }
0xa: {  	s6 =	ssub.s32 $0x2, s3;
	s22 =	smul.u32 $0xC35, s1;
	s3 =	sor.u32 s3, s4;
	v5 =	vcombine.low v6, v5;
	v6 =	vunpack.c.0.s8.s32 v7;
	v7 =	vimm.s32 $0xEDCBA987  }
0xb: {  	s21 =	sshrl.u32 s6, $0x1;
	v8 =	vunpack.c.0.s8.s32 v8;
	v9 =	vunpack.c.0.s8.s32 v9;
	s4 =	simm.s32 $0x1A00;
	s20 =	sadd.s32 $0x60E0, s5;
	v7 =	vunpack.c.l.s4.s8 v7  }
0xc: {  	v12 =	vunpack.c.0.s8.s32 v12;
	v10 =	vunpack.c.0.s8.s32 v10;
	s5 =	sadd.s32 $0x400, s0;
	s0 =	ssub.s32 s6, s21;
	s8 =	sshll.u32 s3, $0x7;
	v1 =	vmov s20  }
.Ltmp0:
0xd: {  	v11 =	vunpack.c.0.s8.s32 v11;
	s24 =	sshll.u32 s3, $0xA;
	s21 =	simm.s32 $0x340;
	v1 =	vshll.u32 v1, $0x7;
	v14 =	vunpack.c.0.s8.s32 v7;
	(pc) =	sbr.rel .LBB2_1-.Ltmp0, $4  }
0xe: {  	v13 =	vunpack.c.0.s8.s32 v13;
	[dreg:$0x7] =	wrdreg s22;
	s7 =	sor.u32 s3, s20;
	s0 =	smax.u32 s0, $0x1;
	v1 =	vbroadcast v1, $0x0;
	v6 =	vcombine.low v8, v6  }
0xf: {  	v0 =	vmov s22;
	s3 =	simm.s32 $0xB60;
	[dreg:$0x8] =	wrdreg s24;
	s26 =	sshll.u32 s7, $0x7;
	v8 =	vcombine.low v10, v9;
	v12 =	vcombine.low v12, v14  }
0x10: {  	[dreg:$0x6] =	wrdreg s0;
	s7 =	simm.s32 $0xC30;
	s1 =	sadd.s32 s23, s26;
	v9 =	vcombine.low v13, v11;
	v10 =	vlaneseq.u32;
	v13 =	vimm.s32 $0xC  }
0x11: {  	s23 =	simm.s32 $0x270;
	s26 =	simm.s32 $0x1;
	[dreg:$0x5] =	wrdreg s1;
	v7 =	vimm.s32 $0xF;
	v11 =	vand.u32 $0xF, v12;
	v12 =	vor.u32 $0x80000000, v10  }
.LBB2_46:
0x12: {  	s12 =	smov.u32 s1;
	s13 =	smov.u32 s11  }
.LBB2_50:
0x13: {  	s12 =	sadd.s32 @p0 $0x10, s12  }
0x14: {  	s1 =	smov.u32 @p0 s12;
	s12 =	sadd.s32 @p0 $0x10, s13  }
0x15: {  	v17 =	vsub.s32 v15, v1;
	v16 =	vadd.s32 s1, v10;
	s11 =	smov.u32 @p0 s12  }
0x16: {  	v15 =	vand.u32 $0x7F, v15;
	v63 =	vand.u32 $0xFFFFFF80, v17;
	vm1 =	vlt.s32 v16, v14;
	v14 =	vld [tilespmem:s11+$0x0]  }
0x17: {  	v15 =	vor.u32 v15, v63;
	_ =	sdelay $0x3  }
0x18: {  	v14 =	vnsel vm1, $0x0, v14  }
0x19: {  	s11 =	rddreg [dreg:$0x4];
	[tilespmem:v15+s31+$0x0] =	vst.idx.add.f32.msk vm1, v14  }
.LBB2_51:
0x1a: {  	s1 =	rddreg [dreg:$0x5];
	s0 =	simm.s32 $0x2000  }
0x1b: {  	[hbm4b:s1+s22] =	stream.strided.scatter [tilespmem:s31], [sflag:$0x2], $0x6400, s0, s22, $0x38;
	[tilespmem:$0x1C380] =	vst v63  }
0x1c: {  	s22 =	simm.s32 $0x2  }
0x1d: {  	_ =	swait.ge [sflag:s22], $0x6400  }
0x1e: {  	s11 =	sadd.s32 $0x1, s11;
	s24 =	rddreg [dreg:$0x6]  }
0x1f: {  	p0 =	sne.s32 s11, s24  }
.Ltmp1:
0x20: {  	_ = 	snop;
	(pc) =	sbr.rel @!p0 .LBB2_52-.Ltmp1, $3  }
0x21: {  	_ =	sdelay $0x1  }
0x22: {  	[sflag:s22] =	ssyncset.done $0x0  }
0x23: {  	[sflag:s22] =	ssyncadd.s32 $0xFFFF9C00  }
.LBB2_1:
0x24: {  	[tilespmem:$0xFA00] =	vst v2  }
0x25: {  	[tilespmem:$0xFA10] =	vst v2  }
0x26: {  	[tilespmem:$0xFA20] =	vst v2  }
0x27: {  	[tilespmem:$0xFA30] =	vst v2  }
0x28: {  	[tilespmem:$0xFA40] =	vst v2  }
0x29: {  	[tilespmem:$0xFA50] =	vst v2  }
0x2a: {  	[tilespmem:$0xFA60] =	vst v2  }
0x2b: {  	[dreg:$0x4] =	wrdreg s11;
	[tilespmem:$0xFA70] =	vst v2;
	s1 =	simm.s32 $0x40;
	s11 =	simm.s32 $0x0  }
.LBB2_2:
0x2c: {  	p0 =	sne.s32 s1, $0x33C0;
	[tilespmem:s11+$0x0] =	vst v2;
	s11 =	smov.u32 s1;
	s1 =	sadd.s32 $0x40, s1  }
.Ltmp2:
0x2d: {  	(pc) =	sbr.rel @p0 .LBB2_2-.Ltmp2, $2  }
0x2e: {  	_ =	sdelay $0x2  }
0x2f: {  	s11 =	sshra.s32 s11, $0x2  }
0x30: {  	[tilespmem:s11+$0x0] =	vst v2;
	s1 =	simm.s32 $0x0;
	s11 =	simm.s32 $0x0;
	s12 =	simm.s32 $0x200  }
.LBB2_4:
0x31: {  	p0 =	sne.s32 s12, $0x18E00;
	[tilespmem:s11+$0x15FF0] =	vst v3  }
0x32: {  	[tilespmem:s11+$0xFB80] =	vst v3  }
0x33: {  	[tilespmem:s11+$0x15F80] =	vst v3  }
0x34: {  	[tilespmem:s11+$0xFB90] =	vst v3  }
0x35: {  	[tilespmem:s11+$0x15F90] =	vst v3  }
0x36: {  	[tilespmem:s11+$0xFBA0] =	vst v3  }
0x37: {  	[tilespmem:s11+$0x15FA0] =	vst v3  }
0x38: {  	[tilespmem:s11+$0xFBB0] =	vst v3  }
0x39: {  	[tilespmem:s11+$0x15FB0] =	vst v3  }
0x3a: {  	[tilespmem:s11+$0xFBC0] =	vst v3  }
0x3b: {  	[tilespmem:s11+$0x15FC0] =	vst v3  }
.Ltmp3:
0x3c: {  	[tilespmem:s11+$0xFBD0] =	vst v3;
	(pc) =	sbr.rel @p0 .LBB2_4-.Ltmp3, $4  }
0x3d: {  	[tilespmem:s11+$0x15FD0] =	vst v3  }
0x3e: {  	[tilespmem:s11+$0xFBE0] =	vst v3  }
0x3f: {  	[tilespmem:s11+$0x15FE0] =	vst v3  }
0x40: {  	[tilespmem:s11+$0xFBF0] =	vst v3;
	s11 =	sshra.s32 s12, $0x2;
	s12 =	sadd.s32 $0x200, s12  }
0x41: {  	[tilespmem:s11+$0x15FF0] =	vst v3  }
0x42: {  	[tilespmem:s11+$0xFB80] =	vst v3  }
0x43: {  	[tilespmem:s11+$0x15F80] =	vst v3  }
0x44: {  	[tilespmem:s11+$0xFB90] =	vst v3  }
0x45: {  	[tilespmem:s11+$0x15F90] =	vst v3  }
0x46: {  	[tilespmem:s11+$0xFBA0] =	vst v3  }
0x47: {  	[tilespmem:s11+$0x15FA0] =	vst v3  }
0x48: {  	[tilespmem:s11+$0xFBB0] =	vst v3  }
0x49: {  	[tilespmem:s11+$0x15FB0] =	vst v3  }
0x4a: {  	[tilespmem:s11+$0xFBC0] =	vst v3  }
0x4b: {  	[tilespmem:s11+$0x15FC0] =	vst v3  }
0x4c: {  	[tilespmem:s11+$0xFBD0] =	vst v3  }
0x4d: {  	[tilespmem:s11+$0x15FD0] =	vst v3  }
0x4e: {  	[tilespmem:s11+$0xFBE0] =	vst v3  }
0x4f: {  	[tilespmem:s11+$0x15FE0] =	vst v3  }
0x50: {  	[tilespmem:s11+$0xFBF0] =	vst v3  }
.LBB2_6:
0x51: {  	s11 =	sshll.u32 s1, $0x4  }
0x52: {  	s12 =	sadd.s32 s8, s11  }
0x53: {  	s11 =	smul.u32 $0x19, s12  }
0x54: {  	s12 =	smul.u32 $0xC8, s12;
	_ =	sdelay $0x1  }
0x55: {  	s13 =	sadd.s32 s5, s11;
	s11 =	simm.s32 $0x0;
	s17 =	sadd.s32 $0xC8, s12  }
0x56: {  	[tilespmem:s11], [sflag:$0x1] =	stream.linear.gather [hbm4b:s13+s11], $0xC8, $0x38;
	[tilespmem:$0x1C380] =	vst v63  }
0x57: {  	s13 =	sshrl.u32 s17, $0x3  }
0x58: {  	s20 =	sshrl.u32 s12, $0x3;
	s13 =	sadd.s32 s5, s13  }
0x59: {  	[tilespmem:s18], [sflag:$0x1] =	stream.linear.gather [hbm4b:s13+s11], $0xC8, $0x38;
	[tilespmem:$0x1C380] =	vst v63  }
0x5a: {  	s13 =	sadd.s32 s5, s20  }
0x5b: {  	s22 =	sadd.s32 $0x258, s12;
	s14 =	sadd.s32 $0x32, s13  }
0x5c: {  	[tilespmem:s19], [sflag:$0x1] =	stream.linear.gather [hbm4b:s14+s11], $0xC8, $0x38;
	[tilespmem:$0x1C380] =	vst v63  }
0x5d: {  	s14 =	sshrl.u32 s22, $0x3  }
0x5e: {  	s0 =	sadd.s32 $0x3E8, s12;
	s14 =	sadd.s32 s5, s14  }
0x5f: {  	[tilespmem:s23], [sflag:$0x1] =	stream.linear.gather [hbm4b:s14+s11], $0xC8, $0x38;
	[tilespmem:$0x1C380] =	vst v63  }
0x60: {  	s24 =	sadd.s32 $0x64, s13;
	s14 =	sshrl.u32 s0, $0x3  }
0x61: {  	[tilespmem:s21], [sflag:$0x1] =	stream.linear.gather [hbm4b:s24+s11], $0xC8, $0x38;
	[tilespmem:$0x1C380] =	vst v63  }
0x62: {  	s6 =	simm.s32 $0x410;
	s15 =	sadd.s32 $0x578, s12;
	s14 =	sadd.s32 s5, s14  }
0x63: {  	[tilespmem:s6], [sflag:$0x1] =	stream.linear.gather [hbm4b:s14+s11], $0xC8, $0x38;
	[tilespmem:$0x1C380] =	vst v63  }
0x64: {  	s0 =	simm.s32 $0x4E0;
	s6 =	sadd.s32 $0x96, s13;
	s14 =	sshrl.u32 s15, $0x3  }
0x65: {  	[tilespmem:s0], [sflag:$0x1] =	stream.linear.gather [hbm4b:s6+s11], $0xC8, $0x38;
	[tilespmem:$0x1C380] =	vst v63  }
0x66: {  	s16 =	simm.s32 $0x5B0;
	s22 =	sadd.s32 $0x708, s12;
	s14 =	sadd.s32 s5, s14  }
0x67: {  	[tilespmem:s16], [sflag:$0x1] =	stream.linear.gather [hbm4b:s14+s11], $0xC8, $0x38;
	[tilespmem:$0x1C380] =	vst v63  }
0x68: {  	s20 =	simm.s32 $0x680;
	s17 =	sadd.s32 $0xC8, s13;
	s14 =	sshrl.u32 s22, $0x3  }
0x69: {  	[tilespmem:s20], [sflag:$0x1] =	stream.linear.gather [hbm4b:s17+s11], $0xC8, $0x38;
	[tilespmem:$0x1C380] =	vst v63  }
0x6a: {  	s24 =	simm.s32 $0x750;
	s16 =	sadd.s32 $0x898, s12;
	s14 =	sadd.s32 s5, s14  }
0x6b: {  	[tilespmem:s24], [sflag:$0x1] =	stream.linear.gather [hbm4b:s14+s11], $0xC8, $0x38;
	[tilespmem:$0x1C380] =	vst v63  }
0x6c: {  	s15 =	simm.s32 $0x820;
	s6 =	sadd.s32 $0xFA, s13;
	s14 =	sshrl.u32 s16, $0x3  }
0x6d: {  	[tilespmem:s15], [sflag:$0x1] =	stream.linear.gather [hbm4b:s6+s11], $0xC8, $0x38;
	[tilespmem:$0x1C380] =	vst v63  }
0x6e: {  	s17 =	simm.s32 $0x8F0;
	s24 =	sadd.s32 $0xA28, s12;
	s14 =	sadd.s32 s5, s14  }
0x6f: {  	[tilespmem:s17], [sflag:$0x1] =	stream.linear.gather [hbm4b:s14+s11], $0xC8, $0x38;
	[tilespmem:$0x1C380] =	vst v63  }
0x70: {  	s22 =	simm.s32 $0x9C0;
	s20 =	sadd.s32 $0x12C, s13;
	s14 =	sshrl.u32 s24, $0x3  }
0x71: {  	[tilespmem:s22], [sflag:$0x1] =	stream.linear.gather [hbm4b:s20+s11], $0xC8, $0x38;
	[tilespmem:$0x1C380] =	vst v63  }
0x72: {  	s12 =	sadd.s32 $0xBB8, s12;
	s14 =	sadd.s32 s5, s14  }
0x73: {  	[tilespmem:s25], [sflag:$0x1] =	stream.linear.gather [hbm4b:s14+s11], $0xC8, $0x38;
	[tilespmem:$0x1C380] =	vst v63  }
0x74: {  	s13 =	sadd.s32 $0x15E, s13;
	s12 =	sshrl.u32 s12, $0x3  }
0x75: {  	[tilespmem:s3], [sflag:$0x1] =	stream.linear.gather [hbm4b:s13+s11], $0xC8, $0x38;
	[tilespmem:$0x1C380] =	vst v63  }
0x76: {  	s12 =	sadd.s32 s5, s12  }
0x77: {  	[tilespmem:s7], [sflag:$0x1] =	stream.linear.gather [hbm4b:s12+s11], $0xC8, $0x38;
	[tilespmem:$0x1C380] =	vst v63  }
0x78: {  	_ =	swait.ge [sflag:s26], $0xC8  }
0x79: {  	[sflag:s26] =	ssyncset.done $0x0  }
0x7a: {  	[sflag:s26] =	ssyncadd.s32 $0xFFFFFF38  }
0x7b: {  	_ =	swait.ge [sflag:s26], $0xC8  }
0x7c: {  	[sflag:s26] =	ssyncset.done $0x0  }
0x7d: {  	[sflag:s26] =	ssyncadd.s32 $0xFFFFFF38  }
0x7e: {  	_ =	swait.ge [sflag:s26], $0xC8  }
0x7f: {  	[sflag:s26] =	ssyncset.done $0x0  }
0x80: {  	[sflag:s26] =	ssyncadd.s32 $0xFFFFFF38  }
0x81: {  	_ =	swait.ge [sflag:s26], $0xC8  }
0x82: {  	[sflag:s26] =	ssyncset.done $0x0  }
0x83: {  	[sflag:s26] =	ssyncadd.s32 $0xFFFFFF38  }
0x84: {  	_ =	swait.ge [sflag:s26], $0xC8  }
0x85: {  	[sflag:s26] =	ssyncset.done $0x0  }
0x86: {  	[sflag:s26] =	ssyncadd.s32 $0xFFFFFF38  }
0x87: {  	_ =	swait.ge [sflag:s26], $0xC8  }
0x88: {  	[sflag:s26] =	ssyncset.done $0x0  }
0x89: {  	[sflag:s26] =	ssyncadd.s32 $0xFFFFFF38  }
0x8a: {  	_ =	swait.ge [sflag:s26], $0xC8  }
0x8b: {  	[sflag:s26] =	ssyncset.done $0x0  }
0x8c: {  	[sflag:s26] =	ssyncadd.s32 $0xFFFFFF38  }
0x8d: {  	_ =	swait.ge [sflag:s26], $0xC8  }
0x8e: {  	[sflag:s26] =	ssyncset.done $0x0  }
0x8f: {  	[sflag:s26] =	ssyncadd.s32 $0xFFFFFF38  }
0x90: {  	_ =	swait.ge [sflag:s26], $0xC8  }
0x91: {  	[sflag:s26] =	ssyncset.done $0x0  }
0x92: {  	[sflag:s26] =	ssyncadd.s32 $0xFFFFFF38  }
0x93: {  	_ =	swait.ge [sflag:s26], $0xC8  }
0x94: {  	[sflag:s26] =	ssyncset.done $0x0  }
0x95: {  	[sflag:s26] =	ssyncadd.s32 $0xFFFFFF38  }
0x96: {  	_ =	swait.ge [sflag:s26], $0xC8  }
0x97: {  	[sflag:s26] =	ssyncset.done $0x0  }
0x98: {  	[sflag:s26] =	ssyncadd.s32 $0xFFFFFF38  }
0x99: {  	_ =	swait.ge [sflag:s26], $0xC8  }
0x9a: {  	[sflag:s26] =	ssyncset.done $0x0  }
0x9b: {  	[sflag:s26] =	ssyncadd.s32 $0xFFFFFF38  }
0x9c: {  	_ =	swait.ge [sflag:s26], $0xC8  }
0x9d: {  	[sflag:s26] =	ssyncset.done $0x0  }
0x9e: {  	[sflag:s26] =	ssyncadd.s32 $0xFFFFFF38  }
0x9f: {  	_ =	swait.ge [sflag:s26], $0xC8  }
0xa0: {  	[sflag:s26] =	ssyncset.done $0x0  }
0xa1: {  	[sflag:s26] =	ssyncadd.s32 $0xFFFFFF38  }
0xa2: {  	_ =	swait.ge [sflag:s26], $0xC8  }
0xa3: {  	[sflag:s26] =	ssyncset.done $0x0  }
0xa4: {  	[sflag:s26] =	ssyncadd.s32 $0xFFFFFF38  }
0xa5: {  	_ =	swait.ge [sflag:s26], $0xC8  }
0xa6: {  	[sflag:s26] =	ssyncset.done $0x0  }
0xa7: {  	s12 =	simm.s32 $0x60;
	[sflag:s26] =	ssyncadd.s32 $0xFFFFFF38  }
.LBB2_7:
0xa8: {  	v14 =	vld [tilespmem:s12+$0xFFFFFFA0];
	_ =	sdelay $0x4  }
0xa9: {  	v14 =	vshra.s32 v14, $0x3  }
0xaa: {  	v14 =	vsub.s32 v14, v0  }
0xab: {  	v15 =	vmul.u32 $0x147B, v14;
	_ =	sdelay $0x1  }
0xac: {  	vm1 =	vlt.u32 v14, $0xC35;
	v14 =	vshra.s32 v15, $0x11  }
0xad: {  	v14 =	vnsel vm1, $0x7D, v14;
	_ =	sdelay $0x4  }
0xae: {  	[tilespmem:v14+s28+$0x0] =	vst.idx.add.s32.msk $0xffff, v4  }
0xaf: {  	v14 =	vld [tilespmem:s12+$0xFFFFFFB0];
	_ =	sdelay $0x4  }
0xb0: {  	v14 =	vshra.s32 v14, $0x3  }
0xb1: {  	v14 =	vsub.s32 v14, v0  }
0xb2: {  	v15 =	vmul.u32 $0x147B, v14;
	_ =	sdelay $0x1  }
0xb3: {  	vm1 =	vlt.u32 v14, $0xC35;
	v14 =	vshra.s32 v15, $0x11  }
0xb4: {  	v14 =	vnsel vm1, $0x7D, v14;
	_ =	sdelay $0x4  }
0xb5: {  	[tilespmem:v14+s28+$0x0] =	vst.idx.add.s32.msk $0xffff, v4  }
0xb6: {  	v14 =	vld [tilespmem:s12+$0xFFFFFFC0];
	_ =	sdelay $0x4  }
0xb7: {  	v14 =	vshra.s32 v14, $0x3  }
0xb8: {  	v14 =	vsub.s32 v14, v0  }
0xb9: {  	v15 =	vmul.u32 $0x147B, v14;
	_ =	sdelay $0x1  }
0xba: {  	vm1 =	vlt.u32 v14, $0xC35;
	v14 =	vshra.s32 v15, $0x11  }
0xbb: {  	v14 =	vnsel vm1, $0x7D, v14;
	_ =	sdelay $0x4  }
0xbc: {  	[tilespmem:v14+s28+$0x0] =	vst.idx.add.s32.msk $0xffff, v4  }
0xbd: {  	v14 =	vld [tilespmem:s12+$0xFFFFFFD0];
	_ =	sdelay $0x4  }
0xbe: {  	v14 =	vshra.s32 v14, $0x3  }
0xbf: {  	v14 =	vsub.s32 v14, v0  }
0xc0: {  	v15 =	vmul.u32 $0x147B, v14;
	_ =	sdelay $0x1  }
0xc1: {  	vm1 =	vlt.u32 v14, $0xC35;
	v14 =	vshra.s32 v15, $0x11  }
0xc2: {  	v14 =	vnsel vm1, $0x7D, v14;
	_ =	sdelay $0x4  }
0xc3: {  	[tilespmem:v14+s28+$0x0] =	vst.idx.add.s32.msk $0xffff, v4  }
0xc4: {  	v14 =	vld [tilespmem:s12+$0xFFFFFFE0];
	_ =	sdelay $0x4  }
0xc5: {  	v14 =	vshra.s32 v14, $0x3  }
0xc6: {  	v14 =	vsub.s32 v14, v0  }
0xc7: {  	v15 =	vmul.u32 $0x147B, v14;
	_ =	sdelay $0x1  }
0xc8: {  	vm1 =	vlt.u32 v14, $0xC35;
	v14 =	vshra.s32 v15, $0x11  }
0xc9: {  	v14 =	vnsel vm1, $0x7D, v14;
	_ =	sdelay $0x4  }
0xca: {  	[tilespmem:v14+s28+$0x0] =	vst.idx.add.s32.msk $0xffff, v4  }
0xcb: {  	v14 =	vld [tilespmem:s12+$0xFFFFFFF0];
	_ =	sdelay $0x4  }
0xcc: {  	v14 =	vshra.s32 v14, $0x3  }
0xcd: {  	v14 =	vsub.s32 v14, v0  }
0xce: {  	v15 =	vmul.u32 $0x147B, v14;
	_ =	sdelay $0x1  }
0xcf: {  	vm1 =	vlt.u32 v14, $0xC35;
	v14 =	vshra.s32 v15, $0x11  }
0xd0: {  	v14 =	vnsel vm1, $0x7D, v14;
	_ =	sdelay $0x4  }
0xd1: {  	[tilespmem:v14+s28+$0x0] =	vst.idx.add.s32.msk $0xffff, v4  }
0xd2: {  	v14 =	vld [tilespmem:s12+$0x0];
	_ =	sdelay $0x4  }
0xd3: {  	v14 =	vshra.s32 v14, $0x3  }
0xd4: {  	v14 =	vsub.s32 v14, v0  }
0xd5: {  	v15 =	vmul.u32 $0x147B, v14;
	_ =	sdelay $0x1  }
0xd6: {  	vm1 =	vlt.u32 v14, $0xC35;
	v14 =	vshra.s32 v15, $0x11  }
0xd7: {  	v14 =	vnsel vm1, $0x7D, v14;
	_ =	sdelay $0x4  }
0xd8: {  	[tilespmem:v14+s28+$0x0] =	vst.idx.add.s32.msk $0xffff, v4  }
0xd9: {  	v14 =	vld [tilespmem:s12+$0x10];
	_ =	sdelay $0x4  }
0xda: {  	v14 =	vshra.s32 v14, $0x3  }
0xdb: {  	v14 =	vsub.s32 v14, v0  }
0xdc: {  	v15 =	vmul.u32 $0x147B, v14;
	_ =	sdelay $0x1  }
0xdd: {  	vm1 =	vlt.u32 v14, $0xC35;
	v14 =	vshra.s32 v15, $0x11  }
0xde: {  	v14 =	vnsel vm1, $0x7D, v14;
	_ =	sdelay $0x4  }
0xdf: {  	s13 =	sand.u32 $0xFF0, s11;
	[tilespmem:v14+s28+$0x0] =	vst.idx.add.s32.msk $0xffff, v4  }
0xe0: {  	v14 =	vld [tilespmem:s13+$0x80];
	_ =	sdelay $0x4  }
0xe1: {  	v14 =	vshra.s32 v14, $0x3  }
0xe2: {  	v14 =	vsub.s32 v14, v0  }
0xe3: {  	v15 =	vmul.u32 $0x147B, v14;
	_ =	sdelay $0x1  }
0xe4: {  	vm1 =	vlt.u32 v14, $0xC35;
	v14 =	vshra.s32 v15, $0x11  }
0xe5: {  	v14 =	vnsel vm1, $0x7D, v14;
	_ =	sdelay $0x4  }
0xe6: {  	[tilespmem:v14+s28+$0x0] =	vst.idx.add.s32.msk $0xffff, v4  }
0xe7: {  	v14 =	vld [tilespmem:s12+$0x30];
	_ =	sdelay $0x4  }
0xe8: {  	v14 =	vshra.s32 v14, $0x3  }
0xe9: {  	v14 =	vsub.s32 v14, v0  }
0xea: {  	v15 =	vmul.u32 $0x147B, v14;
	_ =	sdelay $0x1  }
0xeb: {  	vm1 =	vlt.u32 v14, $0xC35;
	v14 =	vshra.s32 v15, $0x11  }
0xec: {  	v14 =	vnsel vm1, $0x7D, v14;
	_ =	sdelay $0x4  }
0xed: {  	[tilespmem:v14+s28+$0x0] =	vst.idx.add.s32.msk $0xffff, v4  }
0xee: {  	v14 =	vld [tilespmem:s12+$0x40];
	_ =	sdelay $0x4  }
0xef: {  	v14 =	vshra.s32 v14, $0x3  }
0xf0: {  	v14 =	vsub.s32 v14, v0  }
0xf1: {  	v15 =	vmul.u32 $0x147B, v14;
	_ =	sdelay $0x1  }
0xf2: {  	vm1 =	vlt.u32 v14, $0xC35;
	v14 =	vshra.s32 v15, $0x11  }
0xf3: {  	v14 =	vnsel vm1, $0x7D, v14;
	_ =	sdelay $0x4  }
0xf4: {  	[tilespmem:v14+s28+$0x0] =	vst.idx.add.s32.msk $0xffff, v4  }
0xf5: {  	v14 =	vld [tilespmem:s12+$0x50];
	_ =	sdelay $0x4  }
0xf6: {  	v14 =	vshra.s32 v14, $0x3  }
0xf7: {  	v14 =	vsub.s32 v14, v0  }
0xf8: {  	v15 =	vmul.u32 $0x147B, v14;
	_ =	sdelay $0x1  }
0xf9: {  	vm1 =	vlt.u32 v14, $0xC35;
	v14 =	vshra.s32 v15, $0x11  }
0xfa: {  	v14 =	vnsel vm1, $0x7D, v14;
	_ =	sdelay $0x4  }
0xfb: {  	[tilespmem:v14+s28+$0x0] =	vst.idx.add.s32.msk $0xffff, v4  }
0xfc: {  	v14 =	vld [tilespmem:s12+$0x60];
	_ =	sdelay $0x4  }
0xfd: {  	v14 =	vshra.s32 v14, $0x3  }
0xfe: {  	v14 =	vsub.s32 v14, v0  }
0xff: {  	v15 =	vmul.u32 $0x147B, v14  }
0x100: {  	vm1 =	vlt.u32 v14, $0xC35  }
0x101: {  	vm1 =	vmand vm1, vm0;
	v14 =	vshra.s32 v15, $0x11  }
0x102: {  	p0 =	sne.s32 s11, $0xC30;
	v14 =	vnsel vm1, $0x7D, v14  }
.Ltmp4:
0x103: {  	_ = 	snop;
	(pc) =	sbr.rel @p0 .LBB2_7-.Ltmp4, $2  }
0x104: {  	_ =	sdelay $0x2  }
0x105: {  	s11 =	sadd.s32 $0xD0, s11;
	s12 =	sadd.s32 $0xD0, s12;
	[tilespmem:v14+s28+$0x0] =	vst.idx.add.s32.msk $0xffff, v4  }
0x106: {  	s1 =	sadd.s32 $0x1, s1  }
0x107: {  	p0 =	sne.s32 s1, $0x8  }
.Ltmp5:
0x108: {  	_ = 	snop;
	(pc) =	sbr.rel @p0 .LBB2_6-.Ltmp5, $1  }
0x109: {  	_ =	sdelay $0x3  }
0x10a: {  	v14 =	vld [tilespmem:$0xFA00]  }
0x10b: {  	v15 =	vld [tilespmem:$0xFA10];
	_ =	sdelay $0x2  }
0x10c: {  	v16 =	vld [tilespmem:$0xFA20]  }
0x10d: {  	v14 =	vadd.s32 $0xF, v14  }
0x10e: {  	v17 =	vld [tilespmem:$0xFA30];
	v15 =	vadd.s32 $0xF, v15;
	v14 =	vand.u32 $0xFFFFFFF0, v14  }
0x10f: {  	v18 =	vld [tilespmem:$0xFA40];
	v15 =	vand.u32 $0xFFFFFFF0, v15;
	(xrf0) =	vadd.scan.msk.s32 $0xffff, v14  }
0x110: {  	v19 =	vld [tilespmem:$0xFA50];
	(xrf0) =	vadd.scan.msk.s32 $0xffff, v15  }
0x111: {  	v16 =	vadd.s32 $0xF, v16  }
0x112: {  	v20 =	vld [tilespmem:$0xFA60];
	v16 =	vand.u32 $0xFFFFFFF0, v16  }
0x113: {  	v17 =	vadd.s32 $0xF, v17;
	(xrf0) =	vadd.scan.msk.s32 $0xffff, v16  }
0x114: {  	v23 =	vld [tilespmem:$0xFA70];
	v17 =	vand.u32 $0xFFFFFFF0, v17  }
0x115: {  	v18 =	vadd.s32 $0xF, v18;
	v19 =	vadd.s32 $0xF, v19;
	v21, _, _ =	vpop (xrf0);
	(xrf0) =	vadd.scan.msk.s32 $0xffff, v17  }
0x116: {  	v18 =	vand.u32 $0xFFFFFFF0, v18;
	v14 =	vsub.s32 v21, v14;
	v21 =	vperm.xlane v21, v7;
	v22, _, _ =	vpop (xrf0)  }
0x117: {  	v20 =	vadd.s32 $0xF, v20;
	(xrf0) =	vadd.scan.msk.s32 $0xffff, v18;
	[tilespmem:$0xFA80] =	vst v14;
	v15 =	vsub.s32 v22, v15  }
0x118: {  	v19 =	vand.u32 $0xFFFFFFF0, v19;
	[tilespmem:$0xFB00] =	vst v14;
	v14 =	vadd.s32 v21, v15;
	v15 =	vperm.xlane v22, v7  }
0x119: {  	v56 =	vadd.s32 $0xF, v23;
	v54 =	vand.u32 $0xFFFFFFF0, v20;
	v53, _, _ =	vpop (xrf0);
	(xrf0) =	vadd.scan.msk.s32 $0xffff, v19;
	[tilespmem:$0xFA90] =	vst v14  }
0x11a: {  	v24 =	vperm.xlane v53, v7;
	[tilespmem:$0xFB10] =	vst v14;
	v14 =	vadd.s32 v21, v15;
	v15 =	vsub.s32 v53, v16  }
0x11b: {  	v21 =	vand.u32 $0xFFFFFFF0, v56;
	v15 =	vadd.s32 v14, v15;
	v55, _, _ =	vpop (xrf0);
	(xrf0) =	vadd.scan.msk.s32 $0xffff, v54  }
0x11c: {  	v14 =	vadd.s32 v14, v24;
	[tilespmem:$0xFAA0] =	vst v15;
	v17 =	vsub.s32 v55, v17;
	v20 =	vperm.xlane v55, v7  }
0x11d: {  	[tilespmem:$0xFB20] =	vst v15;
	v57, _, _ =	vpop (xrf0);
	(xrf0) =	vadd.scan.msk.s32 $0xffff, v21;
	v15 =	vadd.s32 v14, v17  }
0x11e: {  	v18 =	vsub.s32 v57, v18;
	v17 =	vperm.xlane v57, v7;
	[tilespmem:$0xFAB0] =	vst v15;
	v14 =	vadd.s32 v14, v20  }
0x11f: {  	v58, _, _ =	vpop (xrf0);
	[tilespmem:$0xFB30] =	vst v15;
	v15 =	vadd.s32 v14, v18  }
0x120: {  	v59 =	vsub.s32 v58, v19;
	v60 =	vperm.xlane v58, v7;
	v14 =	vadd.s32 v14, v17;
	[tilespmem:$0xFAC0] =	vst v15  }
0x121: {  	[tilespmem:$0xFB40] =	vst v15;
	v15 =	vadd.s32 v14, v59;
	v61, _, _ =	vpop (xrf0)  }
0x122: {  	v14 =	vadd.s32 v14, v60;
	[tilespmem:$0xFAD0] =	vst v15;
	v16 =	vsub.s32 v61, v54;
	v62 =	vperm.xlane v61, v7  }
0x123: {  	[tilespmem:$0xFB50] =	vst v15;
	v63, _, _ =	vpop (xrf0);
	v15 =	vadd.s32 v14, v16  }
0x124: {  	v16 =	vsub.s32 v63, v21;
	v14 =	vadd.s32 v14, v62;
	[tilespmem:$0xFAE0] =	vst v15  }
0x125: {  	[tilespmem:$0xFB60] =	vst v15;
	v14 =	vadd.s32 v16, v14  }
0x126: {  	[tilespmem:$0xFAF0] =	vst v14  }
0x127: {  	s1 =	simm.s32 $0x0;
	s15 =	simm.s32 $0x0;
	s12 =	simm.s32 $0x0;
	[tilespmem:$0xFB70] =	vst v14  }
.LBB2_10:
0x128: {  	s11 =	sshll.u32 s12, $0x4  }
0x129: {  	s11 =	sadd.s32 s8, s11  }
0x12a: {  	s13 =	smul.u32 $0x19, s11  }
0x12b: {  	s11 =	smul.u32 $0xC8, s11;
	_ =	sdelay $0x1  }
0x12c: {  	s13 =	sadd.s32 s5, s13;
	s6 =	sadd.s32 $0xC8, s11  }
0x12d: {  	[tilespmem:s1], [sflag:$0x1] =	stream.linear.gather [hbm4b:s13+s1], $0xC8, $0x38;
	[tilespmem:$0x1C380] =	vst v63  }
0x12e: {  	s13 =	sshrl.u32 s6, $0x3  }
0x12f: {  	s7 =	sshrl.u32 s11, $0x3;
	s13 =	sadd.s32 s5, s13  }
0x130: {  	[tilespmem:s18], [sflag:$0x1] =	stream.linear.gather [hbm4b:s13+s1], $0xC8, $0x38;
	[tilespmem:$0x1C380] =	vst v63  }
0x131: {  	s13 =	sadd.s32 s5, s7  }
0x132: {  	s24 =	smov.u32 s8;
	s8 =	sadd.s32 $0x258, s11;
	s14 =	sadd.s32 $0x32, s13  }
0x133: {  	[tilespmem:s19], [sflag:$0x1] =	stream.linear.gather [hbm4b:s14+s1], $0xC8, $0x38;
	[tilespmem:$0x1C380] =	vst v63  }
0x134: {  	s14 =	sshrl.u32 s8, $0x3  }
0x135: {  	s17 =	sadd.s32 $0x3E8, s11;
	s14 =	sadd.s32 s5, s14  }
0x136: {  	[tilespmem:s23], [sflag:$0x1] =	stream.linear.gather [hbm4b:s14+s1], $0xC8, $0x38;
	[tilespmem:$0x1C380] =	vst v63  }
0x137: {  	s16 =	sadd.s32 $0x64, s13;
	s14 =	sshrl.u32 s17, $0x3  }
0x138: {  	[tilespmem:s21], [sflag:$0x1] =	stream.linear.gather [hbm4b:s16+s1], $0xC8, $0x38;
	[tilespmem:$0x1C380] =	vst v63  }
0x139: {  	s22 =	sadd.s32 $0x578, s11;
	s14 =	sadd.s32 s5, s14;
	s16 =	simm.s32 $0x410  }
0x13a: {  	[tilespmem:s16], [sflag:$0x1] =	stream.linear.gather [hbm4b:s14+s1], $0xC8, $0x38;
	[tilespmem:$0x1C380] =	vst v63  }
0x13b: {  	s20 =	sadd.s32 $0x96, s13;
	s17 =	simm.s32 $0x4E0;
	s14 =	sshrl.u32 s22, $0x3  }
0x13c: {  	[tilespmem:s17], [sflag:$0x1] =	stream.linear.gather [hbm4b:s20+s1], $0xC8, $0x38;
	[tilespmem:$0x1C380] =	vst v63  }
0x13d: {  	s0 =	sadd.s32 $0x708, s11;
	s14 =	sadd.s32 s5, s14;
	s20 =	simm.s32 $0x5B0  }
0x13e: {  	[tilespmem:s20], [sflag:$0x1] =	stream.linear.gather [hbm4b:s14+s1], $0xC8, $0x38;
	[tilespmem:$0x1C380] =	vst v63  }
0x13f: {  	s6 =	simm.s32 $0x680;
	s25 =	sadd.s32 $0xC8, s13;
	s14 =	sshrl.u32 s0, $0x3  }
0x140: {  	[tilespmem:s6], [sflag:$0x1] =	stream.linear.gather [hbm4b:s25+s1], $0xC8, $0x38;
	[tilespmem:$0x1C380] =	vst v63  }
0x141: {  	s7 =	sadd.s32 $0x898, s11;
	s8 =	simm.s32 $0x750;
	s14 =	sadd.s32 s5, s14  }
0x142: {  	[tilespmem:s8], [sflag:$0x1] =	stream.linear.gather [hbm4b:s14+s1], $0xC8, $0x38;
	[tilespmem:$0x1C380] =	vst v63  }
0x143: {  	s3 =	sadd.s32 $0xFA, s13;
	s0 =	simm.s32 $0x820;
	s14 =	sshrl.u32 s7, $0x3  }
0x144: {  	[tilespmem:s0], [sflag:$0x1] =	stream.linear.gather [hbm4b:s3+s1], $0xC8, $0x38;
	[tilespmem:$0x1C380] =	vst v63  }
0x145: {  	s7 =	simm.s32 $0x8F0;
	s14 =	sadd.s32 s5, s14;
	s3 =	sadd.s32 $0xA28, s11  }
0x146: {  	[tilespmem:s7], [sflag:$0x1] =	stream.linear.gather [hbm4b:s14+s1], $0xC8, $0x38;
	[tilespmem:$0x1C380] =	vst v63  }
0x147: {  	s22 =	sadd.s32 $0x12C, s13;
	s25 =	simm.s32 $0x9C0;
	s14 =	sshrl.u32 s3, $0x3  }
0x148: {  	[tilespmem:s25], [sflag:$0x1] =	stream.linear.gather [hbm4b:s22+s1], $0xC8, $0x38;
	[tilespmem:$0x1C380] =	vst v63  }
0x149: {  	s11 =	sadd.s32 $0xBB8, s11;
	s3 =	simm.s32 $0xA90;
	s14 =	sadd.s32 s5, s14  }
0x14a: {  	[tilespmem:s3], [sflag:$0x1] =	stream.linear.gather [hbm4b:s14+s1], $0xC8, $0x38;
	[tilespmem:$0x1C380] =	vst v63  }
0x14b: {  	s13 =	sadd.s32 $0x15E, s13;
	s11 =	sshrl.u32 s11, $0x3;
	s14 =	simm.s32 $0xB60  }
0x14c: {  	[tilespmem:s14], [sflag:$0x1] =	stream.linear.gather [hbm4b:s13+s1], $0xC8, $0x38;
	[tilespmem:$0x1C380] =	vst v63  }
0x14d: {  	s11 =	sadd.s32 s5, s11;
	s13 =	simm.s32 $0xC30  }
0x14e: {  	[tilespmem:s13], [sflag:$0x1] =	stream.linear.gather [hbm4b:s11+s1], $0xC8, $0x38;
	[tilespmem:$0x1C380] =	vst v63  }
0x14f: {  	_ =	swait.ge [sflag:s26], $0xC8  }
0x150: {  	[sflag:s26] =	ssyncset.done $0x0  }
0x151: {  	[sflag:s26] =	ssyncadd.s32 $0xFFFFFF38  }
0x152: {  	_ =	swait.ge [sflag:s26], $0xC8  }
0x153: {  	[sflag:s26] =	ssyncset.done $0x0  }
0x154: {  	[sflag:s26] =	ssyncadd.s32 $0xFFFFFF38  }
0x155: {  	_ =	swait.ge [sflag:s26], $0xC8  }
0x156: {  	[sflag:s26] =	ssyncset.done $0x0  }
0x157: {  	[sflag:s26] =	ssyncadd.s32 $0xFFFFFF38  }
0x158: {  	_ =	swait.ge [sflag:s26], $0xC8  }
0x159: {  	[sflag:s26] =	ssyncset.done $0x0  }
0x15a: {  	[sflag:s26] =	ssyncadd.s32 $0xFFFFFF38  }
0x15b: {  	_ =	swait.ge [sflag:s26], $0xC8  }
0x15c: {  	[sflag:s26] =	ssyncset.done $0x0  }
0x15d: {  	[sflag:s26] =	ssyncadd.s32 $0xFFFFFF38  }
0x15e: {  	_ =	swait.ge [sflag:s26], $0xC8  }
0x15f: {  	[sflag:s26] =	ssyncset.done $0x0  }
0x160: {  	[sflag:s26] =	ssyncadd.s32 $0xFFFFFF38  }
0x161: {  	_ =	swait.ge [sflag:s26], $0xC8  }
0x162: {  	[sflag:s26] =	ssyncset.done $0x0  }
0x163: {  	[sflag:s26] =	ssyncadd.s32 $0xFFFFFF38  }
0x164: {  	_ =	swait.ge [sflag:s26], $0xC8  }
0x165: {  	[sflag:s26] =	ssyncset.done $0x0  }
0x166: {  	[sflag:s26] =	ssyncadd.s32 $0xFFFFFF38  }
0x167: {  	_ =	swait.ge [sflag:s26], $0xC8  }
0x168: {  	[sflag:s26] =	ssyncset.done $0x0  }
0x169: {  	[sflag:s26] =	ssyncadd.s32 $0xFFFFFF38  }
0x16a: {  	_ =	swait.ge [sflag:s26], $0xC8  }
0x16b: {  	[sflag:s26] =	ssyncset.done $0x0  }
0x16c: {  	[sflag:s26] =	ssyncadd.s32 $0xFFFFFF38  }
0x16d: {  	_ =	swait.ge [sflag:s26], $0xC8  }
0x16e: {  	[sflag:s26] =	ssyncset.done $0x0  }
0x16f: {  	[sflag:s26] =	ssyncadd.s32 $0xFFFFFF38  }
0x170: {  	_ =	swait.ge [sflag:s26], $0xC8  }
0x171: {  	[sflag:s26] =	ssyncset.done $0x0  }
0x172: {  	[sflag:s26] =	ssyncadd.s32 $0xFFFFFF38  }
0x173: {  	_ =	swait.ge [sflag:s26], $0xC8  }
0x174: {  	[sflag:s26] =	ssyncset.done $0x0  }
0x175: {  	[sflag:s26] =	ssyncadd.s32 $0xFFFFFF38  }
0x176: {  	_ =	swait.ge [sflag:s26], $0xC8  }
0x177: {  	[sflag:s26] =	ssyncset.done $0x0  }
0x178: {  	[sflag:s26] =	ssyncadd.s32 $0xFFFFFF38  }
0x179: {  	_ =	swait.ge [sflag:s26], $0xC8  }
0x17a: {  	[sflag:s26] =	ssyncset.done $0x0  }
0x17b: {  	[sflag:s26] =	ssyncadd.s32 $0xFFFFFF38  }
0x17c: {  	_ =	swait.ge [sflag:s26], $0xC8  }
0x17d: {  	[sflag:s26] =	ssyncset.done $0x0  }
0x17e: {  	s22 =	simm.s32 $0xD00;
	[sflag:s26] =	ssyncadd.s32 $0xFFFFFF38  }
0x17f: {  	[tilespmem:s22], [sflag:$0x1] =	stream.indirect.gather [hbm4b:s2+s29], $0x1, s1, s29, $0xb8;
	[tilespmem:$0x1C380] =	vst v63  }
0x180: {  	s22 =	simm.s32 $0xD68  }
0x181: {  	[tilespmem:s22], [sflag:$0x1] =	stream.indirect.gather [hbm4b:s2+s29], $0x1, s29, s29, $0xb8;
	[tilespmem:$0x1C380] =	vst v63  }
0x182: {  	s22 =	simm.s32 $0xDD0  }
0x183: {  	[tilespmem:s22], [sflag:$0x1] =	stream.indirect.gather [hbm4b:s2+s29], $0x1, s18, s29, $0xb8;
	[tilespmem:$0x1C380] =	vst v63  }
0x184: {  	s11 =	simm.s32 $0x138;
	s22 =	simm.s32 $0xE38  }
0x185: {  	[tilespmem:s22], [sflag:$0x1] =	stream.indirect.gather [hbm4b:s2+s29], $0x1, s11, s29, $0xb8;
	[tilespmem:$0x1C380] =	vst v63  }
0x186: {  	s22 =	simm.s32 $0xEA0  }
0x187: {  	[tilespmem:s22], [sflag:$0x1] =	stream.indirect.gather [hbm4b:s2+s29], $0x1, s19, s29, $0xb8;
	[tilespmem:$0x1C380] =	vst v63  }
0x188: {  	s11 =	simm.s32 $0x208;
	s22 =	simm.s32 $0xF08  }
0x189: {  	[tilespmem:s22], [sflag:$0x1] =	stream.indirect.gather [hbm4b:s2+s29], $0x1, s11, s29, $0xb8;
	[tilespmem:$0x1C380] =	vst v63  }
0x18a: {  	s22 =	simm.s32 $0xF70  }
0x18b: {  	[tilespmem:s22], [sflag:$0x1] =	stream.indirect.gather [hbm4b:s2+s29], $0x1, s23, s29, $0xb8;
	[tilespmem:$0x1C380] =	vst v63  }
0x18c: {  	s11 =	simm.s32 $0x2D8;
	s22 =	simm.s32 $0xFD8  }
0x18d: {  	[tilespmem:s22], [sflag:$0x1] =	stream.indirect.gather [hbm4b:s2+s29], $0x1, s11, s29, $0xb8;
	[tilespmem:$0x1C380] =	vst v63  }
0x18e: {  	s22 =	simm.s32 $0x1040  }
0x18f: {  	[tilespmem:s22], [sflag:$0x1] =	stream.indirect.gather [hbm4b:s2+s29], $0x1, s21, s29, $0xb8;
	[tilespmem:$0x1C380] =	vst v63  }
0x190: {  	s11 =	simm.s32 $0x3A8;
	s22 =	simm.s32 $0x10A8  }
0x191: {  	[tilespmem:s22], [sflag:$0x1] =	stream.indirect.gather [hbm4b:s2+s29], $0x1, s11, s29, $0xb8;
	[tilespmem:$0x1C380] =	vst v63  }
0x192: {  	s22 =	simm.s32 $0x1110  }
0x193: {  	[tilespmem:s22], [sflag:$0x1] =	stream.indirect.gather [hbm4b:s2+s29], $0x1, s16, s29, $0xb8;
	[tilespmem:$0x1C380] =	vst v63  }
0x194: {  	s16 =	simm.s32 $0x478;
	s22 =	simm.s32 $0x1178  }
0x195: {  	[tilespmem:s22], [sflag:$0x1] =	stream.indirect.gather [hbm4b:s2+s29], $0x1, s16, s29, $0xb8;
	[tilespmem:$0x1C380] =	vst v63  }
0x196: {  	s16 =	simm.s32 $0x11E0  }
0x197: {  	[tilespmem:s16], [sflag:$0x1] =	stream.indirect.gather [hbm4b:s2+s29], $0x1, s17, s29, $0xb8;
	[tilespmem:$0x1C380] =	vst v63  }
0x198: {  	s22 =	simm.s32 $0x1248;
	s17 =	simm.s32 $0x548  }
0x199: {  	[tilespmem:s22], [sflag:$0x1] =	stream.indirect.gather [hbm4b:s2+s29], $0x1, s17, s29, $0xb8;
	[tilespmem:$0x1C380] =	vst v63  }
0x19a: {  	s17 =	simm.s32 $0x12B0  }
0x19b: {  	[tilespmem:s17], [sflag:$0x1] =	stream.indirect.gather [hbm4b:s2+s29], $0x1, s20, s29, $0xb8;
	[tilespmem:$0x1C380] =	vst v63  }
0x19c: {  	s22 =	simm.s32 $0x1318;
	s20 =	simm.s32 $0x618  }
0x19d: {  	[tilespmem:s22], [sflag:$0x1] =	stream.indirect.gather [hbm4b:s2+s29], $0x1, s20, s29, $0xb8;
	[tilespmem:$0x1C380] =	vst v63  }
0x19e: {  	_ =	swait.ge [sflag:s26], $0x68  }
0x19f: {  	[sflag:s26] =	ssyncset.done $0x0  }
0x1a0: {  	[sflag:s26] =	ssyncadd.s32 $0xFFFFFF98  }
0x1a1: {  	_ =	swait.ge [sflag:s26], $0x68  }
0x1a2: {  	[sflag:s26] =	ssyncset.done $0x0  }
0x1a3: {  	[sflag:s26] =	ssyncadd.s32 $0xFFFFFF98  }
0x1a4: {  	_ =	swait.ge [sflag:s26], $0x68  }
0x1a5: {  	[sflag:s26] =	ssyncset.done $0x0  }
0x1a6: {  	[sflag:s26] =	ssyncadd.s32 $0xFFFFFF98  }
0x1a7: {  	_ =	swait.ge [sflag:s26], $0x68  }
0x1a8: {  	[sflag:s26] =	ssyncset.done $0x0  }
0x1a9: {  	[sflag:s26] =	ssyncadd.s32 $0xFFFFFF98  }
0x1aa: {  	_ =	swait.ge [sflag:s26], $0x68  }
0x1ab: {  	[sflag:s26] =	ssyncset.done $0x0  }
0x1ac: {  	[sflag:s26] =	ssyncadd.s32 $0xFFFFFF98  }
0x1ad: {  	_ =	swait.ge [sflag:s26], $0x68  }
0x1ae: {  	[sflag:s26] =	ssyncset.done $0x0  }
0x1af: {  	[sflag:s26] =	ssyncadd.s32 $0xFFFFFF98  }
0x1b0: {  	_ =	swait.ge [sflag:s26], $0x68  }
0x1b1: {  	[sflag:s26] =	ssyncset.done $0x0  }
0x1b2: {  	[sflag:s26] =	ssyncadd.s32 $0xFFFFFF98  }
0x1b3: {  	_ =	swait.ge [sflag:s26], $0x68  }
0x1b4: {  	[sflag:s26] =	ssyncset.done $0x0  }
0x1b5: {  	[sflag:s26] =	ssyncadd.s32 $0xFFFFFF98  }
0x1b6: {  	_ =	swait.ge [sflag:s26], $0x68  }
0x1b7: {  	[sflag:s26] =	ssyncset.done $0x0  }
0x1b8: {  	[sflag:s26] =	ssyncadd.s32 $0xFFFFFF98  }
0x1b9: {  	_ =	swait.ge [sflag:s26], $0x68  }
0x1ba: {  	[sflag:s26] =	ssyncset.done $0x0  }
0x1bb: {  	[sflag:s26] =	ssyncadd.s32 $0xFFFFFF98  }
0x1bc: {  	_ =	swait.ge [sflag:s26], $0x68  }
0x1bd: {  	[sflag:s26] =	ssyncset.done $0x0  }
0x1be: {  	[sflag:s26] =	ssyncadd.s32 $0xFFFFFF98  }
0x1bf: {  	_ =	swait.ge [sflag:s26], $0x68  }
0x1c0: {  	[sflag:s26] =	ssyncset.done $0x0  }
0x1c1: {  	[sflag:s26] =	ssyncadd.s32 $0xFFFFFF98  }
0x1c2: {  	_ =	swait.ge [sflag:s26], $0x68  }
0x1c3: {  	[sflag:s26] =	ssyncset.done $0x0  }
0x1c4: {  	[sflag:s26] =	ssyncadd.s32 $0xFFFFFF98  }
0x1c5: {  	_ =	swait.ge [sflag:s26], $0x68  }
0x1c6: {  	[sflag:s26] =	ssyncset.done $0x0  }
0x1c7: {  	[sflag:s26] =	ssyncadd.s32 $0xFFFFFF98  }
0x1c8: {  	_ =	swait.ge [sflag:s26], $0x68  }
0x1c9: {  	[sflag:s26] =	ssyncset.done $0x0  }
0x1ca: {  	[sflag:s26] =	ssyncadd.s32 $0xFFFFFF98  }
0x1cb: {  	_ =	swait.ge [sflag:s26], $0x68  }
0x1cc: {  	[sflag:s26] =	ssyncset.done $0x0  }
0x1cd: {  	s17 =	simm.s32 $0x1380;
	[sflag:s26] =	ssyncadd.s32 $0xFFFFFF98  }
0x1ce: {  	[tilespmem:s17], [sflag:$0x1] =	stream.indirect.gather [hbm4b:s2+s29], $0x1, s6, s29, $0xb8;
	[tilespmem:$0x1C380] =	vst v63  }
0x1cf: {  	s20 =	simm.s32 $0x6E8;
	s22 =	simm.s32 $0x13E8  }
0x1d0: {  	[tilespmem:s22], [sflag:$0x1] =	stream.indirect.gather [hbm4b:s2+s29], $0x1, s20, s29, $0xb8;
	[tilespmem:$0x1C380] =	vst v63  }
0x1d1: {  	s16 =	simm.s32 $0x1450  }
0x1d2: {  	[tilespmem:s16], [sflag:$0x1] =	stream.indirect.gather [hbm4b:s2+s29], $0x1, s8, s29, $0xb8;
	[tilespmem:$0x1C380] =	vst v63  }
0x1d3: {  	s17 =	simm.s32 $0x7B8;
	s20 =	simm.s32 $0x14B8  }
0x1d4: {  	[tilespmem:s20], [sflag:$0x1] =	stream.indirect.gather [hbm4b:s2+s29], $0x1, s17, s29, $0xb8;
	[tilespmem:$0x1C380] =	vst v63  }
0x1d5: {  	s22 =	simm.s32 $0x1520  }
0x1d6: {  	[tilespmem:s22], [sflag:$0x1] =	stream.indirect.gather [hbm4b:s2+s29], $0x1, s0, s29, $0xb8;
	[tilespmem:$0x1C380] =	vst v63  }
0x1d7: {  	s6 =	simm.s32 $0x888;
	s8 =	simm.s32 $0x1588  }
0x1d8: {  	[tilespmem:s8], [sflag:$0x1] =	stream.indirect.gather [hbm4b:s2+s29], $0x1, s6, s29, $0xb8;
	[tilespmem:$0x1C380] =	vst v63  }
0x1d9: {  	s11 =	simm.s32 $0x15F0  }
0x1da: {  	[tilespmem:s11], [sflag:$0x1] =	stream.indirect.gather [hbm4b:s2+s29], $0x1, s7, s29, $0xb8;
	[tilespmem:$0x1C380] =	vst v63  }
0x1db: {  	s16 =	simm.s32 $0x958;
	s17 =	simm.s32 $0x1658  }
0x1dc: {  	[tilespmem:s17], [sflag:$0x1] =	stream.indirect.gather [hbm4b:s2+s29], $0x1, s16, s29, $0xb8;
	[tilespmem:$0x1C380] =	vst v63  }
0x1dd: {  	s20 =	simm.s32 $0x16C0  }
0x1de: {  	[tilespmem:s20], [sflag:$0x1] =	stream.indirect.gather [hbm4b:s2+s29], $0x1, s25, s29, $0xb8;
	[tilespmem:$0x1C380] =	vst v63  }
0x1df: {  	s22 =	simm.s32 $0xA28;
	s25 =	simm.s32 $0x1728  }
0x1e0: {  	[tilespmem:s25], [sflag:$0x1] =	stream.indirect.gather [hbm4b:s2+s29], $0x1, s22, s29, $0xb8;
	[tilespmem:$0x1C380] =	vst v63  }
0x1e1: {  	s6 =	simm.s32 $0x1790  }
0x1e2: {  	[tilespmem:s6], [sflag:$0x1] =	stream.indirect.gather [hbm4b:s2+s29], $0x1, s3, s29, $0xb8;
	[tilespmem:$0x1C380] =	vst v63  }
0x1e3: {  	s8 =	simm.s32 $0x17F8;
	s7 =	simm.s32 $0xAF8  }
0x1e4: {  	[tilespmem:s8], [sflag:$0x1] =	stream.indirect.gather [hbm4b:s2+s29], $0x1, s7, s29, $0xb8;
	[tilespmem:$0x1C380] =	vst v63  }
0x1e5: {  	s11 =	simm.s32 $0x1860  }
0x1e6: {  	[tilespmem:s11], [sflag:$0x1] =	stream.indirect.gather [hbm4b:s2+s29], $0x1, s14, s29, $0xb8;
	[tilespmem:$0x1C380] =	vst v63  }
0x1e7: {  	s16 =	simm.s32 $0x18C8;
	s14 =	simm.s32 $0xBC8  }
0x1e8: {  	[tilespmem:s16], [sflag:$0x1] =	stream.indirect.gather [hbm4b:s2+s29], $0x1, s14, s29, $0xb8;
	[tilespmem:$0x1C380] =	vst v63  }
0x1e9: {  	s17 =	simm.s32 $0x1930  }
0x1ea: {  	[tilespmem:s17], [sflag:$0x1] =	stream.indirect.gather [hbm4b:s2+s29], $0x1, s13, s29, $0xb8;
	[tilespmem:$0x1C380] =	vst v63  }
0x1eb: {  	s20 =	simm.s32 $0xC98;
	s22 =	simm.s32 $0x1998  }
0x1ec: {  	[tilespmem:s22], [sflag:$0x1] =	stream.indirect.gather [hbm4b:s2+s29], $0x1, s20, s29, $0xb8;
	[tilespmem:$0x1C380] =	vst v63  }
0x1ed: {  	_ =	swait.ge [sflag:s26], $0x68  }
0x1ee: {  	[sflag:s26] =	ssyncset.done $0x0  }
0x1ef: {  	[sflag:s26] =	ssyncadd.s32 $0xFFFFFF98  }
0x1f0: {  	_ =	swait.ge [sflag:s26], $0x68  }
0x1f1: {  	[sflag:s26] =	ssyncset.done $0x0  }
0x1f2: {  	[sflag:s26] =	ssyncadd.s32 $0xFFFFFF98  }
0x1f3: {  	_ =	swait.ge [sflag:s26], $0x68  }
0x1f4: {  	[sflag:s26] =	ssyncset.done $0x0  }
0x1f5: {  	[sflag:s26] =	ssyncadd.s32 $0xFFFFFF98  }
0x1f6: {  	_ =	swait.ge [sflag:s26], $0x68  }
0x1f7: {  	[sflag:s26] =	ssyncset.done $0x0  }
0x1f8: {  	[sflag:s26] =	ssyncadd.s32 $0xFFFFFF98  }
0x1f9: {  	_ =	swait.ge [sflag:s26], $0x68  }
0x1fa: {  	[sflag:s26] =	ssyncset.done $0x0  }
0x1fb: {  	[sflag:s26] =	ssyncadd.s32 $0xFFFFFF98  }
0x1fc: {  	_ =	swait.ge [sflag:s26], $0x68  }
0x1fd: {  	[sflag:s26] =	ssyncset.done $0x0  }
0x1fe: {  	[sflag:s26] =	ssyncadd.s32 $0xFFFFFF98  }
0x1ff: {  	_ =	swait.ge [sflag:s26], $0x68  }
0x200: {  	[sflag:s26] =	ssyncset.done $0x0  }
0x201: {  	[sflag:s26] =	ssyncadd.s32 $0xFFFFFF98  }
0x202: {  	_ =	swait.ge [sflag:s26], $0x68  }
0x203: {  	[sflag:s26] =	ssyncset.done $0x0  }
0x204: {  	[sflag:s26] =	ssyncadd.s32 $0xFFFFFF98  }
0x205: {  	_ =	swait.ge [sflag:s26], $0x68  }
0x206: {  	[sflag:s26] =	ssyncset.done $0x0  }
0x207: {  	[sflag:s26] =	ssyncadd.s32 $0xFFFFFF98  }
0x208: {  	_ =	swait.ge [sflag:s26], $0x68  }
0x209: {  	[sflag:s26] =	ssyncset.done $0x0  }
0x20a: {  	[sflag:s26] =	ssyncadd.s32 $0xFFFFFF98  }
0x20b: {  	_ =	swait.ge [sflag:s26], $0x68  }
0x20c: {  	[sflag:s26] =	ssyncset.done $0x0  }
0x20d: {  	[sflag:s26] =	ssyncadd.s32 $0xFFFFFF98  }
0x20e: {  	_ =	swait.ge [sflag:s26], $0x68  }
0x20f: {  	[sflag:s26] =	ssyncset.done $0x0  }
0x210: {  	[sflag:s26] =	ssyncadd.s32 $0xFFFFFF98  }
0x211: {  	_ =	swait.ge [sflag:s26], $0x68  }
0x212: {  	[sflag:s26] =	ssyncset.done $0x0  }
0x213: {  	[sflag:s26] =	ssyncadd.s32 $0xFFFFFF98  }
0x214: {  	_ =	swait.ge [sflag:s26], $0x68  }
0x215: {  	[sflag:s26] =	ssyncset.done $0x0  }
0x216: {  	[sflag:s26] =	ssyncadd.s32 $0xFFFFFF98  }
0x217: {  	_ =	swait.ge [sflag:s26], $0x68  }
0x218: {  	[sflag:s26] =	ssyncset.done $0x0  }
0x219: {  	s25 =	simm.s32 $0xA90;
	[sflag:s26] =	ssyncadd.s32 $0xFFFFFF98  }
0x21a: {  	s3 =	simm.s32 $0xB60;
	s7 =	simm.s32 $0xC30;
	_ =	swait.ge [sflag:s26], $0x68  }
0x21b: {  	s11 =	smov.u32 s15;
	s14 =	simm.s32 $0xD60;
	[sflag:s26] =	ssyncset.done $0x0  }
0x21c: {  	s16 =	simm.s32 $0x0;
	s13 =	simm.s32 $0x60;
	[sflag:s26] =	ssyncadd.s32 $0xFFFFFF98  }
.LBB2_11:
0x21d: {  	v15 =	vld [tilespmem:s14+$0xFFFFFFA0];
	_ =	sdelay $0x1  }
0x21e: {  	v14 =	vld [tilespmem:s14+$0xFFFFFFB0];
	_ =	sdelay $0x1  }
0x21f: {  	v16 =	vld [tilespmem:s14+$0xFFFFFFC0]  }
0x220: {  	v17 =	vadd.f32 $0.0e+00, v15  }
0x221: {  	v18 =	vld [tilespmem:s14+$0xFFFFFFD0]  }
0x222: {  	v14 =	vadd.f32 v14, v17  }
0x223: {  	v33 =	vld [tilespmem:s14+$0xFFFFFFE0]  }
0x224: {  	v14 =	vadd.f32 v16, v14  }
0x225: {  	v34 =	vld [tilespmem:s14+$0xFFFFFFF0]  }
0x226: {  	v14 =	vadd.f32 v18, v14  }
0x227: {  	v35 =	vld [tilespmem:s14+$0x0]  }
0x228: {  	v19 =	vld [tilespmem:s13+$0xFFFFFFA0];
	v14 =	vadd.f32 v33, v14  }
0x229: {  	v36 =	vld [tilespmem:s14+$0x10]  }
0x22a: {  	s17 =	sand.u32 $0xFF0, s16;
	v14 =	vadd.f32 v34, v14  }
0x22b: {  	v37 =	vld [tilespmem:s17+$0xD80]  }
0x22c: {  	v14 =	vadd.f32 v35, v14  }
0x22d: {  	v38 =	vld [tilespmem:s14+$0x30];
	v39 =	vshra.s32 v19, $0x3  }
0x22e: {  	v17 =	vsub.s32 v39, v0;
	v14 =	vadd.f32 v36, v14  }
0x22f: {  	v20 =	vld [tilespmem:s14+$0x40];
	v40 =	vmul.u32 $0x147B, v17  }
0x230: {  	v14 =	vadd.f32 v37, v14  }
0x231: {  	v21 =	vld [tilespmem:s14+$0x50];
	v16 =	vshra.s32 v40, $0x11  }
0x232: {  	v41 =	vld [tilespmem:s14+$0x60];
	vm1 =	vlt.u32 v17, $0xC35;
	v16 =	vxor.u32 $0x80000000, v16;
	v14 =	vadd.f32 v38, v14  }
0x233: {  	v16 =	vnsel vm1, $0x8000007D, v16  }
0x234: {  	(xrf1) =	vsort.ascd.msk.u32 $0xffff, v16, v10;
	v14 =	vadd.f32 v20, v14;
	_ =	sdelay $0x1  }
0x235: {  	v14 =	vadd.f32 v21, v14  }
0x236: {  	v42 =	vnsel vm0, $0x0, v41  }
0x237: {  	v14 =	vadd.f32 v42, v14;
	_ =	sdelay $0x1  }
0x238: {  	v16 =	vperm.xlane v14, v5;
	_ =	sdelay $0x1  }
0x239: {  	v14 =	vadd.f32 v14, v16;
	_ =	sdelay $0x1  }
0x23a: {  	v16 =	vperm.xlane v14, v6;
	_ =	sdelay $0x1  }
0x23b: {  	v14 =	vadd.f32 v14, v16;
	_ =	sdelay $0x1  }
0x23c: {  	v43, v44, _ =	vpop (xrf1);
	v16 =	vperm.xlane v14, v8  }
0x23d: {  	v45 =	vxor.u32 $0x80000000, v43  }
0x23e: {  	v17 =	vperm.xlane v45, v11;
	v14 =	vadd.f32 v14, v16;
	_ =	sdelay $0x1  }
0x23f: {  	vm1 =	veq.s32 v45, v17;
	v46 =	vperm.xlane v14, v9  }
0x240: {  	v17 =	vsel vm1, $0x80000000, v12  }
0x241: {  	(xrf0) =	vmax.scan.msk.u32 $0xffff, v17;
	v14 =	vadd.f32 v14, v46;
	_ =	sdelay $0x1  }
0x242: {  	(erf) = vrcp.f32 v14  }
0x243: {  	v14 =	vld.idx.msk [tilespmem:v45+s10+$0x0], $0xffff;
	_ =	sdelay $0x2  }
0x244: {  	v17, _, _ =	vpop (xrf0)  }
0x245: {  	v17 =	vxor.u32 $0x80000000, v17  }
0x246: {  	v14 =	vsub.s32 v14, v17;
	_ =	sdelay $0x1  }
0x247: {  	v17 =	vadd.s32 v10, v14  }
0x248: {  	v19 =	vperm.xlane v19, v44;
	v14 =	vpop (erf)  }
0x249: {  	v15 =	vmul.f32 v14, v15  }
0x24a: {  	v19 =	vshll.u32 v19, $0x7  }
0x24b: {  	v47 =	vadd.s32 s11, v19;
	v15 =	vperm.xlane v15, v44  }
0x24c: {  	[tilespmem:v17+s4+$0x0] =	vst.idx.msk $0xffff, v47  }
0x24d: {  	[tilespmem:v17+s30+$0x0] =	vst.idx.msk $0xffff, v15  }
0x24e: {  	[tilespmem:v45+s10+$0x0] =	vst.idx.add.s32.msk $0xffff, v4  }
0x24f: {  	v15 =	vld [tilespmem:s13+$0xFFFFFFB0];
	_ =	sdelay $0x4  }
0x250: {  	v48 =	vshra.s32 v15, $0x3  }
0x251: {  	v16 =	vsub.s32 v48, v0  }
0x252: {  	v49 =	vmul.u32 $0x147B, v16;
	_ =	sdelay $0x1  }
0x253: {  	v17 =	vshra.s32 v49, $0x11  }
0x254: {  	vm1 =	vlt.u32 v16, $0xC35;
	v50 =	vxor.u32 $0x80000000, v17  }
0x255: {  	v16 =	vnsel vm1, $0x8000007D, v50  }
0x256: {  	(xrf1) =	vsort.ascd.msk.u32 $0xffff, v16, v10;
	_ =	sdelay $0xd  }
0x257: {  	v16, v51, _ =	vpop (xrf1)  }
0x258: {  	v16 =	vxor.u32 $0x80000000, v16  }
0x259: {  	v52 =	vperm.xlane v16, v11;
	_ =	sdelay $0x1  }
0x25a: {  	vm1 =	veq.s32 v16, v52  }
0x25b: {  	v18 =	vsel vm1, $0x80000000, v12  }
0x25c: {  	(xrf0) =	vmax.scan.msk.u32 $0xffff, v18;
	_ =	sdelay $0x2  }
0x25d: {  	v53 =	vld.idx.msk [tilespmem:v16+s10+$0x0], $0xffff;
	_ =	sdelay $0x2  }
0x25e: {  	v54 =	vld [tilespmem:s14+$0xFFFFFFB0];
	v55, _, _ =	vpop (xrf0)  }
0x25f: {  	v20 =	vxor.u32 $0x80000000, v55  }
0x260: {  	v18 =	vsub.s32 v53, v20  }
0x261: {  	v18 =	vadd.s32 v10, v18  }
0x262: {  	v15 =	vperm.xlane v15, v51  }
0x263: {  	v19 =	vmul.f32 v54, v14  }
0x264: {  	v15 =	vshll.u32 v15, $0x7  }
0x265: {  	v17 =	vperm.xlane v19, v51;
	v15 =	vadd.s32 s11, v15  }
0x266: {  	[tilespmem:v18+s4+$0x0] =	vst.idx.msk $0xffff, v15  }
0x267: {  	[tilespmem:v18+s30+$0x0] =	vst.idx.msk $0xffff, v17  }
0x268: {  	[tilespmem:v16+s10+$0x0] =	vst.idx.add.s32.msk $0xffff, v4  }
0x269: {  	v15 =	vld [tilespmem:s13+$0xFFFFFFC0];
	_ =	sdelay $0x4  }
0x26a: {  	v56 =	vshra.s32 v15, $0x3  }
0x26b: {  	v16 =	vsub.s32 v56, v0  }
0x26c: {  	v57 =	vmul.u32 $0x147B, v16;
	_ =	sdelay $0x1  }
0x26d: {  	v17 =	vshra.s32 v57, $0x11  }
0x26e: {  	vm1 =	vlt.u32 v16, $0xC35;
	v58 =	vxor.u32 $0x80000000, v17  }
0x26f: {  	v16 =	vnsel vm1, $0x8000007D, v58  }
0x270: {  	(xrf1) =	vsort.ascd.msk.u32 $0xffff, v16, v10;
	_ =	sdelay $0xd  }
0x271: {  	v16, v59, _ =	vpop (xrf1)  }
0x272: {  	v16 =	vxor.u32 $0x80000000, v16  }
0x273: {  	v60 =	vperm.xlane v16, v11;
	_ =	sdelay $0x1  }
0x274: {  	vm1 =	veq.s32 v16, v60  }
0x275: {  	v18 =	vsel vm1, $0x80000000, v12  }
0x276: {  	(xrf0) =	vmax.scan.msk.u32 $0xffff, v18;
	_ =	sdelay $0x2  }
0x277: {  	v61 =	vld.idx.msk [tilespmem:v16+s10+$0x0], $0xffff;
	_ =	sdelay $0x2  }
0x278: {  	v62 =	vld [tilespmem:s14+$0xFFFFFFC0];
	v63, _, _ =	vpop (xrf0)  }
0x279: {  	v20 =	vxor.u32 $0x80000000, v63  }
0x27a: {  	v18 =	vsub.s32 v61, v20  }
0x27b: {  	v18 =	vadd.s32 v10, v18  }
0x27c: {  	v15 =	vperm.xlane v15, v59  }
0x27d: {  	v19 =	vmul.f32 v62, v14  }
0x27e: {  	v15 =	vshll.u32 v15, $0x7  }
0x27f: {  	v17 =	vperm.xlane v19, v59;
	v15 =	vadd.s32 s11, v15  }
0x280: {  	[tilespmem:v18+s4+$0x0] =	vst.idx.msk $0xffff, v15  }
0x281: {  	[tilespmem:v18+s30+$0x0] =	vst.idx.msk $0xffff, v17  }
0x282: {  	[tilespmem:v16+s10+$0x0] =	vst.idx.add.s32.msk $0xffff, v4  }
0x283: {  	v15 =	vld [tilespmem:s13+$0xFFFFFFD0];
	_ =	sdelay $0x4  }
0x284: {  	v24 =	vshra.s32 v15, $0x3  }
0x285: {  	v16 =	vsub.s32 v24, v0  }
0x286: {  	v25 =	vmul.u32 $0x147B, v16;
	_ =	sdelay $0x1  }
0x287: {  	v17 =	vshra.s32 v25, $0x11  }
0x288: {  	vm1 =	vlt.u32 v16, $0xC35;
	v26 =	vxor.u32 $0x80000000, v17  }
0x289: {  	v16 =	vnsel vm1, $0x8000007D, v26  }
0x28a: {  	(xrf1) =	vsort.ascd.msk.u32 $0xffff, v16, v10;
	_ =	sdelay $0xd  }
0x28b: {  	v16, v27, _ =	vpop (xrf1)  }
0x28c: {  	v16 =	vxor.u32 $0x80000000, v16  }
0x28d: {  	v28 =	vperm.xlane v16, v11;
	_ =	sdelay $0x1  }
0x28e: {  	vm1 =	veq.s32 v16, v28  }
0x28f: {  	v18 =	vsel vm1, $0x80000000, v12  }
0x290: {  	(xrf0) =	vmax.scan.msk.u32 $0xffff, v18;
	_ =	sdelay $0x2  }
0x291: {  	v29 =	vld.idx.msk [tilespmem:v16+s10+$0x0], $0xffff;
	_ =	sdelay $0x2  }
0x292: {  	v30 =	vld [tilespmem:s14+$0xFFFFFFD0];
	v31, _, _ =	vpop (xrf0)  }
0x293: {  	v20 =	vxor.u32 $0x80000000, v31  }
0x294: {  	v18 =	vsub.s32 v29, v20  }
0x295: {  	v18 =	vadd.s32 v10, v18  }
0x296: {  	v15 =	vperm.xlane v15, v27  }
0x297: {  	v19 =	vmul.f32 v30, v14  }
0x298: {  	v15 =	vshll.u32 v15, $0x7  }
0x299: {  	v17 =	vperm.xlane v19, v27;
	v15 =	vadd.s32 s11, v15  }
0x29a: {  	[tilespmem:v18+s4+$0x0] =	vst.idx.msk $0xffff, v15  }
0x29b: {  	[tilespmem:v18+s30+$0x0] =	vst.idx.msk $0xffff, v17  }
0x29c: {  	[tilespmem:v16+s10+$0x0] =	vst.idx.add.s32.msk $0xffff, v4  }
0x29d: {  	v15 =	vld [tilespmem:s13+$0xFFFFFFE0];
	_ =	sdelay $0x4  }
0x29e: {  	v32 =	vshra.s32 v15, $0x3  }
0x29f: {  	v16 =	vsub.s32 v32, v0  }
0x2a0: {  	v33 =	vmul.u32 $0x147B, v16;
	_ =	sdelay $0x1  }
0x2a1: {  	v17 =	vshra.s32 v33, $0x11  }
0x2a2: {  	vm1 =	vlt.u32 v16, $0xC35;
	v34 =	vxor.u32 $0x80000000, v17  }
0x2a3: {  	v16 =	vnsel vm1, $0x8000007D, v34  }
0x2a4: {  	(xrf1) =	vsort.ascd.msk.u32 $0xffff, v16, v10;
	_ =	sdelay $0xd  }
0x2a5: {  	v16, v35, _ =	vpop (xrf1)  }
0x2a6: {  	v16 =	vxor.u32 $0x80000000, v16  }
0x2a7: {  	v36 =	vperm.xlane v16, v11;
	_ =	sdelay $0x1  }
0x2a8: {  	vm1 =	veq.s32 v16, v36  }
0x2a9: {  	v18 =	vsel vm1, $0x80000000, v12  }
0x2aa: {  	(xrf0) =	vmax.scan.msk.u32 $0xffff, v18;
	_ =	sdelay $0x2  }
0x2ab: {  	v37 =	vld.idx.msk [tilespmem:v16+s10+$0x0], $0xffff;
	_ =	sdelay $0x2  }
0x2ac: {  	v38 =	vld [tilespmem:s14+$0xFFFFFFE0];
	v39, _, _ =	vpop (xrf0)  }
0x2ad: {  	v20 =	vxor.u32 $0x80000000, v39  }
0x2ae: {  	v18 =	vsub.s32 v37, v20  }
0x2af: {  	v18 =	vadd.s32 v10, v18  }
0x2b0: {  	v15 =	vperm.xlane v15, v35  }
0x2b1: {  	v19 =	vmul.f32 v38, v14  }
0x2b2: {  	v15 =	vshll.u32 v15, $0x7  }
0x2b3: {  	v17 =	vperm.xlane v19, v35;
	v15 =	vadd.s32 s11, v15  }
0x2b4: {  	[tilespmem:v18+s4+$0x0] =	vst.idx.msk $0xffff, v15  }
0x2b5: {  	[tilespmem:v18+s30+$0x0] =	vst.idx.msk $0xffff, v17  }
0x2b6: {  	[tilespmem:v16+s10+$0x0] =	vst.idx.add.s32.msk $0xffff, v4  }
0x2b7: {  	v15 =	vld [tilespmem:s13+$0xFFFFFFF0];
	_ =	sdelay $0x4  }
0x2b8: {  	v40 =	vshra.s32 v15, $0x3  }
0x2b9: {  	v16 =	vsub.s32 v40, v0  }
0x2ba: {  	v41 =	vmul.u32 $0x147B, v16;
	_ =	sdelay $0x1  }
0x2bb: {  	v17 =	vshra.s32 v41, $0x11  }
0x2bc: {  	vm1 =	vlt.u32 v16, $0xC35;
	v42 =	vxor.u32 $0x80000000, v17  }
0x2bd: {  	v16 =	vnsel vm1, $0x8000007D, v42  }
0x2be: {  	(xrf1) =	vsort.ascd.msk.u32 $0xffff, v16, v10;
	_ =	sdelay $0xd  }
0x2bf: {  	v16, v43, _ =	vpop (xrf1)  }
0x2c0: {  	v16 =	vxor.u32 $0x80000000, v16  }
0x2c1: {  	v44 =	vperm.xlane v16, v11;
	_ =	sdelay $0x1  }
0x2c2: {  	vm1 =	veq.s32 v16, v44  }
0x2c3: {  	v18 =	vsel vm1, $0x80000000, v12  }
0x2c4: {  	(xrf0) =	vmax.scan.msk.u32 $0xffff, v18;
	_ =	sdelay $0x2  }
0x2c5: {  	v45 =	vld.idx.msk [tilespmem:v16+s10+$0x0], $0xffff;
	_ =	sdelay $0x2  }
0x2c6: {  	v46 =	vld [tilespmem:s14+$0xFFFFFFF0];
	v47, _, _ =	vpop (xrf0)  }
0x2c7: {  	v20 =	vxor.u32 $0x80000000, v47  }
0x2c8: {  	v18 =	vsub.s32 v45, v20  }
0x2c9: {  	v18 =	vadd.s32 v10, v18  }
0x2ca: {  	v15 =	vperm.xlane v15, v43  }
0x2cb: {  	v19 =	vmul.f32 v46, v14  }
0x2cc: {  	v15 =	vshll.u32 v15, $0x7  }
0x2cd: {  	v17 =	vperm.xlane v19, v43;
	v15 =	vadd.s32 s11, v15  }
0x2ce: {  	[tilespmem:v18+s4+$0x0] =	vst.idx.msk $0xffff, v15  }
0x2cf: {  	[tilespmem:v18+s30+$0x0] =	vst.idx.msk $0xffff, v17  }
0x2d0: {  	[tilespmem:v16+s10+$0x0] =	vst.idx.add.s32.msk $0xffff, v4  }
0x2d1: {  	v15 =	vld [tilespmem:s13+$0x0];
	_ =	sdelay $0x4  }
0x2d2: {  	v48 =	vshra.s32 v15, $0x3  }
0x2d3: {  	v16 =	vsub.s32 v48, v0  }
0x2d4: {  	v49 =	vmul.u32 $0x147B, v16;
	_ =	sdelay $0x1  }
0x2d5: {  	v17 =	vshra.s32 v49, $0x11  }
0x2d6: {  	vm1 =	vlt.u32 v16, $0xC35;
	v50 =	vxor.u32 $0x80000000, v17  }
0x2d7: {  	v16 =	vnsel vm1, $0x8000007D, v50  }
0x2d8: {  	(xrf1) =	vsort.ascd.msk.u32 $0xffff, v16, v10;
	_ =	sdelay $0xd  }
0x2d9: {  	v16, v51, _ =	vpop (xrf1)  }
0x2da: {  	v16 =	vxor.u32 $0x80000000, v16  }
0x2db: {  	v52 =	vperm.xlane v16, v11;
	_ =	sdelay $0x1  }
0x2dc: {  	vm1 =	veq.s32 v16, v52  }
0x2dd: {  	v18 =	vsel vm1, $0x80000000, v12  }
0x2de: {  	(xrf0) =	vmax.scan.msk.u32 $0xffff, v18;
	_ =	sdelay $0x2  }
0x2df: {  	v53 =	vld.idx.msk [tilespmem:v16+s10+$0x0], $0xffff;
	_ =	sdelay $0x2  }
0x2e0: {  	v54 =	vld [tilespmem:s14+$0x0];
	v55, _, _ =	vpop (xrf0)  }
0x2e1: {  	v20 =	vxor.u32 $0x80000000, v55  }
0x2e2: {  	v18 =	vsub.s32 v53, v20  }
0x2e3: {  	v18 =	vadd.s32 v10, v18  }
0x2e4: {  	v15 =	vperm.xlane v15, v51  }
0x2e5: {  	v19 =	vmul.f32 v54, v14  }
0x2e6: {  	v15 =	vshll.u32 v15, $0x7  }
0x2e7: {  	v17 =	vperm.xlane v19, v51;
	v15 =	vadd.s32 s11, v15  }
0x2e8: {  	[tilespmem:v18+s4+$0x0] =	vst.idx.msk $0xffff, v15  }
0x2e9: {  	[tilespmem:v18+s30+$0x0] =	vst.idx.msk $0xffff, v17  }
0x2ea: {  	[tilespmem:v16+s10+$0x0] =	vst.idx.add.s32.msk $0xffff, v4  }
0x2eb: {  	v15 =	vld [tilespmem:s13+$0x10];
	_ =	sdelay $0x4  }
0x2ec: {  	v56 =	vshra.s32 v15, $0x3  }
0x2ed: {  	v16 =	vsub.s32 v56, v0  }
0x2ee: {  	v57 =	vmul.u32 $0x147B, v16;
	_ =	sdelay $0x1  }
0x2ef: {  	v17 =	vshra.s32 v57, $0x11  }
0x2f0: {  	vm1 =	vlt.u32 v16, $0xC35;
	v58 =	vxor.u32 $0x80000000, v17  }
0x2f1: {  	v16 =	vnsel vm1, $0x8000007D, v58  }
0x2f2: {  	(xrf1) =	vsort.ascd.msk.u32 $0xffff, v16, v10;
	_ =	sdelay $0xd  }
0x2f3: {  	v16, v59, _ =	vpop (xrf1)  }
0x2f4: {  	v16 =	vxor.u32 $0x80000000, v16  }
0x2f5: {  	v60 =	vperm.xlane v16, v11;
	_ =	sdelay $0x1  }
0x2f6: {  	vm1 =	veq.s32 v16, v60  }
0x2f7: {  	v18 =	vsel vm1, $0x80000000, v12  }
0x2f8: {  	(xrf0) =	vmax.scan.msk.u32 $0xffff, v18;
	_ =	sdelay $0x2  }
0x2f9: {  	v61 =	vld.idx.msk [tilespmem:v16+s10+$0x0], $0xffff;
	_ =	sdelay $0x2  }
0x2fa: {  	v62 =	vld [tilespmem:s14+$0x10];
	v63, _, _ =	vpop (xrf0)  }
0x2fb: {  	v20 =	vxor.u32 $0x80000000, v63  }
0x2fc: {  	v18 =	vsub.s32 v61, v20  }
0x2fd: {  	v18 =	vadd.s32 v10, v18  }
0x2fe: {  	v15 =	vperm.xlane v15, v59  }
0x2ff: {  	v19 =	vmul.f32 v62, v14  }
0x300: {  	v15 =	vshll.u32 v15, $0x7  }
0x301: {  	v17 =	vperm.xlane v19, v59;
	v15 =	vadd.s32 s11, v15  }
0x302: {  	[tilespmem:v18+s4+$0x0] =	vst.idx.msk $0xffff, v15  }
0x303: {  	[tilespmem:v18+s30+$0x0] =	vst.idx.msk $0xffff, v17  }
0x304: {  	[tilespmem:v16+s10+$0x0] =	vst.idx.add.s32.msk $0xffff, v4  }
0x305: {  	v15 =	vld [tilespmem:s17+$0x80];
	_ =	sdelay $0x4  }
0x306: {  	v24 =	vshra.s32 v15, $0x3  }
0x307: {  	v16 =	vsub.s32 v24, v0  }
0x308: {  	v25 =	vmul.u32 $0x147B, v16;
	_ =	sdelay $0x1  }
0x309: {  	v17 =	vshra.s32 v25, $0x11  }
0x30a: {  	vm1 =	vlt.u32 v16, $0xC35;
	v26 =	vxor.u32 $0x80000000, v17  }
0x30b: {  	v16 =	vnsel vm1, $0x8000007D, v26  }
0x30c: {  	(xrf1) =	vsort.ascd.msk.u32 $0xffff, v16, v10;
	_ =	sdelay $0xd  }
0x30d: {  	v16, v27, _ =	vpop (xrf1)  }
0x30e: {  	v16 =	vxor.u32 $0x80000000, v16  }
0x30f: {  	v28 =	vperm.xlane v16, v11;
	_ =	sdelay $0x1  }
0x310: {  	vm1 =	veq.s32 v16, v28  }
0x311: {  	v18 =	vsel vm1, $0x80000000, v12  }
0x312: {  	(xrf0) =	vmax.scan.msk.u32 $0xffff, v18;
	_ =	sdelay $0x2  }
0x313: {  	v29 =	vld.idx.msk [tilespmem:v16+s10+$0x0], $0xffff;
	_ =	sdelay $0x2  }
0x314: {  	v30 =	vld [tilespmem:s17+$0xD80];
	v31, _, _ =	vpop (xrf0)  }
0x315: {  	v20 =	vxor.u32 $0x80000000, v31  }
0x316: {  	v18 =	vsub.s32 v29, v20  }
0x317: {  	v18 =	vadd.s32 v10, v18  }
0x318: {  	v15 =	vperm.xlane v15, v27  }
0x319: {  	v19 =	vmul.f32 v30, v14  }
0x31a: {  	v15 =	vshll.u32 v15, $0x7  }
0x31b: {  	v17 =	vperm.xlane v19, v27;
	v15 =	vadd.s32 s11, v15  }
0x31c: {  	[tilespmem:v18+s4+$0x0] =	vst.idx.msk $0xffff, v15  }
0x31d: {  	[tilespmem:v18+s30+$0x0] =	vst.idx.msk $0xffff, v17  }
0x31e: {  	[tilespmem:v16+s10+$0x0] =	vst.idx.add.s32.msk $0xffff, v4  }
0x31f: {  	v15 =	vld [tilespmem:s13+$0x30];
	_ =	sdelay $0x4  }
0x320: {  	v32 =	vshra.s32 v15, $0x3  }
0x321: {  	v16 =	vsub.s32 v32, v0  }
0x322: {  	v33 =	vmul.u32 $0x147B, v16;
	_ =	sdelay $0x1  }
0x323: {  	v17 =	vshra.s32 v33, $0x11  }
0x324: {  	vm1 =	vlt.u32 v16, $0xC35;
	v34 =	vxor.u32 $0x80000000, v17  }
0x325: {  	v16 =	vnsel vm1, $0x8000007D, v34  }
0x326: {  	(xrf1) =	vsort.ascd.msk.u32 $0xffff, v16, v10;
	_ =	sdelay $0xd  }
0x327: {  	v16, v35, _ =	vpop (xrf1)  }
0x328: {  	v16 =	vxor.u32 $0x80000000, v16  }
0x329: {  	v36 =	vperm.xlane v16, v11;
	_ =	sdelay $0x1  }
0x32a: {  	vm1 =	veq.s32 v16, v36  }
0x32b: {  	v18 =	vsel vm1, $0x80000000, v12  }
0x32c: {  	(xrf0) =	vmax.scan.msk.u32 $0xffff, v18;
	_ =	sdelay $0x2  }
0x32d: {  	v37 =	vld.idx.msk [tilespmem:v16+s10+$0x0], $0xffff;
	_ =	sdelay $0x2  }
0x32e: {  	v38 =	vld [tilespmem:s14+$0x30];
	v39, _, _ =	vpop (xrf0)  }
0x32f: {  	v20 =	vxor.u32 $0x80000000, v39  }
0x330: {  	v18 =	vsub.s32 v37, v20  }
0x331: {  	v18 =	vadd.s32 v10, v18  }
0x332: {  	v15 =	vperm.xlane v15, v35  }
0x333: {  	v19 =	vmul.f32 v38, v14  }
0x334: {  	v15 =	vshll.u32 v15, $0x7  }
0x335: {  	v17 =	vperm.xlane v19, v35;
	v15 =	vadd.s32 s11, v15  }
0x336: {  	[tilespmem:v18+s4+$0x0] =	vst.idx.msk $0xffff, v15  }
0x337: {  	[tilespmem:v18+s30+$0x0] =	vst.idx.msk $0xffff, v17  }
0x338: {  	[tilespmem:v16+s10+$0x0] =	vst.idx.add.s32.msk $0xffff, v4  }
0x339: {  	v15 =	vld [tilespmem:s13+$0x40];
	_ =	sdelay $0x4  }
0x33a: {  	v40 =	vshra.s32 v15, $0x3  }
0x33b: {  	v16 =	vsub.s32 v40, v0  }
0x33c: {  	v41 =	vmul.u32 $0x147B, v16;
	_ =	sdelay $0x1  }
0x33d: {  	v17 =	vshra.s32 v41, $0x11  }
0x33e: {  	vm1 =	vlt.u32 v16, $0xC35;
	v42 =	vxor.u32 $0x80000000, v17  }
0x33f: {  	v16 =	vnsel vm1, $0x8000007D, v42  }
0x340: {  	(xrf1) =	vsort.ascd.msk.u32 $0xffff, v16, v10;
	_ =	sdelay $0xd  }
0x341: {  	v16, v43, _ =	vpop (xrf1)  }
0x342: {  	v16 =	vxor.u32 $0x80000000, v16  }
0x343: {  	v44 =	vperm.xlane v16, v11;
	_ =	sdelay $0x1  }
0x344: {  	vm1 =	veq.s32 v16, v44  }
0x345: {  	v18 =	vsel vm1, $0x80000000, v12  }
0x346: {  	(xrf0) =	vmax.scan.msk.u32 $0xffff, v18;
	_ =	sdelay $0x2  }
0x347: {  	v45 =	vld.idx.msk [tilespmem:v16+s10+$0x0], $0xffff;
	_ =	sdelay $0x2  }
0x348: {  	v46 =	vld [tilespmem:s14+$0x40];
	v47, _, _ =	vpop (xrf0)  }
0x349: {  	v20 =	vxor.u32 $0x80000000, v47  }
0x34a: {  	v18 =	vsub.s32 v45, v20  }
0x34b: {  	v18 =	vadd.s32 v10, v18  }
0x34c: {  	v15 =	vperm.xlane v15, v43  }
0x34d: {  	v19 =	vmul.f32 v46, v14  }
0x34e: {  	v15 =	vshll.u32 v15, $0x7  }
0x34f: {  	v17 =	vperm.xlane v19, v43;
	v15 =	vadd.s32 s11, v15  }
0x350: {  	[tilespmem:v18+s4+$0x0] =	vst.idx.msk $0xffff, v15  }
0x351: {  	[tilespmem:v18+s30+$0x0] =	vst.idx.msk $0xffff, v17  }
0x352: {  	[tilespmem:v16+s10+$0x0] =	vst.idx.add.s32.msk $0xffff, v4  }
0x353: {  	v15 =	vld [tilespmem:s13+$0x50];
	_ =	sdelay $0x4  }
0x354: {  	v48 =	vshra.s32 v15, $0x3  }
0x355: {  	v16 =	vsub.s32 v48, v0  }
0x356: {  	v49 =	vmul.u32 $0x147B, v16;
	_ =	sdelay $0x1  }
0x357: {  	v17 =	vshra.s32 v49, $0x11  }
0x358: {  	vm1 =	vlt.u32 v16, $0xC35;
	v50 =	vxor.u32 $0x80000000, v17  }
0x359: {  	v16 =	vnsel vm1, $0x8000007D, v50  }
0x35a: {  	(xrf1) =	vsort.ascd.msk.u32 $0xffff, v16, v10;
	_ =	sdelay $0xd  }
0x35b: {  	v16, v51, _ =	vpop (xrf1)  }
0x35c: {  	v16 =	vxor.u32 $0x80000000, v16  }
0x35d: {  	v52 =	vperm.xlane v16, v11;
	_ =	sdelay $0x1  }
0x35e: {  	vm1 =	veq.s32 v16, v52  }
0x35f: {  	v18 =	vsel vm1, $0x80000000, v12  }
0x360: {  	(xrf0) =	vmax.scan.msk.u32 $0xffff, v18;
	_ =	sdelay $0x2  }
0x361: {  	v53 =	vld.idx.msk [tilespmem:v16+s10+$0x0], $0xffff;
	_ =	sdelay $0x2  }
0x362: {  	v54 =	vld [tilespmem:s14+$0x50];
	v55, _, _ =	vpop (xrf0)  }
0x363: {  	v20 =	vxor.u32 $0x80000000, v55  }
0x364: {  	v18 =	vsub.s32 v53, v20  }
0x365: {  	v18 =	vadd.s32 v10, v18  }
0x366: {  	v15 =	vperm.xlane v15, v51  }
0x367: {  	v19 =	vmul.f32 v54, v14  }
0x368: {  	v15 =	vshll.u32 v15, $0x7  }
0x369: {  	v17 =	vperm.xlane v19, v51;
	v15 =	vadd.s32 s11, v15  }
0x36a: {  	[tilespmem:v18+s4+$0x0] =	vst.idx.msk $0xffff, v15  }
0x36b: {  	[tilespmem:v18+s30+$0x0] =	vst.idx.msk $0xffff, v17  }
0x36c: {  	[tilespmem:v16+s10+$0x0] =	vst.idx.add.s32.msk $0xffff, v4  }
0x36d: {  	v15 =	vld [tilespmem:s13+$0x60];
	_ =	sdelay $0x4  }
0x36e: {  	v56 =	vshra.s32 v15, $0x3  }
0x36f: {  	v16 =	vsub.s32 v56, v0  }
0x370: {  	v57 =	vmul.u32 $0x147B, v16;
	_ =	sdelay $0x1  }
0x371: {  	vm1 =	vlt.u32 v16, $0xC35;
	v58 =	vshra.s32 v57, $0x11  }
0x372: {  	vm1 =	vmand vm1, vm0;
	v16 =	vxor.u32 $0x80000000, v58  }
0x373: {  	v16 =	vnsel vm1, $0x8000007D, v16  }
0x374: {  	(xrf1) =	vsort.ascd.msk.u32 $0xffff, v16, v10;
	_ =	sdelay $0xd  }
0x375: {  	v16, v59, _ =	vpop (xrf1)  }
0x376: {  	v16 =	vxor.u32 $0x80000000, v16  }
0x377: {  	v60 =	vperm.xlane v16, v11;
	_ =	sdelay $0x1  }
0x378: {  	vm1 =	veq.s32 v16, v60  }
0x379: {  	v18 =	vsel vm1, $0x80000000, v12  }
0x37a: {  	(xrf0) =	vmax.scan.msk.u32 $0xffff, v18;
	_ =	sdelay $0x2  }
0x37b: {  	v61 =	vld.idx.msk [tilespmem:v16+s10+$0x0], $0xffff;
	_ =	sdelay $0x2  }
0x37c: {  	v62 =	vld [tilespmem:s14+$0x60];
	v63, _, _ =	vpop (xrf0)  }
0x37d: {  	v20 =	vxor.u32 $0x80000000, v63  }
0x37e: {  	v18 =	vsub.s32 v61, v20  }
0x37f: {  	v18 =	vadd.s32 v10, v18  }
0x380: {  	v15 =	vperm.xlane v15, v59  }
0x381: {  	p0 =	sne.s32 s16, $0xC30;
	v14 =	vmul.f32 v62, v14  }
.Ltmp6:
0x382: {  	v15 =	vshll.u32 v15, $0x7;
	(pc) =	sbr.rel @p0 .LBB2_11-.Ltmp6, $4  }
0x383: {  	v14 =	vperm.xlane v14, v59;
	v15 =	vadd.s32 s11, v15  }
0x384: {  	[tilespmem:v18+s4+$0x0] =	vst.idx.msk $0xffff, v15  }
0x385: {  	s16 =	sadd.s32 $0xD0, s16;
	[tilespmem:v18+s30+$0x0] =	vst.idx.msk $0xffff, v14  }
0x386: {  	s13 =	sadd.s32 $0xD0, s13;
	s14 =	sadd.s32 $0xD0, s14;
	s11 =	sadd.s32 $0x1, s11;
	[tilespmem:v16+s10+$0x0] =	vst.idx.add.s32.msk $0xffff, v4  }
0x387: {  	s12 =	sadd.s32 $0x1, s12  }
0x388: {  	p0 =	sne.s32 s12, $0x8  }
.Ltmp7:
0x389: {  	_ = 	snop;
	(pc) =	sbr.rel @p0 .LBB2_10-.Ltmp7, $2  }
0x38a: {  	_ =	sdelay $0x2  }
0x38b: {  	s15 =	sadd.s32 $0x10, s15;
	s8 =	smov.u32 s24  }
.Ltmp8:
0x38c: {  	(pc) =	sbr.rel .LBB2_14-.Ltmp8, $4  }
0x38d: {  	_ = 	snop  }
0x38e: {  	s6 =	rddreg [dreg:$0x7]  }
0x38f: {  	s24 =	rddreg [dreg:$0x8]  }
0x390: {  	s1 =	simm.s32 $0x0;
	s0 =	rddreg [dreg:$0x2];
	s22 =	simm.s32 $0x400  }
.LBB2_38:
0x391: {  	s11 =	smov.u32 s19  }
.LBB2_42:
0x392: {  	s11 =	sadd.s32 @p0 $0x10, s11  }
0x393: {  	s19 =	smov.u32 @p0 s11  }
0x394: {  	v14 =	vsub.s32 v16, v14;
	v17 =	vadd.s32 s19, v10  }
0x395: {  	v14 =	vand.u32 $0xFFFFFF80, v14;
	vm1 =	vlt.s32 v17, v15;
	v15 =	vand.u32 $0x7F, v16  }
0x396: {  	v14 =	vor.u32 v15, v14;
	_ =	sdelay $0x4  }
0x397: {  	[tilespmem:v14+s9+$0x0] =	vst.idx.msk vm1, v3  }
.LBB2_43:
0x398: {  	s1 =	sadd.s32 $0x1, s1  }
0x399: {  	p0 =	sne.s32 s1, $0x3E  }
.Ltmp9:
0x39a: {  	_ = 	snop;
	(pc) =	sbr.rel @!p0 .LBB2_44-.Ltmp9, $1  }
0x39b: {  	_ =	sdelay $0x3  }
.LBB2_14:
0x39c: {  	s11 =	sshll.u32 s1, $0x1  }
0x39d: {  	s12 =	sand.u32 $0x70, s11  }
0x39e: {  	v14 =	vld [tilespmem:s12+$0xFA80]  }
0x39f: {  	v15 =	vld [tilespmem:s12+$0xFB00];
	_ =	sdelay $0x1  }
0x3a0: {  	s11 =	sand.u32 $0xE, s11  }
0x3a1: {  	v16 =	vmov s11  }
0x3a2: {  	v14 =	vperm.xlane v14, v16  }
0x3a3: {  	v15 =	vperm.xlane v15, v16  }
0x3a4: {  	(v2sf) =	vpush v14, $0x0  }
0x3a5: {  	(v2sf) =	vpush v15, $0x0;
	_ =	sdelay $0xd  }
0x3a6: {  	s11 =	spop (v2sf)  }
0x3a7: {  	s13 =	spop (v2sf)  }
0x3a8: {  	s13 =	ssub.s32 s13, s11  }
0x3a9: {  	s13 =	sadd.s32 $0xF, s13  }
0x3aa: {  	s14 =	sand.u32 $0xF, s13  }
0x3ab: {  	s15 =	sshra.s32 s13, $0x1F;
	p0 =	slt.s32 s13, $0x1;
	p1 =	sne.s32 s14, $0x0  }
0x3ac: {  	s15 =	sshrl.u32 s15, $0x1C;
	p0 =	por !p0, !p1  }
0x3ad: {  	s16 =	simm.s32 $0x1;
	s13 =	sadd.s32 s15, s13;
	p0 =	por !p0, !p0  }
0x3ae: {  	s13 =	sshra.s32 s13, $0x4;
	s16 =	simm.s32 @!p0 $0x0  }
0x3af: {  	s13 =	ssub.s32 s13, s16  }
0x3b0: {  	s20 =	smul.u32 $0x32, s1;
	p0 =	slt.s32 s13, $0x1  }
.Ltmp10:
0x3b1: {  	_ = 	snop;
	(pc) =	sbr.rel @p0 .LBB2_21-.Ltmp10, $4  }
0x3b2: {  	s15 =	sadd.s32 s6, s20  }
0x3b3: {  	s14 =	sshll.u32 s15, $0x3  }
0x3b4: {  	v16 =	vmov s14  }
0x3b5: {  	v14 =	vbroadcast v15, $0x0;
	s14 =	sshll.u32 s11, $0x2;
	v16 =	vshll.u32 v16, $0x7  }
0x3b6: {  	p2 =	sne.s32 s13, $0x1  }
.Ltmp11:
0x3b7: {  	_ = 	snop;
	(pc) =	sbr.rel @!p2 .LBB2_16-.Ltmp11, $4  }
0x3b8: {  	_ = 	snop  }
0x3b9: {  	s16 =	sshra.s32 s14, $0x2  }
0x3ba: {  	s17 =	sadd.s32 $0x1A00, s16  }
0x3bb: {  	v15 =	vbroadcast v16, $0x0;
	s18 =	sadd.s32 $0xFFFFFFFF, s13;
	p1 =	por $0x0, $0x0;
	s16 =	sadd.s32 $0x8A00, s16;
	v17 =	vld [tilespmem:s17+$0x0]  }
0x3bc: {  	_ =	sdelay $0x3  }
0x3bd: {  	v18 =	vadd.s32 s11, v10;
	v19 =	vsub.s32 v17, v15  }
0x3be: {  	vm1 =	vlt.s32 v18, v14;
	v18 =	vld [tilespmem:s16+$0x0];
	v17 =	vand.u32 $0x7F, v17;
	v19 =	vand.u32 $0xFFFFFF80, v19  }
0x3bf: {  	v17 =	vor.u32 v17, v19  }
0x3c0: {  	p2 =	sne.s32 s18, $0x1  }
.Ltmp12:
0x3c1: {  	_ = 	snop;
	(pc) =	sbr.rel @!p2 .LBB2_18-.Ltmp12, $4  }
0x3c2: {  	_ = 	snop  }
0x3c3: {  	v18 =	vnsel vm1, $0x0, v18  }
0x3c4: {  	s19 =	sadd.s32 $0x10, s17;
	s20 =	sadd.s32 $0xFFFFFFFF, s18;
	[tilespmem:v17+s31+$0x0] =	vst.idx.add.f32.msk vm1, v18  }
0x3c5: {  	p1 =	por $0x1, $0x1;
	s17 =	smov.u32 s11;
	s18 =	smov.u32 s16;
	v17 =	vld [tilespmem:s19+$0x0]  }
.LBB2_19:
0x3c6: {  	p2 =	sne.s32 s20, $0x1;
	_ =	sdelay $0x2  }
0x3c7: {  	s17 =	sadd.s32 $0x10, s17  }
0x3c8: {  	s18 =	sadd.s32 $0x10, s18;
	v18 =	vadd.s32 s17, v10;
	v19 =	vsub.s32 v17, v15  }
0x3c9: {  	vm1 =	vlt.s32 v18, v14;
	v17 =	vand.u32 $0x7F, v17;
	v18 =	vld [tilespmem:s18+$0x0];
	v19 =	vand.u32 $0xFFFFFF80, v19  }
0x3ca: {  	v17 =	vor.u32 v17, v19;
	_ =	sdelay $0x1  }
.Ltmp13:
0x3cb: {  	(pc) =	sbr.rel @p2 .LBB2_19-.Ltmp13, $4  }
0x3cc: {  	_ = 	snop  }
0x3cd: {  	v18 =	vnsel vm1, $0x0, v18  }
0x3ce: {  	s19 =	sadd.s32 $0x10, s19;
	[tilespmem:v17+s31+$0x0] =	vst.idx.add.f32.msk vm1, v18  }
0x3cf: {  	s20 =	sadd.s32 $0xFFFFFFFF, s20;
	v17 =	vld [tilespmem:s19+$0x0]  }
.LBB2_20:
0x3d0: {  	_ =	sdelay $0x1  }
0x3d1: {  	s17 =	sadd.s32 @p1 $0x10, s17;
	s19 =	smov.u32 s11  }
0x3d2: {  	s19 =	smov.u32 @p1 s17;
	s17 =	sadd.s32 @p1 $0x10, s18  }
0x3d3: {  	v18 =	vadd.s32 s19, v10;
	s16 =	smov.u32 @p1 s17;
	v15 =	vsub.s32 v17, v15  }
0x3d4: {  	vm1 =	vlt.s32 v18, v14;
	v18 =	vld [tilespmem:s16+$0x0];
	v17 =	vand.u32 $0x7F, v17;
	v15 =	vand.u32 $0xFFFFFF80, v15  }
0x3d5: {  	v15 =	vor.u32 v17, v15;
	_ =	sdelay $0x3  }
0x3d6: {  	v17 =	vnsel vm1, $0x0, v18  }
0x3d7: {  	[tilespmem:v15+s31+$0x0] =	vst.idx.add.f32.msk vm1, v17  }
.LBB2_21:
0x3d8: {  	s15 =	sshll.u32 s15, $0xD  }
0x3d9: {  	s15 =	sor.u32 s24, s15  }
0x3da: {  	s15 =	sshrl.u32 s15, $0x3  }
0x3db: {  	s16 =	simm.s32 $0x2000;
	s15 =	sadd.s32 s0, s15  }
0x3dc: {  	[hbm4b:s15+s22] =	stream.strided.scatter [tilespmem:s31], [sflag:$0x2], $0x6400, s16, s22, $0x38;
	[tilespmem:$0x1C380] =	vst v63  }
0x3dd: {  	v15 =	vld [tilespmem:s12+$0xFA80]  }
0x3de: {  	v17 =	vld [tilespmem:s12+$0xFB00]  }
0x3df: {  	s20 =	sshllo.u32 s1, $0x1  }
0x3e0: {  	s16 =	ssub.s32 s20, s12  }
0x3e1: {  	v18 =	vmov s16  }
0x3e2: {  	v15 =	vperm.xlane v15, v18  }
0x3e3: {  	v17 =	vperm.xlane v17, v18  }
0x3e4: {  	(v2sf) =	vpush v15, $0x0  }
0x3e5: {  	(v2sf) =	vpush v17, $0x0;
	_ =	sdelay $0xd  }
0x3e6: {  	s19 =	spop (v2sf)  }
0x3e7: {  	s17 =	spop (v2sf)  }
0x3e8: {  	s12 =	ssub.s32 s17, s19  }
0x3e9: {  	s12 =	sadd.s32 $0xF, s12  }
0x3ea: {  	s18 =	sand.u32 $0xF, s12  }
0x3eb: {  	s17 =	sshra.s32 s12, $0x1F;
	p1 =	slt.s32 s12, $0x1;
	p2 =	sne.s32 s18, $0x0  }
0x3ec: {  	s15 =	smul.u32 $0x19, s20;
	s20 =	sshrl.u32 s17, $0x1C;
	p1 =	por !p1, !p2  }
0x3ed: {  	s16 =	simm.s32 $0x1;
	s12 =	sadd.s32 s20, s12;
	p1 =	por !p1, !p1  }
0x3ee: {  	s12 =	sshra.s32 s12, $0x4;
	s16 =	simm.s32 @!p1 $0x0  }
0x3ef: {  	s17 =	sadd.s32 s6, s15;
	s15 =	ssub.s32 s12, s16  }
0x3f0: {  	p1 =	slt.s32 s15, $0x1  }
.Ltmp14:
0x3f1: {  	_ = 	snop;
	(pc) =	sbr.rel @p1 .LBB2_29-.Ltmp14, $4  }
0x3f2: {  	_ = 	snop  }
0x3f3: {  	s18 =	sshll.u32 s17, $0x3  }
0x3f4: {  	v18 =	vmov s18  }
0x3f5: {  	v15 =	vbroadcast v17, $0x0;
	v17 =	vshll.u32 v18, $0x7;
	s16 =	sshll.u32 s19, $0x2  }
0x3f6: {  	p3 =	sne.s32 s15, $0x1  }
.Ltmp15:
0x3f7: {  	_ = 	snop;
	(pc) =	sbr.rel @!p3 .LBB2_23-.Ltmp15, $4  }
0x3f8: {  	_ = 	snop  }
0x3f9: {  	s18 =	sshra.s32 s16, $0x2  }
0x3fa: {  	s12 =	sadd.s32 $0x1A00, s18  }
0x3fb: {  	v18 =	vbroadcast v17, $0x0;
	p2 =	por $0x0, $0x0;
	s20 =	sadd.s32 $0x8A00, s18;
	s18 =	sadd.s32 $0xFFFFFFFF, s15;
	v19 =	vld [tilespmem:s12+$0x0]  }
0x3fc: {  	_ =	sdelay $0x3  }
0x3fd: {  	v20 =	vadd.s32 s19, v10;
	v21 =	vsub.s32 v19, v18  }
0x3fe: {  	vm1 =	vlt.s32 v20, v15;
	v20 =	vld [tilespmem:s20+$0x0];
	v19 =	vand.u32 $0x7F, v19;
	v21 =	vand.u32 $0xFFFFFF80, v21  }
0x3ff: {  	v19 =	vor.u32 v19, v21  }
0x400: {  	p3 =	sne.s32 s18, $0x1  }
.Ltmp16:
0x401: {  	_ = 	snop;
	(pc) =	sbr.rel @!p3 .LBB2_25-.Ltmp16, $4  }
0x402: {  	_ = 	snop  }
0x403: {  	v20 =	vnsel vm1, $0x0, v20  }
0x404: {  	s23 =	smov.u32 s0;
	s21 =	sadd.s32 $0x10, s12;
	s22 =	sadd.s32 $0xFFFFFFFF, s18;
	[tilespmem:v19+s9+$0x0] =	vst.idx.add.f32.msk vm1, v20  }
0x405: {  	p2 =	por $0x1, $0x1;
	s12 =	smov.u32 s19;
	s18 =	smov.u32 s20;
	v19 =	vld [tilespmem:s21+$0x0]  }
.LBB2_26:
0x406: {  	p3 =	sne.s32 s22, $0x1;
	_ =	sdelay $0x2  }
0x407: {  	s12 =	sadd.s32 $0x10, s12  }
0x408: {  	s18 =	sadd.s32 $0x10, s18;
	v20 =	vadd.s32 s12, v10;
	v21 =	vsub.s32 v19, v18  }
0x409: {  	vm1 =	vlt.s32 v20, v15;
	v19 =	vand.u32 $0x7F, v19;
	v20 =	vld [tilespmem:s18+$0x0];
	v21 =	vand.u32 $0xFFFFFF80, v21  }
0x40a: {  	v19 =	vor.u32 v19, v21;
	_ =	sdelay $0x1  }
.Ltmp17:
0x40b: {  	(pc) =	sbr.rel @p3 .LBB2_26-.Ltmp17, $4  }
0x40c: {  	_ = 	snop  }
0x40d: {  	v20 =	vnsel vm1, $0x0, v20  }
0x40e: {  	s21 =	sadd.s32 $0x10, s21;
	[tilespmem:v19+s9+$0x0] =	vst.idx.add.f32.msk vm1, v20  }
0x40f: {  	s22 =	sadd.s32 $0xFFFFFFFF, s22;
	v19 =	vld [tilespmem:s21+$0x0]  }
0x410: {  	s0 =	smov.u32 s23;
	s23 =	simm.s32 $0x270;
	s22 =	simm.s32 $0x400  }
.LBB2_28:
0x411: {  	_ = 	snop  }
0x412: {  	s12 =	sadd.s32 @p2 $0x10, s12;
	s21 =	smov.u32 s19  }
0x413: {  	s21 =	smov.u32 @p2 s12;
	s12 =	sadd.s32 @p2 $0x10, s18  }
0x414: {  	v20 =	vadd.s32 s21, v10;
	s20 =	smov.u32 @p2 s12;
	v18 =	vsub.s32 v19, v18  }
0x415: {  	vm1 =	vlt.s32 v20, v15;
	v63 =	vld [tilespmem:s20+$0x0];
	v19 =	vand.u32 $0x7F, v19;
	v18 =	vand.u32 $0xFFFFFF80, v18  }
0x416: {  	v18 =	vor.u32 v19, v18;
	_ =	sdelay $0x3  }
0x417: {  	v19 =	vnsel vm1, $0x0, v63  }
0x418: {  	s21 =	simm.s32 $0x340;
	[tilespmem:v18+s9+$0x0] =	vst.idx.add.f32.msk vm1, v19  }
.LBB2_29:
0x419: {  	s12 =	sshll.u32 s17, $0xD  }
0x41a: {  	s12 =	sor.u32 s24, s12  }
0x41b: {  	s18 =	simm.s32 $0x2000;
	s12 =	sshrl.u32 s12, $0x3  }
.Ltmp18:
0x41c: {  	s20 =	simm.s32 $0x2;
	s12 =	sadd.s32 s0, s12;
	(pc) =	sbr.rel @p0 .LBB2_36-.Ltmp18, $4  }
0x41d: {  	[hbm4b:s12+s22] =	stream.strided.scatter [tilespmem:s9], [sflag:$0x3], $0x6400, s18, s22, $0x38;
	[tilespmem:$0x1C380] =	vst v63  }
0x41e: {  	_ =	swait.ge [sflag:s20], $0x6400  }
0x41f: {  	[sflag:s20] =	ssyncset.done $0x0  }
0x420: {  	[sflag:s20] =	ssyncadd.s32 $0xFFFF9C00  }
0x421: {  	p2 =	sne.s32 s13, $0x1  }
.Ltmp19:
0x422: {  	_ = 	snop;
	(pc) =	sbr.rel @!p2 .LBB2_31-.Ltmp19, $4  }
0x423: {  	_ = 	snop  }
0x424: {  	s12 =	sshra.s32 s14, $0x2  }
0x425: {  	s12 =	sadd.s32 $0x1A00, s12  }
0x426: {  	v16 =	vbroadcast v16, $0x0;
	s14 =	sadd.s32 $0xFFFFFFFF, s13;
	p0 =	por $0x0, $0x0;
	v18 =	vld [tilespmem:s12+$0x0]  }
0x427: {  	_ =	sdelay $0x3  }
0x428: {  	v19 =	vadd.s32 s11, v10;
	v20 =	vsub.s32 v18, v16  }
0x429: {  	vm1 =	vlt.s32 v19, v14;
	v18 =	vand.u32 $0x7F, v18;
	v19 =	vand.u32 $0xFFFFFF80, v20  }
0x42a: {  	v18 =	vor.u32 v18, v19  }
0x42b: {  	p2 =	sne.s32 s14, $0x1  }
.Ltmp20:
0x42c: {  	_ = 	snop;
	(pc) =	sbr.rel @!p2 .LBB2_33-.Ltmp20, $3  }
0x42d: {  	_ =	sdelay $0x1  }
0x42e: {  	s13 =	sadd.s32 $0x10, s12;
	[tilespmem:v18+s31+$0x0] =	vst.idx.msk vm1, v3  }
0x42f: {  	s14 =	sadd.s32 $0xFFFFFFFF, s14;
	p0 =	por $0x1, $0x1;
	s12 =	smov.u32 s11;
	v18 =	vld [tilespmem:s13+$0x0]  }
.LBB2_34:
0x430: {  	p2 =	sne.s32 s14, $0x1;
	_ =	sdelay $0x2  }
0x431: {  	s12 =	sadd.s32 $0x10, s12  }
0x432: {  	v19 =	vadd.s32 s12, v10;
	v20 =	vsub.s32 v18, v16  }
0x433: {  	vm1 =	vlt.s32 v19, v14;
	v18 =	vand.u32 $0x7F, v18;
	v19 =	vand.u32 $0xFFFFFF80, v20  }
0x434: {  	v18 =	vor.u32 v18, v19;
	_ =	sdelay $0x1  }
.Ltmp21:
0x435: {  	(pc) =	sbr.rel @p2 .LBB2_34-.Ltmp21, $3  }
0x436: {  	_ =	sdelay $0x1  }
0x437: {  	s13 =	sadd.s32 $0x10, s13;
	[tilespmem:v18+s31+$0x0] =	vst.idx.msk vm1, v3  }
0x438: {  	s14 =	sadd.s32 $0xFFFFFFFF, s14;
	v18 =	vld [tilespmem:s13+$0x0]  }
.LBB2_35:
0x439: {  	_ =	sdelay $0x1  }
0x43a: {  	s12 =	sadd.s32 @p0 $0x10, s12  }
0x43b: {  	s11 =	smov.u32 @p0 s12  }
0x43c: {  	v19 =	vadd.s32 s11, v10;
	v16 =	vsub.s32 v18, v16  }
0x43d: {  	vm1 =	vlt.s32 v19, v14;
	v14 =	vand.u32 $0x7F, v18;
	v16 =	vand.u32 $0xFFFFFF80, v16  }
0x43e: {  	v14 =	vor.u32 v14, v16;
	_ =	sdelay $0x4  }
0x43f: {  	[tilespmem:v14+s31+$0x0] =	vst.idx.msk vm1, v3  }
.LBB2_36:
.Ltmp22:
0x440: {  	(pc) =	sbr.rel @p1 .LBB2_43-.Ltmp22, $4  }
0x441: {  	s11 =	simm.s32 $0x3  }
0x442: {  	_ =	swait.ge [sflag:s11], $0x6400  }
0x443: {  	[sflag:s11] =	ssyncset.done $0x0  }
0x444: {  	[sflag:s11] =	ssyncadd.s32 $0xFFFF9C00  }
0x445: {  	p1 =	sne.s32 s15, $0x1  }
.Ltmp23:
0x446: {  	s11 =	sshra.s32 s16, $0x2;
	(pc) =	sbr.rel @!p1 .LBB2_38-.Ltmp23, $3  }
0x447: {  	s11 =	sadd.s32 $0x1A00, s11  }
0x448: {  	v16 =	vld [tilespmem:s11+$0x0];
	_ =	sdelay $0x1  }
0x449: {  	v14 =	vbroadcast v17, $0x0;
	s13 =	sadd.s32 $0xFFFFFFFF, s15;
	p0 =	por $0x0, $0x0  }
0x44a: {  	_ =	sdelay $0x1  }
0x44b: {  	v17 =	vadd.s32 s19, v10;
	v18 =	vsub.s32 v16, v14  }
0x44c: {  	vm1 =	vlt.s32 v17, v15;
	v16 =	vand.u32 $0x7F, v16;
	v17 =	vand.u32 $0xFFFFFF80, v18  }
0x44d: {  	v16 =	vor.u32 v16, v17;
	_ =	sdelay $0x2  }
0x44e: {  	p1 =	sne.s32 s13, $0x1  }
.Ltmp24:
0x44f: {  	_ = 	snop;
	(pc) =	sbr.rel @!p1 .LBB2_40-.Ltmp24, $3  }
0x450: {  	s12 =	sadd.s32 $0x10, s11;
	[tilespmem:v16+s9+$0x0] =	vst.idx.msk vm1, v3  }
0x451: {  	v16 =	vld [tilespmem:s12+$0x0];
	_ =	sdelay $0x1  }
0x452: {  	s13 =	sadd.s32 $0xFFFFFFFF, s13;
	p0 =	por $0x1, $0x1;
	s11 =	smov.u32 s19  }
.LBB2_41:
0x453: {  	p1 =	sne.s32 s13, $0x1;
	_ =	sdelay $0x2  }
0x454: {  	s11 =	sadd.s32 $0x10, s11  }
0x455: {  	v18 =	vsub.s32 v16, v14;
	v17 =	vadd.s32 s11, v10  }
0x456: {  	v16 =	vand.u32 $0x7F, v16;
	vm1 =	vlt.s32 v17, v15;
	v17 =	vand.u32 $0xFFFFFF80, v18  }
0x457: {  	v16 =	vor.u32 v16, v17;
	_ =	sdelay $0x1  }
.Ltmp25:
0x458: {  	(pc) =	sbr.rel @p1 .LBB2_41-.Ltmp25, $3  }
0x459: {  	_ =	sdelay $0x1  }
0x45a: {  	s12 =	sadd.s32 $0x10, s12;
	[tilespmem:v16+s9+$0x0] =	vst.idx.msk vm1, v3  }
0x45b: {  	s13 =	sadd.s32 $0xFFFFFFFF, s13;
	v16 =	vld [tilespmem:s12+$0x0]  }
.Ltmp26:
0x45c: {  	_ = 	snop;
	(pc) =	sbr.rel .LBB2_42-.Ltmp26, $1  }
0x45d: {  	_ =	sdelay $0x3  }
.LBB2_16:
.Ltmp27:
0x45e: {  	(pc) =	sbr.rel .LBB2_20-.Ltmp27, $2  }
0x45f: {  	_ =	sdelay $0x2  }
0x460: {  	s17 =	smov.u32 s11;
	s18 =	smov.u32 s16  }
.LBB2_23:
.Ltmp28:
0x461: {  	(pc) =	sbr.rel .LBB2_28-.Ltmp28, $2  }
0x462: {  	_ =	sdelay $0x2  }
0x463: {  	s12 =	smov.u32 s19;
	s18 =	smov.u32 s20  }
.LBB2_31:
.Ltmp29:
0x464: {  	(pc) =	sbr.rel .LBB2_35-.Ltmp29, $2  }
0x465: {  	_ =	sdelay $0x2  }
0x466: {  	s12 =	smov.u32 s11  }
.LBB2_18:
.Ltmp30:
0x467: {  	(pc) =	sbr.rel .LBB2_20-.Ltmp30, $2  }
0x468: {  	_ =	sdelay $0x2  }
0x469: {  	s17 =	smov.u32 s11;
	s18 =	smov.u32 s16  }
.LBB2_25:
.Ltmp31:
0x46a: {  	(pc) =	sbr.rel .LBB2_28-.Ltmp31, $3  }
0x46b: {  	_ =	sdelay $0x1  }
0x46c: {  	s12 =	smov.u32 s19;
	s18 =	smov.u32 s20  }
0x46d: {  	s0 =	smov.u32 s23;
	s23 =	simm.s32 $0x270;
	s22 =	simm.s32 $0x400  }
.LBB2_33:
.Ltmp32:
0x46e: {  	(pc) =	sbr.rel .LBB2_35-.Ltmp32, $2  }
0x46f: {  	_ =	sdelay $0x2  }
0x470: {  	s12 =	smov.u32 s11  }
.LBB2_40:
.Ltmp33:
0x471: {  	(pc) =	sbr.rel .LBB2_42-.Ltmp33, $2  }
0x472: {  	_ =	sdelay $0x2  }
0x473: {  	s11 =	smov.u32 s19  }
.LBB2_44:
0x474: {  	v14 =	vld [tilespmem:$0xFAF0]  }
0x475: {  	v15 =	vld [tilespmem:$0xFB70];
	_ =	sdelay $0x3  }
0x476: {  	v16 =	vperm.xlane v14, v13  }
0x477: {  	v14 =	vperm.xlane v15, v13  }
0x478: {  	(v2sf) =	vpush v16, $0x0  }
0x479: {  	(v2sf) =	vpush v14, $0x0;
	_ =	sdelay $0xd  }
0x47a: {  	s1 =	spop (v2sf)  }
0x47b: {  	s11 =	spop (v2sf)  }
0x47c: {  	s11 =	ssub.s32 s11, s1  }
0x47d: {  	s11 =	sadd.s32 $0xF, s11  }
0x47e: {  	s12 =	sand.u32 $0xF, s11  }
0x47f: {  	s24 =	sshra.s32 s11, $0x1F;
	p1 =	slt.s32 s11, $0x1;
	p0 =	sne.s32 s12, $0x0  }
0x480: {  	s12 =	sshrl.u32 s24, $0x1C;
	p0 =	por !p1, !p0  }
0x481: {  	s11 =	sadd.s32 s12, s11;
	s12 =	simm.s32 $0x1;
	p0 =	por !p0, !p0  }
0x482: {  	s11 =	sshra.s32 s11, $0x4;
	s12 =	simm.s32 @!p0 $0x0  }
0x483: {  	s13 =	ssub.s32 s11, s12  }
0x484: {  	p0 =	slt.s32 s13, $0x1  }
.Ltmp34:
0x485: {  	_ = 	snop;
	(pc) =	sbr.rel @p0 .LBB2_51-.Ltmp34, $2  }
0x486: {  	_ =	sdelay $0x2  }
0x487: {  	s18 =	simm.s32 $0xD0;
	s19 =	simm.s32 $0x1A0;
	s11 =	rddreg [dreg:$0x4]  }
0x488: {  	s11 =	sshll.u32 s1, $0x2;
	p1 =	sne.s32 s13, $0x1  }
.Ltmp35:
0x489: {  	s11 =	sshra.s32 s11, $0x2;
	(pc) =	sbr.rel @!p1 .LBB2_46-.Ltmp35, $3  }
0x48a: {  	s12 =	sadd.s32 $0x1A00, s11  }
0x48b: {  	v15 =	vld [tilespmem:s12+$0x0];
	_ =	sdelay $0x1  }
0x48c: {  	v14 =	vbroadcast v14, $0x0;
	s13 =	sadd.s32 $0xFFFFFFFF, s13;
	p0 =	por $0x0, $0x0;
	s11 =	sadd.s32 $0x8A00, s11  }
0x48d: {  	_ =	sdelay $0x1  }
0x48e: {  	v16 =	vadd.s32 s1, v10;
	v17 =	vsub.s32 v15, v1  }
0x48f: {  	vm1 =	vlt.s32 v16, v14;
	v16 =	vld [tilespmem:s11+$0x0];
	v15 =	vand.u32 $0x7F, v15;
	v17 =	vand.u32 $0xFFFFFF80, v17  }
0x490: {  	v15 =	vor.u32 v15, v17;
	_ =	sdelay $0x2  }
0x491: {  	p1 =	sne.s32 s13, $0x1  }
.Ltmp36:
0x492: {  	v16 =	vnsel vm1, $0x0, v16;
	(pc) =	sbr.rel @!p1 .LBB2_48-.Ltmp36, $4  }
0x493: {  	s14 =	sadd.s32 $0x10, s12;
	[tilespmem:v15+s31+$0x0] =	vst.idx.add.f32.msk vm1, v16  }
0x494: {  	v15 =	vld [tilespmem:s14+$0x0]  }
0x495: {  	s15 =	sadd.s32 $0xFFFFFFFF, s13  }
0x496: {  	p0 =	por $0x1, $0x1;
	s12 =	smov.u32 s1;
	s13 =	smov.u32 s11  }
.LBB2_49:
0x497: {  	p1 =	sne.s32 s15, $0x1;
	_ =	sdelay $0x2  }
0x498: {  	s12 =	sadd.s32 $0x10, s12  }
0x499: {  	v17 =	vsub.s32 v15, v1;
	s13 =	sadd.s32 $0x10, s13;
	v16 =	vadd.s32 s12, v10  }
0x49a: {  	v15 =	vand.u32 $0x7F, v15;
	v17 =	vand.u32 $0xFFFFFF80, v17;
	vm1 =	vlt.s32 v16, v14;
	v16 =	vld [tilespmem:s13+$0x0]  }
0x49b: {  	v15 =	vor.u32 v15, v17;
	_ =	sdelay $0x1  }
.Ltmp37:
0x49c: {  	(pc) =	sbr.rel @p1 .LBB2_49-.Ltmp37, $4  }
0x49d: {  	_ = 	snop  }
0x49e: {  	v16 =	vnsel vm1, $0x0, v16  }
0x49f: {  	s14 =	sadd.s32 $0x10, s14;
	[tilespmem:v15+s31+$0x0] =	vst.idx.add.f32.msk vm1, v16  }
0x4a0: {  	s15 =	sadd.s32 $0xFFFFFFFF, s15;
	v15 =	vld [tilespmem:s14+$0x0]  }
.Ltmp38:
0x4a1: {  	_ = 	snop;
	(pc) =	sbr.rel .LBB2_50-.Ltmp38, $1  }
0x4a2: {  	_ =	sdelay $0x3  }
.LBB2_48:
.Ltmp39:
0x4a3: {  	(pc) =	sbr.rel .LBB2_50-.Ltmp39, $2  }
0x4a4: {  	_ =	sdelay $0x2  }
0x4a5: {  	s12 =	smov.u32 s1;
	s13 =	smov.u32 s11  }
.LBB2_52:
0x4a6: {  	_ =	sfence.sel $0x180000  }
0x4a7: {  	[bflag:$0x0] =	sbarrier.arrive $0xFFFF  }
0x4a8: {  	_ =	strace $0x90000047  }
0x4a9: {  	s0 =	stileid.u32;
	[bflag:$0x2] =	sbarrier.arrive $0xFFFF  }
0x4aa: {  	p0 =	sne.s32 s0, $0x0;
	s0 =	rddreg [dreg:$0x3]  }
0x4ab: {  	s0 =	sadd.s32 @!p0 $0x100000, s0  }
0x4ac: {  	[sflag:s0] =	ssyncadd.tile.s32 @!p0 $0x1;
	_ =	shalt  }
.Lfunc_end2:
_tile_overlayer_lowered:
.L_overlay_start_2:
0x4ad: {  	(tag) =	ssettag $0x2  }
0x4ae: {  	s0 =	rddreg [dreg:$0x0];
	s2 =	stileid.u32  }
0x4af: {  	s1 =	rddreg [dreg:$0x1];
	p0 =	sne.s32 s2, $0x0  }
0x4b0: {  	s3 =	rddreg [dreg:$0x2];
	[bflag:$0x3] =	sbarrier.arrive $0xFFFF;
	s2 =	simm.s32 @!p0 $0x1C04  }
0x4b1: {  	[timem:s3], [sflag:s2] =	dma.local @!p0 [hbm:s0], s1  }
0x4b2: {  	s0 =	simm.s32 @!p0 $0x4  }
0x4b3: {  	_ =	swait.ge @!p0 [sflag:s0], s1  }
0x4b4: {  	s1 =	ssub.s32 @!p0 $0x0, s1;
	[sflag:s0] =	ssyncset.done @!p0 $0x0  }
0x4b5: {  	[sflag:s0] =	ssyncadd.s32 @!p0 s1  }
0x4b6: {  	[bflag:$0x3] =	sbarrier.arrive $0xFFFF  }
0x4b7: {  	_ =	shalt  }

</sc_bundles>
